<compile_context>
chip_gen: v7x
topology: tpu7x:2x2x1
jax: 0.10.2.dev20260603
libtpu: 0.0.44.dev20260713+nightly
codegen_flags: <defaults>
</compile_context>

<pallas_src>
import functools

import jax
import jax.numpy as jnp
from jax import lax
from jax.experimental import pallas as pl
from jax.experimental.pallas import tpu as pltpu
from jax.experimental.pallas import tpu_sc as plsc

_NC = 2
_NS = 16
_NW = _NC * _NS


@functools.lru_cache(maxsize=None)
def _make_gather(B, D, chunk, nbuf):
    b_per_w = B // _NW
    sizes = [chunk] * (b_per_w // chunk - 1)
    rem = b_per_w - sum(sizes)
    for s in (chunk // 2, chunk // 4, chunk // 8):
        s -= s % 8
        sizes.append(s)
        rem -= s
    sizes.append(rem)
    assert rem > 0 and rem % 8 == 0 and all(s % 8 == 0 for s in sizes)
    offs = [0]
    for s in sizes:
        offs.append(offs[-1] + s)
    n_chunks = len(sizes)
    mesh = plsc.VectorSubcoreMesh(core_axis_name="c", subcore_axis_name="s")

    @functools.partial(
        pl.kernel,
        out_type=jax.ShapeDtypeStruct((B, D), jnp.float32),
        mesh=mesh,
        scratch_types=(
            [pltpu.VMEM((chunk,), jnp.int32)] * nbuf
            + [pltpu.VMEM((chunk, D), jnp.float32)] * nbuf
            + [pltpu.SemaphoreType.DMA] * (3 * nbuf)
        ),
        compiler_params=pltpu.CompilerParams(use_tc_tiling_on_sc=False),
    )
    def gather_kernel(x_hbm, w_hbm, out_hbm, *scratch):
        idxb = scratch[:nbuf]
        rows = scratch[nbuf:2 * nbuf]
        isem = scratch[2 * nbuf:3 * nbuf]
        gsem = scratch[3 * nbuf:4 * nbuf]
        wsem = scratch[4 * nbuf:]
        sub = lax.axis_index("s")
        wid = sub * _NC + lax.axis_index("c")
        base0 = wid * b_per_w

        def idx_copy(j, b):
            return pltpu.async_copy(
                x_hbm.at[pl.ds(base0 + offs[j], sizes[j])],
                idxb[b].at[pl.ds(0, sizes[j])], isem[b])

        def gather_desc(j, b):
            return pltpu.make_async_copy(
                w_hbm.at[idxb[b].at[pl.ds(0, sizes[j])]],
                rows[b].at[pl.ds(0, sizes[j])], gsem[b])

        def writeback(j, b):
            return pltpu.async_copy(
                rows[b].at[pl.ds(0, sizes[j])],
                out_hbm.at[pl.ds(base0 + offs[j], sizes[j])], wsem[b])

        for j in range(min(nbuf, n_chunks)):
            idx_copy(j, j)
        for j in range(min(nbuf - 1, n_chunks)):
            pltpu.make_async_copy(
                x_hbm.at[pl.ds(base0 + offs[j], sizes[j])],
                idxb[j].at[pl.ds(0, sizes[j])], isem[j]).wait()
            gather_desc(j, j).start()

        pending_w = [None] * nbuf
        for i in range(n_chunks):
            b = i % nbuf
            j = i + nbuf - 1
            if j < n_chunks:
                bj = j % nbuf
                if pending_w[bj] is not None:
                    pending_w[bj].wait()
                    pending_w[bj] = None
                pltpu.make_async_copy(
                    x_hbm.at[pl.ds(base0 + offs[j], sizes[j])],
                    idxb[bj].at[pl.ds(0, sizes[j])], isem[bj]).wait()
                gather_desc(j, bj).start()
            gather_desc(i, b).wait()
            pending_w[b] = writeback(i, b)
            if i + nbuf < n_chunks:
                idx_copy(i + nbuf, b)
        for b in range(nbuf):
            if pending_w[b] is not None:
                pending_w[b].wait()

    return gather_kernel


def kernel(x, W):
    B0, H = x.shape
    V, D = W.shape
    B = B0 * H
    flat_x = x.reshape((B,)).astype(jnp.int32)
    out = _make_gather(B, D, 800, 4)(flat_x, W)
    return out.reshape((B0, H, D))

# --- scband reference (transcript-rebuilt; emitter-appended) ---
"""Pipeline reference for scband-word-emb-82437602279863 (READ-ONLY COPY).

The authoritative reference and input builder live on the scoring server;
editing this copy changes nothing except your own understanding.
"""

import jax, jax.numpy as jnp
import numpy as np

VOCAB = 1000000
EMBED_DIM = 32
BATCH = 4096
HIST = 200

def setup_inputs(seed: int = 0) -> dict:
    key = jax.random.key(seed)
    k1, k2 = jax.random.split(key)
    x = jax.random.randint(k1, (BATCH, HIST), 0, VOCAB, dtype=jnp.int64 if jax.config.read('jax_enable_x64') else jnp.int32)
    W = jax.random.normal(k2, (VOCAB, EMBED_DIM), dtype=jnp.float32)
    return {"x": x, "W": W}

def reference(x, W):
    # WordEmb.forward: embedding lookup -> gather rows of W by index
    return jnp.take(W, x, axis=0)

if __name__ == "__main__":
    import jax
    _d = setup_inputs()
    print(jax.jit(kernel)(*tuple(_d.values())))

</pallas_src>

<mosaic_0001>
#map = affine_map<(d0, d1) -> (0)>
#map1 = affine_map<(d0, d1) -> (0, 0)>
module attributes {stable_mosaic.version = 14 : i64} {
  func.func @gather_kernel(%arg0: i32, %arg1: i32, %arg2: memref<819200xi32, #tpu.memory_space<hbm>>, %arg3: memref<1000000x32xf32, #tpu.memory_space<hbm>>, %arg4: memref<819200x32xf32, #tpu.memory_space<hbm>>, %arg5: memref<800xi32, #tpu.memory_space<vmem>>, %arg6: memref<800xi32, #tpu.memory_space<vmem>>, %arg7: memref<800xi32, #tpu.memory_space<vmem>>, %arg8: memref<800xi32, #tpu.memory_space<vmem>>, %arg9: memref<800x32xf32, #tpu.memory_space<vmem>>, %arg10: memref<800x32xf32, #tpu.memory_space<vmem>>, %arg11: memref<800x32xf32, #tpu.memory_space<vmem>>, %arg12: memref<800x32xf32, #tpu.memory_space<vmem>>, %arg13: memref<!tpu.dma_semaphore, #tpu.memory_space<semaphore_mem>>, %arg14: memref<!tpu.dma_semaphore, #tpu.memory_space<semaphore_mem>>, %arg15: memref<!tpu.dma_semaphore, #tpu.memory_space<semaphore_mem>>, %arg16: memref<!tpu.dma_semaphore, #tpu.memory_space<semaphore_mem>>, %arg17: memref<!tpu.dma_semaphore, #tpu.memory_space<semaphore_mem>>, %arg18: memref<!tpu.dma_semaphore, #tpu.memory_space<semaphore_mem>>, %arg19: memref<!tpu.dma_semaphore, #tpu.memory_space<semaphore_mem>>, %arg20: memref<!tpu.dma_semaphore, #tpu.memory_space<semaphore_mem>>, %arg21: memref<!tpu.dma_semaphore, #tpu.memory_space<semaphore_mem>>, %arg22: memref<!tpu.dma_semaphore, #tpu.memory_space<semaphore_mem>>, %arg23: memref<!tpu.dma_semaphore, #tpu.memory_space<semaphore_mem>>, %arg24: memref<!tpu.dma_semaphore, #tpu.memory_space<semaphore_mem>>) attributes {dimension_semantics = [#tpu.dimension_semantics<core_parallel>, #tpu.dimension_semantics<subcore_parallel>], iteration_bounds = array<i64: 2, 16>, scalar_prefetch = 0 : i64, scratch_operands = 20 : i64, tpu.core_type = #tpu.core_type<sc_vector_subcore>, window_params = [{transform_indices = #map}, {transform_indices = #map1}, {transform_indices = #map1}]} {
    %mul3A = arith.constant 2 : i32
    %mul3A_0 = arith.muli %arg1, %mul3A : i32
    %add3A = arith.addi %mul3A_0, %arg0 : i32
    %mul3A_1 = arith.constant 25600 : i32
    %mul3A_2 = arith.muli %add3A, %mul3A_1 : i32
    %add3A_3 = arith.constant 0 : i32
    %add3A_4 = arith.addi %mul3A_2, %add3A_3 : i32
    %dma_start3A = arith.constant 0 : i32
    %dma_start3A_5 = tpu.memref_slice %arg5[%dma_start3A] : memref<800xi32, #tpu.memory_space<vmem>> -> memref<800xi32, #tpu.memory_space<vmem>>
    %dma_start3A_6 = tpu.memref_slice %arg2[%add3A_4] : memref<819200xi32, #tpu.memory_space<hbm>> -> memref<800xi32, #tpu.memory_space<hbm>>
    %dma_start3A_7 = arith.constant 0 : i32
    %dma_start3A_8 = tpu.memref_slice %arg5[%dma_start3A_7] : memref<800xi32, #tpu.memory_space<vmem>> -> memref<800xi32, #tpu.memory_space<vmem>>
    %dma_start3A_9 = tpu.memref_slice %arg2[%add3A_4] : memref<819200xi32, #tpu.memory_space<hbm>> -> memref<800xi32, #tpu.memory_space<hbm>>
    tpu.enqueue_dma source(%dma_start3A_9 : memref<800xi32, #tpu.memory_space<hbm>>) target(%dma_start3A_8 : memref<800xi32, #tpu.memory_space<vmem>>) target_semaphore(%arg13 : memref<!tpu.dma_semaphore, #tpu.memory_space<semaphore_mem>>)
    %add3A_10 = arith.constant 800 : i32
    %add3A_11 = arith.addi %mul3A_2, %add3A_10 : i32
    %dma_start3A_12 = arith.constant 0 : i32
    %dma_start3A_13 = tpu.memref_slice %arg6[%dma_start3A_12] : memref<800xi32, #tpu.memory_space<vmem>> -> memref<800xi32, #tpu.memory_space<vmem>>
    %dma_start3A_14 = tpu.memref_slice %arg2[%add3A_11] : memref<819200xi32, #tpu.memory_space<hbm>> -> memref<800xi32, #tpu.memory_space<hbm>>
    %dma_start3A_15 = arith.constant 0 : i32
    %dma_start3A_16 = tpu.memref_slice %arg6[%dma_start3A_15] : memref<800xi32, #tpu.memory_space<vmem>> -> memref<800xi32, #tpu.memory_space<vmem>>
    %dma_start3A_17 = tpu.memref_slice %arg2[%add3A_11] : memref<819200xi32, #tpu.memory_space<hbm>> -> memref<800xi32, #tpu.memory_space<hbm>>
    tpu.enqueue_dma source(%dma_start3A_17 : memref<800xi32, #tpu.memory_space<hbm>>) target(%dma_start3A_16 : memref<800xi32, #tpu.memory_space<vmem>>) target_semaphore(%arg14 : memref<!tpu.dma_semaphore, #tpu.memory_space<semaphore_mem>>)
    %add3A_18 = arith.constant 1600 : i32
    %add3A_19 = arith.addi %mul3A_2, %add3A_18 : i32
    %dma_start3A_20 = arith.constant 0 : i32
    %dma_start3A_21 = tpu.memref_slice %arg7[%dma_start3A_20] : memref<800xi32, #tpu.memory_space<vmem>> -> memref<800xi32, #tpu.memory_space<vmem>>
    %dma_start3A_22 = tpu.memref_slice %arg2[%add3A_19] : memref<819200xi32, #tpu.memory_space<hbm>> -> memref<800xi32, #tpu.memory_space<hbm>>
    %dma_start3A_23 = arith.constant 0 : i32
    %dma_start3A_24 = tpu.memref_slice %arg7[%dma_start3A_23] : memref<800xi32, #tpu.memory_space<vmem>> -> memref<800xi32, #tpu.memory_space<vmem>>
    %dma_start3A_25 = tpu.memref_slice %arg2[%add3A_19] : memref<819200xi32, #tpu.memory_space<hbm>> -> memref<800xi32, #tpu.memory_space<hbm>>
    tpu.enqueue_dma source(%dma_start3A_25 : memref<800xi32, #tpu.memory_space<hbm>>) target(%dma_start3A_24 : memref<800xi32, #tpu.memory_space<vmem>>) target_semaphore(%arg15 : memref<!tpu.dma_semaphore, #tpu.memory_space<semaphore_mem>>)
    %add3A_26 = arith.constant 2400 : i32
    %add3A_27 = arith.addi %mul3A_2, %add3A_26 : i32
    %dma_start3A_28 = arith.constant 0 : i32
    %dma_start3A_29 = tpu.memref_slice %arg8[%dma_start3A_28] : memref<800xi32, #tpu.memory_space<vmem>> -> memref<800xi32, #tpu.memory_space<vmem>>
    %dma_start3A_30 = tpu.memref_slice %arg2[%add3A_27] : memref<819200xi32, #tpu.memory_space<hbm>> -> memref<800xi32, #tpu.memory_space<hbm>>
    %dma_start3A_31 = arith.constant 0 : i32
    %dma_start3A_32 = tpu.memref_slice %arg8[%dma_start3A_31] : memref<800xi32, #tpu.memory_space<vmem>> -> memref<800xi32, #tpu.memory_space<vmem>>
    %dma_start3A_33 = tpu.memref_slice %arg2[%add3A_27] : memref<819200xi32, #tpu.memory_space<hbm>> -> memref<800xi32, #tpu.memory_space<hbm>>
    tpu.enqueue_dma source(%dma_start3A_33 : memref<800xi32, #tpu.memory_space<hbm>>) target(%dma_start3A_32 : memref<800xi32, #tpu.memory_space<vmem>>) target_semaphore(%arg16 : memref<!tpu.dma_semaphore, #tpu.memory_space<semaphore_mem>>)
    %add3A_34 = arith.constant 0 : i32
    %add3A_35 = arith.addi %mul3A_2, %add3A_34 : i32
    %dma_wait3A = arith.constant 0 : i32
    %dma_wait3A_36 = tpu.memref_slice %arg5[%dma_wait3A] : memref<800xi32, #tpu.memory_space<vmem>> -> memref<800xi32, #tpu.memory_space<vmem>>
    %dma_wait3A_37 = tpu.memref_slice %arg2[%add3A_35] : memref<819200xi32, #tpu.memory_space<hbm>> -> memref<800xi32, #tpu.memory_space<hbm>>
    %dma_wait3A_38 = arith.constant 0 : i32
    %dma_wait3A_39 = tpu.memref_slice %arg5[%dma_wait3A_38] : memref<800xi32, #tpu.memory_space<vmem>> -> memref<800xi32, #tpu.memory_space<vmem>>
    %dma_wait3A_40 = tpu.memref_slice %arg2[%add3A_35] : memref<819200xi32, #tpu.memory_space<hbm>> -> memref<800xi32, #tpu.memory_space<hbm>>
    tpu.wait_dma2 semaphore(%arg13 : memref<!tpu.dma_semaphore, #tpu.memory_space<semaphore_mem>>) src(%dma_wait3A_40 : memref<800xi32, #tpu.memory_space<hbm>>) dst(%dma_wait3A_39 : memref<800xi32, #tpu.memory_space<vmem>>)
    %dma_start3A_41 = arith.constant 0 : i32
    %dma_start3A_42 = arith.constant 0 : i32
    %dma_start3A_43 = tpu.memref_slice %arg9[%dma_start3A_41, %dma_start3A_42] : memref<800x32xf32, #tpu.memory_space<vmem>> -> memref<800x32xf32, #tpu.memory_space<vmem>>
    %dma_start3A_44 = arith.constant 0 : i32
    %dma_start3A_45 = tpu.memref_slice %arg5[%dma_start3A_44] : memref<800xi32, #tpu.memory_space<vmem>> -> memref<800xi32, #tpu.memory_space<vmem>>
    %dma_start3A_46 = arith.constant 0 : i32
    %dma_start3A_47 = arith.constant 0 : i32
    %dma_start3A_48 = tpu.memref_slice %arg3[%dma_start3A_46, %dma_start3A_47] : memref<1000000x32xf32, #tpu.memory_space<hbm>> -> memref<1000000x32xf32, #tpu.memory_space<hbm>>
    tpu.enqueue_indirect_dma source(%dma_start3A_48 : memref<1000000x32xf32, #tpu.memory_space<hbm>>) target(%dma_start3A_43 : memref<800x32xf32, #tpu.memory_space<vmem>>) offsets(%dma_start3A_45 : memref<800xi32, #tpu.memory_space<vmem>>) semaphore(%arg17 : memref<!tpu.dma_semaphore, #tpu.memory_space<semaphore_mem>>)
    %add3A_49 = arith.constant 800 : i32
    %add3A_50 = arith.addi %mul3A_2, %add3A_49 : i32
    %dma_wait3A_51 = arith.constant 0 : i32
    %dma_wait3A_52 = tpu.memref_slice %arg6[%dma_wait3A_51] : memref<800xi32, #tpu.memory_space<vmem>> -> memref<800xi32, #tpu.memory_space<vmem>>
    %dma_wait3A_53 = tpu.memref_slice %arg2[%add3A_50] : memref<819200xi32, #tpu.memory_space<hbm>> -> memref<800xi32, #tpu.memory_space<hbm>>
    %dma_wait3A_54 = arith.constant 0 : i32
    %dma_wait3A_55 = tpu.memref_slice %arg6[%dma_wait3A_54] : memref<800xi32, #tpu.memory_space<vmem>> -> memref<800xi32, #tpu.memory_space<vmem>>
    %dma_wait3A_56 = tpu.memref_slice %arg2[%add3A_50] : memref<819200xi32, #tpu.memory_space<hbm>> -> memref<800xi32, #tpu.memory_space<hbm>>
    tpu.wait_dma2 semaphore(%arg14 : memref<!tpu.dma_semaphore, #tpu.memory_space<semaphore_mem>>) src(%dma_wait3A_56 : memref<800xi32, #tpu.memory_space<hbm>>) dst(%dma_wait3A_55 : memref<800xi32, #tpu.memory_space<vmem>>)
    %dma_start3A_57 = arith.constant 0 : i32
    %dma_start3A_58 = arith.constant 0 : i32
    %dma_start3A_59 = tpu.memref_slice %arg10[%dma_start3A_57, %dma_start3A_58] : memref<800x32xf32, #tpu.memory_space<vmem>> -> memref<800x32xf32, #tpu.memory_space<vmem>>
    %dma_start3A_60 = arith.constant 0 : i32
    %dma_start3A_61 = tpu.memref_slice %arg6[%dma_start3A_60] : memref<800xi32, #tpu.memory_space<vmem>> -> memref<800xi32, #tpu.memory_space<vmem>>
    %dma_start3A_62 = arith.constant 0 : i32
    %dma_start3A_63 = arith.constant 0 : i32
    %dma_start3A_64 = tpu.memref_slice %arg3[%dma_start3A_62, %dma_start3A_63] : memref<1000000x32xf32, #tpu.memory_space<hbm>> -> memref<1000000x32xf32, #tpu.memory_space<hbm>>
    tpu.enqueue_indirect_dma source(%dma_start3A_64 : memref<1000000x32xf32, #tpu.memory_space<hbm>>) target(%dma_start3A_59 : memref<800x32xf32, #tpu.memory_space<vmem>>) offsets(%dma_start3A_61 : memref<800xi32, #tpu.memory_space<vmem>>) semaphore(%arg18 : memref<!tpu.dma_semaphore, #tpu.memory_space<semaphore_mem>>)
    %add3A_65 = arith.constant 1600 : i32
    %add3A_66 = arith.addi %mul3A_2, %add3A_65 : i32
    %dma_wait3A_67 = arith.constant 0 : i32
    %dma_wait3A_68 = tpu.memref_slice %arg7[%dma_wait3A_67] : memref<800xi32, #tpu.memory_space<vmem>> -> memref<800xi32, #tpu.memory_space<vmem>>
    %dma_wait3A_69 = tpu.memref_slice %arg2[%add3A_66] : memref<819200xi32, #tpu.memory_space<hbm>> -> memref<800xi32, #tpu.memory_space<hbm>>
    %dma_wait3A_70 = arith.constant 0 : i32
    %dma_wait3A_71 = tpu.memref_slice %arg7[%dma_wait3A_70] : memref<800xi32, #tpu.memory_space<vmem>> -> memref<800xi32, #tpu.memory_space<vmem>>
    %dma_wait3A_72 = tpu.memref_slice %arg2[%add3A_66] : memref<819200xi32, #tpu.memory_space<hbm>> -> memref<800xi32, #tpu.memory_space<hbm>>
    tpu.wait_dma2 semaphore(%arg15 : memref<!tpu.dma_semaphore, #tpu.memory_space<semaphore_mem>>) src(%dma_wait3A_72 : memref<800xi32, #tpu.memory_space<hbm>>) dst(%dma_wait3A_71 : memref<800xi32, #tpu.memory_space<vmem>>)
    %dma_start3A_73 = arith.constant 0 : i32
    %dma_start3A_74 = arith.constant 0 : i32
    %dma_start3A_75 = tpu.memref_slice %arg11[%dma_start3A_73, %dma_start3A_74] : memref<800x32xf32, #tpu.memory_space<vmem>> -> memref<800x32xf32, #tpu.memory_space<vmem>>
    %dma_start3A_76 = arith.constant 0 : i32
    %dma_start3A_77 = tpu.memref_slice %arg7[%dma_start3A_76] : memref<800xi32, #tpu.memory_space<vmem>> -> memref<800xi32, #tpu.memory_space<vmem>>
    %dma_start3A_78 = arith.constant 0 : i32
    %dma_start3A_79 = arith.constant 0 : i32
    %dma_start3A_80 = tpu.memref_slice %arg3[%dma_start3A_78, %dma_start3A_79] : memref<1000000x32xf32, #tpu.memory_space<hbm>> -> memref<1000000x32xf32, #tpu.memory_space<hbm>>
    tpu.enqueue_indirect_dma source(%dma_start3A_80 : memref<1000000x32xf32, #tpu.memory_space<hbm>>) target(%dma_start3A_75 : memref<800x32xf32, #tpu.memory_space<vmem>>) offsets(%dma_start3A_77 : memref<800xi32, #tpu.memory_space<vmem>>) semaphore(%arg19 : memref<!tpu.dma_semaphore, #tpu.memory_space<semaphore_mem>>)
    %add3A_81 = arith.constant 2400 : i32
    %add3A_82 = arith.addi %mul3A_2, %add3A_81 : i32
    %dma_wait3A_83 = arith.constant 0 : i32
    %dma_wait3A_84 = tpu.memref_slice %arg8[%dma_wait3A_83] : memref<800xi32, #tpu.memory_space<vmem>> -> memref<800xi32, #tpu.memory_space<vmem>>
    %dma_wait3A_85 = tpu.memref_slice %arg2[%add3A_82] : memref<819200xi32, #tpu.memory_space<hbm>> -> memref<800xi32, #tpu.memory_space<hbm>>
    %dma_wait3A_86 = arith.constant 0 : i32
    %dma_wait3A_87 = tpu.memref_slice %arg8[%dma_wait3A_86] : memref<800xi32, #tpu.memory_space<vmem>> -> memref<800xi32, #tpu.memory_space<vmem>>
    %dma_wait3A_88 = tpu.memref_slice %arg2[%add3A_82] : memref<819200xi32, #tpu.memory_space<hbm>> -> memref<800xi32, #tpu.memory_space<hbm>>
    tpu.wait_dma2 semaphore(%arg16 : memref<!tpu.dma_semaphore, #tpu.memory_space<semaphore_mem>>) src(%dma_wait3A_88 : memref<800xi32, #tpu.memory_space<hbm>>) dst(%dma_wait3A_87 : memref<800xi32, #tpu.memory_space<vmem>>)
    %dma_start3A_89 = arith.constant 0 : i32
    %dma_start3A_90 = arith.constant 0 : i32
    %dma_start3A_91 = tpu.memref_slice %arg12[%dma_start3A_89, %dma_start3A_90] : memref<800x32xf32, #tpu.memory_space<vmem>> -> memref<800x32xf32, #tpu.memory_space<vmem>>
    %dma_start3A_92 = arith.constant 0 : i32
    %dma_start3A_93 = tpu.memref_slice %arg8[%dma_start3A_92] : memref<800xi32, #tpu.memory_space<vmem>> -> memref<800xi32, #tpu.memory_space<vmem>>
    %dma_start3A_94 = arith.constant 0 : i32
    %dma_start3A_95 = arith.constant 0 : i32
    %dma_start3A_96 = tpu.memref_slice %arg3[%dma_start3A_94, %dma_start3A_95] : memref<1000000x32xf32, #tpu.memory_space<hbm>> -> memref<1000000x32xf32, #tpu.memory_space<hbm>>
    tpu.enqueue_indirect_dma source(%dma_start3A_96 : memref<1000000x32xf32, #tpu.memory_space<hbm>>) target(%dma_start3A_91 : memref<800x32xf32, #tpu.memory_space<vmem>>) offsets(%dma_start3A_93 : memref<800xi32, #tpu.memory_space<vmem>>) semaphore(%arg20 : memref<!tpu.dma_semaphore, #tpu.memory_space<semaphore_mem>>)
    %dma_wait3A_97 = arith.constant 0 : i32
    %dma_wait3A_98 = arith.constant 0 : i32
    %dma_wait3A_99 = tpu.memref_slice %arg9[%dma_wait3A_97, %dma_wait3A_98] : memref<800x32xf32, #tpu.memory_space<vmem>> -> memref<800x32xf32, #tpu.memory_space<vmem>>
    %dma_wait3A_100 = arith.constant 0 : i32
    %dma_wait3A_101 = tpu.memref_slice %arg5[%dma_wait3A_100] : memref<800xi32, #tpu.memory_space<vmem>> -> memref<800xi32, #tpu.memory_space<vmem>>
    %dma_wait3A_102 = arith.constant 0 : i32
    %dma_wait3A_103 = arith.constant 0 : i32
    %dma_wait3A_104 = tpu.memref_slice %arg3[%dma_wait3A_102, %dma_wait3A_103] : memref<1000000x32xf32, #tpu.memory_space<hbm>> -> memref<1000000x32xf32, #tpu.memory_space<hbm>>
    tpu.wait_indirect_dma semaphore(%arg17 : memref<!tpu.dma_semaphore, #tpu.memory_space<semaphore_mem>>) src(%dma_wait3A_104 : memref<1000000x32xf32, #tpu.memory_space<hbm>>) dst(%dma_wait3A_99 : memref<800x32xf32, #tpu.memory_space<vmem>>)
    %add3A_105 = arith.constant 0 : i32
    %add3A_106 = arith.addi %mul3A_2, %add3A_105 : i32
    %dma_start3A_107 = arith.constant 0 : i32
    %dma_start3A_108 = arith.constant 0 : i32
    %dma_start3A_109 = tpu.memref_slice %arg9[%dma_start3A_107, %dma_start3A_108] : memref<800x32xf32, #tpu.memory_space<vmem>> -> memref<800x32xf32, #tpu.memory_space<vmem>>
    %dma_start3A_110 = arith.constant 0 : i32
    %dma_start3A_111 = tpu.memref_slice %arg4[%add3A_106, %dma_start3A_110] : memref<819200x32xf32, #tpu.memory_space<hbm>> -> memref<800x32xf32, #tpu.memory_space<hbm>>
    %dma_start3A_112 = arith.constant 0 : i32
    %dma_start3A_113 = tpu.memref_slice %arg4[%add3A_106, %dma_start3A_112] : memref<819200x32xf32, #tpu.memory_space<hbm>> -> memref<800x32xf32, #tpu.memory_space<hbm>>
    %dma_start3A_114 = arith.constant 0 : i32
    %dma_start3A_115 = arith.constant 0 : i32
    %dma_start3A_116 = tpu.memref_slice %arg9[%dma_start3A_114, %dma_start3A_115] : memref<800x32xf32, #tpu.memory_space<vmem>> -> memref<800x32xf32, #tpu.memory_space<vmem>>
    tpu.enqueue_dma source(%dma_start3A_116 : memref<800x32xf32, #tpu.memory_space<vmem>>) target(%dma_start3A_113 : memref<800x32xf32, #tpu.memory_space<hbm>>) target_semaphore(%arg21 : memref<!tpu.dma_semaphore, #tpu.memory_space<semaphore_mem>>)
    %add3A_117 = arith.constant 3200 : i32
    %add3A_118 = arith.addi %mul3A_2, %add3A_117 : i32
    %dma_start3A_119 = arith.constant 0 : i32
    %dma_start3A_120 = tpu.memref_slice %arg5[%dma_start3A_119] : memref<800xi32, #tpu.memory_space<vmem>> -> memref<800xi32, #tpu.memory_space<vmem>>
    %dma_start3A_121 = tpu.memref_slice %arg2[%add3A_118] : memref<819200xi32, #tpu.memory_space<hbm>> -> memref<800xi32, #tpu.memory_space<hbm>>
    %dma_start3A_122 = arith.constant 0 : i32
    %dma_start3A_123 = tpu.memref_slice %arg5[%dma_start3A_122] : memref<800xi32, #tpu.memory_space<vmem>> -> memref<800xi32, #tpu.memory_space<vmem>>
    %dma_start3A_124 = tpu.memref_slice %arg2[%add3A_118] : memref<819200xi32, #tpu.memory_space<hbm>> -> memref<800xi32, #tpu.memory_space<hbm>>
    tpu.enqueue_dma source(%dma_start3A_124 : memref<800xi32, #tpu.memory_space<hbm>>) target(%dma_start3A_123 : memref<800xi32, #tpu.memory_space<vmem>>) target_semaphore(%arg13 : memref<!tpu.dma_semaphore, #tpu.memory_space<semaphore_mem>>)
    %dma_wait3A_125 = arith.constant 0 : i32
    %dma_wait3A_126 = arith.constant 0 : i32
    %dma_wait3A_127 = tpu.memref_slice %arg9[%dma_wait3A_125, %dma_wait3A_126] : memref<800x32xf32, #tpu.memory_space<vmem>> -> memref<800x32xf32, #tpu.memory_space<vmem>>
    %dma_wait3A_128 = arith.constant 0 : i32
    %dma_wait3A_129 = tpu.memref_slice %arg4[%add3A_106, %dma_wait3A_128] : memref<819200x32xf32, #tpu.memory_space<hbm>> -> memref<800x32xf32, #tpu.memory_space<hbm>>
    %dma_wait3A_130 = arith.constant 0 : i32
    %dma_wait3A_131 = tpu.memref_slice %arg4[%add3A_106, %dma_wait3A_130] : memref<819200x32xf32, #tpu.memory_space<hbm>> -> memref<800x32xf32, #tpu.memory_space<hbm>>
    %dma_wait3A_132 = arith.constant 0 : i32
    %dma_wait3A_133 = arith.constant 0 : i32
    %dma_wait3A_134 = tpu.memref_slice %arg9[%dma_wait3A_132, %dma_wait3A_133] : memref<800x32xf32, #tpu.memory_space<vmem>> -> memref<800x32xf32, #tpu.memory_space<vmem>>
    tpu.wait_dma2 semaphore(%arg21 : memref<!tpu.dma_semaphore, #tpu.memory_space<semaphore_mem>>) src(%dma_wait3A_134 : memref<800x32xf32, #tpu.memory_space<vmem>>) dst(%dma_wait3A_131 : memref<800x32xf32, #tpu.memory_space<hbm>>)
    %add3A_135 = arith.constant 3200 : i32
    %add3A_136 = arith.addi %mul3A_2, %add3A_135 : i32
    %dma_wait3A_137 = arith.constant 0 : i32
    %dma_wait3A_138 = tpu.memref_slice %arg5[%dma_wait3A_137] : memref<800xi32, #tpu.memory_space<vmem>> -> memref<800xi32, #tpu.memory_space<vmem>>
    %dma_wait3A_139 = tpu.memref_slice %arg2[%add3A_136] : memref<819200xi32, #tpu.memory_space<hbm>> -> memref<800xi32, #tpu.memory_space<hbm>>
    %dma_wait3A_140 = arith.constant 0 : i32
    %dma_wait3A_141 = tpu.memref_slice %arg5[%dma_wait3A_140] : memref<800xi32, #tpu.memory_space<vmem>> -> memref<800xi32, #tpu.memory_space<vmem>>
    %dma_wait3A_142 = tpu.memref_slice %arg2[%add3A_136] : memref<819200xi32, #tpu.memory_space<hbm>> -> memref<800xi32, #tpu.memory_space<hbm>>
    tpu.wait_dma2 semaphore(%arg13 : memref<!tpu.dma_semaphore, #tpu.memory_space<semaphore_mem>>) src(%dma_wait3A_142 : memref<800xi32, #tpu.memory_space<hbm>>) dst(%dma_wait3A_141 : memref<800xi32, #tpu.memory_space<vmem>>)
    %dma_start3A_143 = arith.constant 0 : i32
    %dma_start3A_144 = arith.constant 0 : i32
    %dma_start3A_145 = tpu.memref_slice %arg9[%dma_start3A_143, %dma_start3A_144] : memref<800x32xf32, #tpu.memory_space<vmem>> -> memref<800x32xf32, #tpu.memory_space<vmem>>
    %dma_start3A_146 = arith.constant 0 : i32
    %dma_start3A_147 = tpu.memref_slice %arg5[%dma_start3A_146] : memref<800xi32, #tpu.memory_space<vmem>> -> memref<800xi32, #tpu.memory_space<vmem>>
    %dma_start3A_148 = arith.constant 0 : i32
    %dma_start3A_149 = arith.constant 0 : i32
    %dma_start3A_150 = tpu.memref_slice %arg3[%dma_start3A_148, %dma_start3A_149] : memref<1000000x32xf32, #tpu.memory_space<hbm>> -> memref<1000000x32xf32, #tpu.memory_space<hbm>>
    tpu.enqueue_indirect_dma source(%dma_start3A_150 : memref<1000000x32xf32, #tpu.memory_space<hbm>>) target(%dma_start3A_145 : memref<800x32xf32, #tpu.memory_space<vmem>>) offsets(%dma_start3A_147 : memref<800xi32, #tpu.memory_space<vmem>>) semaphore(%arg17 : memref<!tpu.dma_semaphore, #tpu.memory_space<semaphore_mem>>)
    %dma_wait3A_151 = arith.constant 0 : i32
    %dma_wait3A_152 = arith.constant 0 : i32
    %dma_wait3A_153 = tpu.memref_slice %arg10[%dma_wait3A_151, %dma_wait3A_152] : memref<800x32xf32, #tpu.memory_space<vmem>> -> memref<800x32xf32, #tpu.memory_space<vmem>>
    %dma_wait3A_154 = arith.constant 0 : i32
    %dma_wait3A_155 = tpu.memref_slice %arg6[%dma_wait3A_154] : memref<800xi32, #tpu.memory_space<vmem>> -> memref<800xi32, #tpu.memory_space<vmem>>
    %dma_wait3A_156 = arith.constant 0 : i32
    %dma_wait3A_157 = arith.constant 0 : i32
    %dma_wait3A_158 = tpu.memref_slice %arg3[%dma_wait3A_156, %dma_wait3A_157] : memref<1000000x32xf32, #tpu.memory_space<hbm>> -> memref<1000000x32xf32, #tpu.memory_space<hbm>>
    tpu.wait_indirect_dma semaphore(%arg18 : memref<!tpu.dma_semaphore, #tpu.memory_space<semaphore_mem>>) src(%dma_wait3A_158 : memref<1000000x32xf32, #tpu.memory_space<hbm>>) dst(%dma_wait3A_153 : memref<800x32xf32, #tpu.memory_space<vmem>>)
    %add3A_159 = arith.constant 800 : i32
    %add3A_160 = arith.addi %mul3A_2, %add3A_159 : i32
    %dma_start3A_161 = arith.constant 0 : i32
    %dma_start3A_162 = arith.constant 0 : i32
    %dma_start3A_163 = tpu.memref_slice %arg10[%dma_start3A_161, %dma_start3A_162] : memref<800x32xf32, #tpu.memory_space<vmem>> -> memref<800x32xf32, #tpu.memory_space<vmem>>
    %dma_start3A_164 = arith.constant 0 : i32
    %dma_start3A_165 = tpu.memref_slice %arg4[%add3A_160, %dma_start3A_164] : memref<819200x32xf32, #tpu.memory_space<hbm>> -> memref<800x32xf32, #tpu.memory_space<hbm>>
    %dma_start3A_166 = arith.constant 0 : i32
    %dma_start3A_167 = tpu.memref_slice %arg4[%add3A_160, %dma_start3A_166] : memref<819200x32xf32, #tpu.memory_space<hbm>> -> memref<800x32xf32, #tpu.memory_space<hbm>>
    %dma_start3A_168 = arith.constant 0 : i32
    %dma_start3A_169 = arith.constant 0 : i32
    %dma_start3A_170 = tpu.memref_slice %arg10[%dma_start3A_168, %dma_start3A_169] : memref<800x32xf32, #tpu.memory_space<vmem>> -> memref<800x32xf32, #tpu.memory_space<vmem>>
    tpu.enqueue_dma source(%dma_start3A_170 : memref<800x32xf32, #tpu.memory_space<vmem>>) target(%dma_start3A_167 : memref<800x32xf32, #tpu.memory_space<hbm>>) target_semaphore(%arg22 : memref<!tpu.dma_semaphore, #tpu.memory_space<semaphore_mem>>)
    %add3A_171 = arith.constant 4000 : i32
    %add3A_172 = arith.addi %mul3A_2, %add3A_171 : i32
    %dma_start3A_173 = arith.constant 0 : i32
    %dma_start3A_174 = tpu.memref_slice %arg6[%dma_start3A_173] : memref<800xi32, #tpu.memory_space<vmem>> -> memref<800xi32, #tpu.memory_space<vmem>>
    %dma_start3A_175 = tpu.memref_slice %arg2[%add3A_172] : memref<819200xi32, #tpu.memory_space<hbm>> -> memref<800xi32, #tpu.memory_space<hbm>>
    %dma_start3A_176 = arith.constant 0 : i32
    %dma_start3A_177 = tpu.memref_slice %arg6[%dma_start3A_176] : memref<800xi32, #tpu.memory_space<vmem>> -> memref<800xi32, #tpu.memory_space<vmem>>
    %dma_start3A_178 = tpu.memref_slice %arg2[%add3A_172] : memref<819200xi32, #tpu.memory_space<hbm>> -> memref<800xi32, #tpu.memory_space<hbm>>
    tpu.enqueue_dma source(%dma_start3A_178 : memref<800xi32, #tpu.memory_space<hbm>>) target(%dma_start3A_177 : memref<800xi32, #tpu.memory_space<vmem>>) target_semaphore(%arg14 : memref<!tpu.dma_semaphore, #tpu.memory_space<semaphore_mem>>)
    %dma_wait3A_179 = arith.constant 0 : i32
    %dma_wait3A_180 = arith.constant 0 : i32
    %dma_wait3A_181 = tpu.memref_slice %arg10[%dma_wait3A_179, %dma_wait3A_180] : memref<800x32xf32, #tpu.memory_space<vmem>> -> memref<800x32xf32, #tpu.memory_space<vmem>>
    %dma_wait3A_182 = arith.constant 0 : i32
    %dma_wait3A_183 = tpu.memref_slice %arg4[%add3A_160, %dma_wait3A_182] : memref<819200x32xf32, #tpu.memory_space<hbm>> -> memref<800x32xf32, #tpu.memory_space<hbm>>
    %dma_wait3A_184 = arith.constant 0 : i32
    %dma_wait3A_185 = tpu.memref_slice %arg4[%add3A_160, %dma_wait3A_184] : memref<819200x32xf32, #tpu.memory_space<hbm>> -> memref<800x32xf32, #tpu.memory_space<hbm>>
    %dma_wait3A_186 = arith.constant 0 : i32
    %dma_wait3A_187 = arith.constant 0 : i32
    %dma_wait3A_188 = tpu.memref_slice %arg10[%dma_wait3A_186, %dma_wait3A_187] : memref<800x32xf32, #tpu.memory_space<vmem>> -> memref<800x32xf32, #tpu.memory_space<vmem>>
    tpu.wait_dma2 semaphore(%arg22 : memref<!tpu.dma_semaphore, #tpu.memory_space<semaphore_mem>>) src(%dma_wait3A_188 : memref<800x32xf32, #tpu.memory_space<vmem>>) dst(%dma_wait3A_185 : memref<800x32xf32, #tpu.memory_space<hbm>>)
    %add3A_189 = arith.constant 4000 : i32
    %add3A_190 = arith.addi %mul3A_2, %add3A_189 : i32
    %dma_wait3A_191 = arith.constant 0 : i32
    %dma_wait3A_192 = tpu.memref_slice %arg6[%dma_wait3A_191] : memref<800xi32, #tpu.memory_space<vmem>> -> memref<800xi32, #tpu.memory_space<vmem>>
    %dma_wait3A_193 = tpu.memref_slice %arg2[%add3A_190] : memref<819200xi32, #tpu.memory_space<hbm>> -> memref<800xi32, #tpu.memory_space<hbm>>
    %dma_wait3A_194 = arith.constant 0 : i32
    %dma_wait3A_195 = tpu.memref_slice %arg6[%dma_wait3A_194] : memref<800xi32, #tpu.memory_space<vmem>> -> memref<800xi32, #tpu.memory_space<vmem>>
    %dma_wait3A_196 = tpu.memref_slice %arg2[%add3A_190] : memref<819200xi32, #tpu.memory_space<hbm>> -> memref<800xi32, #tpu.memory_space<hbm>>
    tpu.wait_dma2 semaphore(%arg14 : memref<!tpu.dma_semaphore, #tpu.memory_space<semaphore_mem>>) src(%dma_wait3A_196 : memref<800xi32, #tpu.memory_space<hbm>>) dst(%dma_wait3A_195 : memref<800xi32, #tpu.memory_space<vmem>>)
    %dma_start3A_197 = arith.constant 0 : i32
    %dma_start3A_198 = arith.constant 0 : i32
    %dma_start3A_199 = tpu.memref_slice %arg10[%dma_start3A_197, %dma_start3A_198] : memref<800x32xf32, #tpu.memory_space<vmem>> -> memref<800x32xf32, #tpu.memory_space<vmem>>
    %dma_start3A_200 = arith.constant 0 : i32
    %dma_start3A_201 = tpu.memref_slice %arg6[%dma_start3A_200] : memref<800xi32, #tpu.memory_space<vmem>> -> memref<800xi32, #tpu.memory_space<vmem>>
    %dma_start3A_202 = arith.constant 0 : i32
    %dma_start3A_203 = arith.constant 0 : i32
    %dma_start3A_204 = tpu.memref_slice %arg3[%dma_start3A_202, %dma_start3A_203] : memref<1000000x32xf32, #tpu.memory_space<hbm>> -> memref<1000000x32xf32, #tpu.memory_space<hbm>>
    tpu.enqueue_indirect_dma source(%dma_start3A_204 : memref<1000000x32xf32, #tpu.memory_space<hbm>>) target(%dma_start3A_199 : memref<800x32xf32, #tpu.memory_space<vmem>>) offsets(%dma_start3A_201 : memref<800xi32, #tpu.memory_space<vmem>>) semaphore(%arg18 : memref<!tpu.dma_semaphore, #tpu.memory_space<semaphore_mem>>)
    %dma_wait3A_205 = arith.constant 0 : i32
    %dma_wait3A_206 = arith.constant 0 : i32
    %dma_wait3A_207 = tpu.memref_slice %arg11[%dma_wait3A_205, %dma_wait3A_206] : memref<800x32xf32, #tpu.memory_space<vmem>> -> memref<800x32xf32, #tpu.memory_space<vmem>>
    %dma_wait3A_208 = arith.constant 0 : i32
    %dma_wait3A_209 = tpu.memref_slice %arg7[%dma_wait3A_208] : memref<800xi32, #tpu.memory_space<vmem>> -> memref<800xi32, #tpu.memory_space<vmem>>
    %dma_wait3A_210 = arith.constant 0 : i32
    %dma_wait3A_211 = arith.constant 0 : i32
    %dma_wait3A_212 = tpu.memref_slice %arg3[%dma_wait3A_210, %dma_wait3A_211] : memref<1000000x32xf32, #tpu.memory_space<hbm>> -> memref<1000000x32xf32, #tpu.memory_space<hbm>>
    tpu.wait_indirect_dma semaphore(%arg19 : memref<!tpu.dma_semaphore, #tpu.memory_space<semaphore_mem>>) src(%dma_wait3A_212 : memref<1000000x32xf32, #tpu.memory_space<hbm>>) dst(%dma_wait3A_207 : memref<800x32xf32, #tpu.memory_space<vmem>>)
    %add3A_213 = arith.constant 1600 : i32
    %add3A_214 = arith.addi %mul3A_2, %add3A_213 : i32
    %dma_start3A_215 = arith.constant 0 : i32
    %dma_start3A_216 = arith.constant 0 : i32
    %dma_start3A_217 = tpu.memref_slice %arg11[%dma_start3A_215, %dma_start3A_216] : memref<800x32xf32, #tpu.memory_space<vmem>> -> memref<800x32xf32, #tpu.memory_space<vmem>>
    %dma_start3A_218 = arith.constant 0 : i32
    %dma_start3A_219 = tpu.memref_slice %arg4[%add3A_214, %dma_start3A_218] : memref<819200x32xf32, #tpu.memory_space<hbm>> -> memref<800x32xf32, #tpu.memory_space<hbm>>
    %dma_start3A_220 = arith.constant 0 : i32
    %dma_start3A_221 = tpu.memref_slice %arg4[%add3A_214, %dma_start3A_220] : memref<819200x32xf32, #tpu.memory_space<hbm>> -> memref<800x32xf32, #tpu.memory_space<hbm>>
    %dma_start3A_222 = arith.constant 0 : i32
    %dma_start3A_223 = arith.constant 0 : i32
    %dma_start3A_224 = tpu.memref_slice %arg11[%dma_start3A_222, %dma_start3A_223] : memref<800x32xf32, #tpu.memory_space<vmem>> -> memref<800x32xf32, #tpu.memory_space<vmem>>
    tpu.enqueue_dma source(%dma_start3A_224 : memref<800x32xf32, #tpu.memory_space<vmem>>) target(%dma_start3A_221 : memref<800x32xf32, #tpu.memory_space<hbm>>) target_semaphore(%arg23 : memref<!tpu.dma_semaphore, #tpu.memory_space<semaphore_mem>>)
    %add3A_225 = arith.constant 4800 : i32
    %add3A_226 = arith.addi %mul3A_2, %add3A_225 : i32
    %dma_start3A_227 = arith.constant 0 : i32
    %dma_start3A_228 = tpu.memref_slice %arg7[%dma_start3A_227] : memref<800xi32, #tpu.memory_space<vmem>> -> memref<800xi32, #tpu.memory_space<vmem>>
    %dma_start3A_229 = tpu.memref_slice %arg2[%add3A_226] : memref<819200xi32, #tpu.memory_space<hbm>> -> memref<800xi32, #tpu.memory_space<hbm>>
    %dma_start3A_230 = arith.constant 0 : i32
    %dma_start3A_231 = tpu.memref_slice %arg7[%dma_start3A_230] : memref<800xi32, #tpu.memory_space<vmem>> -> memref<800xi32, #tpu.memory_space<vmem>>
    %dma_start3A_232 = tpu.memref_slice %arg2[%add3A_226] : memref<819200xi32, #tpu.memory_space<hbm>> -> memref<800xi32, #tpu.memory_space<hbm>>
    tpu.enqueue_dma source(%dma_start3A_232 : memref<800xi32, #tpu.memory_space<hbm>>) target(%dma_start3A_231 : memref<800xi32, #tpu.memory_space<vmem>>) target_semaphore(%arg15 : memref<!tpu.dma_semaphore, #tpu.memory_space<semaphore_mem>>)
    %dma_wait3A_233 = arith.constant 0 : i32
    %dma_wait3A_234 = arith.constant 0 : i32
    %dma_wait3A_235 = tpu.memref_slice %arg11[%dma_wait3A_233, %dma_wait3A_234] : memref<800x32xf32, #tpu.memory_space<vmem>> -> memref<800x32xf32, #tpu.memory_space<vmem>>
    %dma_wait3A_236 = arith.constant 0 : i32
    %dma_wait3A_237 = tpu.memref_slice %arg4[%add3A_214, %dma_wait3A_236] : memref<819200x32xf32, #tpu.memory_space<hbm>> -> memref<800x32xf32, #tpu.memory_space<hbm>>
    %dma_wait3A_238 = arith.constant 0 : i32
    %dma_wait3A_239 = tpu.memref_slice %arg4[%add3A_214, %dma_wait3A_238] : memref<819200x32xf32, #tpu.memory_space<hbm>> -> memref<800x32xf32, #tpu.memory_space<hbm>>
    %dma_wait3A_240 = arith.constant 0 : i32
    %dma_wait3A_241 = arith.constant 0 : i32
    %dma_wait3A_242 = tpu.memref_slice %arg11[%dma_wait3A_240, %dma_wait3A_241] : memref<800x32xf32, #tpu.memory_space<vmem>> -> memref<800x32xf32, #tpu.memory_space<vmem>>
    tpu.wait_dma2 semaphore(%arg23 : memref<!tpu.dma_semaphore, #tpu.memory_space<semaphore_mem>>) src(%dma_wait3A_242 : memref<800x32xf32, #tpu.memory_space<vmem>>) dst(%dma_wait3A_239 : memref<800x32xf32, #tpu.memory_space<hbm>>)
    %add3A_243 = arith.constant 4800 : i32
    %add3A_244 = arith.addi %mul3A_2, %add3A_243 : i32
    %dma_wait3A_245 = arith.constant 0 : i32
    %dma_wait3A_246 = tpu.memref_slice %arg7[%dma_wait3A_245] : memref<800xi32, #tpu.memory_space<vmem>> -> memref<800xi32, #tpu.memory_space<vmem>>
    %dma_wait3A_247 = tpu.memref_slice %arg2[%add3A_244] : memref<819200xi32, #tpu.memory_space<hbm>> -> memref<800xi32, #tpu.memory_space<hbm>>
    %dma_wait3A_248 = arith.constant 0 : i32
    %dma_wait3A_249 = tpu.memref_slice %arg7[%dma_wait3A_248] : memref<800xi32, #tpu.memory_space<vmem>> -> memref<800xi32, #tpu.memory_space<vmem>>
    %dma_wait3A_250 = tpu.memref_slice %arg2[%add3A_244] : memref<819200xi32, #tpu.memory_space<hbm>> -> memref<800xi32, #tpu.memory_space<hbm>>
    tpu.wait_dma2 semaphore(%arg15 : memref<!tpu.dma_semaphore, #tpu.memory_space<semaphore_mem>>) src(%dma_wait3A_250 : memref<800xi32, #tpu.memory_space<hbm>>) dst(%dma_wait3A_249 : memref<800xi32, #tpu.memory_space<vmem>>)
    %dma_start3A_251 = arith.constant 0 : i32
    %dma_start3A_252 = arith.constant 0 : i32
    %dma_start3A_253 = tpu.memref_slice %arg11[%dma_start3A_251, %dma_start3A_252] : memref<800x32xf32, #tpu.memory_space<vmem>> -> memref<800x32xf32, #tpu.memory_space<vmem>>
    %dma_start3A_254 = arith.constant 0 : i32
    %dma_start3A_255 = tpu.memref_slice %arg7[%dma_start3A_254] : memref<800xi32, #tpu.memory_space<vmem>> -> memref<800xi32, #tpu.memory_space<vmem>>
    %dma_start3A_256 = arith.constant 0 : i32
    %dma_start3A_257 = arith.constant 0 : i32
    %dma_start3A_258 = tpu.memref_slice %arg3[%dma_start3A_256, %dma_start3A_257] : memref<1000000x32xf32, #tpu.memory_space<hbm>> -> memref<1000000x32xf32, #tpu.memory_space<hbm>>
    tpu.enqueue_indirect_dma source(%dma_start3A_258 : memref<1000000x32xf32, #tpu.memory_space<hbm>>) target(%dma_start3A_253 : memref<800x32xf32, #tpu.memory_space<vmem>>) offsets(%dma_start3A_255 : memref<800xi32, #tpu.memory_space<vmem>>) semaphore(%arg19 : memref<!tpu.dma_semaphore, #tpu.memory_space<semaphore_mem>>)
    %dma_wait3A_259 = arith.constant 0 : i32
    %dma_wait3A_260 = arith.constant 0 : i32
    %dma_wait3A_261 = tpu.memref_slice %arg12[%dma_wait3A_259, %dma_wait3A_260] : memref<800x32xf32, #tpu.memory_space<vmem>> -> memref<800x32xf32, #tpu.memory_space<vmem>>
    %dma_wait3A_262 = arith.constant 0 : i32
    %dma_wait3A_263 = tpu.memref_slice %arg8[%dma_wait3A_262] : memref<800xi32, #tpu.memory_space<vmem>> -> memref<800xi32, #tpu.memory_space<vmem>>
    %dma_wait3A_264 = arith.constant 0 : i32
    %dma_wait3A_265 = arith.constant 0 : i32
    %dma_wait3A_266 = tpu.memref_slice %arg3[%dma_wait3A_264, %dma_wait3A_265] : memref<1000000x32xf32, #tpu.memory_space<hbm>> -> memref<1000000x32xf32, #tpu.memory_space<hbm>>
    tpu.wait_indirect_dma semaphore(%arg20 : memref<!tpu.dma_semaphore, #tpu.memory_space<semaphore_mem>>) src(%dma_wait3A_266 : memref<1000000x32xf32, #tpu.memory_space<hbm>>) dst(%dma_wait3A_261 : memref<800x32xf32, #tpu.memory_space<vmem>>)
    %add3A_267 = arith.constant 2400 : i32
    %add3A_268 = arith.addi %mul3A_2, %add3A_267 : i32
    %dma_start3A_269 = arith.constant 0 : i32
    %dma_start3A_270 = arith.constant 0 : i32
    %dma_start3A_271 = tpu.memref_slice %arg12[%dma_start3A_269, %dma_start3A_270] : memref<800x32xf32, #tpu.memory_space<vmem>> -> memref<800x32xf32, #tpu.memory_space<vmem>>
    %dma_start3A_272 = arith.constant 0 : i32
    %dma_start3A_273 = tpu.memref_slice %arg4[%add3A_268, %dma_start3A_272] : memref<819200x32xf32, #tpu.memory_space<hbm>> -> memref<800x32xf32, #tpu.memory_space<hbm>>
    %dma_start3A_274 = arith.constant 0 : i32
    %dma_start3A_275 = tpu.memref_slice %arg4[%add3A_268, %dma_start3A_274] : memref<819200x32xf32, #tpu.memory_space<hbm>> -> memref<800x32xf32, #tpu.memory_space<hbm>>
    %dma_start3A_276 = arith.constant 0 : i32
    %dma_start3A_277 = arith.constant 0 : i32
    %dma_start3A_278 = tpu.memref_slice %arg12[%dma_start3A_276, %dma_start3A_277] : memref<800x32xf32, #tpu.memory_space<vmem>> -> memref<800x32xf32, #tpu.memory_space<vmem>>
    tpu.enqueue_dma source(%dma_start3A_278 : memref<800x32xf32, #tpu.memory_space<vmem>>) target(%dma_start3A_275 : memref<800x32xf32, #tpu.memory_space<hbm>>) target_semaphore(%arg24 : memref<!tpu.dma_semaphore, #tpu.memory_space<semaphore_mem>>)
    %add3A_279 = arith.constant 5600 : i32
    %add3A_280 = arith.addi %mul3A_2, %add3A_279 : i32
    %dma_start3A_281 = arith.constant 0 : i32
    %dma_start3A_282 = tpu.memref_slice %arg8[%dma_start3A_281] : memref<800xi32, #tpu.memory_space<vmem>> -> memref<800xi32, #tpu.memory_space<vmem>>
    %dma_start3A_283 = tpu.memref_slice %arg2[%add3A_280] : memref<819200xi32, #tpu.memory_space<hbm>> -> memref<800xi32, #tpu.memory_space<hbm>>
    %dma_start3A_284 = arith.constant 0 : i32
    %dma_start3A_285 = tpu.memref_slice %arg8[%dma_start3A_284] : memref<800xi32, #tpu.memory_space<vmem>> -> memref<800xi32, #tpu.memory_space<vmem>>
    %dma_start3A_286 = tpu.memref_slice %arg2[%add3A_280] : memref<819200xi32, #tpu.memory_space<hbm>> -> memref<800xi32, #tpu.memory_space<hbm>>
    tpu.enqueue_dma source(%dma_start3A_286 : memref<800xi32, #tpu.memory_space<hbm>>) target(%dma_start3A_285 : memref<800xi32, #tpu.memory_space<vmem>>) target_semaphore(%arg16 : memref<!tpu.dma_semaphore, #tpu.memory_space<semaphore_mem>>)
    %dma_wait3A_287 = arith.constant 0 : i32
    %dma_wait3A_288 = arith.constant 0 : i32
    %dma_wait3A_289 = tpu.memref_slice %arg12[%dma_wait3A_287, %dma_wait3A_288] : memref<800x32xf32, #tpu.memory_space<vmem>> -> memref<800x32xf32, #tpu.memory_space<vmem>>
    %dma_wait3A_290 = arith.constant 0 : i32
    %dma_wait3A_291 = tpu.memref_slice %arg4[%add3A_268, %dma_wait3A_290] : memref<819200x32xf32, #tpu.memory_space<hbm>> -> memref<800x32xf32, #tpu.memory_space<hbm>>
    %dma_wait3A_292 = arith.constant 0 : i32
    %dma_wait3A_293 = tpu.memref_slice %arg4[%add3A_268, %dma_wait3A_292] : memref<819200x32xf32, #tpu.memory_space<hbm>> -> memref<800x32xf32, #tpu.memory_space<hbm>>
    %dma_wait3A_294 = arith.constant 0 : i32
    %dma_wait3A_295 = arith.constant 0 : i32
    %dma_wait3A_296 = tpu.memref_slice %arg12[%dma_wait3A_294, %dma_wait3A_295] : memref<800x32xf32, #tpu.memory_space<vmem>> -> memref<800x32xf32, #tpu.memory_space<vmem>>
    tpu.wait_dma2 semaphore(%arg24 : memref<!tpu.dma_semaphore, #tpu.memory_space<semaphore_mem>>) src(%dma_wait3A_296 : memref<800x32xf32, #tpu.memory_space<vmem>>) dst(%dma_wait3A_293 : memref<800x32xf32, #tpu.memory_space<hbm>>)
    %add3A_297 = arith.constant 5600 : i32
    %add3A_298 = arith.addi %mul3A_2, %add3A_297 : i32
    %dma_wait3A_299 = arith.constant 0 : i32
    %dma_wait3A_300 = tpu.memref_slice %arg8[%dma_wait3A_299] : memref<800xi32, #tpu.memory_space<vmem>> -> memref<800xi32, #tpu.memory_space<vmem>>
    %dma_wait3A_301 = tpu.memref_slice %arg2[%add3A_298] : memref<819200xi32, #tpu.memory_space<hbm>> -> memref<800xi32, #tpu.memory_space<hbm>>
    %dma_wait3A_302 = arith.constant 0 : i32
    %dma_wait3A_303 = tpu.memref_slice %arg8[%dma_wait3A_302] : memref<800xi32, #tpu.memory_space<vmem>> -> memref<800xi32, #tpu.memory_space<vmem>>
    %dma_wait3A_304 = tpu.memref_slice %arg2[%add3A_298] : memref<819200xi32, #tpu.memory_space<hbm>> -> memref<800xi32, #tpu.memory_space<hbm>>
    tpu.wait_dma2 semaphore(%arg16 : memref<!tpu.dma_semaphore, #tpu.memory_space<semaphore_mem>>) src(%dma_wait3A_304 : memref<800xi32, #tpu.memory_space<hbm>>) dst(%dma_wait3A_303 : memref<800xi32, #tpu.memory_space<vmem>>)
    %dma_start3A_305 = arith.constant 0 : i32
    %dma_start3A_306 = arith.constant 0 : i32
    %dma_start3A_307 = tpu.memref_slice %arg12[%dma_start3A_305, %dma_start3A_306] : memref<800x32xf32, #tpu.memory_space<vmem>> -> memref<800x32xf32, #tpu.memory_space<vmem>>
    %dma_start3A_308 = arith.constant 0 : i32
    %dma_start3A_309 = tpu.memref_slice %arg8[%dma_start3A_308] : memref<800xi32, #tpu.memory_space<vmem>> -> memref<800xi32, #tpu.memory_space<vmem>>
    %dma_start3A_310 = arith.constant 0 : i32
    %dma_start3A_311 = arith.constant 0 : i32
    %dma_start3A_312 = tpu.memref_slice %arg3[%dma_start3A_310, %dma_start3A_311] : memref<1000000x32xf32, #tpu.memory_space<hbm>> -> memref<1000000x32xf32, #tpu.memory_space<hbm>>
    tpu.enqueue_indirect_dma source(%dma_start3A_312 : memref<1000000x32xf32, #tpu.memory_space<hbm>>) target(%dma_start3A_307 : memref<800x32xf32, #tpu.memory_space<vmem>>) offsets(%dma_start3A_309 : memref<800xi32, #tpu.memory_space<vmem>>) semaphore(%arg20 : memref<!tpu.dma_semaphore, #tpu.memory_space<semaphore_mem>>)
    %dma_wait3A_313 = arith.constant 0 : i32
    %dma_wait3A_314 = arith.constant 0 : i32
    %dma_wait3A_315 = tpu.memref_slice %arg9[%dma_wait3A_313, %dma_wait3A_314] : memref<800x32xf32, #tpu.memory_space<vmem>> -> memref<800x32xf32, #tpu.memory_space<vmem>>
    %dma_wait3A_316 = arith.constant 0 : i32
    %dma_wait3A_317 = tpu.memref_slice %arg5[%dma_wait3A_316] : memref<800xi32, #tpu.memory_space<vmem>> -> memref<800xi32, #tpu.memory_space<vmem>>
    %dma_wait3A_318 = arith.constant 0 : i32
    %dma_wait3A_319 = arith.constant 0 : i32
    %dma_wait3A_320 = tpu.memref_slice %arg3[%dma_wait3A_318, %dma_wait3A_319] : memref<1000000x32xf32, #tpu.memory_space<hbm>> -> memref<1000000x32xf32, #tpu.memory_space<hbm>>
    tpu.wait_indirect_dma semaphore(%arg17 : memref<!tpu.dma_semaphore, #tpu.memory_space<semaphore_mem>>) src(%dma_wait3A_320 : memref<1000000x32xf32, #tpu.memory_space<hbm>>) dst(%dma_wait3A_315 : memref<800x32xf32, #tpu.memory_space<vmem>>)
    %add3A_321 = arith.constant 3200 : i32
    %add3A_322 = arith.addi %mul3A_2, %add3A_321 : i32
    %dma_start3A_323 = arith.constant 0 : i32
    %dma_start3A_324 = arith.constant 0 : i32
    %dma_start3A_325 = tpu.memref_slice %arg9[%dma_start3A_323, %dma_start3A_324] : memref<800x32xf32, #tpu.memory_space<vmem>> -> memref<800x32xf32, #tpu.memory_space<vmem>>
    %dma_start3A_326 = arith.constant 0 : i32
    %dma_start3A_327 = tpu.memref_slice %arg4[%add3A_322, %dma_start3A_326] : memref<819200x32xf32, #tpu.memory_space<hbm>> -> memref<800x32xf32, #tpu.memory_space<hbm>>
    %dma_start3A_328 = arith.constant 0 : i32
    %dma_start3A_329 = tpu.memref_slice %arg4[%add3A_322, %dma_start3A_328] : memref<819200x32xf32, #tpu.memory_space<hbm>> -> memref<800x32xf32, #tpu.memory_space<hbm>>
    %dma_start3A_330 = arith.constant 0 : i32
    %dma_start3A_331 = arith.constant 0 : i32
    %dma_start3A_332 = tpu.memref_slice %arg9[%dma_start3A_330, %dma_start3A_331] : memref<800x32xf32, #tpu.memory_space<vmem>> -> memref<800x32xf32, #tpu.memory_space<vmem>>
    tpu.enqueue_dma source(%dma_start3A_332 : memref<800x32xf32, #tpu.memory_space<vmem>>) target(%dma_start3A_329 : memref<800x32xf32, #tpu.memory_space<hbm>>) target_semaphore(%arg21 : memref<!tpu.dma_semaphore, #tpu.memory_space<semaphore_mem>>)
    %add3A_333 = arith.constant 6400 : i32
    %add3A_334 = arith.addi %mul3A_2, %add3A_333 : i32
    %dma_start3A_335 = arith.constant 0 : i32
    %dma_start3A_336 = tpu.memref_slice %arg5[%dma_start3A_335] : memref<800xi32, #tpu.memory_space<vmem>> -> memref<800xi32, #tpu.memory_space<vmem>>
    %dma_start3A_337 = tpu.memref_slice %arg2[%add3A_334] : memref<819200xi32, #tpu.memory_space<hbm>> -> memref<800xi32, #tpu.memory_space<hbm>>
    %dma_start3A_338 = arith.constant 0 : i32
    %dma_start3A_339 = tpu.memref_slice %arg5[%dma_start3A_338] : memref<800xi32, #tpu.memory_space<vmem>> -> memref<800xi32, #tpu.memory_space<vmem>>
    %dma_start3A_340 = tpu.memref_slice %arg2[%add3A_334] : memref<819200xi32, #tpu.memory_space<hbm>> -> memref<800xi32, #tpu.memory_space<hbm>>
    tpu.enqueue_dma source(%dma_start3A_340 : memref<800xi32, #tpu.memory_space<hbm>>) target(%dma_start3A_339 : memref<800xi32, #tpu.memory_space<vmem>>) target_semaphore(%arg13 : memref<!tpu.dma_semaphore, #tpu.memory_space<semaphore_mem>>)
    %dma_wait3A_341 = arith.constant 0 : i32
    %dma_wait3A_342 = arith.constant 0 : i32
    %dma_wait3A_343 = tpu.memref_slice %arg9[%dma_wait3A_341, %dma_wait3A_342] : memref<800x32xf32, #tpu.memory_space<vmem>> -> memref<800x32xf32, #tpu.memory_space<vmem>>
    %dma_wait3A_344 = arith.constant 0 : i32
    %dma_wait3A_345 = tpu.memref_slice %arg4[%add3A_322, %dma_wait3A_344] : memref<819200x32xf32, #tpu.memory_space<hbm>> -> memref<800x32xf32, #tpu.memory_space<hbm>>
    %dma_wait3A_346 = arith.constant 0 : i32
    %dma_wait3A_347 = tpu.memref_slice %arg4[%add3A_322, %dma_wait3A_346] : memref<819200x32xf32, #tpu.memory_space<hbm>> -> memref<800x32xf32, #tpu.memory_space<hbm>>
    %dma_wait3A_348 = arith.constant 0 : i32
    %dma_wait3A_349 = arith.constant 0 : i32
    %dma_wait3A_350 = tpu.memref_slice %arg9[%dma_wait3A_348, %dma_wait3A_349] : memref<800x32xf32, #tpu.memory_space<vmem>> -> memref<800x32xf32, #tpu.memory_space<vmem>>
    tpu.wait_dma2 semaphore(%arg21 : memref<!tpu.dma_semaphore, #tpu.memory_space<semaphore_mem>>) src(%dma_wait3A_350 : memref<800x32xf32, #tpu.memory_space<vmem>>) dst(%dma_wait3A_347 : memref<800x32xf32, #tpu.memory_space<hbm>>)
    %add3A_351 = arith.constant 6400 : i32
    %add3A_352 = arith.addi %mul3A_2, %add3A_351 : i32
    %dma_wait3A_353 = arith.constant 0 : i32
    %dma_wait3A_354 = tpu.memref_slice %arg5[%dma_wait3A_353] : memref<800xi32, #tpu.memory_space<vmem>> -> memref<800xi32, #tpu.memory_space<vmem>>
    %dma_wait3A_355 = tpu.memref_slice %arg2[%add3A_352] : memref<819200xi32, #tpu.memory_space<hbm>> -> memref<800xi32, #tpu.memory_space<hbm>>
    %dma_wait3A_356 = arith.constant 0 : i32
    %dma_wait3A_357 = tpu.memref_slice %arg5[%dma_wait3A_356] : memref<800xi32, #tpu.memory_space<vmem>> -> memref<800xi32, #tpu.memory_space<vmem>>
    %dma_wait3A_358 = tpu.memref_slice %arg2[%add3A_352] : memref<819200xi32, #tpu.memory_space<hbm>> -> memref<800xi32, #tpu.memory_space<hbm>>
    tpu.wait_dma2 semaphore(%arg13 : memref<!tpu.dma_semaphore, #tpu.memory_space<semaphore_mem>>) src(%dma_wait3A_358 : memref<800xi32, #tpu.memory_space<hbm>>) dst(%dma_wait3A_357 : memref<800xi32, #tpu.memory_space<vmem>>)
    %dma_start3A_359 = arith.constant 0 : i32
    %dma_start3A_360 = arith.constant 0 : i32
    %dma_start3A_361 = tpu.memref_slice %arg9[%dma_start3A_359, %dma_start3A_360] : memref<800x32xf32, #tpu.memory_space<vmem>> -> memref<800x32xf32, #tpu.memory_space<vmem>>
    %dma_start3A_362 = arith.constant 0 : i32
    %dma_start3A_363 = tpu.memref_slice %arg5[%dma_start3A_362] : memref<800xi32, #tpu.memory_space<vmem>> -> memref<800xi32, #tpu.memory_space<vmem>>
    %dma_start3A_364 = arith.constant 0 : i32
    %dma_start3A_365 = arith.constant 0 : i32
    %dma_start3A_366 = tpu.memref_slice %arg3[%dma_start3A_364, %dma_start3A_365] : memref<1000000x32xf32, #tpu.memory_space<hbm>> -> memref<1000000x32xf32, #tpu.memory_space<hbm>>
    tpu.enqueue_indirect_dma source(%dma_start3A_366 : memref<1000000x32xf32, #tpu.memory_space<hbm>>) target(%dma_start3A_361 : memref<800x32xf32, #tpu.memory_space<vmem>>) offsets(%dma_start3A_363 : memref<800xi32, #tpu.memory_space<vmem>>) semaphore(%arg17 : memref<!tpu.dma_semaphore, #tpu.memory_space<semaphore_mem>>)
    %dma_wait3A_367 = arith.constant 0 : i32
    %dma_wait3A_368 = arith.constant 0 : i32
    %dma_wait3A_369 = tpu.memref_slice %arg10[%dma_wait3A_367, %dma_wait3A_368] : memref<800x32xf32, #tpu.memory_space<vmem>> -> memref<800x32xf32, #tpu.memory_space<vmem>>
    %dma_wait3A_370 = arith.constant 0 : i32
    %dma_wait3A_371 = tpu.memref_slice %arg6[%dma_wait3A_370] : memref<800xi32, #tpu.memory_space<vmem>> -> memref<800xi32, #tpu.memory_space<vmem>>
    %dma_wait3A_372 = arith.constant 0 : i32
    %dma_wait3A_373 = arith.constant 0 : i32
    %dma_wait3A_374 = tpu.memref_slice %arg3[%dma_wait3A_372, %dma_wait3A_373] : memref<1000000x32xf32, #tpu.memory_space<hbm>> -> memref<1000000x32xf32, #tpu.memory_space<hbm>>
    tpu.wait_indirect_dma semaphore(%arg18 : memref<!tpu.dma_semaphore, #tpu.memory_space<semaphore_mem>>) src(%dma_wait3A_374 : memref<1000000x32xf32, #tpu.memory_space<hbm>>) dst(%dma_wait3A_369 : memref<800x32xf32, #tpu.memory_space<vmem>>)
    %add3A_375 = arith.constant 4000 : i32
    %add3A_376 = arith.addi %mul3A_2, %add3A_375 : i32
    %dma_start3A_377 = arith.constant 0 : i32
    %dma_start3A_378 = arith.constant 0 : i32
    %dma_start3A_379 = tpu.memref_slice %arg10[%dma_start3A_377, %dma_start3A_378] : memref<800x32xf32, #tpu.memory_space<vmem>> -> memref<800x32xf32, #tpu.memory_space<vmem>>
    %dma_start3A_380 = arith.constant 0 : i32
    %dma_start3A_381 = tpu.memref_slice %arg4[%add3A_376, %dma_start3A_380] : memref<819200x32xf32, #tpu.memory_space<hbm>> -> memref<800x32xf32, #tpu.memory_space<hbm>>
    %dma_start3A_382 = arith.constant 0 : i32
    %dma_start3A_383 = tpu.memref_slice %arg4[%add3A_376, %dma_start3A_382] : memref<819200x32xf32, #tpu.memory_space<hbm>> -> memref<800x32xf32, #tpu.memory_space<hbm>>
    %dma_start3A_384 = arith.constant 0 : i32
    %dma_start3A_385 = arith.constant 0 : i32
    %dma_start3A_386 = tpu.memref_slice %arg10[%dma_start3A_384, %dma_start3A_385] : memref<800x32xf32, #tpu.memory_space<vmem>> -> memref<800x32xf32, #tpu.memory_space<vmem>>
    tpu.enqueue_dma source(%dma_start3A_386 : memref<800x32xf32, #tpu.memory_space<vmem>>) target(%dma_start3A_383 : memref<800x32xf32, #tpu.memory_space<hbm>>) target_semaphore(%arg22 : memref<!tpu.dma_semaphore, #tpu.memory_space<semaphore_mem>>)
    %add3A_387 = arith.constant 7200 : i32
    %add3A_388 = arith.addi %mul3A_2, %add3A_387 : i32
    %dma_start3A_389 = arith.constant 0 : i32
    %dma_start3A_390 = tpu.memref_slice %arg6[%dma_start3A_389] : memref<800xi32, #tpu.memory_space<vmem>> -> memref<800xi32, #tpu.memory_space<vmem>>
    %dma_start3A_391 = tpu.memref_slice %arg2[%add3A_388] : memref<819200xi32, #tpu.memory_space<hbm>> -> memref<800xi32, #tpu.memory_space<hbm>>
    %dma_start3A_392 = arith.constant 0 : i32
    %dma_start3A_393 = tpu.memref_slice %arg6[%dma_start3A_392] : memref<800xi32, #tpu.memory_space<vmem>> -> memref<800xi32, #tpu.memory_space<vmem>>
    %dma_start3A_394 = tpu.memref_slice %arg2[%add3A_388] : memref<819200xi32, #tpu.memory_space<hbm>> -> memref<800xi32, #tpu.memory_space<hbm>>
    tpu.enqueue_dma source(%dma_start3A_394 : memref<800xi32, #tpu.memory_space<hbm>>) target(%dma_start3A_393 : memref<800xi32, #tpu.memory_space<vmem>>) target_semaphore(%arg14 : memref<!tpu.dma_semaphore, #tpu.memory_space<semaphore_mem>>)
    %dma_wait3A_395 = arith.constant 0 : i32
    %dma_wait3A_396 = arith.constant 0 : i32
    %dma_wait3A_397 = tpu.memref_slice %arg10[%dma_wait3A_395, %dma_wait3A_396] : memref<800x32xf32, #tpu.memory_space<vmem>> -> memref<800x32xf32, #tpu.memory_space<vmem>>
    %dma_wait3A_398 = arith.constant 0 : i32
    %dma_wait3A_399 = tpu.memref_slice %arg4[%add3A_376, %dma_wait3A_398] : memref<819200x32xf32, #tpu.memory_space<hbm>> -> memref<800x32xf32, #tpu.memory_space<hbm>>
    %dma_wait3A_400 = arith.constant 0 : i32
    %dma_wait3A_401 = tpu.memref_slice %arg4[%add3A_376, %dma_wait3A_400] : memref<819200x32xf32, #tpu.memory_space<hbm>> -> memref<800x32xf32, #tpu.memory_space<hbm>>
    %dma_wait3A_402 = arith.constant 0 : i32
    %dma_wait3A_403 = arith.constant 0 : i32
    %dma_wait3A_404 = tpu.memref_slice %arg10[%dma_wait3A_402, %dma_wait3A_403] : memref<800x32xf32, #tpu.memory_space<vmem>> -> memref<800x32xf32, #tpu.memory_space<vmem>>
    tpu.wait_dma2 semaphore(%arg22 : memref<!tpu.dma_semaphore, #tpu.memory_space<semaphore_mem>>) src(%dma_wait3A_404 : memref<800x32xf32, #tpu.memory_space<vmem>>) dst(%dma_wait3A_401 : memref<800x32xf32, #tpu.memory_space<hbm>>)
    %add3A_405 = arith.constant 7200 : i32
    %add3A_406 = arith.addi %mul3A_2, %add3A_405 : i32
    %dma_wait3A_407 = arith.constant 0 : i32
    %dma_wait3A_408 = tpu.memref_slice %arg6[%dma_wait3A_407] : memref<800xi32, #tpu.memory_space<vmem>> -> memref<800xi32, #tpu.memory_space<vmem>>
    %dma_wait3A_409 = tpu.memref_slice %arg2[%add3A_406] : memref<819200xi32, #tpu.memory_space<hbm>> -> memref<800xi32, #tpu.memory_space<hbm>>
    %dma_wait3A_410 = arith.constant 0 : i32
    %dma_wait3A_411 = tpu.memref_slice %arg6[%dma_wait3A_410] : memref<800xi32, #tpu.memory_space<vmem>> -> memref<800xi32, #tpu.memory_space<vmem>>
    %dma_wait3A_412 = tpu.memref_slice %arg2[%add3A_406] : memref<819200xi32, #tpu.memory_space<hbm>> -> memref<800xi32, #tpu.memory_space<hbm>>
    tpu.wait_dma2 semaphore(%arg14 : memref<!tpu.dma_semaphore, #tpu.memory_space<semaphore_mem>>) src(%dma_wait3A_412 : memref<800xi32, #tpu.memory_space<hbm>>) dst(%dma_wait3A_411 : memref<800xi32, #tpu.memory_space<vmem>>)
    %dma_start3A_413 = arith.constant 0 : i32
    %dma_start3A_414 = arith.constant 0 : i32
    %dma_start3A_415 = tpu.memref_slice %arg10[%dma_start3A_413, %dma_start3A_414] : memref<800x32xf32, #tpu.memory_space<vmem>> -> memref<800x32xf32, #tpu.memory_space<vmem>>
    %dma_start3A_416 = arith.constant 0 : i32
    %dma_start3A_417 = tpu.memref_slice %arg6[%dma_start3A_416] : memref<800xi32, #tpu.memory_space<vmem>> -> memref<800xi32, #tpu.memory_space<vmem>>
    %dma_start3A_418 = arith.constant 0 : i32
    %dma_start3A_419 = arith.constant 0 : i32
    %dma_start3A_420 = tpu.memref_slice %arg3[%dma_start3A_418, %dma_start3A_419] : memref<1000000x32xf32, #tpu.memory_space<hbm>> -> memref<1000000x32xf32, #tpu.memory_space<hbm>>
    tpu.enqueue_indirect_dma source(%dma_start3A_420 : memref<1000000x32xf32, #tpu.memory_space<hbm>>) target(%dma_start3A_415 : memref<800x32xf32, #tpu.memory_space<vmem>>) offsets(%dma_start3A_417 : memref<800xi32, #tpu.memory_space<vmem>>) semaphore(%arg18 : memref<!tpu.dma_semaphore, #tpu.memory_space<semaphore_mem>>)
    %dma_wait3A_421 = arith.constant 0 : i32
    %dma_wait3A_422 = arith.constant 0 : i32
    %dma_wait3A_423 = tpu.memref_slice %arg11[%dma_wait3A_421, %dma_wait3A_422] : memref<800x32xf32, #tpu.memory_space<vmem>> -> memref<800x32xf32, #tpu.memory_space<vmem>>
    %dma_wait3A_424 = arith.constant 0 : i32
    %dma_wait3A_425 = tpu.memref_slice %arg7[%dma_wait3A_424] : memref<800xi32, #tpu.memory_space<vmem>> -> memref<800xi32, #tpu.memory_space<vmem>>
    %dma_wait3A_426 = arith.constant 0 : i32
    %dma_wait3A_427 = arith.constant 0 : i32
    %dma_wait3A_428 = tpu.memref_slice %arg3[%dma_wait3A_426, %dma_wait3A_427] : memref<1000000x32xf32, #tpu.memory_space<hbm>> -> memref<1000000x32xf32, #tpu.memory_space<hbm>>
    tpu.wait_indirect_dma semaphore(%arg19 : memref<!tpu.dma_semaphore, #tpu.memory_space<semaphore_mem>>) src(%dma_wait3A_428 : memref<1000000x32xf32, #tpu.memory_space<hbm>>) dst(%dma_wait3A_423 : memref<800x32xf32, #tpu.memory_space<vmem>>)
    %add3A_429 = arith.constant 4800 : i32
    %add3A_430 = arith.addi %mul3A_2, %add3A_429 : i32
    %dma_start3A_431 = arith.constant 0 : i32
    %dma_start3A_432 = arith.constant 0 : i32
    %dma_start3A_433 = tpu.memref_slice %arg11[%dma_start3A_431, %dma_start3A_432] : memref<800x32xf32, #tpu.memory_space<vmem>> -> memref<800x32xf32, #tpu.memory_space<vmem>>
    %dma_start3A_434 = arith.constant 0 : i32
    %dma_start3A_435 = tpu.memref_slice %arg4[%add3A_430, %dma_start3A_434] : memref<819200x32xf32, #tpu.memory_space<hbm>> -> memref<800x32xf32, #tpu.memory_space<hbm>>
    %dma_start3A_436 = arith.constant 0 : i32
    %dma_start3A_437 = tpu.memref_slice %arg4[%add3A_430, %dma_start3A_436] : memref<819200x32xf32, #tpu.memory_space<hbm>> -> memref<800x32xf32, #tpu.memory_space<hbm>>
    %dma_start3A_438 = arith.constant 0 : i32
    %dma_start3A_439 = arith.constant 0 : i32
    %dma_start3A_440 = tpu.memref_slice %arg11[%dma_start3A_438, %dma_start3A_439] : memref<800x32xf32, #tpu.memory_space<vmem>> -> memref<800x32xf32, #tpu.memory_space<vmem>>
    tpu.enqueue_dma source(%dma_start3A_440 : memref<800x32xf32, #tpu.memory_space<vmem>>) target(%dma_start3A_437 : memref<800x32xf32, #tpu.memory_space<hbm>>) target_semaphore(%arg23 : memref<!tpu.dma_semaphore, #tpu.memory_space<semaphore_mem>>)
    %add3A_441 = arith.constant 8000 : i32
    %add3A_442 = arith.addi %mul3A_2, %add3A_441 : i32
    %dma_start3A_443 = arith.constant 0 : i32
    %dma_start3A_444 = tpu.memref_slice %arg7[%dma_start3A_443] : memref<800xi32, #tpu.memory_space<vmem>> -> memref<800xi32, #tpu.memory_space<vmem>>
    %dma_start3A_445 = tpu.memref_slice %arg2[%add3A_442] : memref<819200xi32, #tpu.memory_space<hbm>> -> memref<800xi32, #tpu.memory_space<hbm>>
    %dma_start3A_446 = arith.constant 0 : i32
    %dma_start3A_447 = tpu.memref_slice %arg7[%dma_start3A_446] : memref<800xi32, #tpu.memory_space<vmem>> -> memref<800xi32, #tpu.memory_space<vmem>>
    %dma_start3A_448 = tpu.memref_slice %arg2[%add3A_442] : memref<819200xi32, #tpu.memory_space<hbm>> -> memref<800xi32, #tpu.memory_space<hbm>>
    tpu.enqueue_dma source(%dma_start3A_448 : memref<800xi32, #tpu.memory_space<hbm>>) target(%dma_start3A_447 : memref<800xi32, #tpu.memory_space<vmem>>) target_semaphore(%arg15 : memref<!tpu.dma_semaphore, #tpu.memory_space<semaphore_mem>>)
    %dma_wait3A_449 = arith.constant 0 : i32
    %dma_wait3A_450 = arith.constant 0 : i32
    %dma_wait3A_451 = tpu.memref_slice %arg11[%dma_wait3A_449, %dma_wait3A_450] : memref<800x32xf32, #tpu.memory_space<vmem>> -> memref<800x32xf32, #tpu.memory_space<vmem>>
    %dma_wait3A_452 = arith.constant 0 : i32
    %dma_wait3A_453 = tpu.memref_slice %arg4[%add3A_430, %dma_wait3A_452] : memref<819200x32xf32, #tpu.memory_space<hbm>> -> memref<800x32xf32, #tpu.memory_space<hbm>>
    %dma_wait3A_454 = arith.constant 0 : i32
    %dma_wait3A_455 = tpu.memref_slice %arg4[%add3A_430, %dma_wait3A_454] : memref<819200x32xf32, #tpu.memory_space<hbm>> -> memref<800x32xf32, #tpu.memory_space<hbm>>
    %dma_wait3A_456 = arith.constant 0 : i32
    %dma_wait3A_457 = arith.constant 0 : i32
    %dma_wait3A_458 = tpu.memref_slice %arg11[%dma_wait3A_456, %dma_wait3A_457] : memref<800x32xf32, #tpu.memory_space<vmem>> -> memref<800x32xf32, #tpu.memory_space<vmem>>
    tpu.wait_dma2 semaphore(%arg23 : memref<!tpu.dma_semaphore, #tpu.memory_space<semaphore_mem>>) src(%dma_wait3A_458 : memref<800x32xf32, #tpu.memory_space<vmem>>) dst(%dma_wait3A_455 : memref<800x32xf32, #tpu.memory_space<hbm>>)
    %add3A_459 = arith.constant 8000 : i32
    %add3A_460 = arith.addi %mul3A_2, %add3A_459 : i32
    %dma_wait3A_461 = arith.constant 0 : i32
    %dma_wait3A_462 = tpu.memref_slice %arg7[%dma_wait3A_461] : memref<800xi32, #tpu.memory_space<vmem>> -> memref<800xi32, #tpu.memory_space<vmem>>
    %dma_wait3A_463 = tpu.memref_slice %arg2[%add3A_460] : memref<819200xi32, #tpu.memory_space<hbm>> -> memref<800xi32, #tpu.memory_space<hbm>>
    %dma_wait3A_464 = arith.constant 0 : i32
    %dma_wait3A_465 = tpu.memref_slice %arg7[%dma_wait3A_464] : memref<800xi32, #tpu.memory_space<vmem>> -> memref<800xi32, #tpu.memory_space<vmem>>
    %dma_wait3A_466 = tpu.memref_slice %arg2[%add3A_460] : memref<819200xi32, #tpu.memory_space<hbm>> -> memref<800xi32, #tpu.memory_space<hbm>>
    tpu.wait_dma2 semaphore(%arg15 : memref<!tpu.dma_semaphore, #tpu.memory_space<semaphore_mem>>) src(%dma_wait3A_466 : memref<800xi32, #tpu.memory_space<hbm>>) dst(%dma_wait3A_465 : memref<800xi32, #tpu.memory_space<vmem>>)
    %dma_start3A_467 = arith.constant 0 : i32
    %dma_start3A_468 = arith.constant 0 : i32
    %dma_start3A_469 = tpu.memref_slice %arg11[%dma_start3A_467, %dma_start3A_468] : memref<800x32xf32, #tpu.memory_space<vmem>> -> memref<800x32xf32, #tpu.memory_space<vmem>>
    %dma_start3A_470 = arith.constant 0 : i32
    %dma_start3A_471 = tpu.memref_slice %arg7[%dma_start3A_470] : memref<800xi32, #tpu.memory_space<vmem>> -> memref<800xi32, #tpu.memory_space<vmem>>
    %dma_start3A_472 = arith.constant 0 : i32
    %dma_start3A_473 = arith.constant 0 : i32
    %dma_start3A_474 = tpu.memref_slice %arg3[%dma_start3A_472, %dma_start3A_473] : memref<1000000x32xf32, #tpu.memory_space<hbm>> -> memref<1000000x32xf32, #tpu.memory_space<hbm>>
    tpu.enqueue_indirect_dma source(%dma_start3A_474 : memref<1000000x32xf32, #tpu.memory_space<hbm>>) target(%dma_start3A_469 : memref<800x32xf32, #tpu.memory_space<vmem>>) offsets(%dma_start3A_471 : memref<800xi32, #tpu.memory_space<vmem>>) semaphore(%arg19 : memref<!tpu.dma_semaphore, #tpu.memory_space<semaphore_mem>>)
    %dma_wait3A_475 = arith.constant 0 : i32
    %dma_wait3A_476 = arith.constant 0 : i32
    %dma_wait3A_477 = tpu.memref_slice %arg12[%dma_wait3A_475, %dma_wait3A_476] : memref<800x32xf32, #tpu.memory_space<vmem>> -> memref<800x32xf32, #tpu.memory_space<vmem>>
    %dma_wait3A_478 = arith.constant 0 : i32
    %dma_wait3A_479 = tpu.memref_slice %arg8[%dma_wait3A_478] : memref<800xi32, #tpu.memory_space<vmem>> -> memref<800xi32, #tpu.memory_space<vmem>>
    %dma_wait3A_480 = arith.constant 0 : i32
    %dma_wait3A_481 = arith.constant 0 : i32
    %dma_wait3A_482 = tpu.memref_slice %arg3[%dma_wait3A_480, %dma_wait3A_481] : memref<1000000x32xf32, #tpu.memory_space<hbm>> -> memref<1000000x32xf32, #tpu.memory_space<hbm>>
    tpu.wait_indirect_dma semaphore(%arg20 : memref<!tpu.dma_semaphore, #tpu.memory_space<semaphore_mem>>) src(%dma_wait3A_482 : memref<1000000x32xf32, #tpu.memory_space<hbm>>) dst(%dma_wait3A_477 : memref<800x32xf32, #tpu.memory_space<vmem>>)
    %add3A_483 = arith.constant 5600 : i32
    %add3A_484 = arith.addi %mul3A_2, %add3A_483 : i32
    %dma_start3A_485 = arith.constant 0 : i32
    %dma_start3A_486 = arith.constant 0 : i32
    %dma_start3A_487 = tpu.memref_slice %arg12[%dma_start3A_485, %dma_start3A_486] : memref<800x32xf32, #tpu.memory_space<vmem>> -> memref<800x32xf32, #tpu.memory_space<vmem>>
    %dma_start3A_488 = arith.constant 0 : i32
    %dma_start3A_489 = tpu.memref_slice %arg4[%add3A_484, %dma_start3A_488] : memref<819200x32xf32, #tpu.memory_space<hbm>> -> memref<800x32xf32, #tpu.memory_space<hbm>>
    %dma_start3A_490 = arith.constant 0 : i32
    %dma_start3A_491 = tpu.memref_slice %arg4[%add3A_484, %dma_start3A_490] : memref<819200x32xf32, #tpu.memory_space<hbm>> -> memref<800x32xf32, #tpu.memory_space<hbm>>
    %dma_start3A_492 = arith.constant 0 : i32
    %dma_start3A_493 = arith.constant 0 : i32
    %dma_start3A_494 = tpu.memref_slice %arg12[%dma_start3A_492, %dma_start3A_493] : memref<800x32xf32, #tpu.memory_space<vmem>> -> memref<800x32xf32, #tpu.memory_space<vmem>>
    tpu.enqueue_dma source(%dma_start3A_494 : memref<800x32xf32, #tpu.memory_space<vmem>>) target(%dma_start3A_491 : memref<800x32xf32, #tpu.memory_space<hbm>>) target_semaphore(%arg24 : memref<!tpu.dma_semaphore, #tpu.memory_space<semaphore_mem>>)
    %add3A_495 = arith.constant 8800 : i32
    %add3A_496 = arith.addi %mul3A_2, %add3A_495 : i32
    %dma_start3A_497 = arith.constant 0 : i32
    %dma_start3A_498 = tpu.memref_slice %arg8[%dma_start3A_497] : memref<800xi32, #tpu.memory_space<vmem>> -> memref<800xi32, #tpu.memory_space<vmem>>
    %dma_start3A_499 = tpu.memref_slice %arg2[%add3A_496] : memref<819200xi32, #tpu.memory_space<hbm>> -> memref<800xi32, #tpu.memory_space<hbm>>
    %dma_start3A_500 = arith.constant 0 : i32
    %dma_start3A_501 = tpu.memref_slice %arg8[%dma_start3A_500] : memref<800xi32, #tpu.memory_space<vmem>> -> memref<800xi32, #tpu.memory_space<vmem>>
    %dma_start3A_502 = tpu.memref_slice %arg2[%add3A_496] : memref<819200xi32, #tpu.memory_space<hbm>> -> memref<800xi32, #tpu.memory_space<hbm>>
    tpu.enqueue_dma source(%dma_start3A_502 : memref<800xi32, #tpu.memory_space<hbm>>) target(%dma_start3A_501 : memref<800xi32, #tpu.memory_space<vmem>>) target_semaphore(%arg16 : memref<!tpu.dma_semaphore, #tpu.memory_space<semaphore_mem>>)
    %dma_wait3A_503 = arith.constant 0 : i32
    %dma_wait3A_504 = arith.constant 0 : i32
    %dma_wait3A_505 = tpu.memref_slice %arg12[%dma_wait3A_503, %dma_wait3A_504] : memref<800x32xf32, #tpu.memory_space<vmem>> -> memref<800x32xf32, #tpu.memory_space<vmem>>
    %dma_wait3A_506 = arith.constant 0 : i32
    %dma_wait3A_507 = tpu.memref_slice %arg4[%add3A_484, %dma_wait3A_506] : memref<819200x32xf32, #tpu.memory_space<hbm>> -> memref<800x32xf32, #tpu.memory_space<hbm>>
    %dma_wait3A_508 = arith.constant 0 : i32
    %dma_wait3A_509 = tpu.memref_slice %arg4[%add3A_484, %dma_wait3A_508] : memref<819200x32xf32, #tpu.memory_space<hbm>> -> memref<800x32xf32, #tpu.memory_space<hbm>>
    %dma_wait3A_510 = arith.constant 0 : i32
    %dma_wait3A_511 = arith.constant 0 : i32
    %dma_wait3A_512 = tpu.memref_slice %arg12[%dma_wait3A_510, %dma_wait3A_511] : memref<800x32xf32, #tpu.memory_space<vmem>> -> memref<800x32xf32, #tpu.memory_space<vmem>>
    tpu.wait_dma2 semaphore(%arg24 : memref<!tpu.dma_semaphore, #tpu.memory_space<semaphore_mem>>) src(%dma_wait3A_512 : memref<800x32xf32, #tpu.memory_space<vmem>>) dst(%dma_wait3A_509 : memref<800x32xf32, #tpu.memory_space<hbm>>)
    %add3A_513 = arith.constant 8800 : i32
    %add3A_514 = arith.addi %mul3A_2, %add3A_513 : i32
    %dma_wait3A_515 = arith.constant 0 : i32
    %dma_wait3A_516 = tpu.memref_slice %arg8[%dma_wait3A_515] : memref<800xi32, #tpu.memory_space<vmem>> -> memref<800xi32, #tpu.memory_space<vmem>>
    %dma_wait3A_517 = tpu.memref_slice %arg2[%add3A_514] : memref<819200xi32, #tpu.memory_space<hbm>> -> memref<800xi32, #tpu.memory_space<hbm>>
    %dma_wait3A_518 = arith.constant 0 : i32
    %dma_wait3A_519 = tpu.memref_slice %arg8[%dma_wait3A_518] : memref<800xi32, #tpu.memory_space<vmem>> -> memref<800xi32, #tpu.memory_space<vmem>>
    %dma_wait3A_520 = tpu.memref_slice %arg2[%add3A_514] : memref<819200xi32, #tpu.memory_space<hbm>> -> memref<800xi32, #tpu.memory_space<hbm>>
    tpu.wait_dma2 semaphore(%arg16 : memref<!tpu.dma_semaphore, #tpu.memory_space<semaphore_mem>>) src(%dma_wait3A_520 : memref<800xi32, #tpu.memory_space<hbm>>) dst(%dma_wait3A_519 : memref<800xi32, #tpu.memory_space<vmem>>)
    %dma_start3A_521 = arith.constant 0 : i32
    %dma_start3A_522 = arith.constant 0 : i32
    %dma_start3A_523 = tpu.memref_slice %arg12[%dma_start3A_521, %dma_start3A_522] : memref<800x32xf32, #tpu.memory_space<vmem>> -> memref<800x32xf32, #tpu.memory_space<vmem>>
    %dma_start3A_524 = arith.constant 0 : i32
    %dma_start3A_525 = tpu.memref_slice %arg8[%dma_start3A_524] : memref<800xi32, #tpu.memory_space<vmem>> -> memref<800xi32, #tpu.memory_space<vmem>>
    %dma_start3A_526 = arith.constant 0 : i32
    %dma_start3A_527 = arith.constant 0 : i32
    %dma_start3A_528 = tpu.memref_slice %arg3[%dma_start3A_526, %dma_start3A_527] : memref<1000000x32xf32, #tpu.memory_space<hbm>> -> memref<1000000x32xf32, #tpu.memory_space<hbm>>
    tpu.enqueue_indirect_dma source(%dma_start3A_528 : memref<1000000x32xf32, #tpu.memory_space<hbm>>) target(%dma_start3A_523 : memref<800x32xf32, #tpu.memory_space<vmem>>) offsets(%dma_start3A_525 : memref<800xi32, #tpu.memory_space<vmem>>) semaphore(%arg20 : memref<!tpu.dma_semaphore, #tpu.memory_space<semaphore_mem>>)
    %dma_wait3A_529 = arith.constant 0 : i32
    %dma_wait3A_530 = arith.constant 0 : i32
    %dma_wait3A_531 = tpu.memref_slice %arg9[%dma_wait3A_529, %dma_wait3A_530] : memref<800x32xf32, #tpu.memory_space<vmem>> -> memref<800x32xf32, #tpu.memory_space<vmem>>
    %dma_wait3A_532 = arith.constant 0 : i32
    %dma_wait3A_533 = tpu.memref_slice %arg5[%dma_wait3A_532] : memref<800xi32, #tpu.memory_space<vmem>> -> memref<800xi32, #tpu.memory_space<vmem>>
    %dma_wait3A_534 = arith.constant 0 : i32
    %dma_wait3A_535 = arith.constant 0 : i32
    %dma_wait3A_536 = tpu.memref_slice %arg3[%dma_wait3A_534, %dma_wait3A_535] : memref<1000000x32xf32, #tpu.memory_space<hbm>> -> memref<1000000x32xf32, #tpu.memory_space<hbm>>
    tpu.wait_indirect_dma semaphore(%arg17 : memref<!tpu.dma_semaphore, #tpu.memory_space<semaphore_mem>>) src(%dma_wait3A_536 : memref<1000000x32xf32, #tpu.memory_space<hbm>>) dst(%dma_wait3A_531 : memref<800x32xf32, #tpu.memory_space<vmem>>)
    %add3A_537 = arith.constant 6400 : i32
    %add3A_538 = arith.addi %mul3A_2, %add3A_537 : i32
    %dma_start3A_539 = arith.constant 0 : i32
    %dma_start3A_540 = arith.constant 0 : i32
    %dma_start3A_541 = tpu.memref_slice %arg9[%dma_start3A_539, %dma_start3A_540] : memref<800x32xf32, #tpu.memory_space<vmem>> -> memref<800x32xf32, #tpu.memory_space<vmem>>
    %dma_start3A_542 = arith.constant 0 : i32
    %dma_start3A_543 = tpu.memref_slice %arg4[%add3A_538, %dma_start3A_542] : memref<819200x32xf32, #tpu.memory_space<hbm>> -> memref<800x32xf32, #tpu.memory_space<hbm>>
    %dma_start3A_544 = arith.constant 0 : i32
    %dma_start3A_545 = tpu.memref_slice %arg4[%add3A_538, %dma_start3A_544] : memref<819200x32xf32, #tpu.memory_space<hbm>> -> memref<800x32xf32, #tpu.memory_space<hbm>>
    %dma_start3A_546 = arith.constant 0 : i32
    %dma_start3A_547 = arith.constant 0 : i32
    %dma_start3A_548 = tpu.memref_slice %arg9[%dma_start3A_546, %dma_start3A_547] : memref<800x32xf32, #tpu.memory_space<vmem>> -> memref<800x32xf32, #tpu.memory_space<vmem>>
    tpu.enqueue_dma source(%dma_start3A_548 : memref<800x32xf32, #tpu.memory_space<vmem>>) target(%dma_start3A_545 : memref<800x32xf32, #tpu.memory_space<hbm>>) target_semaphore(%arg21 : memref<!tpu.dma_semaphore, #tpu.memory_space<semaphore_mem>>)
    %add3A_549 = arith.constant 9600 : i32
    %add3A_550 = arith.addi %mul3A_2, %add3A_549 : i32
    %dma_start3A_551 = arith.constant 0 : i32
    %dma_start3A_552 = tpu.memref_slice %arg5[%dma_start3A_551] : memref<800xi32, #tpu.memory_space<vmem>> -> memref<800xi32, #tpu.memory_space<vmem>>
    %dma_start3A_553 = tpu.memref_slice %arg2[%add3A_550] : memref<819200xi32, #tpu.memory_space<hbm>> -> memref<800xi32, #tpu.memory_space<hbm>>
    %dma_start3A_554 = arith.constant 0 : i32
    %dma_start3A_555 = tpu.memref_slice %arg5[%dma_start3A_554] : memref<800xi32, #tpu.memory_space<vmem>> -> memref<800xi32, #tpu.memory_space<vmem>>
    %dma_start3A_556 = tpu.memref_slice %arg2[%add3A_550] : memref<819200xi32, #tpu.memory_space<hbm>> -> memref<800xi32, #tpu.memory_space<hbm>>
    tpu.enqueue_dma source(%dma_start3A_556 : memref<800xi32, #tpu.memory_space<hbm>>) target(%dma_start3A_555 : memref<800xi32, #tpu.memory_space<vmem>>) target_semaphore(%arg13 : memref<!tpu.dma_semaphore, #tpu.memory_space<semaphore_mem>>)
    %dma_wait3A_557 = arith.constant 0 : i32
    %dma_wait3A_558 = arith.constant 0 : i32
    %dma_wait3A_559 = tpu.memref_slice %arg9[%dma_wait3A_557, %dma_wait3A_558] : memref<800x32xf32, #tpu.memory_space<vmem>> -> memref<800x32xf32, #tpu.memory_space<vmem>>
    %dma_wait3A_560 = arith.constant 0 : i32
    %dma_wait3A_561 = tpu.memref_slice %arg4[%add3A_538, %dma_wait3A_560] : memref<819200x32xf32, #tpu.memory_space<hbm>> -> memref<800x32xf32, #tpu.memory_space<hbm>>
    %dma_wait3A_562 = arith.constant 0 : i32
    %dma_wait3A_563 = tpu.memref_slice %arg4[%add3A_538, %dma_wait3A_562] : memref<819200x32xf32, #tpu.memory_space<hbm>> -> memref<800x32xf32, #tpu.memory_space<hbm>>
    %dma_wait3A_564 = arith.constant 0 : i32
    %dma_wait3A_565 = arith.constant 0 : i32
    %dma_wait3A_566 = tpu.memref_slice %arg9[%dma_wait3A_564, %dma_wait3A_565] : memref<800x32xf32, #tpu.memory_space<vmem>> -> memref<800x32xf32, #tpu.memory_space<vmem>>
    tpu.wait_dma2 semaphore(%arg21 : memref<!tpu.dma_semaphore, #tpu.memory_space<semaphore_mem>>) src(%dma_wait3A_566 : memref<800x32xf32, #tpu.memory_space<vmem>>) dst(%dma_wait3A_563 : memref<800x32xf32, #tpu.memory_space<hbm>>)
    %add3A_567 = arith.constant 9600 : i32
    %add3A_568 = arith.addi %mul3A_2, %add3A_567 : i32
    %dma_wait3A_569 = arith.constant 0 : i32
    %dma_wait3A_570 = tpu.memref_slice %arg5[%dma_wait3A_569] : memref<800xi32, #tpu.memory_space<vmem>> -> memref<800xi32, #tpu.memory_space<vmem>>
    %dma_wait3A_571 = tpu.memref_slice %arg2[%add3A_568] : memref<819200xi32, #tpu.memory_space<hbm>> -> memref<800xi32, #tpu.memory_space<hbm>>
    %dma_wait3A_572 = arith.constant 0 : i32
    %dma_wait3A_573 = tpu.memref_slice %arg5[%dma_wait3A_572] : memref<800xi32, #tpu.memory_space<vmem>> -> memref<800xi32, #tpu.memory_space<vmem>>
    %dma_wait3A_574 = tpu.memref_slice %arg2[%add3A_568] : memref<819200xi32, #tpu.memory_space<hbm>> -> memref<800xi32, #tpu.memory_space<hbm>>
    tpu.wait_dma2 semaphore(%arg13 : memref<!tpu.dma_semaphore, #tpu.memory_space<semaphore_mem>>) src(%dma_wait3A_574 : memref<800xi32, #tpu.memory_space<hbm>>) dst(%dma_wait3A_573 : memref<800xi32, #tpu.memory_space<vmem>>)
    %dma_start3A_575 = arith.constant 0 : i32
    %dma_start3A_576 = arith.constant 0 : i32
    %dma_start3A_577 = tpu.memref_slice %arg9[%dma_start3A_575, %dma_start3A_576] : memref<800x32xf32, #tpu.memory_space<vmem>> -> memref<800x32xf32, #tpu.memory_space<vmem>>
    %dma_start3A_578 = arith.constant 0 : i32
    %dma_start3A_579 = tpu.memref_slice %arg5[%dma_start3A_578] : memref<800xi32, #tpu.memory_space<vmem>> -> memref<800xi32, #tpu.memory_space<vmem>>
    %dma_start3A_580 = arith.constant 0 : i32
    %dma_start3A_581 = arith.constant 0 : i32
    %dma_start3A_582 = tpu.memref_slice %arg3[%dma_start3A_580, %dma_start3A_581] : memref<1000000x32xf32, #tpu.memory_space<hbm>> -> memref<1000000x32xf32, #tpu.memory_space<hbm>>
    tpu.enqueue_indirect_dma source(%dma_start3A_582 : memref<1000000x32xf32, #tpu.memory_space<hbm>>) target(%dma_start3A_577 : memref<800x32xf32, #tpu.memory_space<vmem>>) offsets(%dma_start3A_579 : memref<800xi32, #tpu.memory_space<vmem>>) semaphore(%arg17 : memref<!tpu.dma_semaphore, #tpu.memory_space<semaphore_mem>>)
    %dma_wait3A_583 = arith.constant 0 : i32
    %dma_wait3A_584 = arith.constant 0 : i32
    %dma_wait3A_585 = tpu.memref_slice %arg10[%dma_wait3A_583, %dma_wait3A_584] : memref<800x32xf32, #tpu.memory_space<vmem>> -> memref<800x32xf32, #tpu.memory_space<vmem>>
    %dma_wait3A_586 = arith.constant 0 : i32
    %dma_wait3A_587 = tpu.memref_slice %arg6[%dma_wait3A_586] : memref<800xi32, #tpu.memory_space<vmem>> -> memref<800xi32, #tpu.memory_space<vmem>>
    %dma_wait3A_588 = arith.constant 0 : i32
    %dma_wait3A_589 = arith.constant 0 : i32
    %dma_wait3A_590 = tpu.memref_slice %arg3[%dma_wait3A_588, %dma_wait3A_589] : memref<1000000x32xf32, #tpu.memory_space<hbm>> -> memref<1000000x32xf32, #tpu.memory_space<hbm>>
    tpu.wait_indirect_dma semaphore(%arg18 : memref<!tpu.dma_semaphore, #tpu.memory_space<semaphore_mem>>) src(%dma_wait3A_590 : memref<1000000x32xf32, #tpu.memory_space<hbm>>) dst(%dma_wait3A_585 : memref<800x32xf32, #tpu.memory_space<vmem>>)
    %add3A_591 = arith.constant 7200 : i32
    %add3A_592 = arith.addi %mul3A_2, %add3A_591 : i32
    %dma_start3A_593 = arith.constant 0 : i32
    %dma_start3A_594 = arith.constant 0 : i32
    %dma_start3A_595 = tpu.memref_slice %arg10[%dma_start3A_593, %dma_start3A_594] : memref<800x32xf32, #tpu.memory_space<vmem>> -> memref<800x32xf32, #tpu.memory_space<vmem>>
    %dma_start3A_596 = arith.constant 0 : i32
    %dma_start3A_597 = tpu.memref_slice %arg4[%add3A_592, %dma_start3A_596] : memref<819200x32xf32, #tpu.memory_space<hbm>> -> memref<800x32xf32, #tpu.memory_space<hbm>>
    %dma_start3A_598 = arith.constant 0 : i32
    %dma_start3A_599 = tpu.memref_slice %arg4[%add3A_592, %dma_start3A_598] : memref<819200x32xf32, #tpu.memory_space<hbm>> -> memref<800x32xf32, #tpu.memory_space<hbm>>
    %dma_start3A_600 = arith.constant 0 : i32
    %dma_start3A_601 = arith.constant 0 : i32
    %dma_start3A_602 = tpu.memref_slice %arg10[%dma_start3A_600, %dma_start3A_601] : memref<800x32xf32, #tpu.memory_space<vmem>> -> memref<800x32xf32, #tpu.memory_space<vmem>>
    tpu.enqueue_dma source(%dma_start3A_602 : memref<800x32xf32, #tpu.memory_space<vmem>>) target(%dma_start3A_599 : memref<800x32xf32, #tpu.memory_space<hbm>>) target_semaphore(%arg22 : memref<!tpu.dma_semaphore, #tpu.memory_space<semaphore_mem>>)
    %add3A_603 = arith.constant 10400 : i32
    %add3A_604 = arith.addi %mul3A_2, %add3A_603 : i32
    %dma_start3A_605 = arith.constant 0 : i32
    %dma_start3A_606 = tpu.memref_slice %arg6[%dma_start3A_605] : memref<800xi32, #tpu.memory_space<vmem>> -> memref<800xi32, #tpu.memory_space<vmem>>
    %dma_start3A_607 = tpu.memref_slice %arg2[%add3A_604] : memref<819200xi32, #tpu.memory_space<hbm>> -> memref<800xi32, #tpu.memory_space<hbm>>
    %dma_start3A_608 = arith.constant 0 : i32
    %dma_start3A_609 = tpu.memref_slice %arg6[%dma_start3A_608] : memref<800xi32, #tpu.memory_space<vmem>> -> memref<800xi32, #tpu.memory_space<vmem>>
    %dma_start3A_610 = tpu.memref_slice %arg2[%add3A_604] : memref<819200xi32, #tpu.memory_space<hbm>> -> memref<800xi32, #tpu.memory_space<hbm>>
    tpu.enqueue_dma source(%dma_start3A_610 : memref<800xi32, #tpu.memory_space<hbm>>) target(%dma_start3A_609 : memref<800xi32, #tpu.memory_space<vmem>>) target_semaphore(%arg14 : memref<!tpu.dma_semaphore, #tpu.memory_space<semaphore_mem>>)
    %dma_wait3A_611 = arith.constant 0 : i32
    %dma_wait3A_612 = arith.constant 0 : i32
    %dma_wait3A_613 = tpu.memref_slice %arg10[%dma_wait3A_611, %dma_wait3A_612] : memref<800x32xf32, #tpu.memory_space<vmem>> -> memref<800x32xf32, #tpu.memory_space<vmem>>
    %dma_wait3A_614 = arith.constant 0 : i32
    %dma_wait3A_615 = tpu.memref_slice %arg4[%add3A_592, %dma_wait3A_614] : memref<819200x32xf32, #tpu.memory_space<hbm>> -> memref<800x32xf32, #tpu.memory_space<hbm>>
    %dma_wait3A_616 = arith.constant 0 : i32
    %dma_wait3A_617 = tpu.memref_slice %arg4[%add3A_592, %dma_wait3A_616] : memref<819200x32xf32, #tpu.memory_space<hbm>> -> memref<800x32xf32, #tpu.memory_space<hbm>>
    %dma_wait3A_618 = arith.constant 0 : i32
    %dma_wait3A_619 = arith.constant 0 : i32
    %dma_wait3A_620 = tpu.memref_slice %arg10[%dma_wait3A_618, %dma_wait3A_619] : memref<800x32xf32, #tpu.memory_space<vmem>> -> memref<800x32xf32, #tpu.memory_space<vmem>>
    tpu.wait_dma2 semaphore(%arg22 : memref<!tpu.dma_semaphore, #tpu.memory_space<semaphore_mem>>) src(%dma_wait3A_620 : memref<800x32xf32, #tpu.memory_space<vmem>>) dst(%dma_wait3A_617 : memref<800x32xf32, #tpu.memory_space<hbm>>)
    %add3A_621 = arith.constant 10400 : i32
    %add3A_622 = arith.addi %mul3A_2, %add3A_621 : i32
    %dma_wait3A_623 = arith.constant 0 : i32
    %dma_wait3A_624 = tpu.memref_slice %arg6[%dma_wait3A_623] : memref<800xi32, #tpu.memory_space<vmem>> -> memref<800xi32, #tpu.memory_space<vmem>>
    %dma_wait3A_625 = tpu.memref_slice %arg2[%add3A_622] : memref<819200xi32, #tpu.memory_space<hbm>> -> memref<800xi32, #tpu.memory_space<hbm>>
    %dma_wait3A_626 = arith.constant 0 : i32
    %dma_wait3A_627 = tpu.memref_slice %arg6[%dma_wait3A_626] : memref<800xi32, #tpu.memory_space<vmem>> -> memref<800xi32, #tpu.memory_space<vmem>>
    %dma_wait3A_628 = tpu.memref_slice %arg2[%add3A_622] : memref<819200xi32, #tpu.memory_space<hbm>> -> memref<800xi32, #tpu.memory_space<hbm>>
    tpu.wait_dma2 semaphore(%arg14 : memref<!tpu.dma_semaphore, #tpu.memory_space<semaphore_mem>>) src(%dma_wait3A_628 : memref<800xi32, #tpu.memory_space<hbm>>) dst(%dma_wait3A_627 : memref<800xi32, #tpu.memory_space<vmem>>)
    %dma_start3A_629 = arith.constant 0 : i32
    %dma_start3A_630 = arith.constant 0 : i32
    %dma_start3A_631 = tpu.memref_slice %arg10[%dma_start3A_629, %dma_start3A_630] : memref<800x32xf32, #tpu.memory_space<vmem>> -> memref<800x32xf32, #tpu.memory_space<vmem>>
    %dma_start3A_632 = arith.constant 0 : i32
    %dma_start3A_633 = tpu.memref_slice %arg6[%dma_start3A_632] : memref<800xi32, #tpu.memory_space<vmem>> -> memref<800xi32, #tpu.memory_space<vmem>>
    %dma_start3A_634 = arith.constant 0 : i32
    %dma_start3A_635 = arith.constant 0 : i32
    %dma_start3A_636 = tpu.memref_slice %arg3[%dma_start3A_634, %dma_start3A_635] : memref<1000000x32xf32, #tpu.memory_space<hbm>> -> memref<1000000x32xf32, #tpu.memory_space<hbm>>
    tpu.enqueue_indirect_dma source(%dma_start3A_636 : memref<1000000x32xf32, #tpu.memory_space<hbm>>) target(%dma_start3A_631 : memref<800x32xf32, #tpu.memory_space<vmem>>) offsets(%dma_start3A_633 : memref<800xi32, #tpu.memory_space<vmem>>) semaphore(%arg18 : memref<!tpu.dma_semaphore, #tpu.memory_space<semaphore_mem>>)
    %dma_wait3A_637 = arith.constant 0 : i32
    %dma_wait3A_638 = arith.constant 0 : i32
    %dma_wait3A_639 = tpu.memref_slice %arg11[%dma_wait3A_637, %dma_wait3A_638] : memref<800x32xf32, #tpu.memory_space<vmem>> -> memref<800x32xf32, #tpu.memory_space<vmem>>
    %dma_wait3A_640 = arith.constant 0 : i32
    %dma_wait3A_641 = tpu.memref_slice %arg7[%dma_wait3A_640] : memref<800xi32, #tpu.memory_space<vmem>> -> memref<800xi32, #tpu.memory_space<vmem>>
    %dma_wait3A_642 = arith.constant 0 : i32
    %dma_wait3A_643 = arith.constant 0 : i32
    %dma_wait3A_644 = tpu.memref_slice %arg3[%dma_wait3A_642, %dma_wait3A_643] : memref<1000000x32xf32, #tpu.memory_space<hbm>> -> memref<1000000x32xf32, #tpu.memory_space<hbm>>
    tpu.wait_indirect_dma semaphore(%arg19 : memref<!tpu.dma_semaphore, #tpu.memory_space<semaphore_mem>>) src(%dma_wait3A_644 : memref<1000000x32xf32, #tpu.memory_space<hbm>>) dst(%dma_wait3A_639 : memref<800x32xf32, #tpu.memory_space<vmem>>)
    %add3A_645 = arith.constant 8000 : i32
    %add3A_646 = arith.addi %mul3A_2, %add3A_645 : i32
    %dma_start3A_647 = arith.constant 0 : i32
    %dma_start3A_648 = arith.constant 0 : i32
    %dma_start3A_649 = tpu.memref_slice %arg11[%dma_start3A_647, %dma_start3A_648] : memref<800x32xf32, #tpu.memory_space<vmem>> -> memref<800x32xf32, #tpu.memory_space<vmem>>
    %dma_start3A_650 = arith.constant 0 : i32
    %dma_start3A_651 = tpu.memref_slice %arg4[%add3A_646, %dma_start3A_650] : memref<819200x32xf32, #tpu.memory_space<hbm>> -> memref<800x32xf32, #tpu.memory_space<hbm>>
    %dma_start3A_652 = arith.constant 0 : i32
    %dma_start3A_653 = tpu.memref_slice %arg4[%add3A_646, %dma_start3A_652] : memref<819200x32xf32, #tpu.memory_space<hbm>> -> memref<800x32xf32, #tpu.memory_space<hbm>>
    %dma_start3A_654 = arith.constant 0 : i32
    %dma_start3A_655 = arith.constant 0 : i32
    %dma_start3A_656 = tpu.memref_slice %arg11[%dma_start3A_654, %dma_start3A_655] : memref<800x32xf32, #tpu.memory_space<vmem>> -> memref<800x32xf32, #tpu.memory_space<vmem>>
    tpu.enqueue_dma source(%dma_start3A_656 : memref<800x32xf32, #tpu.memory_space<vmem>>) target(%dma_start3A_653 : memref<800x32xf32, #tpu.memory_space<hbm>>) target_semaphore(%arg23 : memref<!tpu.dma_semaphore, #tpu.memory_space<semaphore_mem>>)
    %add3A_657 = arith.constant 11200 : i32
    %add3A_658 = arith.addi %mul3A_2, %add3A_657 : i32
    %dma_start3A_659 = arith.constant 0 : i32
    %dma_start3A_660 = tpu.memref_slice %arg7[%dma_start3A_659] : memref<800xi32, #tpu.memory_space<vmem>> -> memref<800xi32, #tpu.memory_space<vmem>>
    %dma_start3A_661 = tpu.memref_slice %arg2[%add3A_658] : memref<819200xi32, #tpu.memory_space<hbm>> -> memref<800xi32, #tpu.memory_space<hbm>>
    %dma_start3A_662 = arith.constant 0 : i32
    %dma_start3A_663 = tpu.memref_slice %arg7[%dma_start3A_662] : memref<800xi32, #tpu.memory_space<vmem>> -> memref<800xi32, #tpu.memory_space<vmem>>
    %dma_start3A_664 = tpu.memref_slice %arg2[%add3A_658] : memref<819200xi32, #tpu.memory_space<hbm>> -> memref<800xi32, #tpu.memory_space<hbm>>
    tpu.enqueue_dma source(%dma_start3A_664 : memref<800xi32, #tpu.memory_space<hbm>>) target(%dma_start3A_663 : memref<800xi32, #tpu.memory_space<vmem>>) target_semaphore(%arg15 : memref<!tpu.dma_semaphore, #tpu.memory_space<semaphore_mem>>)
    %dma_wait3A_665 = arith.constant 0 : i32
    %dma_wait3A_666 = arith.constant 0 : i32
    %dma_wait3A_667 = tpu.memref_slice %arg11[%dma_wait3A_665, %dma_wait3A_666] : memref<800x32xf32, #tpu.memory_space<vmem>> -> memref<800x32xf32, #tpu.memory_space<vmem>>
    %dma_wait3A_668 = arith.constant 0 : i32
    %dma_wait3A_669 = tpu.memref_slice %arg4[%add3A_646, %dma_wait3A_668] : memref<819200x32xf32, #tpu.memory_space<hbm>> -> memref<800x32xf32, #tpu.memory_space<hbm>>
    %dma_wait3A_670 = arith.constant 0 : i32
    %dma_wait3A_671 = tpu.memref_slice %arg4[%add3A_646, %dma_wait3A_670] : memref<819200x32xf32, #tpu.memory_space<hbm>> -> memref<800x32xf32, #tpu.memory_space<hbm>>
    %dma_wait3A_672 = arith.constant 0 : i32
    %dma_wait3A_673 = arith.constant 0 : i32
    %dma_wait3A_674 = tpu.memref_slice %arg11[%dma_wait3A_672, %dma_wait3A_673] : memref<800x32xf32, #tpu.memory_space<vmem>> -> memref<800x32xf32, #tpu.memory_space<vmem>>
    tpu.wait_dma2 semaphore(%arg23 : memref<!tpu.dma_semaphore, #tpu.memory_space<semaphore_mem>>) src(%dma_wait3A_674 : memref<800x32xf32, #tpu.memory_space<vmem>>) dst(%dma_wait3A_671 : memref<800x32xf32, #tpu.memory_space<hbm>>)
    %add3A_675 = arith.constant 11200 : i32
    %add3A_676 = arith.addi %mul3A_2, %add3A_675 : i32
    %dma_wait3A_677 = arith.constant 0 : i32
    %dma_wait3A_678 = tpu.memref_slice %arg7[%dma_wait3A_677] : memref<800xi32, #tpu.memory_space<vmem>> -> memref<800xi32, #tpu.memory_space<vmem>>
    %dma_wait3A_679 = tpu.memref_slice %arg2[%add3A_676] : memref<819200xi32, #tpu.memory_space<hbm>> -> memref<800xi32, #tpu.memory_space<hbm>>
    %dma_wait3A_680 = arith.constant 0 : i32
    %dma_wait3A_681 = tpu.memref_slice %arg7[%dma_wait3A_680] : memref<800xi32, #tpu.memory_space<vmem>> -> memref<800xi32, #tpu.memory_space<vmem>>
    %dma_wait3A_682 = tpu.memref_slice %arg2[%add3A_676] : memref<819200xi32, #tpu.memory_space<hbm>> -> memref<800xi32, #tpu.memory_space<hbm>>
    tpu.wait_dma2 semaphore(%arg15 : memref<!tpu.dma_semaphore, #tpu.memory_space<semaphore_mem>>) src(%dma_wait3A_682 : memref<800xi32, #tpu.memory_space<hbm>>) dst(%dma_wait3A_681 : memref<800xi32, #tpu.memory_space<vmem>>)
    %dma_start3A_683 = arith.constant 0 : i32
    %dma_start3A_684 = arith.constant 0 : i32
    %dma_start3A_685 = tpu.memref_slice %arg11[%dma_start3A_683, %dma_start3A_684] : memref<800x32xf32, #tpu.memory_space<vmem>> -> memref<800x32xf32, #tpu.memory_space<vmem>>
    %dma_start3A_686 = arith.constant 0 : i32
    %dma_start3A_687 = tpu.memref_slice %arg7[%dma_start3A_686] : memref<800xi32, #tpu.memory_space<vmem>> -> memref<800xi32, #tpu.memory_space<vmem>>
    %dma_start3A_688 = arith.constant 0 : i32
    %dma_start3A_689 = arith.constant 0 : i32
    %dma_start3A_690 = tpu.memref_slice %arg3[%dma_start3A_688, %dma_start3A_689] : memref<1000000x32xf32, #tpu.memory_space<hbm>> -> memref<1000000x32xf32, #tpu.memory_space<hbm>>
    tpu.enqueue_indirect_dma source(%dma_start3A_690 : memref<1000000x32xf32, #tpu.memory_space<hbm>>) target(%dma_start3A_685 : memref<800x32xf32, #tpu.memory_space<vmem>>) offsets(%dma_start3A_687 : memref<800xi32, #tpu.memory_space<vmem>>) semaphore(%arg19 : memref<!tpu.dma_semaphore, #tpu.memory_space<semaphore_mem>>)
    %dma_wait3A_691 = arith.constant 0 : i32
    %dma_wait3A_692 = arith.constant 0 : i32
    %dma_wait3A_693 = tpu.memref_slice %arg12[%dma_wait3A_691, %dma_wait3A_692] : memref<800x32xf32, #tpu.memory_space<vmem>> -> memref<800x32xf32, #tpu.memory_space<vmem>>
    %dma_wait3A_694 = arith.constant 0 : i32
    %dma_wait3A_695 = tpu.memref_slice %arg8[%dma_wait3A_694] : memref<800xi32, #tpu.memory_space<vmem>> -> memref<800xi32, #tpu.memory_space<vmem>>
    %dma_wait3A_696 = arith.constant 0 : i32
    %dma_wait3A_697 = arith.constant 0 : i32
    %dma_wait3A_698 = tpu.memref_slice %arg3[%dma_wait3A_696, %dma_wait3A_697] : memref<1000000x32xf32, #tpu.memory_space<hbm>> -> memref<1000000x32xf32, #tpu.memory_space<hbm>>
    tpu.wait_indirect_dma semaphore(%arg20 : memref<!tpu.dma_semaphore, #tpu.memory_space<semaphore_mem>>) src(%dma_wait3A_698 : memref<1000000x32xf32, #tpu.memory_space<hbm>>) dst(%dma_wait3A_693 : memref<800x32xf32, #tpu.memory_space<vmem>>)
    %add3A_699 = arith.constant 8800 : i32
    %add3A_700 = arith.addi %mul3A_2, %add3A_699 : i32
    %dma_start3A_701 = arith.constant 0 : i32
    %dma_start3A_702 = arith.constant 0 : i32
    %dma_start3A_703 = tpu.memref_slice %arg12[%dma_start3A_701, %dma_start3A_702] : memref<800x32xf32, #tpu.memory_space<vmem>> -> memref<800x32xf32, #tpu.memory_space<vmem>>
    %dma_start3A_704 = arith.constant 0 : i32
    %dma_start3A_705 = tpu.memref_slice %arg4[%add3A_700, %dma_start3A_704] : memref<819200x32xf32, #tpu.memory_space<hbm>> -> memref<800x32xf32, #tpu.memory_space<hbm>>
    %dma_start3A_706 = arith.constant 0 : i32
    %dma_start3A_707 = tpu.memref_slice %arg4[%add3A_700, %dma_start3A_706] : memref<819200x32xf32, #tpu.memory_space<hbm>> -> memref<800x32xf32, #tpu.memory_space<hbm>>
    %dma_start3A_708 = arith.constant 0 : i32
    %dma_start3A_709 = arith.constant 0 : i32
    %dma_start3A_710 = tpu.memref_slice %arg12[%dma_start3A_708, %dma_start3A_709] : memref<800x32xf32, #tpu.memory_space<vmem>> -> memref<800x32xf32, #tpu.memory_space<vmem>>
    tpu.enqueue_dma source(%dma_start3A_710 : memref<800x32xf32, #tpu.memory_space<vmem>>) target(%dma_start3A_707 : memref<800x32xf32, #tpu.memory_space<hbm>>) target_semaphore(%arg24 : memref<!tpu.dma_semaphore, #tpu.memory_space<semaphore_mem>>)
    %add3A_711 = arith.constant 12000 : i32
    %add3A_712 = arith.addi %mul3A_2, %add3A_711 : i32
    %dma_start3A_713 = arith.constant 0 : i32
    %dma_start3A_714 = tpu.memref_slice %arg8[%dma_start3A_713] : memref<800xi32, #tpu.memory_space<vmem>> -> memref<800xi32, #tpu.memory_space<vmem>>
    %dma_start3A_715 = tpu.memref_slice %arg2[%add3A_712] : memref<819200xi32, #tpu.memory_space<hbm>> -> memref<800xi32, #tpu.memory_space<hbm>>
    %dma_start3A_716 = arith.constant 0 : i32
    %dma_start3A_717 = tpu.memref_slice %arg8[%dma_start3A_716] : memref<800xi32, #tpu.memory_space<vmem>> -> memref<800xi32, #tpu.memory_space<vmem>>
    %dma_start3A_718 = tpu.memref_slice %arg2[%add3A_712] : memref<819200xi32, #tpu.memory_space<hbm>> -> memref<800xi32, #tpu.memory_space<hbm>>
    tpu.enqueue_dma source(%dma_start3A_718 : memref<800xi32, #tpu.memory_space<hbm>>) target(%dma_start3A_717 : memref<800xi32, #tpu.memory_space<vmem>>) target_semaphore(%arg16 : memref<!tpu.dma_semaphore, #tpu.memory_space<semaphore_mem>>)
    %dma_wait3A_719 = arith.constant 0 : i32
    %dma_wait3A_720 = arith.constant 0 : i32
    %dma_wait3A_721 = tpu.memref_slice %arg12[%dma_wait3A_719, %dma_wait3A_720] : memref<800x32xf32, #tpu.memory_space<vmem>> -> memref<800x32xf32, #tpu.memory_space<vmem>>
    %dma_wait3A_722 = arith.constant 0 : i32
    %dma_wait3A_723 = tpu.memref_slice %arg4[%add3A_700, %dma_wait3A_722] : memref<819200x32xf32, #tpu.memory_space<hbm>> -> memref<800x32xf32, #tpu.memory_space<hbm>>
    %dma_wait3A_724 = arith.constant 0 : i32
    %dma_wait3A_725 = tpu.memref_slice %arg4[%add3A_700, %dma_wait3A_724] : memref<819200x32xf32, #tpu.memory_space<hbm>> -> memref<800x32xf32, #tpu.memory_space<hbm>>
    %dma_wait3A_726 = arith.constant 0 : i32
    %dma_wait3A_727 = arith.constant 0 : i32
    %dma_wait3A_728 = tpu.memref_slice %arg12[%dma_wait3A_726, %dma_wait3A_727] : memref<800x32xf32, #tpu.memory_space<vmem>> -> memref<800x32xf32, #tpu.memory_space<vmem>>
    tpu.wait_dma2 semaphore(%arg24 : memref<!tpu.dma_semaphore, #tpu.memory_space<semaphore_mem>>) src(%dma_wait3A_728 : memref<800x32xf32, #tpu.memory_space<vmem>>) dst(%dma_wait3A_725 : memref<800x32xf32, #tpu.memory_space<hbm>>)
    %add3A_729 = arith.constant 12000 : i32
    %add3A_730 = arith.addi %mul3A_2, %add3A_729 : i32
    %dma_wait3A_731 = arith.constant 0 : i32
    %dma_wait3A_732 = tpu.memref_slice %arg8[%dma_wait3A_731] : memref<800xi32, #tpu.memory_space<vmem>> -> memref<800xi32, #tpu.memory_space<vmem>>
    %dma_wait3A_733 = tpu.memref_slice %arg2[%add3A_730] : memref<819200xi32, #tpu.memory_space<hbm>> -> memref<800xi32, #tpu.memory_space<hbm>>
    %dma_wait3A_734 = arith.constant 0 : i32
    %dma_wait3A_735 = tpu.memref_slice %arg8[%dma_wait3A_734] : memref<800xi32, #tpu.memory_space<vmem>> -> memref<800xi32, #tpu.memory_space<vmem>>
    %dma_wait3A_736 = tpu.memref_slice %arg2[%add3A_730] : memref<819200xi32, #tpu.memory_space<hbm>> -> memref<800xi32, #tpu.memory_space<hbm>>
    tpu.wait_dma2 semaphore(%arg16 : memref<!tpu.dma_semaphore, #tpu.memory_space<semaphore_mem>>) src(%dma_wait3A_736 : memref<800xi32, #tpu.memory_space<hbm>>) dst(%dma_wait3A_735 : memref<800xi32, #tpu.memory_space<vmem>>)
    %dma_start3A_737 = arith.constant 0 : i32
    %dma_start3A_738 = arith.constant 0 : i32
    %dma_start3A_739 = tpu.memref_slice %arg12[%dma_start3A_737, %dma_start3A_738] : memref<800x32xf32, #tpu.memory_space<vmem>> -> memref<800x32xf32, #tpu.memory_space<vmem>>
    %dma_start3A_740 = arith.constant 0 : i32
    %dma_start3A_741 = tpu.memref_slice %arg8[%dma_start3A_740] : memref<800xi32, #tpu.memory_space<vmem>> -> memref<800xi32, #tpu.memory_space<vmem>>
    %dma_start3A_742 = arith.constant 0 : i32
    %dma_start3A_743 = arith.constant 0 : i32
    %dma_start3A_744 = tpu.memref_slice %arg3[%dma_start3A_742, %dma_start3A_743] : memref<1000000x32xf32, #tpu.memory_space<hbm>> -> memref<1000000x32xf32, #tpu.memory_space<hbm>>
    tpu.enqueue_indirect_dma source(%dma_start3A_744 : memref<1000000x32xf32, #tpu.memory_space<hbm>>) target(%dma_start3A_739 : memref<800x32xf32, #tpu.memory_space<vmem>>) offsets(%dma_start3A_741 : memref<800xi32, #tpu.memory_space<vmem>>) semaphore(%arg20 : memref<!tpu.dma_semaphore, #tpu.memory_space<semaphore_mem>>)
    %dma_wait3A_745 = arith.constant 0 : i32
    %dma_wait3A_746 = arith.constant 0 : i32
    %dma_wait3A_747 = tpu.memref_slice %arg9[%dma_wait3A_745, %dma_wait3A_746] : memref<800x32xf32, #tpu.memory_space<vmem>> -> memref<800x32xf32, #tpu.memory_space<vmem>>
    %dma_wait3A_748 = arith.constant 0 : i32
    %dma_wait3A_749 = tpu.memref_slice %arg5[%dma_wait3A_748] : memref<800xi32, #tpu.memory_space<vmem>> -> memref<800xi32, #tpu.memory_space<vmem>>
    %dma_wait3A_750 = arith.constant 0 : i32
    %dma_wait3A_751 = arith.constant 0 : i32
    %dma_wait3A_752 = tpu.memref_slice %arg3[%dma_wait3A_750, %dma_wait3A_751] : memref<1000000x32xf32, #tpu.memory_space<hbm>> -> memref<1000000x32xf32, #tpu.memory_space<hbm>>
    tpu.wait_indirect_dma semaphore(%arg17 : memref<!tpu.dma_semaphore, #tpu.memory_space<semaphore_mem>>) src(%dma_wait3A_752 : memref<1000000x32xf32, #tpu.memory_space<hbm>>) dst(%dma_wait3A_747 : memref<800x32xf32, #tpu.memory_space<vmem>>)
    %add3A_753 = arith.constant 9600 : i32
    %add3A_754 = arith.addi %mul3A_2, %add3A_753 : i32
    %dma_start3A_755 = arith.constant 0 : i32
    %dma_start3A_756 = arith.constant 0 : i32
    %dma_start3A_757 = tpu.memref_slice %arg9[%dma_start3A_755, %dma_start3A_756] : memref<800x32xf32, #tpu.memory_space<vmem>> -> memref<800x32xf32, #tpu.memory_space<vmem>>
    %dma_start3A_758 = arith.constant 0 : i32
    %dma_start3A_759 = tpu.memref_slice %arg4[%add3A_754, %dma_start3A_758] : memref<819200x32xf32, #tpu.memory_space<hbm>> -> memref<800x32xf32, #tpu.memory_space<hbm>>
    %dma_start3A_760 = arith.constant 0 : i32
    %dma_start3A_761 = tpu.memref_slice %arg4[%add3A_754, %dma_start3A_760] : memref<819200x32xf32, #tpu.memory_space<hbm>> -> memref<800x32xf32, #tpu.memory_space<hbm>>
    %dma_start3A_762 = arith.constant 0 : i32
    %dma_start3A_763 = arith.constant 0 : i32
    %dma_start3A_764 = tpu.memref_slice %arg9[%dma_start3A_762, %dma_start3A_763] : memref<800x32xf32, #tpu.memory_space<vmem>> -> memref<800x32xf32, #tpu.memory_space<vmem>>
    tpu.enqueue_dma source(%dma_start3A_764 : memref<800x32xf32, #tpu.memory_space<vmem>>) target(%dma_start3A_761 : memref<800x32xf32, #tpu.memory_space<hbm>>) target_semaphore(%arg21 : memref<!tpu.dma_semaphore, #tpu.memory_space<semaphore_mem>>)
    %add3A_765 = arith.constant 12800 : i32
    %add3A_766 = arith.addi %mul3A_2, %add3A_765 : i32
    %dma_start3A_767 = arith.constant 0 : i32
    %dma_start3A_768 = tpu.memref_slice %arg5[%dma_start3A_767] : memref<800xi32, #tpu.memory_space<vmem>> -> memref<800xi32, #tpu.memory_space<vmem>>
    %dma_start3A_769 = tpu.memref_slice %arg2[%add3A_766] : memref<819200xi32, #tpu.memory_space<hbm>> -> memref<800xi32, #tpu.memory_space<hbm>>
    %dma_start3A_770 = arith.constant 0 : i32
    %dma_start3A_771 = tpu.memref_slice %arg5[%dma_start3A_770] : memref<800xi32, #tpu.memory_space<vmem>> -> memref<800xi32, #tpu.memory_space<vmem>>
    %dma_start3A_772 = tpu.memref_slice %arg2[%add3A_766] : memref<819200xi32, #tpu.memory_space<hbm>> -> memref<800xi32, #tpu.memory_space<hbm>>
    tpu.enqueue_dma source(%dma_start3A_772 : memref<800xi32, #tpu.memory_space<hbm>>) target(%dma_start3A_771 : memref<800xi32, #tpu.memory_space<vmem>>) target_semaphore(%arg13 : memref<!tpu.dma_semaphore, #tpu.memory_space<semaphore_mem>>)
    %dma_wait3A_773 = arith.constant 0 : i32
    %dma_wait3A_774 = arith.constant 0 : i32
    %dma_wait3A_775 = tpu.memref_slice %arg9[%dma_wait3A_773, %dma_wait3A_774] : memref<800x32xf32, #tpu.memory_space<vmem>> -> memref<800x32xf32, #tpu.memory_space<vmem>>
    %dma_wait3A_776 = arith.constant 0 : i32
    %dma_wait3A_777 = tpu.memref_slice %arg4[%add3A_754, %dma_wait3A_776] : memref<819200x32xf32, #tpu.memory_space<hbm>> -> memref<800x32xf32, #tpu.memory_space<hbm>>
    %dma_wait3A_778 = arith.constant 0 : i32
    %dma_wait3A_779 = tpu.memref_slice %arg4[%add3A_754, %dma_wait3A_778] : memref<819200x32xf32, #tpu.memory_space<hbm>> -> memref<800x32xf32, #tpu.memory_space<hbm>>
    %dma_wait3A_780 = arith.constant 0 : i32
    %dma_wait3A_781 = arith.constant 0 : i32
    %dma_wait3A_782 = tpu.memref_slice %arg9[%dma_wait3A_780, %dma_wait3A_781] : memref<800x32xf32, #tpu.memory_space<vmem>> -> memref<800x32xf32, #tpu.memory_space<vmem>>
    tpu.wait_dma2 semaphore(%arg21 : memref<!tpu.dma_semaphore, #tpu.memory_space<semaphore_mem>>) src(%dma_wait3A_782 : memref<800x32xf32, #tpu.memory_space<vmem>>) dst(%dma_wait3A_779 : memref<800x32xf32, #tpu.memory_space<hbm>>)
    %add3A_783 = arith.constant 12800 : i32
    %add3A_784 = arith.addi %mul3A_2, %add3A_783 : i32
    %dma_wait3A_785 = arith.constant 0 : i32
    %dma_wait3A_786 = tpu.memref_slice %arg5[%dma_wait3A_785] : memref<800xi32, #tpu.memory_space<vmem>> -> memref<800xi32, #tpu.memory_space<vmem>>
    %dma_wait3A_787 = tpu.memref_slice %arg2[%add3A_784] : memref<819200xi32, #tpu.memory_space<hbm>> -> memref<800xi32, #tpu.memory_space<hbm>>
    %dma_wait3A_788 = arith.constant 0 : i32
    %dma_wait3A_789 = tpu.memref_slice %arg5[%dma_wait3A_788] : memref<800xi32, #tpu.memory_space<vmem>> -> memref<800xi32, #tpu.memory_space<vmem>>
    %dma_wait3A_790 = tpu.memref_slice %arg2[%add3A_784] : memref<819200xi32, #tpu.memory_space<hbm>> -> memref<800xi32, #tpu.memory_space<hbm>>
    tpu.wait_dma2 semaphore(%arg13 : memref<!tpu.dma_semaphore, #tpu.memory_space<semaphore_mem>>) src(%dma_wait3A_790 : memref<800xi32, #tpu.memory_space<hbm>>) dst(%dma_wait3A_789 : memref<800xi32, #tpu.memory_space<vmem>>)
    %dma_start3A_791 = arith.constant 0 : i32
    %dma_start3A_792 = arith.constant 0 : i32
    %dma_start3A_793 = tpu.memref_slice %arg9[%dma_start3A_791, %dma_start3A_792] : memref<800x32xf32, #tpu.memory_space<vmem>> -> memref<800x32xf32, #tpu.memory_space<vmem>>
    %dma_start3A_794 = arith.constant 0 : i32
    %dma_start3A_795 = tpu.memref_slice %arg5[%dma_start3A_794] : memref<800xi32, #tpu.memory_space<vmem>> -> memref<800xi32, #tpu.memory_space<vmem>>
    %dma_start3A_796 = arith.constant 0 : i32
    %dma_start3A_797 = arith.constant 0 : i32
    %dma_start3A_798 = tpu.memref_slice %arg3[%dma_start3A_796, %dma_start3A_797] : memref<1000000x32xf32, #tpu.memory_space<hbm>> -> memref<1000000x32xf32, #tpu.memory_space<hbm>>
    tpu.enqueue_indirect_dma source(%dma_start3A_798 : memref<1000000x32xf32, #tpu.memory_space<hbm>>) target(%dma_start3A_793 : memref<800x32xf32, #tpu.memory_space<vmem>>) offsets(%dma_start3A_795 : memref<800xi32, #tpu.memory_space<vmem>>) semaphore(%arg17 : memref<!tpu.dma_semaphore, #tpu.memory_space<semaphore_mem>>)
    %dma_wait3A_799 = arith.constant 0 : i32
    %dma_wait3A_800 = arith.constant 0 : i32
    %dma_wait3A_801 = tpu.memref_slice %arg10[%dma_wait3A_799, %dma_wait3A_800] : memref<800x32xf32, #tpu.memory_space<vmem>> -> memref<800x32xf32, #tpu.memory_space<vmem>>
    %dma_wait3A_802 = arith.constant 0 : i32
    %dma_wait3A_803 = tpu.memref_slice %arg6[%dma_wait3A_802] : memref<800xi32, #tpu.memory_space<vmem>> -> memref<800xi32, #tpu.memory_space<vmem>>
    %dma_wait3A_804 = arith.constant 0 : i32
    %dma_wait3A_805 = arith.constant 0 : i32
    %dma_wait3A_806 = tpu.memref_slice %arg3[%dma_wait3A_804, %dma_wait3A_805] : memref<1000000x32xf32, #tpu.memory_space<hbm>> -> memref<1000000x32xf32, #tpu.memory_space<hbm>>
    tpu.wait_indirect_dma semaphore(%arg18 : memref<!tpu.dma_semaphore, #tpu.memory_space<semaphore_mem>>) src(%dma_wait3A_806 : memref<1000000x32xf32, #tpu.memory_space<hbm>>) dst(%dma_wait3A_801 : memref<800x32xf32, #tpu.memory_space<vmem>>)
    %add3A_807 = arith.constant 10400 : i32
    %add3A_808 = arith.addi %mul3A_2, %add3A_807 : i32
    %dma_start3A_809 = arith.constant 0 : i32
    %dma_start3A_810 = arith.constant 0 : i32
    %dma_start3A_811 = tpu.memref_slice %arg10[%dma_start3A_809, %dma_start3A_810] : memref<800x32xf32, #tpu.memory_space<vmem>> -> memref<800x32xf32, #tpu.memory_space<vmem>>
    %dma_start3A_812 = arith.constant 0 : i32
    %dma_start3A_813 = tpu.memref_slice %arg4[%add3A_808, %dma_start3A_812] : memref<819200x32xf32, #tpu.memory_space<hbm>> -> memref<800x32xf32, #tpu.memory_space<hbm>>
    %dma_start3A_814 = arith.constant 0 : i32
    %dma_start3A_815 = tpu.memref_slice %arg4[%add3A_808, %dma_start3A_814] : memref<819200x32xf32, #tpu.memory_space<hbm>> -> memref<800x32xf32, #tpu.memory_space<hbm>>
    %dma_start3A_816 = arith.constant 0 : i32
    %dma_start3A_817 = arith.constant 0 : i32
    %dma_start3A_818 = tpu.memref_slice %arg10[%dma_start3A_816, %dma_start3A_817] : memref<800x32xf32, #tpu.memory_space<vmem>> -> memref<800x32xf32, #tpu.memory_space<vmem>>
    tpu.enqueue_dma source(%dma_start3A_818 : memref<800x32xf32, #tpu.memory_space<vmem>>) target(%dma_start3A_815 : memref<800x32xf32, #tpu.memory_space<hbm>>) target_semaphore(%arg22 : memref<!tpu.dma_semaphore, #tpu.memory_space<semaphore_mem>>)
    %add3A_819 = arith.constant 13600 : i32
    %add3A_820 = arith.addi %mul3A_2, %add3A_819 : i32
    %dma_start3A_821 = arith.constant 0 : i32
    %dma_start3A_822 = tpu.memref_slice %arg6[%dma_start3A_821] : memref<800xi32, #tpu.memory_space<vmem>> -> memref<800xi32, #tpu.memory_space<vmem>>
    %dma_start3A_823 = tpu.memref_slice %arg2[%add3A_820] : memref<819200xi32, #tpu.memory_space<hbm>> -> memref<800xi32, #tpu.memory_space<hbm>>
    %dma_start3A_824 = arith.constant 0 : i32
    %dma_start3A_825 = tpu.memref_slice %arg6[%dma_start3A_824] : memref<800xi32, #tpu.memory_space<vmem>> -> memref<800xi32, #tpu.memory_space<vmem>>
    %dma_start3A_826 = tpu.memref_slice %arg2[%add3A_820] : memref<819200xi32, #tpu.memory_space<hbm>> -> memref<800xi32, #tpu.memory_space<hbm>>
    tpu.enqueue_dma source(%dma_start3A_826 : memref<800xi32, #tpu.memory_space<hbm>>) target(%dma_start3A_825 : memref<800xi32, #tpu.memory_space<vmem>>) target_semaphore(%arg14 : memref<!tpu.dma_semaphore, #tpu.memory_space<semaphore_mem>>)
    %dma_wait3A_827 = arith.constant 0 : i32
    %dma_wait3A_828 = arith.constant 0 : i32
    %dma_wait3A_829 = tpu.memref_slice %arg10[%dma_wait3A_827, %dma_wait3A_828] : memref<800x32xf32, #tpu.memory_space<vmem>> -> memref<800x32xf32, #tpu.memory_space<vmem>>
    %dma_wait3A_830 = arith.constant 0 : i32
    %dma_wait3A_831 = tpu.memref_slice %arg4[%add3A_808, %dma_wait3A_830] : memref<819200x32xf32, #tpu.memory_space<hbm>> -> memref<800x32xf32, #tpu.memory_space<hbm>>
    %dma_wait3A_832 = arith.constant 0 : i32
    %dma_wait3A_833 = tpu.memref_slice %arg4[%add3A_808, %dma_wait3A_832] : memref<819200x32xf32, #tpu.memory_space<hbm>> -> memref<800x32xf32, #tpu.memory_space<hbm>>
    %dma_wait3A_834 = arith.constant 0 : i32
    %dma_wait3A_835 = arith.constant 0 : i32
    %dma_wait3A_836 = tpu.memref_slice %arg10[%dma_wait3A_834, %dma_wait3A_835] : memref<800x32xf32, #tpu.memory_space<vmem>> -> memref<800x32xf32, #tpu.memory_space<vmem>>
    tpu.wait_dma2 semaphore(%arg22 : memref<!tpu.dma_semaphore, #tpu.memory_space<semaphore_mem>>) src(%dma_wait3A_836 : memref<800x32xf32, #tpu.memory_space<vmem>>) dst(%dma_wait3A_833 : memref<800x32xf32, #tpu.memory_space<hbm>>)
    %add3A_837 = arith.constant 13600 : i32
    %add3A_838 = arith.addi %mul3A_2, %add3A_837 : i32
    %dma_wait3A_839 = arith.constant 0 : i32
    %dma_wait3A_840 = tpu.memref_slice %arg6[%dma_wait3A_839] : memref<800xi32, #tpu.memory_space<vmem>> -> memref<800xi32, #tpu.memory_space<vmem>>
    %dma_wait3A_841 = tpu.memref_slice %arg2[%add3A_838] : memref<819200xi32, #tpu.memory_space<hbm>> -> memref<800xi32, #tpu.memory_space<hbm>>
    %dma_wait3A_842 = arith.constant 0 : i32
    %dma_wait3A_843 = tpu.memref_slice %arg6[%dma_wait3A_842] : memref<800xi32, #tpu.memory_space<vmem>> -> memref<800xi32, #tpu.memory_space<vmem>>
    %dma_wait3A_844 = tpu.memref_slice %arg2[%add3A_838] : memref<819200xi32, #tpu.memory_space<hbm>> -> memref<800xi32, #tpu.memory_space<hbm>>
    tpu.wait_dma2 semaphore(%arg14 : memref<!tpu.dma_semaphore, #tpu.memory_space<semaphore_mem>>) src(%dma_wait3A_844 : memref<800xi32, #tpu.memory_space<hbm>>) dst(%dma_wait3A_843 : memref<800xi32, #tpu.memory_space<vmem>>)
    %dma_start3A_845 = arith.constant 0 : i32
    %dma_start3A_846 = arith.constant 0 : i32
    %dma_start3A_847 = tpu.memref_slice %arg10[%dma_start3A_845, %dma_start3A_846] : memref<800x32xf32, #tpu.memory_space<vmem>> -> memref<800x32xf32, #tpu.memory_space<vmem>>
    %dma_start3A_848 = arith.constant 0 : i32
    %dma_start3A_849 = tpu.memref_slice %arg6[%dma_start3A_848] : memref<800xi32, #tpu.memory_space<vmem>> -> memref<800xi32, #tpu.memory_space<vmem>>
    %dma_start3A_850 = arith.constant 0 : i32
    %dma_start3A_851 = arith.constant 0 : i32
    %dma_start3A_852 = tpu.memref_slice %arg3[%dma_start3A_850, %dma_start3A_851] : memref<1000000x32xf32, #tpu.memory_space<hbm>> -> memref<1000000x32xf32, #tpu.memory_space<hbm>>
    tpu.enqueue_indirect_dma source(%dma_start3A_852 : memref<1000000x32xf32, #tpu.memory_space<hbm>>) target(%dma_start3A_847 : memref<800x32xf32, #tpu.memory_space<vmem>>) offsets(%dma_start3A_849 : memref<800xi32, #tpu.memory_space<vmem>>) semaphore(%arg18 : memref<!tpu.dma_semaphore, #tpu.memory_space<semaphore_mem>>)
    %dma_wait3A_853 = arith.constant 0 : i32
    %dma_wait3A_854 = arith.constant 0 : i32
    %dma_wait3A_855 = tpu.memref_slice %arg11[%dma_wait3A_853, %dma_wait3A_854] : memref<800x32xf32, #tpu.memory_space<vmem>> -> memref<800x32xf32, #tpu.memory_space<vmem>>
    %dma_wait3A_856 = arith.constant 0 : i32
    %dma_wait3A_857 = tpu.memref_slice %arg7[%dma_wait3A_856] : memref<800xi32, #tpu.memory_space<vmem>> -> memref<800xi32, #tpu.memory_space<vmem>>
    %dma_wait3A_858 = arith.constant 0 : i32
    %dma_wait3A_859 = arith.constant 0 : i32
    %dma_wait3A_860 = tpu.memref_slice %arg3[%dma_wait3A_858, %dma_wait3A_859] : memref<1000000x32xf32, #tpu.memory_space<hbm>> -> memref<1000000x32xf32, #tpu.memory_space<hbm>>
    tpu.wait_indirect_dma semaphore(%arg19 : memref<!tpu.dma_semaphore, #tpu.memory_space<semaphore_mem>>) src(%dma_wait3A_860 : memref<1000000x32xf32, #tpu.memory_space<hbm>>) dst(%dma_wait3A_855 : memref<800x32xf32, #tpu.memory_space<vmem>>)
    %add3A_861 = arith.constant 11200 : i32
    %add3A_862 = arith.addi %mul3A_2, %add3A_861 : i32
    %dma_start3A_863 = arith.constant 0 : i32
    %dma_start3A_864 = arith.constant 0 : i32
    %dma_start3A_865 = tpu.memref_slice %arg11[%dma_start3A_863, %dma_start3A_864] : memref<800x32xf32, #tpu.memory_space<vmem>> -> memref<800x32xf32, #tpu.memory_space<vmem>>
    %dma_start3A_866 = arith.constant 0 : i32
    %dma_start3A_867 = tpu.memref_slice %arg4[%add3A_862, %dma_start3A_866] : memref<819200x32xf32, #tpu.memory_space<hbm>> -> memref<800x32xf32, #tpu.memory_space<hbm>>
    %dma_start3A_868 = arith.constant 0 : i32
    %dma_start3A_869 = tpu.memref_slice %arg4[%add3A_862, %dma_start3A_868] : memref<819200x32xf32, #tpu.memory_space<hbm>> -> memref<800x32xf32, #tpu.memory_space<hbm>>
    %dma_start3A_870 = arith.constant 0 : i32
    %dma_start3A_871 = arith.constant 0 : i32
    %dma_start3A_872 = tpu.memref_slice %arg11[%dma_start3A_870, %dma_start3A_871] : memref<800x32xf32, #tpu.memory_space<vmem>> -> memref<800x32xf32, #tpu.memory_space<vmem>>
    tpu.enqueue_dma source(%dma_start3A_872 : memref<800x32xf32, #tpu.memory_space<vmem>>) target(%dma_start3A_869 : memref<800x32xf32, #tpu.memory_space<hbm>>) target_semaphore(%arg23 : memref<!tpu.dma_semaphore, #tpu.memory_space<semaphore_mem>>)
    %add3A_873 = arith.constant 14400 : i32
    %add3A_874 = arith.addi %mul3A_2, %add3A_873 : i32
    %dma_start3A_875 = arith.constant 0 : i32
    %dma_start3A_876 = tpu.memref_slice %arg7[%dma_start3A_875] : memref<800xi32, #tpu.memory_space<vmem>> -> memref<800xi32, #tpu.memory_space<vmem>>
    %dma_start3A_877 = tpu.memref_slice %arg2[%add3A_874] : memref<819200xi32, #tpu.memory_space<hbm>> -> memref<800xi32, #tpu.memory_space<hbm>>
    %dma_start3A_878 = arith.constant 0 : i32
    %dma_start3A_879 = tpu.memref_slice %arg7[%dma_start3A_878] : memref<800xi32, #tpu.memory_space<vmem>> -> memref<800xi32, #tpu.memory_space<vmem>>
    %dma_start3A_880 = tpu.memref_slice %arg2[%add3A_874] : memref<819200xi32, #tpu.memory_space<hbm>> -> memref<800xi32, #tpu.memory_space<hbm>>
    tpu.enqueue_dma source(%dma_start3A_880 : memref<800xi32, #tpu.memory_space<hbm>>) target(%dma_start3A_879 : memref<800xi32, #tpu.memory_space<vmem>>) target_semaphore(%arg15 : memref<!tpu.dma_semaphore, #tpu.memory_space<semaphore_mem>>)
    %dma_wait3A_881 = arith.constant 0 : i32
    %dma_wait3A_882 = arith.constant 0 : i32
    %dma_wait3A_883 = tpu.memref_slice %arg11[%dma_wait3A_881, %dma_wait3A_882] : memref<800x32xf32, #tpu.memory_space<vmem>> -> memref<800x32xf32, #tpu.memory_space<vmem>>
    %dma_wait3A_884 = arith.constant 0 : i32
    %dma_wait3A_885 = tpu.memref_slice %arg4[%add3A_862, %dma_wait3A_884] : memref<819200x32xf32, #tpu.memory_space<hbm>> -> memref<800x32xf32, #tpu.memory_space<hbm>>
    %dma_wait3A_886 = arith.constant 0 : i32
    %dma_wait3A_887 = tpu.memref_slice %arg4[%add3A_862, %dma_wait3A_886] : memref<819200x32xf32, #tpu.memory_space<hbm>> -> memref<800x32xf32, #tpu.memory_space<hbm>>
    %dma_wait3A_888 = arith.constant 0 : i32
    %dma_wait3A_889 = arith.constant 0 : i32
    %dma_wait3A_890 = tpu.memref_slice %arg11[%dma_wait3A_888, %dma_wait3A_889] : memref<800x32xf32, #tpu.memory_space<vmem>> -> memref<800x32xf32, #tpu.memory_space<vmem>>
    tpu.wait_dma2 semaphore(%arg23 : memref<!tpu.dma_semaphore, #tpu.memory_space<semaphore_mem>>) src(%dma_wait3A_890 : memref<800x32xf32, #tpu.memory_space<vmem>>) dst(%dma_wait3A_887 : memref<800x32xf32, #tpu.memory_space<hbm>>)
    %add3A_891 = arith.constant 14400 : i32
    %add3A_892 = arith.addi %mul3A_2, %add3A_891 : i32
    %dma_wait3A_893 = arith.constant 0 : i32
    %dma_wait3A_894 = tpu.memref_slice %arg7[%dma_wait3A_893] : memref<800xi32, #tpu.memory_space<vmem>> -> memref<800xi32, #tpu.memory_space<vmem>>
    %dma_wait3A_895 = tpu.memref_slice %arg2[%add3A_892] : memref<819200xi32, #tpu.memory_space<hbm>> -> memref<800xi32, #tpu.memory_space<hbm>>
    %dma_wait3A_896 = arith.constant 0 : i32
    %dma_wait3A_897 = tpu.memref_slice %arg7[%dma_wait3A_896] : memref<800xi32, #tpu.memory_space<vmem>> -> memref<800xi32, #tpu.memory_space<vmem>>
    %dma_wait3A_898 = tpu.memref_slice %arg2[%add3A_892] : memref<819200xi32, #tpu.memory_space<hbm>> -> memref<800xi32, #tpu.memory_space<hbm>>
    tpu.wait_dma2 semaphore(%arg15 : memref<!tpu.dma_semaphore, #tpu.memory_space<semaphore_mem>>) src(%dma_wait3A_898 : memref<800xi32, #tpu.memory_space<hbm>>) dst(%dma_wait3A_897 : memref<800xi32, #tpu.memory_space<vmem>>)
    %dma_start3A_899 = arith.constant 0 : i32
    %dma_start3A_900 = arith.constant 0 : i32
    %dma_start3A_901 = tpu.memref_slice %arg11[%dma_start3A_899, %dma_start3A_900] : memref<800x32xf32, #tpu.memory_space<vmem>> -> memref<800x32xf32, #tpu.memory_space<vmem>>
    %dma_start3A_902 = arith.constant 0 : i32
    %dma_start3A_903 = tpu.memref_slice %arg7[%dma_start3A_902] : memref<800xi32, #tpu.memory_space<vmem>> -> memref<800xi32, #tpu.memory_space<vmem>>
    %dma_start3A_904 = arith.constant 0 : i32
    %dma_start3A_905 = arith.constant 0 : i32
    %dma_start3A_906 = tpu.memref_slice %arg3[%dma_start3A_904, %dma_start3A_905] : memref<1000000x32xf32, #tpu.memory_space<hbm>> -> memref<1000000x32xf32, #tpu.memory_space<hbm>>
    tpu.enqueue_indirect_dma source(%dma_start3A_906 : memref<1000000x32xf32, #tpu.memory_space<hbm>>) target(%dma_start3A_901 : memref<800x32xf32, #tpu.memory_space<vmem>>) offsets(%dma_start3A_903 : memref<800xi32, #tpu.memory_space<vmem>>) semaphore(%arg19 : memref<!tpu.dma_semaphore, #tpu.memory_space<semaphore_mem>>)
    %dma_wait3A_907 = arith.constant 0 : i32
    %dma_wait3A_908 = arith.constant 0 : i32
    %dma_wait3A_909 = tpu.memref_slice %arg12[%dma_wait3A_907, %dma_wait3A_908] : memref<800x32xf32, #tpu.memory_space<vmem>> -> memref<800x32xf32, #tpu.memory_space<vmem>>
    %dma_wait3A_910 = arith.constant 0 : i32
    %dma_wait3A_911 = tpu.memref_slice %arg8[%dma_wait3A_910] : memref<800xi32, #tpu.memory_space<vmem>> -> memref<800xi32, #tpu.memory_space<vmem>>
    %dma_wait3A_912 = arith.constant 0 : i32
    %dma_wait3A_913 = arith.constant 0 : i32
    %dma_wait3A_914 = tpu.memref_slice %arg3[%dma_wait3A_912, %dma_wait3A_913] : memref<1000000x32xf32, #tpu.memory_space<hbm>> -> memref<1000000x32xf32, #tpu.memory_space<hbm>>
    tpu.wait_indirect_dma semaphore(%arg20 : memref<!tpu.dma_semaphore, #tpu.memory_space<semaphore_mem>>) src(%dma_wait3A_914 : memref<1000000x32xf32, #tpu.memory_space<hbm>>) dst(%dma_wait3A_909 : memref<800x32xf32, #tpu.memory_space<vmem>>)
    %add3A_915 = arith.constant 12000 : i32
    %add3A_916 = arith.addi %mul3A_2, %add3A_915 : i32
    %dma_start3A_917 = arith.constant 0 : i32
    %dma_start3A_918 = arith.constant 0 : i32
    %dma_start3A_919 = tpu.memref_slice %arg12[%dma_start3A_917, %dma_start3A_918] : memref<800x32xf32, #tpu.memory_space<vmem>> -> memref<800x32xf32, #tpu.memory_space<vmem>>
    %dma_start3A_920 = arith.constant 0 : i32
    %dma_start3A_921 = tpu.memref_slice %arg4[%add3A_916, %dma_start3A_920] : memref<819200x32xf32, #tpu.memory_space<hbm>> -> memref<800x32xf32, #tpu.memory_space<hbm>>
    %dma_start3A_922 = arith.constant 0 : i32
    %dma_start3A_923 = tpu.memref_slice %arg4[%add3A_916, %dma_start3A_922] : memref<819200x32xf32, #tpu.memory_space<hbm>> -> memref<800x32xf32, #tpu.memory_space<hbm>>
    %dma_start3A_924 = arith.constant 0 : i32
    %dma_start3A_925 = arith.constant 0 : i32
    %dma_start3A_926 = tpu.memref_slice %arg12[%dma_start3A_924, %dma_start3A_925] : memref<800x32xf32, #tpu.memory_space<vmem>> -> memref<800x32xf32, #tpu.memory_space<vmem>>
    tpu.enqueue_dma source(%dma_start3A_926 : memref<800x32xf32, #tpu.memory_space<vmem>>) target(%dma_start3A_923 : memref<800x32xf32, #tpu.memory_space<hbm>>) target_semaphore(%arg24 : memref<!tpu.dma_semaphore, #tpu.memory_space<semaphore_mem>>)
    %add3A_927 = arith.constant 15200 : i32
    %add3A_928 = arith.addi %mul3A_2, %add3A_927 : i32
    %dma_start3A_929 = arith.constant 0 : i32
    %dma_start3A_930 = tpu.memref_slice %arg8[%dma_start3A_929] : memref<800xi32, #tpu.memory_space<vmem>> -> memref<800xi32, #tpu.memory_space<vmem>>
    %dma_start3A_931 = tpu.memref_slice %arg2[%add3A_928] : memref<819200xi32, #tpu.memory_space<hbm>> -> memref<800xi32, #tpu.memory_space<hbm>>
    %dma_start3A_932 = arith.constant 0 : i32
    %dma_start3A_933 = tpu.memref_slice %arg8[%dma_start3A_932] : memref<800xi32, #tpu.memory_space<vmem>> -> memref<800xi32, #tpu.memory_space<vmem>>
    %dma_start3A_934 = tpu.memref_slice %arg2[%add3A_928] : memref<819200xi32, #tpu.memory_space<hbm>> -> memref<800xi32, #tpu.memory_space<hbm>>
    tpu.enqueue_dma source(%dma_start3A_934 : memref<800xi32, #tpu.memory_space<hbm>>) target(%dma_start3A_933 : memref<800xi32, #tpu.memory_space<vmem>>) target_semaphore(%arg16 : memref<!tpu.dma_semaphore, #tpu.memory_space<semaphore_mem>>)
    %dma_wait3A_935 = arith.constant 0 : i32
    %dma_wait3A_936 = arith.constant 0 : i32
    %dma_wait3A_937 = tpu.memref_slice %arg12[%dma_wait3A_935, %dma_wait3A_936] : memref<800x32xf32, #tpu.memory_space<vmem>> -> memref<800x32xf32, #tpu.memory_space<vmem>>
    %dma_wait3A_938 = arith.constant 0 : i32
    %dma_wait3A_939 = tpu.memref_slice %arg4[%add3A_916, %dma_wait3A_938] : memref<819200x32xf32, #tpu.memory_space<hbm>> -> memref<800x32xf32, #tpu.memory_space<hbm>>
    %dma_wait3A_940 = arith.constant 0 : i32
    %dma_wait3A_941 = tpu.memref_slice %arg4[%add3A_916, %dma_wait3A_940] : memref<819200x32xf32, #tpu.memory_space<hbm>> -> memref<800x32xf32, #tpu.memory_space<hbm>>
    %dma_wait3A_942 = arith.constant 0 : i32
    %dma_wait3A_943 = arith.constant 0 : i32
    %dma_wait3A_944 = tpu.memref_slice %arg12[%dma_wait3A_942, %dma_wait3A_943] : memref<800x32xf32, #tpu.memory_space<vmem>> -> memref<800x32xf32, #tpu.memory_space<vmem>>
    tpu.wait_dma2 semaphore(%arg24 : memref<!tpu.dma_semaphore, #tpu.memory_space<semaphore_mem>>) src(%dma_wait3A_944 : memref<800x32xf32, #tpu.memory_space<vmem>>) dst(%dma_wait3A_941 : memref<800x32xf32, #tpu.memory_space<hbm>>)
    %add3A_945 = arith.constant 15200 : i32
    %add3A_946 = arith.addi %mul3A_2, %add3A_945 : i32
    %dma_wait3A_947 = arith.constant 0 : i32
    %dma_wait3A_948 = tpu.memref_slice %arg8[%dma_wait3A_947] : memref<800xi32, #tpu.memory_space<vmem>> -> memref<800xi32, #tpu.memory_space<vmem>>
    %dma_wait3A_949 = tpu.memref_slice %arg2[%add3A_946] : memref<819200xi32, #tpu.memory_space<hbm>> -> memref<800xi32, #tpu.memory_space<hbm>>
    %dma_wait3A_950 = arith.constant 0 : i32
    %dma_wait3A_951 = tpu.memref_slice %arg8[%dma_wait3A_950] : memref<800xi32, #tpu.memory_space<vmem>> -> memref<800xi32, #tpu.memory_space<vmem>>
    %dma_wait3A_952 = tpu.memref_slice %arg2[%add3A_946] : memref<819200xi32, #tpu.memory_space<hbm>> -> memref<800xi32, #tpu.memory_space<hbm>>
    tpu.wait_dma2 semaphore(%arg16 : memref<!tpu.dma_semaphore, #tpu.memory_space<semaphore_mem>>) src(%dma_wait3A_952 : memref<800xi32, #tpu.memory_space<hbm>>) dst(%dma_wait3A_951 : memref<800xi32, #tpu.memory_space<vmem>>)
    %dma_start3A_953 = arith.constant 0 : i32
    %dma_start3A_954 = arith.constant 0 : i32
    %dma_start3A_955 = tpu.memref_slice %arg12[%dma_start3A_953, %dma_start3A_954] : memref<800x32xf32, #tpu.memory_space<vmem>> -> memref<800x32xf32, #tpu.memory_space<vmem>>
    %dma_start3A_956 = arith.constant 0 : i32
    %dma_start3A_957 = tpu.memref_slice %arg8[%dma_start3A_956] : memref<800xi32, #tpu.memory_space<vmem>> -> memref<800xi32, #tpu.memory_space<vmem>>
    %dma_start3A_958 = arith.constant 0 : i32
    %dma_start3A_959 = arith.constant 0 : i32
    %dma_start3A_960 = tpu.memref_slice %arg3[%dma_start3A_958, %dma_start3A_959] : memref<1000000x32xf32, #tpu.memory_space<hbm>> -> memref<1000000x32xf32, #tpu.memory_space<hbm>>
    tpu.enqueue_indirect_dma source(%dma_start3A_960 : memref<1000000x32xf32, #tpu.memory_space<hbm>>) target(%dma_start3A_955 : memref<800x32xf32, #tpu.memory_space<vmem>>) offsets(%dma_start3A_957 : memref<800xi32, #tpu.memory_space<vmem>>) semaphore(%arg20 : memref<!tpu.dma_semaphore, #tpu.memory_space<semaphore_mem>>)
    %dma_wait3A_961 = arith.constant 0 : i32
    %dma_wait3A_962 = arith.constant 0 : i32
    %dma_wait3A_963 = tpu.memref_slice %arg9[%dma_wait3A_961, %dma_wait3A_962] : memref<800x32xf32, #tpu.memory_space<vmem>> -> memref<800x32xf32, #tpu.memory_space<vmem>>
    %dma_wait3A_964 = arith.constant 0 : i32
    %dma_wait3A_965 = tpu.memref_slice %arg5[%dma_wait3A_964] : memref<800xi32, #tpu.memory_space<vmem>> -> memref<800xi32, #tpu.memory_space<vmem>>
    %dma_wait3A_966 = arith.constant 0 : i32
    %dma_wait3A_967 = arith.constant 0 : i32
    %dma_wait3A_968 = tpu.memref_slice %arg3[%dma_wait3A_966, %dma_wait3A_967] : memref<1000000x32xf32, #tpu.memory_space<hbm>> -> memref<1000000x32xf32, #tpu.memory_space<hbm>>
    tpu.wait_indirect_dma semaphore(%arg17 : memref<!tpu.dma_semaphore, #tpu.memory_space<semaphore_mem>>) src(%dma_wait3A_968 : memref<1000000x32xf32, #tpu.memory_space<hbm>>) dst(%dma_wait3A_963 : memref<800x32xf32, #tpu.memory_space<vmem>>)
    %add3A_969 = arith.constant 12800 : i32
    %add3A_970 = arith.addi %mul3A_2, %add3A_969 : i32
    %dma_start3A_971 = arith.constant 0 : i32
    %dma_start3A_972 = arith.constant 0 : i32
    %dma_start3A_973 = tpu.memref_slice %arg9[%dma_start3A_971, %dma_start3A_972] : memref<800x32xf32, #tpu.memory_space<vmem>> -> memref<800x32xf32, #tpu.memory_space<vmem>>
    %dma_start3A_974 = arith.constant 0 : i32
    %dma_start3A_975 = tpu.memref_slice %arg4[%add3A_970, %dma_start3A_974] : memref<819200x32xf32, #tpu.memory_space<hbm>> -> memref<800x32xf32, #tpu.memory_space<hbm>>
    %dma_start3A_976 = arith.constant 0 : i32
    %dma_start3A_977 = tpu.memref_slice %arg4[%add3A_970, %dma_start3A_976] : memref<819200x32xf32, #tpu.memory_space<hbm>> -> memref<800x32xf32, #tpu.memory_space<hbm>>
    %dma_start3A_978 = arith.constant 0 : i32
    %dma_start3A_979 = arith.constant 0 : i32
    %dma_start3A_980 = tpu.memref_slice %arg9[%dma_start3A_978, %dma_start3A_979] : memref<800x32xf32, #tpu.memory_space<vmem>> -> memref<800x32xf32, #tpu.memory_space<vmem>>
    tpu.enqueue_dma source(%dma_start3A_980 : memref<800x32xf32, #tpu.memory_space<vmem>>) target(%dma_start3A_977 : memref<800x32xf32, #tpu.memory_space<hbm>>) target_semaphore(%arg21 : memref<!tpu.dma_semaphore, #tpu.memory_space<semaphore_mem>>)
    %add3A_981 = arith.constant 16000 : i32
    %add3A_982 = arith.addi %mul3A_2, %add3A_981 : i32
    %dma_start3A_983 = arith.constant 0 : i32
    %dma_start3A_984 = tpu.memref_slice %arg5[%dma_start3A_983] : memref<800xi32, #tpu.memory_space<vmem>> -> memref<800xi32, #tpu.memory_space<vmem>>
    %dma_start3A_985 = tpu.memref_slice %arg2[%add3A_982] : memref<819200xi32, #tpu.memory_space<hbm>> -> memref<800xi32, #tpu.memory_space<hbm>>
    %dma_start3A_986 = arith.constant 0 : i32
    %dma_start3A_987 = tpu.memref_slice %arg5[%dma_start3A_986] : memref<800xi32, #tpu.memory_space<vmem>> -> memref<800xi32, #tpu.memory_space<vmem>>
    %dma_start3A_988 = tpu.memref_slice %arg2[%add3A_982] : memref<819200xi32, #tpu.memory_space<hbm>> -> memref<800xi32, #tpu.memory_space<hbm>>
    tpu.enqueue_dma source(%dma_start3A_988 : memref<800xi32, #tpu.memory_space<hbm>>) target(%dma_start3A_987 : memref<800xi32, #tpu.memory_space<vmem>>) target_semaphore(%arg13 : memref<!tpu.dma_semaphore, #tpu.memory_space<semaphore_mem>>)
    %dma_wait3A_989 = arith.constant 0 : i32
    %dma_wait3A_990 = arith.constant 0 : i32
    %dma_wait3A_991 = tpu.memref_slice %arg9[%dma_wait3A_989, %dma_wait3A_990] : memref<800x32xf32, #tpu.memory_space<vmem>> -> memref<800x32xf32, #tpu.memory_space<vmem>>
    %dma_wait3A_992 = arith.constant 0 : i32
    %dma_wait3A_993 = tpu.memref_slice %arg4[%add3A_970, %dma_wait3A_992] : memref<819200x32xf32, #tpu.memory_space<hbm>> -> memref<800x32xf32, #tpu.memory_space<hbm>>
    %dma_wait3A_994 = arith.constant 0 : i32
    %dma_wait3A_995 = tpu.memref_slice %arg4[%add3A_970, %dma_wait3A_994] : memref<819200x32xf32, #tpu.memory_space<hbm>> -> memref<800x32xf32, #tpu.memory_space<hbm>>
    %dma_wait3A_996 = arith.constant 0 : i32
    %dma_wait3A_997 = arith.constant 0 : i32
    %dma_wait3A_998 = tpu.memref_slice %arg9[%dma_wait3A_996, %dma_wait3A_997] : memref<800x32xf32, #tpu.memory_space<vmem>> -> memref<800x32xf32, #tpu.memory_space<vmem>>
    tpu.wait_dma2 semaphore(%arg21 : memref<!tpu.dma_semaphore, #tpu.memory_space<semaphore_mem>>) src(%dma_wait3A_998 : memref<800x32xf32, #tpu.memory_space<vmem>>) dst(%dma_wait3A_995 : memref<800x32xf32, #tpu.memory_space<hbm>>)
    %add3A_999 = arith.constant 16000 : i32
    %add3A_1000 = arith.addi %mul3A_2, %add3A_999 : i32
    %dma_wait3A_1001 = arith.constant 0 : i32
    %dma_wait3A_1002 = tpu.memref_slice %arg5[%dma_wait3A_1001] : memref<800xi32, #tpu.memory_space<vmem>> -> memref<800xi32, #tpu.memory_space<vmem>>
    %dma_wait3A_1003 = tpu.memref_slice %arg2[%add3A_1000] : memref<819200xi32, #tpu.memory_space<hbm>> -> memref<800xi32, #tpu.memory_space<hbm>>
    %dma_wait3A_1004 = arith.constant 0 : i32
    %dma_wait3A_1005 = tpu.memref_slice %arg5[%dma_wait3A_1004] : memref<800xi32, #tpu.memory_space<vmem>> -> memref<800xi32, #tpu.memory_space<vmem>>
    %dma_wait3A_1006 = tpu.memref_slice %arg2[%add3A_1000] : memref<819200xi32, #tpu.memory_space<hbm>> -> memref<800xi32, #tpu.memory_space<hbm>>
    tpu.wait_dma2 semaphore(%arg13 : memref<!tpu.dma_semaphore, #tpu.memory_space<semaphore_mem>>) src(%dma_wait3A_1006 : memref<800xi32, #tpu.memory_space<hbm>>) dst(%dma_wait3A_1005 : memref<800xi32, #tpu.memory_space<vmem>>)
    %dma_start3A_1007 = arith.constant 0 : i32
    %dma_start3A_1008 = arith.constant 0 : i32
    %dma_start3A_1009 = tpu.memref_slice %arg9[%dma_start3A_1007, %dma_start3A_1008] : memref<800x32xf32, #tpu.memory_space<vmem>> -> memref<800x32xf32, #tpu.memory_space<vmem>>
    %dma_start3A_1010 = arith.constant 0 : i32
    %dma_start3A_1011 = tpu.memref_slice %arg5[%dma_start3A_1010] : memref<800xi32, #tpu.memory_space<vmem>> -> memref<800xi32, #tpu.memory_space<vmem>>
    %dma_start3A_1012 = arith.constant 0 : i32
    %dma_start3A_1013 = arith.constant 0 : i32
    %dma_start3A_1014 = tpu.memref_slice %arg3[%dma_start3A_1012, %dma_start3A_1013] : memref<1000000x32xf32, #tpu.memory_space<hbm>> -> memref<1000000x32xf32, #tpu.memory_space<hbm>>
    tpu.enqueue_indirect_dma source(%dma_start3A_1014 : memref<1000000x32xf32, #tpu.memory_space<hbm>>) target(%dma_start3A_1009 : memref<800x32xf32, #tpu.memory_space<vmem>>) offsets(%dma_start3A_1011 : memref<800xi32, #tpu.memory_space<vmem>>) semaphore(%arg17 : memref<!tpu.dma_semaphore, #tpu.memory_space<semaphore_mem>>)
    %dma_wait3A_1015 = arith.constant 0 : i32
    %dma_wait3A_1016 = arith.constant 0 : i32
    %dma_wait3A_1017 = tpu.memref_slice %arg10[%dma_wait3A_1015, %dma_wait3A_1016] : memref<800x32xf32, #tpu.memory_space<vmem>> -> memref<800x32xf32, #tpu.memory_space<vmem>>
    %dma_wait3A_1018 = arith.constant 0 : i32
    %dma_wait3A_1019 = tpu.memref_slice %arg6[%dma_wait3A_1018] : memref<800xi32, #tpu.memory_space<vmem>> -> memref<800xi32, #tpu.memory_space<vmem>>
    %dma_wait3A_1020 = arith.constant 0 : i32
    %dma_wait3A_1021 = arith.constant 0 : i32
    %dma_wait3A_1022 = tpu.memref_slice %arg3[%dma_wait3A_1020, %dma_wait3A_1021] : memref<1000000x32xf32, #tpu.memory_space<hbm>> -> memref<1000000x32xf32, #tpu.memory_space<hbm>>
    tpu.wait_indirect_dma semaphore(%arg18 : memref<!tpu.dma_semaphore, #tpu.memory_space<semaphore_mem>>) src(%dma_wait3A_1022 : memref<1000000x32xf32, #tpu.memory_space<hbm>>) dst(%dma_wait3A_1017 : memref<800x32xf32, #tpu.memory_space<vmem>>)
    %add3A_1023 = arith.constant 13600 : i32
    %add3A_1024 = arith.addi %mul3A_2, %add3A_1023 : i32
    %dma_start3A_1025 = arith.constant 0 : i32
    %dma_start3A_1026 = arith.constant 0 : i32
    %dma_start3A_1027 = tpu.memref_slice %arg10[%dma_start3A_1025, %dma_start3A_1026] : memref<800x32xf32, #tpu.memory_space<vmem>> -> memref<800x32xf32, #tpu.memory_space<vmem>>
    %dma_start3A_1028 = arith.constant 0 : i32
    %dma_start3A_1029 = tpu.memref_slice %arg4[%add3A_1024, %dma_start3A_1028] : memref<819200x32xf32, #tpu.memory_space<hbm>> -> memref<800x32xf32, #tpu.memory_space<hbm>>
    %dma_start3A_1030 = arith.constant 0 : i32
    %dma_start3A_1031 = tpu.memref_slice %arg4[%add3A_1024, %dma_start3A_1030] : memref<819200x32xf32, #tpu.memory_space<hbm>> -> memref<800x32xf32, #tpu.memory_space<hbm>>
    %dma_start3A_1032 = arith.constant 0 : i32
    %dma_start3A_1033 = arith.constant 0 : i32
    %dma_start3A_1034 = tpu.memref_slice %arg10[%dma_start3A_1032, %dma_start3A_1033] : memref<800x32xf32, #tpu.memory_space<vmem>> -> memref<800x32xf32, #tpu.memory_space<vmem>>
    tpu.enqueue_dma source(%dma_start3A_1034 : memref<800x32xf32, #tpu.memory_space<vmem>>) target(%dma_start3A_1031 : memref<800x32xf32, #tpu.memory_space<hbm>>) target_semaphore(%arg22 : memref<!tpu.dma_semaphore, #tpu.memory_space<semaphore_mem>>)
    %add3A_1035 = arith.constant 16800 : i32
    %add3A_1036 = arith.addi %mul3A_2, %add3A_1035 : i32
    %dma_start3A_1037 = arith.constant 0 : i32
    %dma_start3A_1038 = tpu.memref_slice %arg6[%dma_start3A_1037] : memref<800xi32, #tpu.memory_space<vmem>> -> memref<800xi32, #tpu.memory_space<vmem>>
    %dma_start3A_1039 = tpu.memref_slice %arg2[%add3A_1036] : memref<819200xi32, #tpu.memory_space<hbm>> -> memref<800xi32, #tpu.memory_space<hbm>>
    %dma_start3A_1040 = arith.constant 0 : i32
    %dma_start3A_1041 = tpu.memref_slice %arg6[%dma_start3A_1040] : memref<800xi32, #tpu.memory_space<vmem>> -> memref<800xi32, #tpu.memory_space<vmem>>
    %dma_start3A_1042 = tpu.memref_slice %arg2[%add3A_1036] : memref<819200xi32, #tpu.memory_space<hbm>> -> memref<800xi32, #tpu.memory_space<hbm>>
    tpu.enqueue_dma source(%dma_start3A_1042 : memref<800xi32, #tpu.memory_space<hbm>>) target(%dma_start3A_1041 : memref<800xi32, #tpu.memory_space<vmem>>) target_semaphore(%arg14 : memref<!tpu.dma_semaphore, #tpu.memory_space<semaphore_mem>>)
    %dma_wait3A_1043 = arith.constant 0 : i32
    %dma_wait3A_1044 = arith.constant 0 : i32
    %dma_wait3A_1045 = tpu.memref_slice %arg10[%dma_wait3A_1043, %dma_wait3A_1044] : memref<800x32xf32, #tpu.memory_space<vmem>> -> memref<800x32xf32, #tpu.memory_space<vmem>>
    %dma_wait3A_1046 = arith.constant 0 : i32
    %dma_wait3A_1047 = tpu.memref_slice %arg4[%add3A_1024, %dma_wait3A_1046] : memref<819200x32xf32, #tpu.memory_space<hbm>> -> memref<800x32xf32, #tpu.memory_space<hbm>>
    %dma_wait3A_1048 = arith.constant 0 : i32
    %dma_wait3A_1049 = tpu.memref_slice %arg4[%add3A_1024, %dma_wait3A_1048] : memref<819200x32xf32, #tpu.memory_space<hbm>> -> memref<800x32xf32, #tpu.memory_space<hbm>>
    %dma_wait3A_1050 = arith.constant 0 : i32
    %dma_wait3A_1051 = arith.constant 0 : i32
    %dma_wait3A_1052 = tpu.memref_slice %arg10[%dma_wait3A_1050, %dma_wait3A_1051] : memref<800x32xf32, #tpu.memory_space<vmem>> -> memref<800x32xf32, #tpu.memory_space<vmem>>
    tpu.wait_dma2 semaphore(%arg22 : memref<!tpu.dma_semaphore, #tpu.memory_space<semaphore_mem>>) src(%dma_wait3A_1052 : memref<800x32xf32, #tpu.memory_space<vmem>>) dst(%dma_wait3A_1049 : memref<800x32xf32, #tpu.memory_space<hbm>>)
    %add3A_1053 = arith.constant 16800 : i32
    %add3A_1054 = arith.addi %mul3A_2, %add3A_1053 : i32
    %dma_wait3A_1055 = arith.constant 0 : i32
    %dma_wait3A_1056 = tpu.memref_slice %arg6[%dma_wait3A_1055] : memref<800xi32, #tpu.memory_space<vmem>> -> memref<800xi32, #tpu.memory_space<vmem>>
    %dma_wait3A_1057 = tpu.memref_slice %arg2[%add3A_1054] : memref<819200xi32, #tpu.memory_space<hbm>> -> memref<800xi32, #tpu.memory_space<hbm>>
    %dma_wait3A_1058 = arith.constant 0 : i32
    %dma_wait3A_1059 = tpu.memref_slice %arg6[%dma_wait3A_1058] : memref<800xi32, #tpu.memory_space<vmem>> -> memref<800xi32, #tpu.memory_space<vmem>>
    %dma_wait3A_1060 = tpu.memref_slice %arg2[%add3A_1054] : memref<819200xi32, #tpu.memory_space<hbm>> -> memref<800xi32, #tpu.memory_space<hbm>>
    tpu.wait_dma2 semaphore(%arg14 : memref<!tpu.dma_semaphore, #tpu.memory_space<semaphore_mem>>) src(%dma_wait3A_1060 : memref<800xi32, #tpu.memory_space<hbm>>) dst(%dma_wait3A_1059 : memref<800xi32, #tpu.memory_space<vmem>>)
    %dma_start3A_1061 = arith.constant 0 : i32
    %dma_start3A_1062 = arith.constant 0 : i32
    %dma_start3A_1063 = tpu.memref_slice %arg10[%dma_start3A_1061, %dma_start3A_1062] : memref<800x32xf32, #tpu.memory_space<vmem>> -> memref<800x32xf32, #tpu.memory_space<vmem>>
    %dma_start3A_1064 = arith.constant 0 : i32
    %dma_start3A_1065 = tpu.memref_slice %arg6[%dma_start3A_1064] : memref<800xi32, #tpu.memory_space<vmem>> -> memref<800xi32, #tpu.memory_space<vmem>>
    %dma_start3A_1066 = arith.constant 0 : i32
    %dma_start3A_1067 = arith.constant 0 : i32
    %dma_start3A_1068 = tpu.memref_slice %arg3[%dma_start3A_1066, %dma_start3A_1067] : memref<1000000x32xf32, #tpu.memory_space<hbm>> -> memref<1000000x32xf32, #tpu.memory_space<hbm>>
    tpu.enqueue_indirect_dma source(%dma_start3A_1068 : memref<1000000x32xf32, #tpu.memory_space<hbm>>) target(%dma_start3A_1063 : memref<800x32xf32, #tpu.memory_space<vmem>>) offsets(%dma_start3A_1065 : memref<800xi32, #tpu.memory_space<vmem>>) semaphore(%arg18 : memref<!tpu.dma_semaphore, #tpu.memory_space<semaphore_mem>>)
    %dma_wait3A_1069 = arith.constant 0 : i32
    %dma_wait3A_1070 = arith.constant 0 : i32
    %dma_wait3A_1071 = tpu.memref_slice %arg11[%dma_wait3A_1069, %dma_wait3A_1070] : memref<800x32xf32, #tpu.memory_space<vmem>> -> memref<800x32xf32, #tpu.memory_space<vmem>>
    %dma_wait3A_1072 = arith.constant 0 : i32
    %dma_wait3A_1073 = tpu.memref_slice %arg7[%dma_wait3A_1072] : memref<800xi32, #tpu.memory_space<vmem>> -> memref<800xi32, #tpu.memory_space<vmem>>
    %dma_wait3A_1074 = arith.constant 0 : i32
    %dma_wait3A_1075 = arith.constant 0 : i32
    %dma_wait3A_1076 = tpu.memref_slice %arg3[%dma_wait3A_1074, %dma_wait3A_1075] : memref<1000000x32xf32, #tpu.memory_space<hbm>> -> memref<1000000x32xf32, #tpu.memory_space<hbm>>
    tpu.wait_indirect_dma semaphore(%arg19 : memref<!tpu.dma_semaphore, #tpu.memory_space<semaphore_mem>>) src(%dma_wait3A_1076 : memref<1000000x32xf32, #tpu.memory_space<hbm>>) dst(%dma_wait3A_1071 : memref<800x32xf32, #tpu.memory_space<vmem>>)
    %add3A_1077 = arith.constant 14400 : i32
    %add3A_1078 = arith.addi %mul3A_2, %add3A_1077 : i32
    %dma_start3A_1079 = arith.constant 0 : i32
    %dma_start3A_1080 = arith.constant 0 : i32
    %dma_start3A_1081 = tpu.memref_slice %arg11[%dma_start3A_1079, %dma_start3A_1080] : memref<800x32xf32, #tpu.memory_space<vmem>> -> memref<800x32xf32, #tpu.memory_space<vmem>>
    %dma_start3A_1082 = arith.constant 0 : i32
    %dma_start3A_1083 = tpu.memref_slice %arg4[%add3A_1078, %dma_start3A_1082] : memref<819200x32xf32, #tpu.memory_space<hbm>> -> memref<800x32xf32, #tpu.memory_space<hbm>>
    %dma_start3A_1084 = arith.constant 0 : i32
    %dma_start3A_1085 = tpu.memref_slice %arg4[%add3A_1078, %dma_start3A_1084] : memref<819200x32xf32, #tpu.memory_space<hbm>> -> memref<800x32xf32, #tpu.memory_space<hbm>>
    %dma_start3A_1086 = arith.constant 0 : i32
    %dma_start3A_1087 = arith.constant 0 : i32
    %dma_start3A_1088 = tpu.memref_slice %arg11[%dma_start3A_1086, %dma_start3A_1087] : memref<800x32xf32, #tpu.memory_space<vmem>> -> memref<800x32xf32, #tpu.memory_space<vmem>>
    tpu.enqueue_dma source(%dma_start3A_1088 : memref<800x32xf32, #tpu.memory_space<vmem>>) target(%dma_start3A_1085 : memref<800x32xf32, #tpu.memory_space<hbm>>) target_semaphore(%arg23 : memref<!tpu.dma_semaphore, #tpu.memory_space<semaphore_mem>>)
    %add3A_1089 = arith.constant 17600 : i32
    %add3A_1090 = arith.addi %mul3A_2, %add3A_1089 : i32
    %dma_start3A_1091 = arith.constant 0 : i32
    %dma_start3A_1092 = tpu.memref_slice %arg7[%dma_start3A_1091] : memref<800xi32, #tpu.memory_space<vmem>> -> memref<800xi32, #tpu.memory_space<vmem>>
    %dma_start3A_1093 = tpu.memref_slice %arg2[%add3A_1090] : memref<819200xi32, #tpu.memory_space<hbm>> -> memref<800xi32, #tpu.memory_space<hbm>>
    %dma_start3A_1094 = arith.constant 0 : i32
    %dma_start3A_1095 = tpu.memref_slice %arg7[%dma_start3A_1094] : memref<800xi32, #tpu.memory_space<vmem>> -> memref<800xi32, #tpu.memory_space<vmem>>
    %dma_start3A_1096 = tpu.memref_slice %arg2[%add3A_1090] : memref<819200xi32, #tpu.memory_space<hbm>> -> memref<800xi32, #tpu.memory_space<hbm>>
    tpu.enqueue_dma source(%dma_start3A_1096 : memref<800xi32, #tpu.memory_space<hbm>>) target(%dma_start3A_1095 : memref<800xi32, #tpu.memory_space<vmem>>) target_semaphore(%arg15 : memref<!tpu.dma_semaphore, #tpu.memory_space<semaphore_mem>>)
    %dma_wait3A_1097 = arith.constant 0 : i32
    %dma_wait3A_1098 = arith.constant 0 : i32
    %dma_wait3A_1099 = tpu.memref_slice %arg11[%dma_wait3A_1097, %dma_wait3A_1098] : memref<800x32xf32, #tpu.memory_space<vmem>> -> memref<800x32xf32, #tpu.memory_space<vmem>>
    %dma_wait3A_1100 = arith.constant 0 : i32
    %dma_wait3A_1101 = tpu.memref_slice %arg4[%add3A_1078, %dma_wait3A_1100] : memref<819200x32xf32, #tpu.memory_space<hbm>> -> memref<800x32xf32, #tpu.memory_space<hbm>>
    %dma_wait3A_1102 = arith.constant 0 : i32
    %dma_wait3A_1103 = tpu.memref_slice %arg4[%add3A_1078, %dma_wait3A_1102] : memref<819200x32xf32, #tpu.memory_space<hbm>> -> memref<800x32xf32, #tpu.memory_space<hbm>>
    %dma_wait3A_1104 = arith.constant 0 : i32
    %dma_wait3A_1105 = arith.constant 0 : i32
    %dma_wait3A_1106 = tpu.memref_slice %arg11[%dma_wait3A_1104, %dma_wait3A_1105] : memref<800x32xf32, #tpu.memory_space<vmem>> -> memref<800x32xf32, #tpu.memory_space<vmem>>
    tpu.wait_dma2 semaphore(%arg23 : memref<!tpu.dma_semaphore, #tpu.memory_space<semaphore_mem>>) src(%dma_wait3A_1106 : memref<800x32xf32, #tpu.memory_space<vmem>>) dst(%dma_wait3A_1103 : memref<800x32xf32, #tpu.memory_space<hbm>>)
    %add3A_1107 = arith.constant 17600 : i32
    %add3A_1108 = arith.addi %mul3A_2, %add3A_1107 : i32
    %dma_wait3A_1109 = arith.constant 0 : i32
    %dma_wait3A_1110 = tpu.memref_slice %arg7[%dma_wait3A_1109] : memref<800xi32, #tpu.memory_space<vmem>> -> memref<800xi32, #tpu.memory_space<vmem>>
    %dma_wait3A_1111 = tpu.memref_slice %arg2[%add3A_1108] : memref<819200xi32, #tpu.memory_space<hbm>> -> memref<800xi32, #tpu.memory_space<hbm>>
    %dma_wait3A_1112 = arith.constant 0 : i32
    %dma_wait3A_1113 = tpu.memref_slice %arg7[%dma_wait3A_1112] : memref<800xi32, #tpu.memory_space<vmem>> -> memref<800xi32, #tpu.memory_space<vmem>>
    %dma_wait3A_1114 = tpu.memref_slice %arg2[%add3A_1108] : memref<819200xi32, #tpu.memory_space<hbm>> -> memref<800xi32, #tpu.memory_space<hbm>>
    tpu.wait_dma2 semaphore(%arg15 : memref<!tpu.dma_semaphore, #tpu.memory_space<semaphore_mem>>) src(%dma_wait3A_1114 : memref<800xi32, #tpu.memory_space<hbm>>) dst(%dma_wait3A_1113 : memref<800xi32, #tpu.memory_space<vmem>>)
    %dma_start3A_1115 = arith.constant 0 : i32
    %dma_start3A_1116 = arith.constant 0 : i32
    %dma_start3A_1117 = tpu.memref_slice %arg11[%dma_start3A_1115, %dma_start3A_1116] : memref<800x32xf32, #tpu.memory_space<vmem>> -> memref<800x32xf32, #tpu.memory_space<vmem>>
    %dma_start3A_1118 = arith.constant 0 : i32
    %dma_start3A_1119 = tpu.memref_slice %arg7[%dma_start3A_1118] : memref<800xi32, #tpu.memory_space<vmem>> -> memref<800xi32, #tpu.memory_space<vmem>>
    %dma_start3A_1120 = arith.constant 0 : i32
    %dma_start3A_1121 = arith.constant 0 : i32
    %dma_start3A_1122 = tpu.memref_slice %arg3[%dma_start3A_1120, %dma_start3A_1121] : memref<1000000x32xf32, #tpu.memory_space<hbm>> -> memref<1000000x32xf32, #tpu.memory_space<hbm>>
    tpu.enqueue_indirect_dma source(%dma_start3A_1122 : memref<1000000x32xf32, #tpu.memory_space<hbm>>) target(%dma_start3A_1117 : memref<800x32xf32, #tpu.memory_space<vmem>>) offsets(%dma_start3A_1119 : memref<800xi32, #tpu.memory_space<vmem>>) semaphore(%arg19 : memref<!tpu.dma_semaphore, #tpu.memory_space<semaphore_mem>>)
    %dma_wait3A_1123 = arith.constant 0 : i32
    %dma_wait3A_1124 = arith.constant 0 : i32
    %dma_wait3A_1125 = tpu.memref_slice %arg12[%dma_wait3A_1123, %dma_wait3A_1124] : memref<800x32xf32, #tpu.memory_space<vmem>> -> memref<800x32xf32, #tpu.memory_space<vmem>>
    %dma_wait3A_1126 = arith.constant 0 : i32
    %dma_wait3A_1127 = tpu.memref_slice %arg8[%dma_wait3A_1126] : memref<800xi32, #tpu.memory_space<vmem>> -> memref<800xi32, #tpu.memory_space<vmem>>
    %dma_wait3A_1128 = arith.constant 0 : i32
    %dma_wait3A_1129 = arith.constant 0 : i32
    %dma_wait3A_1130 = tpu.memref_slice %arg3[%dma_wait3A_1128, %dma_wait3A_1129] : memref<1000000x32xf32, #tpu.memory_space<hbm>> -> memref<1000000x32xf32, #tpu.memory_space<hbm>>
    tpu.wait_indirect_dma semaphore(%arg20 : memref<!tpu.dma_semaphore, #tpu.memory_space<semaphore_mem>>) src(%dma_wait3A_1130 : memref<1000000x32xf32, #tpu.memory_space<hbm>>) dst(%dma_wait3A_1125 : memref<800x32xf32, #tpu.memory_space<vmem>>)
    %add3A_1131 = arith.constant 15200 : i32
    %add3A_1132 = arith.addi %mul3A_2, %add3A_1131 : i32
    %dma_start3A_1133 = arith.constant 0 : i32
    %dma_start3A_1134 = arith.constant 0 : i32
    %dma_start3A_1135 = tpu.memref_slice %arg12[%dma_start3A_1133, %dma_start3A_1134] : memref<800x32xf32, #tpu.memory_space<vmem>> -> memref<800x32xf32, #tpu.memory_space<vmem>>
    %dma_start3A_1136 = arith.constant 0 : i32
    %dma_start3A_1137 = tpu.memref_slice %arg4[%add3A_1132, %dma_start3A_1136] : memref<819200x32xf32, #tpu.memory_space<hbm>> -> memref<800x32xf32, #tpu.memory_space<hbm>>
    %dma_start3A_1138 = arith.constant 0 : i32
    %dma_start3A_1139 = tpu.memref_slice %arg4[%add3A_1132, %dma_start3A_1138] : memref<819200x32xf32, #tpu.memory_space<hbm>> -> memref<800x32xf32, #tpu.memory_space<hbm>>
    %dma_start3A_1140 = arith.constant 0 : i32
    %dma_start3A_1141 = arith.constant 0 : i32
    %dma_start3A_1142 = tpu.memref_slice %arg12[%dma_start3A_1140, %dma_start3A_1141] : memref<800x32xf32, #tpu.memory_space<vmem>> -> memref<800x32xf32, #tpu.memory_space<vmem>>
    tpu.enqueue_dma source(%dma_start3A_1142 : memref<800x32xf32, #tpu.memory_space<vmem>>) target(%dma_start3A_1139 : memref<800x32xf32, #tpu.memory_space<hbm>>) target_semaphore(%arg24 : memref<!tpu.dma_semaphore, #tpu.memory_space<semaphore_mem>>)
    %add3A_1143 = arith.constant 18400 : i32
    %add3A_1144 = arith.addi %mul3A_2, %add3A_1143 : i32
    %dma_start3A_1145 = arith.constant 0 : i32
    %dma_start3A_1146 = tpu.memref_slice %arg8[%dma_start3A_1145] : memref<800xi32, #tpu.memory_space<vmem>> -> memref<800xi32, #tpu.memory_space<vmem>>
    %dma_start3A_1147 = tpu.memref_slice %arg2[%add3A_1144] : memref<819200xi32, #tpu.memory_space<hbm>> -> memref<800xi32, #tpu.memory_space<hbm>>
    %dma_start3A_1148 = arith.constant 0 : i32
    %dma_start3A_1149 = tpu.memref_slice %arg8[%dma_start3A_1148] : memref<800xi32, #tpu.memory_space<vmem>> -> memref<800xi32, #tpu.memory_space<vmem>>
    %dma_start3A_1150 = tpu.memref_slice %arg2[%add3A_1144] : memref<819200xi32, #tpu.memory_space<hbm>> -> memref<800xi32, #tpu.memory_space<hbm>>
    tpu.enqueue_dma source(%dma_start3A_1150 : memref<800xi32, #tpu.memory_space<hbm>>) target(%dma_start3A_1149 : memref<800xi32, #tpu.memory_space<vmem>>) target_semaphore(%arg16 : memref<!tpu.dma_semaphore, #tpu.memory_space<semaphore_mem>>)
    %dma_wait3A_1151 = arith.constant 0 : i32
    %dma_wait3A_1152 = arith.constant 0 : i32
    %dma_wait3A_1153 = tpu.memref_slice %arg12[%dma_wait3A_1151, %dma_wait3A_1152] : memref<800x32xf32, #tpu.memory_space<vmem>> -> memref<800x32xf32, #tpu.memory_space<vmem>>
    %dma_wait3A_1154 = arith.constant 0 : i32
    %dma_wait3A_1155 = tpu.memref_slice %arg4[%add3A_1132, %dma_wait3A_1154] : memref<819200x32xf32, #tpu.memory_space<hbm>> -> memref<800x32xf32, #tpu.memory_space<hbm>>
    %dma_wait3A_1156 = arith.constant 0 : i32
    %dma_wait3A_1157 = tpu.memref_slice %arg4[%add3A_1132, %dma_wait3A_1156] : memref<819200x32xf32, #tpu.memory_space<hbm>> -> memref<800x32xf32, #tpu.memory_space<hbm>>
    %dma_wait3A_1158 = arith.constant 0 : i32
    %dma_wait3A_1159 = arith.constant 0 : i32
    %dma_wait3A_1160 = tpu.memref_slice %arg12[%dma_wait3A_1158, %dma_wait3A_1159] : memref<800x32xf32, #tpu.memory_space<vmem>> -> memref<800x32xf32, #tpu.memory_space<vmem>>
    tpu.wait_dma2 semaphore(%arg24 : memref<!tpu.dma_semaphore, #tpu.memory_space<semaphore_mem>>) src(%dma_wait3A_1160 : memref<800x32xf32, #tpu.memory_space<vmem>>) dst(%dma_wait3A_1157 : memref<800x32xf32, #tpu.memory_space<hbm>>)
    %add3A_1161 = arith.constant 18400 : i32
    %add3A_1162 = arith.addi %mul3A_2, %add3A_1161 : i32
    %dma_wait3A_1163 = arith.constant 0 : i32
    %dma_wait3A_1164 = tpu.memref_slice %arg8[%dma_wait3A_1163] : memref<800xi32, #tpu.memory_space<vmem>> -> memref<800xi32, #tpu.memory_space<vmem>>
    %dma_wait3A_1165 = tpu.memref_slice %arg2[%add3A_1162] : memref<819200xi32, #tpu.memory_space<hbm>> -> memref<800xi32, #tpu.memory_space<hbm>>
    %dma_wait3A_1166 = arith.constant 0 : i32
    %dma_wait3A_1167 = tpu.memref_slice %arg8[%dma_wait3A_1166] : memref<800xi32, #tpu.memory_space<vmem>> -> memref<800xi32, #tpu.memory_space<vmem>>
    %dma_wait3A_1168 = tpu.memref_slice %arg2[%add3A_1162] : memref<819200xi32, #tpu.memory_space<hbm>> -> memref<800xi32, #tpu.memory_space<hbm>>
    tpu.wait_dma2 semaphore(%arg16 : memref<!tpu.dma_semaphore, #tpu.memory_space<semaphore_mem>>) src(%dma_wait3A_1168 : memref<800xi32, #tpu.memory_space<hbm>>) dst(%dma_wait3A_1167 : memref<800xi32, #tpu.memory_space<vmem>>)
    %dma_start3A_1169 = arith.constant 0 : i32
    %dma_start3A_1170 = arith.constant 0 : i32
    %dma_start3A_1171 = tpu.memref_slice %arg12[%dma_start3A_1169, %dma_start3A_1170] : memref<800x32xf32, #tpu.memory_space<vmem>> -> memref<800x32xf32, #tpu.memory_space<vmem>>
    %dma_start3A_1172 = arith.constant 0 : i32
    %dma_start3A_1173 = tpu.memref_slice %arg8[%dma_start3A_1172] : memref<800xi32, #tpu.memory_space<vmem>> -> memref<800xi32, #tpu.memory_space<vmem>>
    %dma_start3A_1174 = arith.constant 0 : i32
    %dma_start3A_1175 = arith.constant 0 : i32
    %dma_start3A_1176 = tpu.memref_slice %arg3[%dma_start3A_1174, %dma_start3A_1175] : memref<1000000x32xf32, #tpu.memory_space<hbm>> -> memref<1000000x32xf32, #tpu.memory_space<hbm>>
    tpu.enqueue_indirect_dma source(%dma_start3A_1176 : memref<1000000x32xf32, #tpu.memory_space<hbm>>) target(%dma_start3A_1171 : memref<800x32xf32, #tpu.memory_space<vmem>>) offsets(%dma_start3A_1173 : memref<800xi32, #tpu.memory_space<vmem>>) semaphore(%arg20 : memref<!tpu.dma_semaphore, #tpu.memory_space<semaphore_mem>>)
    %dma_wait3A_1177 = arith.constant 0 : i32
    %dma_wait3A_1178 = arith.constant 0 : i32
    %dma_wait3A_1179 = tpu.memref_slice %arg9[%dma_wait3A_1177, %dma_wait3A_1178] : memref<800x32xf32, #tpu.memory_space<vmem>> -> memref<800x32xf32, #tpu.memory_space<vmem>>
    %dma_wait3A_1180 = arith.constant 0 : i32
    %dma_wait3A_1181 = tpu.memref_slice %arg5[%dma_wait3A_1180] : memref<800xi32, #tpu.memory_space<vmem>> -> memref<800xi32, #tpu.memory_space<vmem>>
    %dma_wait3A_1182 = arith.constant 0 : i32
    %dma_wait3A_1183 = arith.constant 0 : i32
    %dma_wait3A_1184 = tpu.memref_slice %arg3[%dma_wait3A_1182, %dma_wait3A_1183] : memref<1000000x32xf32, #tpu.memory_space<hbm>> -> memref<1000000x32xf32, #tpu.memory_space<hbm>>
    tpu.wait_indirect_dma semaphore(%arg17 : memref<!tpu.dma_semaphore, #tpu.memory_space<semaphore_mem>>) src(%dma_wait3A_1184 : memref<1000000x32xf32, #tpu.memory_space<hbm>>) dst(%dma_wait3A_1179 : memref<800x32xf32, #tpu.memory_space<vmem>>)
    %add3A_1185 = arith.constant 16000 : i32
    %add3A_1186 = arith.addi %mul3A_2, %add3A_1185 : i32
    %dma_start3A_1187 = arith.constant 0 : i32
    %dma_start3A_1188 = arith.constant 0 : i32
    %dma_start3A_1189 = tpu.memref_slice %arg9[%dma_start3A_1187, %dma_start3A_1188] : memref<800x32xf32, #tpu.memory_space<vmem>> -> memref<800x32xf32, #tpu.memory_space<vmem>>
    %dma_start3A_1190 = arith.constant 0 : i32
    %dma_start3A_1191 = tpu.memref_slice %arg4[%add3A_1186, %dma_start3A_1190] : memref<819200x32xf32, #tpu.memory_space<hbm>> -> memref<800x32xf32, #tpu.memory_space<hbm>>
    %dma_start3A_1192 = arith.constant 0 : i32
    %dma_start3A_1193 = tpu.memref_slice %arg4[%add3A_1186, %dma_start3A_1192] : memref<819200x32xf32, #tpu.memory_space<hbm>> -> memref<800x32xf32, #tpu.memory_space<hbm>>
    %dma_start3A_1194 = arith.constant 0 : i32
    %dma_start3A_1195 = arith.constant 0 : i32
    %dma_start3A_1196 = tpu.memref_slice %arg9[%dma_start3A_1194, %dma_start3A_1195] : memref<800x32xf32, #tpu.memory_space<vmem>> -> memref<800x32xf32, #tpu.memory_space<vmem>>
    tpu.enqueue_dma source(%dma_start3A_1196 : memref<800x32xf32, #tpu.memory_space<vmem>>) target(%dma_start3A_1193 : memref<800x32xf32, #tpu.memory_space<hbm>>) target_semaphore(%arg21 : memref<!tpu.dma_semaphore, #tpu.memory_space<semaphore_mem>>)
    %add3A_1197 = arith.constant 19200 : i32
    %add3A_1198 = arith.addi %mul3A_2, %add3A_1197 : i32
    %dma_start3A_1199 = arith.constant 0 : i32
    %dma_start3A_1200 = tpu.memref_slice %arg5[%dma_start3A_1199] : memref<800xi32, #tpu.memory_space<vmem>> -> memref<800xi32, #tpu.memory_space<vmem>>
    %dma_start3A_1201 = tpu.memref_slice %arg2[%add3A_1198] : memref<819200xi32, #tpu.memory_space<hbm>> -> memref<800xi32, #tpu.memory_space<hbm>>
    %dma_start3A_1202 = arith.constant 0 : i32
    %dma_start3A_1203 = tpu.memref_slice %arg5[%dma_start3A_1202] : memref<800xi32, #tpu.memory_space<vmem>> -> memref<800xi32, #tpu.memory_space<vmem>>
    %dma_start3A_1204 = tpu.memref_slice %arg2[%add3A_1198] : memref<819200xi32, #tpu.memory_space<hbm>> -> memref<800xi32, #tpu.memory_space<hbm>>
    tpu.enqueue_dma source(%dma_start3A_1204 : memref<800xi32, #tpu.memory_space<hbm>>) target(%dma_start3A_1203 : memref<800xi32, #tpu.memory_space<vmem>>) target_semaphore(%arg13 : memref<!tpu.dma_semaphore, #tpu.memory_space<semaphore_mem>>)
    %dma_wait3A_1205 = arith.constant 0 : i32
    %dma_wait3A_1206 = arith.constant 0 : i32
    %dma_wait3A_1207 = tpu.memref_slice %arg9[%dma_wait3A_1205, %dma_wait3A_1206] : memref<800x32xf32, #tpu.memory_space<vmem>> -> memref<800x32xf32, #tpu.memory_space<vmem>>
    %dma_wait3A_1208 = arith.constant 0 : i32
    %dma_wait3A_1209 = tpu.memref_slice %arg4[%add3A_1186, %dma_wait3A_1208] : memref<819200x32xf32, #tpu.memory_space<hbm>> -> memref<800x32xf32, #tpu.memory_space<hbm>>
    %dma_wait3A_1210 = arith.constant 0 : i32
    %dma_wait3A_1211 = tpu.memref_slice %arg4[%add3A_1186, %dma_wait3A_1210] : memref<819200x32xf32, #tpu.memory_space<hbm>> -> memref<800x32xf32, #tpu.memory_space<hbm>>
    %dma_wait3A_1212 = arith.constant 0 : i32
    %dma_wait3A_1213 = arith.constant 0 : i32
    %dma_wait3A_1214 = tpu.memref_slice %arg9[%dma_wait3A_1212, %dma_wait3A_1213] : memref<800x32xf32, #tpu.memory_space<vmem>> -> memref<800x32xf32, #tpu.memory_space<vmem>>
    tpu.wait_dma2 semaphore(%arg21 : memref<!tpu.dma_semaphore, #tpu.memory_space<semaphore_mem>>) src(%dma_wait3A_1214 : memref<800x32xf32, #tpu.memory_space<vmem>>) dst(%dma_wait3A_1211 : memref<800x32xf32, #tpu.memory_space<hbm>>)
    %add3A_1215 = arith.constant 19200 : i32
    %add3A_1216 = arith.addi %mul3A_2, %add3A_1215 : i32
    %dma_wait3A_1217 = arith.constant 0 : i32
    %dma_wait3A_1218 = tpu.memref_slice %arg5[%dma_wait3A_1217] : memref<800xi32, #tpu.memory_space<vmem>> -> memref<800xi32, #tpu.memory_space<vmem>>
    %dma_wait3A_1219 = tpu.memref_slice %arg2[%add3A_1216] : memref<819200xi32, #tpu.memory_space<hbm>> -> memref<800xi32, #tpu.memory_space<hbm>>
    %dma_wait3A_1220 = arith.constant 0 : i32
    %dma_wait3A_1221 = tpu.memref_slice %arg5[%dma_wait3A_1220] : memref<800xi32, #tpu.memory_space<vmem>> -> memref<800xi32, #tpu.memory_space<vmem>>
    %dma_wait3A_1222 = tpu.memref_slice %arg2[%add3A_1216] : memref<819200xi32, #tpu.memory_space<hbm>> -> memref<800xi32, #tpu.memory_space<hbm>>
    tpu.wait_dma2 semaphore(%arg13 : memref<!tpu.dma_semaphore, #tpu.memory_space<semaphore_mem>>) src(%dma_wait3A_1222 : memref<800xi32, #tpu.memory_space<hbm>>) dst(%dma_wait3A_1221 : memref<800xi32, #tpu.memory_space<vmem>>)
    %dma_start3A_1223 = arith.constant 0 : i32
    %dma_start3A_1224 = arith.constant 0 : i32
    %dma_start3A_1225 = tpu.memref_slice %arg9[%dma_start3A_1223, %dma_start3A_1224] : memref<800x32xf32, #tpu.memory_space<vmem>> -> memref<800x32xf32, #tpu.memory_space<vmem>>
    %dma_start3A_1226 = arith.constant 0 : i32
    %dma_start3A_1227 = tpu.memref_slice %arg5[%dma_start3A_1226] : memref<800xi32, #tpu.memory_space<vmem>> -> memref<800xi32, #tpu.memory_space<vmem>>
    %dma_start3A_1228 = arith.constant 0 : i32
    %dma_start3A_1229 = arith.constant 0 : i32
    %dma_start3A_1230 = tpu.memref_slice %arg3[%dma_start3A_1228, %dma_start3A_1229] : memref<1000000x32xf32, #tpu.memory_space<hbm>> -> memref<1000000x32xf32, #tpu.memory_space<hbm>>
    tpu.enqueue_indirect_dma source(%dma_start3A_1230 : memref<1000000x32xf32, #tpu.memory_space<hbm>>) target(%dma_start3A_1225 : memref<800x32xf32, #tpu.memory_space<vmem>>) offsets(%dma_start3A_1227 : memref<800xi32, #tpu.memory_space<vmem>>) semaphore(%arg17 : memref<!tpu.dma_semaphore, #tpu.memory_space<semaphore_mem>>)
    %dma_wait3A_1231 = arith.constant 0 : i32
    %dma_wait3A_1232 = arith.constant 0 : i32
    %dma_wait3A_1233 = tpu.memref_slice %arg10[%dma_wait3A_1231, %dma_wait3A_1232] : memref<800x32xf32, #tpu.memory_space<vmem>> -> memref<800x32xf32, #tpu.memory_space<vmem>>
    %dma_wait3A_1234 = arith.constant 0 : i32
    %dma_wait3A_1235 = tpu.memref_slice %arg6[%dma_wait3A_1234] : memref<800xi32, #tpu.memory_space<vmem>> -> memref<800xi32, #tpu.memory_space<vmem>>
    %dma_wait3A_1236 = arith.constant 0 : i32
    %dma_wait3A_1237 = arith.constant 0 : i32
    %dma_wait3A_1238 = tpu.memref_slice %arg3[%dma_wait3A_1236, %dma_wait3A_1237] : memref<1000000x32xf32, #tpu.memory_space<hbm>> -> memref<1000000x32xf32, #tpu.memory_space<hbm>>
    tpu.wait_indirect_dma semaphore(%arg18 : memref<!tpu.dma_semaphore, #tpu.memory_space<semaphore_mem>>) src(%dma_wait3A_1238 : memref<1000000x32xf32, #tpu.memory_space<hbm>>) dst(%dma_wait3A_1233 : memref<800x32xf32, #tpu.memory_space<vmem>>)
    %add3A_1239 = arith.constant 16800 : i32
    %add3A_1240 = arith.addi %mul3A_2, %add3A_1239 : i32
    %dma_start3A_1241 = arith.constant 0 : i32
    %dma_start3A_1242 = arith.constant 0 : i32
    %dma_start3A_1243 = tpu.memref_slice %arg10[%dma_start3A_1241, %dma_start3A_1242] : memref<800x32xf32, #tpu.memory_space<vmem>> -> memref<800x32xf32, #tpu.memory_space<vmem>>
    %dma_start3A_1244 = arith.constant 0 : i32
    %dma_start3A_1245 = tpu.memref_slice %arg4[%add3A_1240, %dma_start3A_1244] : memref<819200x32xf32, #tpu.memory_space<hbm>> -> memref<800x32xf32, #tpu.memory_space<hbm>>
    %dma_start3A_1246 = arith.constant 0 : i32
    %dma_start3A_1247 = tpu.memref_slice %arg4[%add3A_1240, %dma_start3A_1246] : memref<819200x32xf32, #tpu.memory_space<hbm>> -> memref<800x32xf32, #tpu.memory_space<hbm>>
    %dma_start3A_1248 = arith.constant 0 : i32
    %dma_start3A_1249 = arith.constant 0 : i32
    %dma_start3A_1250 = tpu.memref_slice %arg10[%dma_start3A_1248, %dma_start3A_1249] : memref<800x32xf32, #tpu.memory_space<vmem>> -> memref<800x32xf32, #tpu.memory_space<vmem>>
    tpu.enqueue_dma source(%dma_start3A_1250 : memref<800x32xf32, #tpu.memory_space<vmem>>) target(%dma_start3A_1247 : memref<800x32xf32, #tpu.memory_space<hbm>>) target_semaphore(%arg22 : memref<!tpu.dma_semaphore, #tpu.memory_space<semaphore_mem>>)
    %add3A_1251 = arith.constant 20000 : i32
    %add3A_1252 = arith.addi %mul3A_2, %add3A_1251 : i32
    %dma_start3A_1253 = arith.constant 0 : i32
    %dma_start3A_1254 = tpu.memref_slice %arg6[%dma_start3A_1253] : memref<800xi32, #tpu.memory_space<vmem>> -> memref<800xi32, #tpu.memory_space<vmem>>
    %dma_start3A_1255 = tpu.memref_slice %arg2[%add3A_1252] : memref<819200xi32, #tpu.memory_space<hbm>> -> memref<800xi32, #tpu.memory_space<hbm>>
    %dma_start3A_1256 = arith.constant 0 : i32
    %dma_start3A_1257 = tpu.memref_slice %arg6[%dma_start3A_1256] : memref<800xi32, #tpu.memory_space<vmem>> -> memref<800xi32, #tpu.memory_space<vmem>>
    %dma_start3A_1258 = tpu.memref_slice %arg2[%add3A_1252] : memref<819200xi32, #tpu.memory_space<hbm>> -> memref<800xi32, #tpu.memory_space<hbm>>
    tpu.enqueue_dma source(%dma_start3A_1258 : memref<800xi32, #tpu.memory_space<hbm>>) target(%dma_start3A_1257 : memref<800xi32, #tpu.memory_space<vmem>>) target_semaphore(%arg14 : memref<!tpu.dma_semaphore, #tpu.memory_space<semaphore_mem>>)
    %dma_wait3A_1259 = arith.constant 0 : i32
    %dma_wait3A_1260 = arith.constant 0 : i32
    %dma_wait3A_1261 = tpu.memref_slice %arg10[%dma_wait3A_1259, %dma_wait3A_1260] : memref<800x32xf32, #tpu.memory_space<vmem>> -> memref<800x32xf32, #tpu.memory_space<vmem>>
    %dma_wait3A_1262 = arith.constant 0 : i32
    %dma_wait3A_1263 = tpu.memref_slice %arg4[%add3A_1240, %dma_wait3A_1262] : memref<819200x32xf32, #tpu.memory_space<hbm>> -> memref<800x32xf32, #tpu.memory_space<hbm>>
    %dma_wait3A_1264 = arith.constant 0 : i32
    %dma_wait3A_1265 = tpu.memref_slice %arg4[%add3A_1240, %dma_wait3A_1264] : memref<819200x32xf32, #tpu.memory_space<hbm>> -> memref<800x32xf32, #tpu.memory_space<hbm>>
    %dma_wait3A_1266 = arith.constant 0 : i32
    %dma_wait3A_1267 = arith.constant 0 : i32
    %dma_wait3A_1268 = tpu.memref_slice %arg10[%dma_wait3A_1266, %dma_wait3A_1267] : memref<800x32xf32, #tpu.memory_space<vmem>> -> memref<800x32xf32, #tpu.memory_space<vmem>>
    tpu.wait_dma2 semaphore(%arg22 : memref<!tpu.dma_semaphore, #tpu.memory_space<semaphore_mem>>) src(%dma_wait3A_1268 : memref<800x32xf32, #tpu.memory_space<vmem>>) dst(%dma_wait3A_1265 : memref<800x32xf32, #tpu.memory_space<hbm>>)
    %add3A_1269 = arith.constant 20000 : i32
    %add3A_1270 = arith.addi %mul3A_2, %add3A_1269 : i32
    %dma_wait3A_1271 = arith.constant 0 : i32
    %dma_wait3A_1272 = tpu.memref_slice %arg6[%dma_wait3A_1271] : memref<800xi32, #tpu.memory_space<vmem>> -> memref<800xi32, #tpu.memory_space<vmem>>
    %dma_wait3A_1273 = tpu.memref_slice %arg2[%add3A_1270] : memref<819200xi32, #tpu.memory_space<hbm>> -> memref<800xi32, #tpu.memory_space<hbm>>
    %dma_wait3A_1274 = arith.constant 0 : i32
    %dma_wait3A_1275 = tpu.memref_slice %arg6[%dma_wait3A_1274] : memref<800xi32, #tpu.memory_space<vmem>> -> memref<800xi32, #tpu.memory_space<vmem>>
    %dma_wait3A_1276 = tpu.memref_slice %arg2[%add3A_1270] : memref<819200xi32, #tpu.memory_space<hbm>> -> memref<800xi32, #tpu.memory_space<hbm>>
    tpu.wait_dma2 semaphore(%arg14 : memref<!tpu.dma_semaphore, #tpu.memory_space<semaphore_mem>>) src(%dma_wait3A_1276 : memref<800xi32, #tpu.memory_space<hbm>>) dst(%dma_wait3A_1275 : memref<800xi32, #tpu.memory_space<vmem>>)
    %dma_start3A_1277 = arith.constant 0 : i32
    %dma_start3A_1278 = arith.constant 0 : i32
    %dma_start3A_1279 = tpu.memref_slice %arg10[%dma_start3A_1277, %dma_start3A_1278] : memref<800x32xf32, #tpu.memory_space<vmem>> -> memref<800x32xf32, #tpu.memory_space<vmem>>
    %dma_start3A_1280 = arith.constant 0 : i32
    %dma_start3A_1281 = tpu.memref_slice %arg6[%dma_start3A_1280] : memref<800xi32, #tpu.memory_space<vmem>> -> memref<800xi32, #tpu.memory_space<vmem>>
    %dma_start3A_1282 = arith.constant 0 : i32
    %dma_start3A_1283 = arith.constant 0 : i32
    %dma_start3A_1284 = tpu.memref_slice %arg3[%dma_start3A_1282, %dma_start3A_1283] : memref<1000000x32xf32, #tpu.memory_space<hbm>> -> memref<1000000x32xf32, #tpu.memory_space<hbm>>
    tpu.enqueue_indirect_dma source(%dma_start3A_1284 : memref<1000000x32xf32, #tpu.memory_space<hbm>>) target(%dma_start3A_1279 : memref<800x32xf32, #tpu.memory_space<vmem>>) offsets(%dma_start3A_1281 : memref<800xi32, #tpu.memory_space<vmem>>) semaphore(%arg18 : memref<!tpu.dma_semaphore, #tpu.memory_space<semaphore_mem>>)
    %dma_wait3A_1285 = arith.constant 0 : i32
    %dma_wait3A_1286 = arith.constant 0 : i32
    %dma_wait3A_1287 = tpu.memref_slice %arg11[%dma_wait3A_1285, %dma_wait3A_1286] : memref<800x32xf32, #tpu.memory_space<vmem>> -> memref<800x32xf32, #tpu.memory_space<vmem>>
    %dma_wait3A_1288 = arith.constant 0 : i32
    %dma_wait3A_1289 = tpu.memref_slice %arg7[%dma_wait3A_1288] : memref<800xi32, #tpu.memory_space<vmem>> -> memref<800xi32, #tpu.memory_space<vmem>>
    %dma_wait3A_1290 = arith.constant 0 : i32
    %dma_wait3A_1291 = arith.constant 0 : i32
    %dma_wait3A_1292 = tpu.memref_slice %arg3[%dma_wait3A_1290, %dma_wait3A_1291] : memref<1000000x32xf32, #tpu.memory_space<hbm>> -> memref<1000000x32xf32, #tpu.memory_space<hbm>>
    tpu.wait_indirect_dma semaphore(%arg19 : memref<!tpu.dma_semaphore, #tpu.memory_space<semaphore_mem>>) src(%dma_wait3A_1292 : memref<1000000x32xf32, #tpu.memory_space<hbm>>) dst(%dma_wait3A_1287 : memref<800x32xf32, #tpu.memory_space<vmem>>)
    %add3A_1293 = arith.constant 17600 : i32
    %add3A_1294 = arith.addi %mul3A_2, %add3A_1293 : i32
    %dma_start3A_1295 = arith.constant 0 : i32
    %dma_start3A_1296 = arith.constant 0 : i32
    %dma_start3A_1297 = tpu.memref_slice %arg11[%dma_start3A_1295, %dma_start3A_1296] : memref<800x32xf32, #tpu.memory_space<vmem>> -> memref<800x32xf32, #tpu.memory_space<vmem>>
    %dma_start3A_1298 = arith.constant 0 : i32
    %dma_start3A_1299 = tpu.memref_slice %arg4[%add3A_1294, %dma_start3A_1298] : memref<819200x32xf32, #tpu.memory_space<hbm>> -> memref<800x32xf32, #tpu.memory_space<hbm>>
    %dma_start3A_1300 = arith.constant 0 : i32
    %dma_start3A_1301 = tpu.memref_slice %arg4[%add3A_1294, %dma_start3A_1300] : memref<819200x32xf32, #tpu.memory_space<hbm>> -> memref<800x32xf32, #tpu.memory_space<hbm>>
    %dma_start3A_1302 = arith.constant 0 : i32
    %dma_start3A_1303 = arith.constant 0 : i32
    %dma_start3A_1304 = tpu.memref_slice %arg11[%dma_start3A_1302, %dma_start3A_1303] : memref<800x32xf32, #tpu.memory_space<vmem>> -> memref<800x32xf32, #tpu.memory_space<vmem>>
    tpu.enqueue_dma source(%dma_start3A_1304 : memref<800x32xf32, #tpu.memory_space<vmem>>) target(%dma_start3A_1301 : memref<800x32xf32, #tpu.memory_space<hbm>>) target_semaphore(%arg23 : memref<!tpu.dma_semaphore, #tpu.memory_space<semaphore_mem>>)
    %add3A_1305 = arith.constant 20800 : i32
    %add3A_1306 = arith.addi %mul3A_2, %add3A_1305 : i32
    %dma_start3A_1307 = arith.constant 0 : i32
    %dma_start3A_1308 = tpu.memref_slice %arg7[%dma_start3A_1307] : memref<800xi32, #tpu.memory_space<vmem>> -> memref<800xi32, #tpu.memory_space<vmem>>
    %dma_start3A_1309 = tpu.memref_slice %arg2[%add3A_1306] : memref<819200xi32, #tpu.memory_space<hbm>> -> memref<800xi32, #tpu.memory_space<hbm>>
    %dma_start3A_1310 = arith.constant 0 : i32
    %dma_start3A_1311 = tpu.memref_slice %arg7[%dma_start3A_1310] : memref<800xi32, #tpu.memory_space<vmem>> -> memref<800xi32, #tpu.memory_space<vmem>>
    %dma_start3A_1312 = tpu.memref_slice %arg2[%add3A_1306] : memref<819200xi32, #tpu.memory_space<hbm>> -> memref<800xi32, #tpu.memory_space<hbm>>
    tpu.enqueue_dma source(%dma_start3A_1312 : memref<800xi32, #tpu.memory_space<hbm>>) target(%dma_start3A_1311 : memref<800xi32, #tpu.memory_space<vmem>>) target_semaphore(%arg15 : memref<!tpu.dma_semaphore, #tpu.memory_space<semaphore_mem>>)
    %dma_wait3A_1313 = arith.constant 0 : i32
    %dma_wait3A_1314 = arith.constant 0 : i32
    %dma_wait3A_1315 = tpu.memref_slice %arg11[%dma_wait3A_1313, %dma_wait3A_1314] : memref<800x32xf32, #tpu.memory_space<vmem>> -> memref<800x32xf32, #tpu.memory_space<vmem>>
    %dma_wait3A_1316 = arith.constant 0 : i32
    %dma_wait3A_1317 = tpu.memref_slice %arg4[%add3A_1294, %dma_wait3A_1316] : memref<819200x32xf32, #tpu.memory_space<hbm>> -> memref<800x32xf32, #tpu.memory_space<hbm>>
    %dma_wait3A_1318 = arith.constant 0 : i32
    %dma_wait3A_1319 = tpu.memref_slice %arg4[%add3A_1294, %dma_wait3A_1318] : memref<819200x32xf32, #tpu.memory_space<hbm>> -> memref<800x32xf32, #tpu.memory_space<hbm>>
    %dma_wait3A_1320 = arith.constant 0 : i32
    %dma_wait3A_1321 = arith.constant 0 : i32
    %dma_wait3A_1322 = tpu.memref_slice %arg11[%dma_wait3A_1320, %dma_wait3A_1321] : memref<800x32xf32, #tpu.memory_space<vmem>> -> memref<800x32xf32, #tpu.memory_space<vmem>>
    tpu.wait_dma2 semaphore(%arg23 : memref<!tpu.dma_semaphore, #tpu.memory_space<semaphore_mem>>) src(%dma_wait3A_1322 : memref<800x32xf32, #tpu.memory_space<vmem>>) dst(%dma_wait3A_1319 : memref<800x32xf32, #tpu.memory_space<hbm>>)
    %add3A_1323 = arith.constant 20800 : i32
    %add3A_1324 = arith.addi %mul3A_2, %add3A_1323 : i32
    %dma_wait3A_1325 = arith.constant 0 : i32
    %dma_wait3A_1326 = tpu.memref_slice %arg7[%dma_wait3A_1325] : memref<800xi32, #tpu.memory_space<vmem>> -> memref<800xi32, #tpu.memory_space<vmem>>
    %dma_wait3A_1327 = tpu.memref_slice %arg2[%add3A_1324] : memref<819200xi32, #tpu.memory_space<hbm>> -> memref<800xi32, #tpu.memory_space<hbm>>
    %dma_wait3A_1328 = arith.constant 0 : i32
    %dma_wait3A_1329 = tpu.memref_slice %arg7[%dma_wait3A_1328] : memref<800xi32, #tpu.memory_space<vmem>> -> memref<800xi32, #tpu.memory_space<vmem>>
    %dma_wait3A_1330 = tpu.memref_slice %arg2[%add3A_1324] : memref<819200xi32, #tpu.memory_space<hbm>> -> memref<800xi32, #tpu.memory_space<hbm>>
    tpu.wait_dma2 semaphore(%arg15 : memref<!tpu.dma_semaphore, #tpu.memory_space<semaphore_mem>>) src(%dma_wait3A_1330 : memref<800xi32, #tpu.memory_space<hbm>>) dst(%dma_wait3A_1329 : memref<800xi32, #tpu.memory_space<vmem>>)
    %dma_start3A_1331 = arith.constant 0 : i32
    %dma_start3A_1332 = arith.constant 0 : i32
    %dma_start3A_1333 = tpu.memref_slice %arg11[%dma_start3A_1331, %dma_start3A_1332] : memref<800x32xf32, #tpu.memory_space<vmem>> -> memref<800x32xf32, #tpu.memory_space<vmem>>
    %dma_start3A_1334 = arith.constant 0 : i32
    %dma_start3A_1335 = tpu.memref_slice %arg7[%dma_start3A_1334] : memref<800xi32, #tpu.memory_space<vmem>> -> memref<800xi32, #tpu.memory_space<vmem>>
    %dma_start3A_1336 = arith.constant 0 : i32
    %dma_start3A_1337 = arith.constant 0 : i32
    %dma_start3A_1338 = tpu.memref_slice %arg3[%dma_start3A_1336, %dma_start3A_1337] : memref<1000000x32xf32, #tpu.memory_space<hbm>> -> memref<1000000x32xf32, #tpu.memory_space<hbm>>
    tpu.enqueue_indirect_dma source(%dma_start3A_1338 : memref<1000000x32xf32, #tpu.memory_space<hbm>>) target(%dma_start3A_1333 : memref<800x32xf32, #tpu.memory_space<vmem>>) offsets(%dma_start3A_1335 : memref<800xi32, #tpu.memory_space<vmem>>) semaphore(%arg19 : memref<!tpu.dma_semaphore, #tpu.memory_space<semaphore_mem>>)
    %dma_wait3A_1339 = arith.constant 0 : i32
    %dma_wait3A_1340 = arith.constant 0 : i32
    %dma_wait3A_1341 = tpu.memref_slice %arg12[%dma_wait3A_1339, %dma_wait3A_1340] : memref<800x32xf32, #tpu.memory_space<vmem>> -> memref<800x32xf32, #tpu.memory_space<vmem>>
    %dma_wait3A_1342 = arith.constant 0 : i32
    %dma_wait3A_1343 = tpu.memref_slice %arg8[%dma_wait3A_1342] : memref<800xi32, #tpu.memory_space<vmem>> -> memref<800xi32, #tpu.memory_space<vmem>>
    %dma_wait3A_1344 = arith.constant 0 : i32
    %dma_wait3A_1345 = arith.constant 0 : i32
    %dma_wait3A_1346 = tpu.memref_slice %arg3[%dma_wait3A_1344, %dma_wait3A_1345] : memref<1000000x32xf32, #tpu.memory_space<hbm>> -> memref<1000000x32xf32, #tpu.memory_space<hbm>>
    tpu.wait_indirect_dma semaphore(%arg20 : memref<!tpu.dma_semaphore, #tpu.memory_space<semaphore_mem>>) src(%dma_wait3A_1346 : memref<1000000x32xf32, #tpu.memory_space<hbm>>) dst(%dma_wait3A_1341 : memref<800x32xf32, #tpu.memory_space<vmem>>)
    %add3A_1347 = arith.constant 18400 : i32
    %add3A_1348 = arith.addi %mul3A_2, %add3A_1347 : i32
    %dma_start3A_1349 = arith.constant 0 : i32
    %dma_start3A_1350 = arith.constant 0 : i32
    %dma_start3A_1351 = tpu.memref_slice %arg12[%dma_start3A_1349, %dma_start3A_1350] : memref<800x32xf32, #tpu.memory_space<vmem>> -> memref<800x32xf32, #tpu.memory_space<vmem>>
    %dma_start3A_1352 = arith.constant 0 : i32
    %dma_start3A_1353 = tpu.memref_slice %arg4[%add3A_1348, %dma_start3A_1352] : memref<819200x32xf32, #tpu.memory_space<hbm>> -> memref<800x32xf32, #tpu.memory_space<hbm>>
    %dma_start3A_1354 = arith.constant 0 : i32
    %dma_start3A_1355 = tpu.memref_slice %arg4[%add3A_1348, %dma_start3A_1354] : memref<819200x32xf32, #tpu.memory_space<hbm>> -> memref<800x32xf32, #tpu.memory_space<hbm>>
    %dma_start3A_1356 = arith.constant 0 : i32
    %dma_start3A_1357 = arith.constant 0 : i32
    %dma_start3A_1358 = tpu.memref_slice %arg12[%dma_start3A_1356, %dma_start3A_1357] : memref<800x32xf32, #tpu.memory_space<vmem>> -> memref<800x32xf32, #tpu.memory_space<vmem>>
    tpu.enqueue_dma source(%dma_start3A_1358 : memref<800x32xf32, #tpu.memory_space<vmem>>) target(%dma_start3A_1355 : memref<800x32xf32, #tpu.memory_space<hbm>>) target_semaphore(%arg24 : memref<!tpu.dma_semaphore, #tpu.memory_space<semaphore_mem>>)
    %add3A_1359 = arith.constant 21600 : i32
    %add3A_1360 = arith.addi %mul3A_2, %add3A_1359 : i32
    %dma_start3A_1361 = arith.constant 0 : i32
    %dma_start3A_1362 = tpu.memref_slice %arg8[%dma_start3A_1361] : memref<800xi32, #tpu.memory_space<vmem>> -> memref<800xi32, #tpu.memory_space<vmem>>
    %dma_start3A_1363 = tpu.memref_slice %arg2[%add3A_1360] : memref<819200xi32, #tpu.memory_space<hbm>> -> memref<800xi32, #tpu.memory_space<hbm>>
    %dma_start3A_1364 = arith.constant 0 : i32
    %dma_start3A_1365 = tpu.memref_slice %arg8[%dma_start3A_1364] : memref<800xi32, #tpu.memory_space<vmem>> -> memref<800xi32, #tpu.memory_space<vmem>>
    %dma_start3A_1366 = tpu.memref_slice %arg2[%add3A_1360] : memref<819200xi32, #tpu.memory_space<hbm>> -> memref<800xi32, #tpu.memory_space<hbm>>
    tpu.enqueue_dma source(%dma_start3A_1366 : memref<800xi32, #tpu.memory_space<hbm>>) target(%dma_start3A_1365 : memref<800xi32, #tpu.memory_space<vmem>>) target_semaphore(%arg16 : memref<!tpu.dma_semaphore, #tpu.memory_space<semaphore_mem>>)
    %dma_wait3A_1367 = arith.constant 0 : i32
    %dma_wait3A_1368 = arith.constant 0 : i32
    %dma_wait3A_1369 = tpu.memref_slice %arg12[%dma_wait3A_1367, %dma_wait3A_1368] : memref<800x32xf32, #tpu.memory_space<vmem>> -> memref<800x32xf32, #tpu.memory_space<vmem>>
    %dma_wait3A_1370 = arith.constant 0 : i32
    %dma_wait3A_1371 = tpu.memref_slice %arg4[%add3A_1348, %dma_wait3A_1370] : memref<819200x32xf32, #tpu.memory_space<hbm>> -> memref<800x32xf32, #tpu.memory_space<hbm>>
    %dma_wait3A_1372 = arith.constant 0 : i32
    %dma_wait3A_1373 = tpu.memref_slice %arg4[%add3A_1348, %dma_wait3A_1372] : memref<819200x32xf32, #tpu.memory_space<hbm>> -> memref<800x32xf32, #tpu.memory_space<hbm>>
    %dma_wait3A_1374 = arith.constant 0 : i32
    %dma_wait3A_1375 = arith.constant 0 : i32
    %dma_wait3A_1376 = tpu.memref_slice %arg12[%dma_wait3A_1374, %dma_wait3A_1375] : memref<800x32xf32, #tpu.memory_space<vmem>> -> memref<800x32xf32, #tpu.memory_space<vmem>>
    tpu.wait_dma2 semaphore(%arg24 : memref<!tpu.dma_semaphore, #tpu.memory_space<semaphore_mem>>) src(%dma_wait3A_1376 : memref<800x32xf32, #tpu.memory_space<vmem>>) dst(%dma_wait3A_1373 : memref<800x32xf32, #tpu.memory_space<hbm>>)
    %add3A_1377 = arith.constant 21600 : i32
    %add3A_1378 = arith.addi %mul3A_2, %add3A_1377 : i32
    %dma_wait3A_1379 = arith.constant 0 : i32
    %dma_wait3A_1380 = tpu.memref_slice %arg8[%dma_wait3A_1379] : memref<800xi32, #tpu.memory_space<vmem>> -> memref<800xi32, #tpu.memory_space<vmem>>
    %dma_wait3A_1381 = tpu.memref_slice %arg2[%add3A_1378] : memref<819200xi32, #tpu.memory_space<hbm>> -> memref<800xi32, #tpu.memory_space<hbm>>
    %dma_wait3A_1382 = arith.constant 0 : i32
    %dma_wait3A_1383 = tpu.memref_slice %arg8[%dma_wait3A_1382] : memref<800xi32, #tpu.memory_space<vmem>> -> memref<800xi32, #tpu.memory_space<vmem>>
    %dma_wait3A_1384 = tpu.memref_slice %arg2[%add3A_1378] : memref<819200xi32, #tpu.memory_space<hbm>> -> memref<800xi32, #tpu.memory_space<hbm>>
    tpu.wait_dma2 semaphore(%arg16 : memref<!tpu.dma_semaphore, #tpu.memory_space<semaphore_mem>>) src(%dma_wait3A_1384 : memref<800xi32, #tpu.memory_space<hbm>>) dst(%dma_wait3A_1383 : memref<800xi32, #tpu.memory_space<vmem>>)
    %dma_start3A_1385 = arith.constant 0 : i32
    %dma_start3A_1386 = arith.constant 0 : i32
    %dma_start3A_1387 = tpu.memref_slice %arg12[%dma_start3A_1385, %dma_start3A_1386] : memref<800x32xf32, #tpu.memory_space<vmem>> -> memref<800x32xf32, #tpu.memory_space<vmem>>
    %dma_start3A_1388 = arith.constant 0 : i32
    %dma_start3A_1389 = tpu.memref_slice %arg8[%dma_start3A_1388] : memref<800xi32, #tpu.memory_space<vmem>> -> memref<800xi32, #tpu.memory_space<vmem>>
    %dma_start3A_1390 = arith.constant 0 : i32
    %dma_start3A_1391 = arith.constant 0 : i32
    %dma_start3A_1392 = tpu.memref_slice %arg3[%dma_start3A_1390, %dma_start3A_1391] : memref<1000000x32xf32, #tpu.memory_space<hbm>> -> memref<1000000x32xf32, #tpu.memory_space<hbm>>
    tpu.enqueue_indirect_dma source(%dma_start3A_1392 : memref<1000000x32xf32, #tpu.memory_space<hbm>>) target(%dma_start3A_1387 : memref<800x32xf32, #tpu.memory_space<vmem>>) offsets(%dma_start3A_1389 : memref<800xi32, #tpu.memory_space<vmem>>) semaphore(%arg20 : memref<!tpu.dma_semaphore, #tpu.memory_space<semaphore_mem>>)
    %dma_wait3A_1393 = arith.constant 0 : i32
    %dma_wait3A_1394 = arith.constant 0 : i32
    %dma_wait3A_1395 = tpu.memref_slice %arg9[%dma_wait3A_1393, %dma_wait3A_1394] : memref<800x32xf32, #tpu.memory_space<vmem>> -> memref<800x32xf32, #tpu.memory_space<vmem>>
    %dma_wait3A_1396 = arith.constant 0 : i32
    %dma_wait3A_1397 = tpu.memref_slice %arg5[%dma_wait3A_1396] : memref<800xi32, #tpu.memory_space<vmem>> -> memref<800xi32, #tpu.memory_space<vmem>>
    %dma_wait3A_1398 = arith.constant 0 : i32
    %dma_wait3A_1399 = arith.constant 0 : i32
    %dma_wait3A_1400 = tpu.memref_slice %arg3[%dma_wait3A_1398, %dma_wait3A_1399] : memref<1000000x32xf32, #tpu.memory_space<hbm>> -> memref<1000000x32xf32, #tpu.memory_space<hbm>>
    tpu.wait_indirect_dma semaphore(%arg17 : memref<!tpu.dma_semaphore, #tpu.memory_space<semaphore_mem>>) src(%dma_wait3A_1400 : memref<1000000x32xf32, #tpu.memory_space<hbm>>) dst(%dma_wait3A_1395 : memref<800x32xf32, #tpu.memory_space<vmem>>)
    %add3A_1401 = arith.constant 19200 : i32
    %add3A_1402 = arith.addi %mul3A_2, %add3A_1401 : i32
    %dma_start3A_1403 = arith.constant 0 : i32
    %dma_start3A_1404 = arith.constant 0 : i32
    %dma_start3A_1405 = tpu.memref_slice %arg9[%dma_start3A_1403, %dma_start3A_1404] : memref<800x32xf32, #tpu.memory_space<vmem>> -> memref<800x32xf32, #tpu.memory_space<vmem>>
    %dma_start3A_1406 = arith.constant 0 : i32
    %dma_start3A_1407 = tpu.memref_slice %arg4[%add3A_1402, %dma_start3A_1406] : memref<819200x32xf32, #tpu.memory_space<hbm>> -> memref<800x32xf32, #tpu.memory_space<hbm>>
    %dma_start3A_1408 = arith.constant 0 : i32
    %dma_start3A_1409 = tpu.memref_slice %arg4[%add3A_1402, %dma_start3A_1408] : memref<819200x32xf32, #tpu.memory_space<hbm>> -> memref<800x32xf32, #tpu.memory_space<hbm>>
    %dma_start3A_1410 = arith.constant 0 : i32
    %dma_start3A_1411 = arith.constant 0 : i32
    %dma_start3A_1412 = tpu.memref_slice %arg9[%dma_start3A_1410, %dma_start3A_1411] : memref<800x32xf32, #tpu.memory_space<vmem>> -> memref<800x32xf32, #tpu.memory_space<vmem>>
    tpu.enqueue_dma source(%dma_start3A_1412 : memref<800x32xf32, #tpu.memory_space<vmem>>) target(%dma_start3A_1409 : memref<800x32xf32, #tpu.memory_space<hbm>>) target_semaphore(%arg21 : memref<!tpu.dma_semaphore, #tpu.memory_space<semaphore_mem>>)
    %add3A_1413 = arith.constant 22400 : i32
    %add3A_1414 = arith.addi %mul3A_2, %add3A_1413 : i32
    %dma_start3A_1415 = arith.constant 0 : i32
    %dma_start3A_1416 = tpu.memref_slice %arg5[%dma_start3A_1415] : memref<800xi32, #tpu.memory_space<vmem>> -> memref<800xi32, #tpu.memory_space<vmem>>
    %dma_start3A_1417 = tpu.memref_slice %arg2[%add3A_1414] : memref<819200xi32, #tpu.memory_space<hbm>> -> memref<800xi32, #tpu.memory_space<hbm>>
    %dma_start3A_1418 = arith.constant 0 : i32
    %dma_start3A_1419 = tpu.memref_slice %arg5[%dma_start3A_1418] : memref<800xi32, #tpu.memory_space<vmem>> -> memref<800xi32, #tpu.memory_space<vmem>>
    %dma_start3A_1420 = tpu.memref_slice %arg2[%add3A_1414] : memref<819200xi32, #tpu.memory_space<hbm>> -> memref<800xi32, #tpu.memory_space<hbm>>
    tpu.enqueue_dma source(%dma_start3A_1420 : memref<800xi32, #tpu.memory_space<hbm>>) target(%dma_start3A_1419 : memref<800xi32, #tpu.memory_space<vmem>>) target_semaphore(%arg13 : memref<!tpu.dma_semaphore, #tpu.memory_space<semaphore_mem>>)
    %dma_wait3A_1421 = arith.constant 0 : i32
    %dma_wait3A_1422 = arith.constant 0 : i32
    %dma_wait3A_1423 = tpu.memref_slice %arg9[%dma_wait3A_1421, %dma_wait3A_1422] : memref<800x32xf32, #tpu.memory_space<vmem>> -> memref<800x32xf32, #tpu.memory_space<vmem>>
    %dma_wait3A_1424 = arith.constant 0 : i32
    %dma_wait3A_1425 = tpu.memref_slice %arg4[%add3A_1402, %dma_wait3A_1424] : memref<819200x32xf32, #tpu.memory_space<hbm>> -> memref<800x32xf32, #tpu.memory_space<hbm>>
    %dma_wait3A_1426 = arith.constant 0 : i32
    %dma_wait3A_1427 = tpu.memref_slice %arg4[%add3A_1402, %dma_wait3A_1426] : memref<819200x32xf32, #tpu.memory_space<hbm>> -> memref<800x32xf32, #tpu.memory_space<hbm>>
    %dma_wait3A_1428 = arith.constant 0 : i32
    %dma_wait3A_1429 = arith.constant 0 : i32
    %dma_wait3A_1430 = tpu.memref_slice %arg9[%dma_wait3A_1428, %dma_wait3A_1429] : memref<800x32xf32, #tpu.memory_space<vmem>> -> memref<800x32xf32, #tpu.memory_space<vmem>>
    tpu.wait_dma2 semaphore(%arg21 : memref<!tpu.dma_semaphore, #tpu.memory_space<semaphore_mem>>) src(%dma_wait3A_1430 : memref<800x32xf32, #tpu.memory_space<vmem>>) dst(%dma_wait3A_1427 : memref<800x32xf32, #tpu.memory_space<hbm>>)
    %add3A_1431 = arith.constant 22400 : i32
    %add3A_1432 = arith.addi %mul3A_2, %add3A_1431 : i32
    %dma_wait3A_1433 = arith.constant 0 : i32
    %dma_wait3A_1434 = tpu.memref_slice %arg5[%dma_wait3A_1433] : memref<800xi32, #tpu.memory_space<vmem>> -> memref<800xi32, #tpu.memory_space<vmem>>
    %dma_wait3A_1435 = tpu.memref_slice %arg2[%add3A_1432] : memref<819200xi32, #tpu.memory_space<hbm>> -> memref<800xi32, #tpu.memory_space<hbm>>
    %dma_wait3A_1436 = arith.constant 0 : i32
    %dma_wait3A_1437 = tpu.memref_slice %arg5[%dma_wait3A_1436] : memref<800xi32, #tpu.memory_space<vmem>> -> memref<800xi32, #tpu.memory_space<vmem>>
    %dma_wait3A_1438 = tpu.memref_slice %arg2[%add3A_1432] : memref<819200xi32, #tpu.memory_space<hbm>> -> memref<800xi32, #tpu.memory_space<hbm>>
    tpu.wait_dma2 semaphore(%arg13 : memref<!tpu.dma_semaphore, #tpu.memory_space<semaphore_mem>>) src(%dma_wait3A_1438 : memref<800xi32, #tpu.memory_space<hbm>>) dst(%dma_wait3A_1437 : memref<800xi32, #tpu.memory_space<vmem>>)
    %dma_start3A_1439 = arith.constant 0 : i32
    %dma_start3A_1440 = arith.constant 0 : i32
    %dma_start3A_1441 = tpu.memref_slice %arg9[%dma_start3A_1439, %dma_start3A_1440] : memref<800x32xf32, #tpu.memory_space<vmem>> -> memref<800x32xf32, #tpu.memory_space<vmem>>
    %dma_start3A_1442 = arith.constant 0 : i32
    %dma_start3A_1443 = tpu.memref_slice %arg5[%dma_start3A_1442] : memref<800xi32, #tpu.memory_space<vmem>> -> memref<800xi32, #tpu.memory_space<vmem>>
    %dma_start3A_1444 = arith.constant 0 : i32
    %dma_start3A_1445 = arith.constant 0 : i32
    %dma_start3A_1446 = tpu.memref_slice %arg3[%dma_start3A_1444, %dma_start3A_1445] : memref<1000000x32xf32, #tpu.memory_space<hbm>> -> memref<1000000x32xf32, #tpu.memory_space<hbm>>
    tpu.enqueue_indirect_dma source(%dma_start3A_1446 : memref<1000000x32xf32, #tpu.memory_space<hbm>>) target(%dma_start3A_1441 : memref<800x32xf32, #tpu.memory_space<vmem>>) offsets(%dma_start3A_1443 : memref<800xi32, #tpu.memory_space<vmem>>) semaphore(%arg17 : memref<!tpu.dma_semaphore, #tpu.memory_space<semaphore_mem>>)
    %dma_wait3A_1447 = arith.constant 0 : i32
    %dma_wait3A_1448 = arith.constant 0 : i32
    %dma_wait3A_1449 = tpu.memref_slice %arg10[%dma_wait3A_1447, %dma_wait3A_1448] : memref<800x32xf32, #tpu.memory_space<vmem>> -> memref<800x32xf32, #tpu.memory_space<vmem>>
    %dma_wait3A_1450 = arith.constant 0 : i32
    %dma_wait3A_1451 = tpu.memref_slice %arg6[%dma_wait3A_1450] : memref<800xi32, #tpu.memory_space<vmem>> -> memref<800xi32, #tpu.memory_space<vmem>>
    %dma_wait3A_1452 = arith.constant 0 : i32
    %dma_wait3A_1453 = arith.constant 0 : i32
    %dma_wait3A_1454 = tpu.memref_slice %arg3[%dma_wait3A_1452, %dma_wait3A_1453] : memref<1000000x32xf32, #tpu.memory_space<hbm>> -> memref<1000000x32xf32, #tpu.memory_space<hbm>>
    tpu.wait_indirect_dma semaphore(%arg18 : memref<!tpu.dma_semaphore, #tpu.memory_space<semaphore_mem>>) src(%dma_wait3A_1454 : memref<1000000x32xf32, #tpu.memory_space<hbm>>) dst(%dma_wait3A_1449 : memref<800x32xf32, #tpu.memory_space<vmem>>)
    %add3A_1455 = arith.constant 20000 : i32
    %add3A_1456 = arith.addi %mul3A_2, %add3A_1455 : i32
    %dma_start3A_1457 = arith.constant 0 : i32
    %dma_start3A_1458 = arith.constant 0 : i32
    %dma_start3A_1459 = tpu.memref_slice %arg10[%dma_start3A_1457, %dma_start3A_1458] : memref<800x32xf32, #tpu.memory_space<vmem>> -> memref<800x32xf32, #tpu.memory_space<vmem>>
    %dma_start3A_1460 = arith.constant 0 : i32
    %dma_start3A_1461 = tpu.memref_slice %arg4[%add3A_1456, %dma_start3A_1460] : memref<819200x32xf32, #tpu.memory_space<hbm>> -> memref<800x32xf32, #tpu.memory_space<hbm>>
    %dma_start3A_1462 = arith.constant 0 : i32
    %dma_start3A_1463 = tpu.memref_slice %arg4[%add3A_1456, %dma_start3A_1462] : memref<819200x32xf32, #tpu.memory_space<hbm>> -> memref<800x32xf32, #tpu.memory_space<hbm>>
    %dma_start3A_1464 = arith.constant 0 : i32
    %dma_start3A_1465 = arith.constant 0 : i32
    %dma_start3A_1466 = tpu.memref_slice %arg10[%dma_start3A_1464, %dma_start3A_1465] : memref<800x32xf32, #tpu.memory_space<vmem>> -> memref<800x32xf32, #tpu.memory_space<vmem>>
    tpu.enqueue_dma source(%dma_start3A_1466 : memref<800x32xf32, #tpu.memory_space<vmem>>) target(%dma_start3A_1463 : memref<800x32xf32, #tpu.memory_space<hbm>>) target_semaphore(%arg22 : memref<!tpu.dma_semaphore, #tpu.memory_space<semaphore_mem>>)
    %add3A_1467 = arith.constant 23200 : i32
    %add3A_1468 = arith.addi %mul3A_2, %add3A_1467 : i32
    %dma_start3A_1469 = arith.constant 0 : i32
    %dma_start3A_1470 = tpu.memref_slice %arg6[%dma_start3A_1469] : memref<800xi32, #tpu.memory_space<vmem>> -> memref<800xi32, #tpu.memory_space<vmem>>
    %dma_start3A_1471 = tpu.memref_slice %arg2[%add3A_1468] : memref<819200xi32, #tpu.memory_space<hbm>> -> memref<800xi32, #tpu.memory_space<hbm>>
    %dma_start3A_1472 = arith.constant 0 : i32
    %dma_start3A_1473 = tpu.memref_slice %arg6[%dma_start3A_1472] : memref<800xi32, #tpu.memory_space<vmem>> -> memref<800xi32, #tpu.memory_space<vmem>>
    %dma_start3A_1474 = tpu.memref_slice %arg2[%add3A_1468] : memref<819200xi32, #tpu.memory_space<hbm>> -> memref<800xi32, #tpu.memory_space<hbm>>
    tpu.enqueue_dma source(%dma_start3A_1474 : memref<800xi32, #tpu.memory_space<hbm>>) target(%dma_start3A_1473 : memref<800xi32, #tpu.memory_space<vmem>>) target_semaphore(%arg14 : memref<!tpu.dma_semaphore, #tpu.memory_space<semaphore_mem>>)
    %dma_wait3A_1475 = arith.constant 0 : i32
    %dma_wait3A_1476 = arith.constant 0 : i32
    %dma_wait3A_1477 = tpu.memref_slice %arg10[%dma_wait3A_1475, %dma_wait3A_1476] : memref<800x32xf32, #tpu.memory_space<vmem>> -> memref<800x32xf32, #tpu.memory_space<vmem>>
    %dma_wait3A_1478 = arith.constant 0 : i32
    %dma_wait3A_1479 = tpu.memref_slice %arg4[%add3A_1456, %dma_wait3A_1478] : memref<819200x32xf32, #tpu.memory_space<hbm>> -> memref<800x32xf32, #tpu.memory_space<hbm>>
    %dma_wait3A_1480 = arith.constant 0 : i32
    %dma_wait3A_1481 = tpu.memref_slice %arg4[%add3A_1456, %dma_wait3A_1480] : memref<819200x32xf32, #tpu.memory_space<hbm>> -> memref<800x32xf32, #tpu.memory_space<hbm>>
    %dma_wait3A_1482 = arith.constant 0 : i32
    %dma_wait3A_1483 = arith.constant 0 : i32
    %dma_wait3A_1484 = tpu.memref_slice %arg10[%dma_wait3A_1482, %dma_wait3A_1483] : memref<800x32xf32, #tpu.memory_space<vmem>> -> memref<800x32xf32, #tpu.memory_space<vmem>>
    tpu.wait_dma2 semaphore(%arg22 : memref<!tpu.dma_semaphore, #tpu.memory_space<semaphore_mem>>) src(%dma_wait3A_1484 : memref<800x32xf32, #tpu.memory_space<vmem>>) dst(%dma_wait3A_1481 : memref<800x32xf32, #tpu.memory_space<hbm>>)
    %add3A_1485 = arith.constant 23200 : i32
    %add3A_1486 = arith.addi %mul3A_2, %add3A_1485 : i32
    %dma_wait3A_1487 = arith.constant 0 : i32
    %dma_wait3A_1488 = tpu.memref_slice %arg6[%dma_wait3A_1487] : memref<800xi32, #tpu.memory_space<vmem>> -> memref<800xi32, #tpu.memory_space<vmem>>
    %dma_wait3A_1489 = tpu.memref_slice %arg2[%add3A_1486] : memref<819200xi32, #tpu.memory_space<hbm>> -> memref<800xi32, #tpu.memory_space<hbm>>
    %dma_wait3A_1490 = arith.constant 0 : i32
    %dma_wait3A_1491 = tpu.memref_slice %arg6[%dma_wait3A_1490] : memref<800xi32, #tpu.memory_space<vmem>> -> memref<800xi32, #tpu.memory_space<vmem>>
    %dma_wait3A_1492 = tpu.memref_slice %arg2[%add3A_1486] : memref<819200xi32, #tpu.memory_space<hbm>> -> memref<800xi32, #tpu.memory_space<hbm>>
    tpu.wait_dma2 semaphore(%arg14 : memref<!tpu.dma_semaphore, #tpu.memory_space<semaphore_mem>>) src(%dma_wait3A_1492 : memref<800xi32, #tpu.memory_space<hbm>>) dst(%dma_wait3A_1491 : memref<800xi32, #tpu.memory_space<vmem>>)
    %dma_start3A_1493 = arith.constant 0 : i32
    %dma_start3A_1494 = arith.constant 0 : i32
    %dma_start3A_1495 = tpu.memref_slice %arg10[%dma_start3A_1493, %dma_start3A_1494] : memref<800x32xf32, #tpu.memory_space<vmem>> -> memref<800x32xf32, #tpu.memory_space<vmem>>
    %dma_start3A_1496 = arith.constant 0 : i32
    %dma_start3A_1497 = tpu.memref_slice %arg6[%dma_start3A_1496] : memref<800xi32, #tpu.memory_space<vmem>> -> memref<800xi32, #tpu.memory_space<vmem>>
    %dma_start3A_1498 = arith.constant 0 : i32
    %dma_start3A_1499 = arith.constant 0 : i32
    %dma_start3A_1500 = tpu.memref_slice %arg3[%dma_start3A_1498, %dma_start3A_1499] : memref<1000000x32xf32, #tpu.memory_space<hbm>> -> memref<1000000x32xf32, #tpu.memory_space<hbm>>
    tpu.enqueue_indirect_dma source(%dma_start3A_1500 : memref<1000000x32xf32, #tpu.memory_space<hbm>>) target(%dma_start3A_1495 : memref<800x32xf32, #tpu.memory_space<vmem>>) offsets(%dma_start3A_1497 : memref<800xi32, #tpu.memory_space<vmem>>) semaphore(%arg18 : memref<!tpu.dma_semaphore, #tpu.memory_space<semaphore_mem>>)
    %dma_wait3A_1501 = arith.constant 0 : i32
    %dma_wait3A_1502 = arith.constant 0 : i32
    %dma_wait3A_1503 = tpu.memref_slice %arg11[%dma_wait3A_1501, %dma_wait3A_1502] : memref<800x32xf32, #tpu.memory_space<vmem>> -> memref<800x32xf32, #tpu.memory_space<vmem>>
    %dma_wait3A_1504 = arith.constant 0 : i32
    %dma_wait3A_1505 = tpu.memref_slice %arg7[%dma_wait3A_1504] : memref<800xi32, #tpu.memory_space<vmem>> -> memref<800xi32, #tpu.memory_space<vmem>>
    %dma_wait3A_1506 = arith.constant 0 : i32
    %dma_wait3A_1507 = arith.constant 0 : i32
    %dma_wait3A_1508 = tpu.memref_slice %arg3[%dma_wait3A_1506, %dma_wait3A_1507] : memref<1000000x32xf32, #tpu.memory_space<hbm>> -> memref<1000000x32xf32, #tpu.memory_space<hbm>>
    tpu.wait_indirect_dma semaphore(%arg19 : memref<!tpu.dma_semaphore, #tpu.memory_space<semaphore_mem>>) src(%dma_wait3A_1508 : memref<1000000x32xf32, #tpu.memory_space<hbm>>) dst(%dma_wait3A_1503 : memref<800x32xf32, #tpu.memory_space<vmem>>)
    %add3A_1509 = arith.constant 20800 : i32
    %add3A_1510 = arith.addi %mul3A_2, %add3A_1509 : i32
    %dma_start3A_1511 = arith.constant 0 : i32
    %dma_start3A_1512 = arith.constant 0 : i32
    %dma_start3A_1513 = tpu.memref_slice %arg11[%dma_start3A_1511, %dma_start3A_1512] : memref<800x32xf32, #tpu.memory_space<vmem>> -> memref<800x32xf32, #tpu.memory_space<vmem>>
    %dma_start3A_1514 = arith.constant 0 : i32
    %dma_start3A_1515 = tpu.memref_slice %arg4[%add3A_1510, %dma_start3A_1514] : memref<819200x32xf32, #tpu.memory_space<hbm>> -> memref<800x32xf32, #tpu.memory_space<hbm>>
    %dma_start3A_1516 = arith.constant 0 : i32
    %dma_start3A_1517 = tpu.memref_slice %arg4[%add3A_1510, %dma_start3A_1516] : memref<819200x32xf32, #tpu.memory_space<hbm>> -> memref<800x32xf32, #tpu.memory_space<hbm>>
    %dma_start3A_1518 = arith.constant 0 : i32
    %dma_start3A_1519 = arith.constant 0 : i32
    %dma_start3A_1520 = tpu.memref_slice %arg11[%dma_start3A_1518, %dma_start3A_1519] : memref<800x32xf32, #tpu.memory_space<vmem>> -> memref<800x32xf32, #tpu.memory_space<vmem>>
    tpu.enqueue_dma source(%dma_start3A_1520 : memref<800x32xf32, #tpu.memory_space<vmem>>) target(%dma_start3A_1517 : memref<800x32xf32, #tpu.memory_space<hbm>>) target_semaphore(%arg23 : memref<!tpu.dma_semaphore, #tpu.memory_space<semaphore_mem>>)
    %add3A_1521 = arith.constant 24000 : i32
    %add3A_1522 = arith.addi %mul3A_2, %add3A_1521 : i32
    %dma_start3A_1523 = arith.constant 0 : i32
    %dma_start3A_1524 = tpu.memref_slice %arg7[%dma_start3A_1523] : memref<800xi32, #tpu.memory_space<vmem>> -> memref<800xi32, #tpu.memory_space<vmem>>
    %dma_start3A_1525 = tpu.memref_slice %arg2[%add3A_1522] : memref<819200xi32, #tpu.memory_space<hbm>> -> memref<800xi32, #tpu.memory_space<hbm>>
    %dma_start3A_1526 = arith.constant 0 : i32
    %dma_start3A_1527 = tpu.memref_slice %arg7[%dma_start3A_1526] : memref<800xi32, #tpu.memory_space<vmem>> -> memref<800xi32, #tpu.memory_space<vmem>>
    %dma_start3A_1528 = tpu.memref_slice %arg2[%add3A_1522] : memref<819200xi32, #tpu.memory_space<hbm>> -> memref<800xi32, #tpu.memory_space<hbm>>
    tpu.enqueue_dma source(%dma_start3A_1528 : memref<800xi32, #tpu.memory_space<hbm>>) target(%dma_start3A_1527 : memref<800xi32, #tpu.memory_space<vmem>>) target_semaphore(%arg15 : memref<!tpu.dma_semaphore, #tpu.memory_space<semaphore_mem>>)
    %dma_wait3A_1529 = arith.constant 0 : i32
    %dma_wait3A_1530 = arith.constant 0 : i32
    %dma_wait3A_1531 = tpu.memref_slice %arg11[%dma_wait3A_1529, %dma_wait3A_1530] : memref<800x32xf32, #tpu.memory_space<vmem>> -> memref<800x32xf32, #tpu.memory_space<vmem>>
    %dma_wait3A_1532 = arith.constant 0 : i32
    %dma_wait3A_1533 = tpu.memref_slice %arg4[%add3A_1510, %dma_wait3A_1532] : memref<819200x32xf32, #tpu.memory_space<hbm>> -> memref<800x32xf32, #tpu.memory_space<hbm>>
    %dma_wait3A_1534 = arith.constant 0 : i32
    %dma_wait3A_1535 = tpu.memref_slice %arg4[%add3A_1510, %dma_wait3A_1534] : memref<819200x32xf32, #tpu.memory_space<hbm>> -> memref<800x32xf32, #tpu.memory_space<hbm>>
    %dma_wait3A_1536 = arith.constant 0 : i32
    %dma_wait3A_1537 = arith.constant 0 : i32
    %dma_wait3A_1538 = tpu.memref_slice %arg11[%dma_wait3A_1536, %dma_wait3A_1537] : memref<800x32xf32, #tpu.memory_space<vmem>> -> memref<800x32xf32, #tpu.memory_space<vmem>>
    tpu.wait_dma2 semaphore(%arg23 : memref<!tpu.dma_semaphore, #tpu.memory_space<semaphore_mem>>) src(%dma_wait3A_1538 : memref<800x32xf32, #tpu.memory_space<vmem>>) dst(%dma_wait3A_1535 : memref<800x32xf32, #tpu.memory_space<hbm>>)
    %add3A_1539 = arith.constant 24000 : i32
    %add3A_1540 = arith.addi %mul3A_2, %add3A_1539 : i32
    %dma_wait3A_1541 = arith.constant 0 : i32
    %dma_wait3A_1542 = tpu.memref_slice %arg7[%dma_wait3A_1541] : memref<800xi32, #tpu.memory_space<vmem>> -> memref<800xi32, #tpu.memory_space<vmem>>
    %dma_wait3A_1543 = tpu.memref_slice %arg2[%add3A_1540] : memref<819200xi32, #tpu.memory_space<hbm>> -> memref<800xi32, #tpu.memory_space<hbm>>
    %dma_wait3A_1544 = arith.constant 0 : i32
    %dma_wait3A_1545 = tpu.memref_slice %arg7[%dma_wait3A_1544] : memref<800xi32, #tpu.memory_space<vmem>> -> memref<800xi32, #tpu.memory_space<vmem>>
    %dma_wait3A_1546 = tpu.memref_slice %arg2[%add3A_1540] : memref<819200xi32, #tpu.memory_space<hbm>> -> memref<800xi32, #tpu.memory_space<hbm>>
    tpu.wait_dma2 semaphore(%arg15 : memref<!tpu.dma_semaphore, #tpu.memory_space<semaphore_mem>>) src(%dma_wait3A_1546 : memref<800xi32, #tpu.memory_space<hbm>>) dst(%dma_wait3A_1545 : memref<800xi32, #tpu.memory_space<vmem>>)
    %dma_start3A_1547 = arith.constant 0 : i32
    %dma_start3A_1548 = arith.constant 0 : i32
    %dma_start3A_1549 = tpu.memref_slice %arg11[%dma_start3A_1547, %dma_start3A_1548] : memref<800x32xf32, #tpu.memory_space<vmem>> -> memref<800x32xf32, #tpu.memory_space<vmem>>
    %dma_start3A_1550 = arith.constant 0 : i32
    %dma_start3A_1551 = tpu.memref_slice %arg7[%dma_start3A_1550] : memref<800xi32, #tpu.memory_space<vmem>> -> memref<800xi32, #tpu.memory_space<vmem>>
    %dma_start3A_1552 = arith.constant 0 : i32
    %dma_start3A_1553 = arith.constant 0 : i32
    %dma_start3A_1554 = tpu.memref_slice %arg3[%dma_start3A_1552, %dma_start3A_1553] : memref<1000000x32xf32, #tpu.memory_space<hbm>> -> memref<1000000x32xf32, #tpu.memory_space<hbm>>
    tpu.enqueue_indirect_dma source(%dma_start3A_1554 : memref<1000000x32xf32, #tpu.memory_space<hbm>>) target(%dma_start3A_1549 : memref<800x32xf32, #tpu.memory_space<vmem>>) offsets(%dma_start3A_1551 : memref<800xi32, #tpu.memory_space<vmem>>) semaphore(%arg19 : memref<!tpu.dma_semaphore, #tpu.memory_space<semaphore_mem>>)
    %dma_wait3A_1555 = arith.constant 0 : i32
    %dma_wait3A_1556 = arith.constant 0 : i32
    %dma_wait3A_1557 = tpu.memref_slice %arg12[%dma_wait3A_1555, %dma_wait3A_1556] : memref<800x32xf32, #tpu.memory_space<vmem>> -> memref<800x32xf32, #tpu.memory_space<vmem>>
    %dma_wait3A_1558 = arith.constant 0 : i32
    %dma_wait3A_1559 = tpu.memref_slice %arg8[%dma_wait3A_1558] : memref<800xi32, #tpu.memory_space<vmem>> -> memref<800xi32, #tpu.memory_space<vmem>>
    %dma_wait3A_1560 = arith.constant 0 : i32
    %dma_wait3A_1561 = arith.constant 0 : i32
    %dma_wait3A_1562 = tpu.memref_slice %arg3[%dma_wait3A_1560, %dma_wait3A_1561] : memref<1000000x32xf32, #tpu.memory_space<hbm>> -> memref<1000000x32xf32, #tpu.memory_space<hbm>>
    tpu.wait_indirect_dma semaphore(%arg20 : memref<!tpu.dma_semaphore, #tpu.memory_space<semaphore_mem>>) src(%dma_wait3A_1562 : memref<1000000x32xf32, #tpu.memory_space<hbm>>) dst(%dma_wait3A_1557 : memref<800x32xf32, #tpu.memory_space<vmem>>)
    %add3A_1563 = arith.constant 21600 : i32
    %add3A_1564 = arith.addi %mul3A_2, %add3A_1563 : i32
    %dma_start3A_1565 = arith.constant 0 : i32
    %dma_start3A_1566 = arith.constant 0 : i32
    %dma_start3A_1567 = tpu.memref_slice %arg12[%dma_start3A_1565, %dma_start3A_1566] : memref<800x32xf32, #tpu.memory_space<vmem>> -> memref<800x32xf32, #tpu.memory_space<vmem>>
    %dma_start3A_1568 = arith.constant 0 : i32
    %dma_start3A_1569 = tpu.memref_slice %arg4[%add3A_1564, %dma_start3A_1568] : memref<819200x32xf32, #tpu.memory_space<hbm>> -> memref<800x32xf32, #tpu.memory_space<hbm>>
    %dma_start3A_1570 = arith.constant 0 : i32
    %dma_start3A_1571 = tpu.memref_slice %arg4[%add3A_1564, %dma_start3A_1570] : memref<819200x32xf32, #tpu.memory_space<hbm>> -> memref<800x32xf32, #tpu.memory_space<hbm>>
    %dma_start3A_1572 = arith.constant 0 : i32
    %dma_start3A_1573 = arith.constant 0 : i32
    %dma_start3A_1574 = tpu.memref_slice %arg12[%dma_start3A_1572, %dma_start3A_1573] : memref<800x32xf32, #tpu.memory_space<vmem>> -> memref<800x32xf32, #tpu.memory_space<vmem>>
    tpu.enqueue_dma source(%dma_start3A_1574 : memref<800x32xf32, #tpu.memory_space<vmem>>) target(%dma_start3A_1571 : memref<800x32xf32, #tpu.memory_space<hbm>>) target_semaphore(%arg24 : memref<!tpu.dma_semaphore, #tpu.memory_space<semaphore_mem>>)
    %add3A_1575 = arith.constant 24800 : i32
    %add3A_1576 = arith.addi %mul3A_2, %add3A_1575 : i32
    %dma_start3A_1577 = arith.constant 0 : i32
    %dma_start3A_1578 = tpu.memref_slice %arg8[%dma_start3A_1577] : memref<800xi32, #tpu.memory_space<vmem>> -> memref<400xi32, #tpu.memory_space<vmem>>
    %dma_start3A_1579 = tpu.memref_slice %arg2[%add3A_1576] : memref<819200xi32, #tpu.memory_space<hbm>> -> memref<400xi32, #tpu.memory_space<hbm>>
    %dma_start3A_1580 = arith.constant 0 : i32
    %dma_start3A_1581 = tpu.memref_slice %arg8[%dma_start3A_1580] : memref<800xi32, #tpu.memory_space<vmem>> -> memref<400xi32, #tpu.memory_space<vmem>>
    %dma_start3A_1582 = tpu.memref_slice %arg2[%add3A_1576] : memref<819200xi32, #tpu.memory_space<hbm>> -> memref<400xi32, #tpu.memory_space<hbm>>
    tpu.enqueue_dma source(%dma_start3A_1582 : memref<400xi32, #tpu.memory_space<hbm>>) target(%dma_start3A_1581 : memref<400xi32, #tpu.memory_space<vmem>>) target_semaphore(%arg16 : memref<!tpu.dma_semaphore, #tpu.memory_space<semaphore_mem>>)
    %dma_wait3A_1583 = arith.constant 0 : i32
    %dma_wait3A_1584 = arith.constant 0 : i32
    %dma_wait3A_1585 = tpu.memref_slice %arg12[%dma_wait3A_1583, %dma_wait3A_1584] : memref<800x32xf32, #tpu.memory_space<vmem>> -> memref<800x32xf32, #tpu.memory_space<vmem>>
    %dma_wait3A_1586 = arith.constant 0 : i32
    %dma_wait3A_1587 = tpu.memref_slice %arg4[%add3A_1564, %dma_wait3A_1586] : memref<819200x32xf32, #tpu.memory_space<hbm>> -> memref<800x32xf32, #tpu.memory_space<hbm>>
    %dma_wait3A_1588 = arith.constant 0 : i32
    %dma_wait3A_1589 = tpu.memref_slice %arg4[%add3A_1564, %dma_wait3A_1588] : memref<819200x32xf32, #tpu.memory_space<hbm>> -> memref<800x32xf32, #tpu.memory_space<hbm>>
    %dma_wait3A_1590 = arith.constant 0 : i32
    %dma_wait3A_1591 = arith.constant 0 : i32
    %dma_wait3A_1592 = tpu.memref_slice %arg12[%dma_wait3A_1590, %dma_wait3A_1591] : memref<800x32xf32, #tpu.memory_space<vmem>> -> memref<800x32xf32, #tpu.memory_space<vmem>>
    tpu.wait_dma2 semaphore(%arg24 : memref<!tpu.dma_semaphore, #tpu.memory_space<semaphore_mem>>) src(%dma_wait3A_1592 : memref<800x32xf32, #tpu.memory_space<vmem>>) dst(%dma_wait3A_1589 : memref<800x32xf32, #tpu.memory_space<hbm>>)
    %add3A_1593 = arith.constant 24800 : i32
    %add3A_1594 = arith.addi %mul3A_2, %add3A_1593 : i32
    %dma_wait3A_1595 = arith.constant 0 : i32
    %dma_wait3A_1596 = tpu.memref_slice %arg8[%dma_wait3A_1595] : memref<800xi32, #tpu.memory_space<vmem>> -> memref<400xi32, #tpu.memory_space<vmem>>
    %dma_wait3A_1597 = tpu.memref_slice %arg2[%add3A_1594] : memref<819200xi32, #tpu.memory_space<hbm>> -> memref<400xi32, #tpu.memory_space<hbm>>
    %dma_wait3A_1598 = arith.constant 0 : i32
    %dma_wait3A_1599 = tpu.memref_slice %arg8[%dma_wait3A_1598] : memref<800xi32, #tpu.memory_space<vmem>> -> memref<400xi32, #tpu.memory_space<vmem>>
    %dma_wait3A_1600 = tpu.memref_slice %arg2[%add3A_1594] : memref<819200xi32, #tpu.memory_space<hbm>> -> memref<400xi32, #tpu.memory_space<hbm>>
    tpu.wait_dma2 semaphore(%arg16 : memref<!tpu.dma_semaphore, #tpu.memory_space<semaphore_mem>>) src(%dma_wait3A_1600 : memref<400xi32, #tpu.memory_space<hbm>>) dst(%dma_wait3A_1599 : memref<400xi32, #tpu.memory_space<vmem>>)
    %dma_start3A_1601 = arith.constant 0 : i32
    %dma_start3A_1602 = arith.constant 0 : i32
    %dma_start3A_1603 = tpu.memref_slice %arg12[%dma_start3A_1601, %dma_start3A_1602] : memref<800x32xf32, #tpu.memory_space<vmem>> -> memref<400x32xf32, #tpu.memory_space<vmem>>
    %dma_start3A_1604 = arith.constant 0 : i32
    %dma_start3A_1605 = tpu.memref_slice %arg8[%dma_start3A_1604] : memref<800xi32, #tpu.memory_space<vmem>> -> memref<400xi32, #tpu.memory_space<vmem>>
    %dma_start3A_1606 = arith.constant 0 : i32
    %dma_start3A_1607 = arith.constant 0 : i32
    %dma_start3A_1608 = tpu.memref_slice %arg3[%dma_start3A_1606, %dma_start3A_1607] : memref<1000000x32xf32, #tpu.memory_space<hbm>> -> memref<1000000x32xf32, #tpu.memory_space<hbm>>
    tpu.enqueue_indirect_dma source(%dma_start3A_1608 : memref<1000000x32xf32, #tpu.memory_space<hbm>>) target(%dma_start3A_1603 : memref<400x32xf32, #tpu.memory_space<vmem>>) offsets(%dma_start3A_1605 : memref<400xi32, #tpu.memory_space<vmem>>) semaphore(%arg20 : memref<!tpu.dma_semaphore, #tpu.memory_space<semaphore_mem>>)
    %dma_wait3A_1609 = arith.constant 0 : i32
    %dma_wait3A_1610 = arith.constant 0 : i32
    %dma_wait3A_1611 = tpu.memref_slice %arg9[%dma_wait3A_1609, %dma_wait3A_1610] : memref<800x32xf32, #tpu.memory_space<vmem>> -> memref<800x32xf32, #tpu.memory_space<vmem>>
    %dma_wait3A_1612 = arith.constant 0 : i32
    %dma_wait3A_1613 = tpu.memref_slice %arg5[%dma_wait3A_1612] : memref<800xi32, #tpu.memory_space<vmem>> -> memref<800xi32, #tpu.memory_space<vmem>>
    %dma_wait3A_1614 = arith.constant 0 : i32
    %dma_wait3A_1615 = arith.constant 0 : i32
    %dma_wait3A_1616 = tpu.memref_slice %arg3[%dma_wait3A_1614, %dma_wait3A_1615] : memref<1000000x32xf32, #tpu.memory_space<hbm>> -> memref<1000000x32xf32, #tpu.memory_space<hbm>>
    tpu.wait_indirect_dma semaphore(%arg17 : memref<!tpu.dma_semaphore, #tpu.memory_space<semaphore_mem>>) src(%dma_wait3A_1616 : memref<1000000x32xf32, #tpu.memory_space<hbm>>) dst(%dma_wait3A_1611 : memref<800x32xf32, #tpu.memory_space<vmem>>)
    %add3A_1617 = arith.constant 22400 : i32
    %add3A_1618 = arith.addi %mul3A_2, %add3A_1617 : i32
    %dma_start3A_1619 = arith.constant 0 : i32
    %dma_start3A_1620 = arith.constant 0 : i32
    %dma_start3A_1621 = tpu.memref_slice %arg9[%dma_start3A_1619, %dma_start3A_1620] : memref<800x32xf32, #tpu.memory_space<vmem>> -> memref<800x32xf32, #tpu.memory_space<vmem>>
    %dma_start3A_1622 = arith.constant 0 : i32
    %dma_start3A_1623 = tpu.memref_slice %arg4[%add3A_1618, %dma_start3A_1622] : memref<819200x32xf32, #tpu.memory_space<hbm>> -> memref<800x32xf32, #tpu.memory_space<hbm>>
    %dma_start3A_1624 = arith.constant 0 : i32
    %dma_start3A_1625 = tpu.memref_slice %arg4[%add3A_1618, %dma_start3A_1624] : memref<819200x32xf32, #tpu.memory_space<hbm>> -> memref<800x32xf32, #tpu.memory_space<hbm>>
    %dma_start3A_1626 = arith.constant 0 : i32
    %dma_start3A_1627 = arith.constant 0 : i32
    %dma_start3A_1628 = tpu.memref_slice %arg9[%dma_start3A_1626, %dma_start3A_1627] : memref<800x32xf32, #tpu.memory_space<vmem>> -> memref<800x32xf32, #tpu.memory_space<vmem>>
    tpu.enqueue_dma source(%dma_start3A_1628 : memref<800x32xf32, #tpu.memory_space<vmem>>) target(%dma_start3A_1625 : memref<800x32xf32, #tpu.memory_space<hbm>>) target_semaphore(%arg21 : memref<!tpu.dma_semaphore, #tpu.memory_space<semaphore_mem>>)
    %add3A_1629 = arith.constant 25200 : i32
    %add3A_1630 = arith.addi %mul3A_2, %add3A_1629 : i32
    %dma_start3A_1631 = arith.constant 0 : i32
    %dma_start3A_1632 = tpu.memref_slice %arg5[%dma_start3A_1631] : memref<800xi32, #tpu.memory_space<vmem>> -> memref<200xi32, #tpu.memory_space<vmem>>
    %dma_start3A_1633 = tpu.memref_slice %arg2[%add3A_1630] : memref<819200xi32, #tpu.memory_space<hbm>> -> memref<200xi32, #tpu.memory_space<hbm>>
    %dma_start3A_1634 = arith.constant 0 : i32
    %dma_start3A_1635 = tpu.memref_slice %arg5[%dma_start3A_1634] : memref<800xi32, #tpu.memory_space<vmem>> -> memref<200xi32, #tpu.memory_space<vmem>>
    %dma_start3A_1636 = tpu.memref_slice %arg2[%add3A_1630] : memref<819200xi32, #tpu.memory_space<hbm>> -> memref<200xi32, #tpu.memory_space<hbm>>
    tpu.enqueue_dma source(%dma_start3A_1636 : memref<200xi32, #tpu.memory_space<hbm>>) target(%dma_start3A_1635 : memref<200xi32, #tpu.memory_space<vmem>>) target_semaphore(%arg13 : memref<!tpu.dma_semaphore, #tpu.memory_space<semaphore_mem>>)
    %dma_wait3A_1637 = arith.constant 0 : i32
    %dma_wait3A_1638 = arith.constant 0 : i32
    %dma_wait3A_1639 = tpu.memref_slice %arg9[%dma_wait3A_1637, %dma_wait3A_1638] : memref<800x32xf32, #tpu.memory_space<vmem>> -> memref<800x32xf32, #tpu.memory_space<vmem>>
    %dma_wait3A_1640 = arith.constant 0 : i32
    %dma_wait3A_1641 = tpu.memref_slice %arg4[%add3A_1618, %dma_wait3A_1640] : memref<819200x32xf32, #tpu.memory_space<hbm>> -> memref<800x32xf32, #tpu.memory_space<hbm>>
    %dma_wait3A_1642 = arith.constant 0 : i32
    %dma_wait3A_1643 = tpu.memref_slice %arg4[%add3A_1618, %dma_wait3A_1642] : memref<819200x32xf32, #tpu.memory_space<hbm>> -> memref<800x32xf32, #tpu.memory_space<hbm>>
    %dma_wait3A_1644 = arith.constant 0 : i32
    %dma_wait3A_1645 = arith.constant 0 : i32
    %dma_wait3A_1646 = tpu.memref_slice %arg9[%dma_wait3A_1644, %dma_wait3A_1645] : memref<800x32xf32, #tpu.memory_space<vmem>> -> memref<800x32xf32, #tpu.memory_space<vmem>>
    tpu.wait_dma2 semaphore(%arg21 : memref<!tpu.dma_semaphore, #tpu.memory_space<semaphore_mem>>) src(%dma_wait3A_1646 : memref<800x32xf32, #tpu.memory_space<vmem>>) dst(%dma_wait3A_1643 : memref<800x32xf32, #tpu.memory_space<hbm>>)
    %add3A_1647 = arith.constant 25200 : i32
    %add3A_1648 = arith.addi %mul3A_2, %add3A_1647 : i32
    %dma_wait3A_1649 = arith.constant 0 : i32
    %dma_wait3A_1650 = tpu.memref_slice %arg5[%dma_wait3A_1649] : memref<800xi32, #tpu.memory_space<vmem>> -> memref<200xi32, #tpu.memory_space<vmem>>
    %dma_wait3A_1651 = tpu.memref_slice %arg2[%add3A_1648] : memref<819200xi32, #tpu.memory_space<hbm>> -> memref<200xi32, #tpu.memory_space<hbm>>
    %dma_wait3A_1652 = arith.constant 0 : i32
    %dma_wait3A_1653 = tpu.memref_slice %arg5[%dma_wait3A_1652] : memref<800xi32, #tpu.memory_space<vmem>> -> memref<200xi32, #tpu.memory_space<vmem>>
    %dma_wait3A_1654 = tpu.memref_slice %arg2[%add3A_1648] : memref<819200xi32, #tpu.memory_space<hbm>> -> memref<200xi32, #tpu.memory_space<hbm>>
    tpu.wait_dma2 semaphore(%arg13 : memref<!tpu.dma_semaphore, #tpu.memory_space<semaphore_mem>>) src(%dma_wait3A_1654 : memref<200xi32, #tpu.memory_space<hbm>>) dst(%dma_wait3A_1653 : memref<200xi32, #tpu.memory_space<vmem>>)
    %dma_start3A_1655 = arith.constant 0 : i32
    %dma_start3A_1656 = arith.constant 0 : i32
    %dma_start3A_1657 = tpu.memref_slice %arg9[%dma_start3A_1655, %dma_start3A_1656] : memref<800x32xf32, #tpu.memory_space<vmem>> -> memref<200x32xf32, #tpu.memory_space<vmem>>
    %dma_start3A_1658 = arith.constant 0 : i32
    %dma_start3A_1659 = tpu.memref_slice %arg5[%dma_start3A_1658] : memref<800xi32, #tpu.memory_space<vmem>> -> memref<200xi32, #tpu.memory_space<vmem>>
    %dma_start3A_1660 = arith.constant 0 : i32
    %dma_start3A_1661 = arith.constant 0 : i32
    %dma_start3A_1662 = tpu.memref_slice %arg3[%dma_start3A_1660, %dma_start3A_1661] : memref<1000000x32xf32, #tpu.memory_space<hbm>> -> memref<1000000x32xf32, #tpu.memory_space<hbm>>
    tpu.enqueue_indirect_dma source(%dma_start3A_1662 : memref<1000000x32xf32, #tpu.memory_space<hbm>>) target(%dma_start3A_1657 : memref<200x32xf32, #tpu.memory_space<vmem>>) offsets(%dma_start3A_1659 : memref<200xi32, #tpu.memory_space<vmem>>) semaphore(%arg17 : memref<!tpu.dma_semaphore, #tpu.memory_space<semaphore_mem>>)
    %dma_wait3A_1663 = arith.constant 0 : i32
    %dma_wait3A_1664 = arith.constant 0 : i32
    %dma_wait3A_1665 = tpu.memref_slice %arg10[%dma_wait3A_1663, %dma_wait3A_1664] : memref<800x32xf32, #tpu.memory_space<vmem>> -> memref<800x32xf32, #tpu.memory_space<vmem>>
    %dma_wait3A_1666 = arith.constant 0 : i32
    %dma_wait3A_1667 = tpu.memref_slice %arg6[%dma_wait3A_1666] : memref<800xi32, #tpu.memory_space<vmem>> -> memref<800xi32, #tpu.memory_space<vmem>>
    %dma_wait3A_1668 = arith.constant 0 : i32
    %dma_wait3A_1669 = arith.constant 0 : i32
    %dma_wait3A_1670 = tpu.memref_slice %arg3[%dma_wait3A_1668, %dma_wait3A_1669] : memref<1000000x32xf32, #tpu.memory_space<hbm>> -> memref<1000000x32xf32, #tpu.memory_space<hbm>>
    tpu.wait_indirect_dma semaphore(%arg18 : memref<!tpu.dma_semaphore, #tpu.memory_space<semaphore_mem>>) src(%dma_wait3A_1670 : memref<1000000x32xf32, #tpu.memory_space<hbm>>) dst(%dma_wait3A_1665 : memref<800x32xf32, #tpu.memory_space<vmem>>)
    %add3A_1671 = arith.constant 23200 : i32
    %add3A_1672 = arith.addi %mul3A_2, %add3A_1671 : i32
    %dma_start3A_1673 = arith.constant 0 : i32
    %dma_start3A_1674 = arith.constant 0 : i32
    %dma_start3A_1675 = tpu.memref_slice %arg10[%dma_start3A_1673, %dma_start3A_1674] : memref<800x32xf32, #tpu.memory_space<vmem>> -> memref<800x32xf32, #tpu.memory_space<vmem>>
    %dma_start3A_1676 = arith.constant 0 : i32
    %dma_start3A_1677 = tpu.memref_slice %arg4[%add3A_1672, %dma_start3A_1676] : memref<819200x32xf32, #tpu.memory_space<hbm>> -> memref<800x32xf32, #tpu.memory_space<hbm>>
    %dma_start3A_1678 = arith.constant 0 : i32
    %dma_start3A_1679 = tpu.memref_slice %arg4[%add3A_1672, %dma_start3A_1678] : memref<819200x32xf32, #tpu.memory_space<hbm>> -> memref<800x32xf32, #tpu.memory_space<hbm>>
    %dma_start3A_1680 = arith.constant 0 : i32
    %dma_start3A_1681 = arith.constant 0 : i32
    %dma_start3A_1682 = tpu.memref_slice %arg10[%dma_start3A_1680, %dma_start3A_1681] : memref<800x32xf32, #tpu.memory_space<vmem>> -> memref<800x32xf32, #tpu.memory_space<vmem>>
    tpu.enqueue_dma source(%dma_start3A_1682 : memref<800x32xf32, #tpu.memory_space<vmem>>) target(%dma_start3A_1679 : memref<800x32xf32, #tpu.memory_space<hbm>>) target_semaphore(%arg22 : memref<!tpu.dma_semaphore, #tpu.memory_space<semaphore_mem>>)
    %add3A_1683 = arith.constant 25400 : i32
    %add3A_1684 = arith.addi %mul3A_2, %add3A_1683 : i32
    %dma_start3A_1685 = arith.constant 0 : i32
    %dma_start3A_1686 = tpu.memref_slice %arg6[%dma_start3A_1685] : memref<800xi32, #tpu.memory_space<vmem>> -> memref<96xi32, #tpu.memory_space<vmem>>
    %dma_start3A_1687 = tpu.memref_slice %arg2[%add3A_1684] : memref<819200xi32, #tpu.memory_space<hbm>> -> memref<96xi32, #tpu.memory_space<hbm>>
    %dma_start3A_1688 = arith.constant 0 : i32
    %dma_start3A_1689 = tpu.memref_slice %arg6[%dma_start3A_1688] : memref<800xi32, #tpu.memory_space<vmem>> -> memref<96xi32, #tpu.memory_space<vmem>>
    %dma_start3A_1690 = tpu.memref_slice %arg2[%add3A_1684] : memref<819200xi32, #tpu.memory_space<hbm>> -> memref<96xi32, #tpu.memory_space<hbm>>
    tpu.enqueue_dma source(%dma_start3A_1690 : memref<96xi32, #tpu.memory_space<hbm>>) target(%dma_start3A_1689 : memref<96xi32, #tpu.memory_space<vmem>>) target_semaphore(%arg14 : memref<!tpu.dma_semaphore, #tpu.memory_space<semaphore_mem>>)
    %dma_wait3A_1691 = arith.constant 0 : i32
    %dma_wait3A_1692 = arith.constant 0 : i32
    %dma_wait3A_1693 = tpu.memref_slice %arg10[%dma_wait3A_1691, %dma_wait3A_1692] : memref<800x32xf32, #tpu.memory_space<vmem>> -> memref<800x32xf32, #tpu.memory_space<vmem>>
    %dma_wait3A_1694 = arith.constant 0 : i32
    %dma_wait3A_1695 = tpu.memref_slice %arg4[%add3A_1672, %dma_wait3A_1694] : memref<819200x32xf32, #tpu.memory_space<hbm>> -> memref<800x32xf32, #tpu.memory_space<hbm>>
    %dma_wait3A_1696 = arith.constant 0 : i32
    %dma_wait3A_1697 = tpu.memref_slice %arg4[%add3A_1672, %dma_wait3A_1696] : memref<819200x32xf32, #tpu.memory_space<hbm>> -> memref<800x32xf32, #tpu.memory_space<hbm>>
    %dma_wait3A_1698 = arith.constant 0 : i32
    %dma_wait3A_1699 = arith.constant 0 : i32
    %dma_wait3A_1700 = tpu.memref_slice %arg10[%dma_wait3A_1698, %dma_wait3A_1699] : memref<800x32xf32, #tpu.memory_space<vmem>> -> memref<800x32xf32, #tpu.memory_space<vmem>>
    tpu.wait_dma2 semaphore(%arg22 : memref<!tpu.dma_semaphore, #tpu.memory_space<semaphore_mem>>) src(%dma_wait3A_1700 : memref<800x32xf32, #tpu.memory_space<vmem>>) dst(%dma_wait3A_1697 : memref<800x32xf32, #tpu.memory_space<hbm>>)
    %add3A_1701 = arith.constant 25400 : i32
    %add3A_1702 = arith.addi %mul3A_2, %add3A_1701 : i32
    %dma_wait3A_1703 = arith.constant 0 : i32
    %dma_wait3A_1704 = tpu.memref_slice %arg6[%dma_wait3A_1703] : memref<800xi32, #tpu.memory_space<vmem>> -> memref<96xi32, #tpu.memory_space<vmem>>
    %dma_wait3A_1705 = tpu.memref_slice %arg2[%add3A_1702] : memref<819200xi32, #tpu.memory_space<hbm>> -> memref<96xi32, #tpu.memory_space<hbm>>
    %dma_wait3A_1706 = arith.constant 0 : i32
    %dma_wait3A_1707 = tpu.memref_slice %arg6[%dma_wait3A_1706] : memref<800xi32, #tpu.memory_space<vmem>> -> memref<96xi32, #tpu.memory_space<vmem>>
    %dma_wait3A_1708 = tpu.memref_slice %arg2[%add3A_1702] : memref<819200xi32, #tpu.memory_space<hbm>> -> memref<96xi32, #tpu.memory_space<hbm>>
    tpu.wait_dma2 semaphore(%arg14 : memref<!tpu.dma_semaphore, #tpu.memory_space<semaphore_mem>>) src(%dma_wait3A_1708 : memref<96xi32, #tpu.memory_space<hbm>>) dst(%dma_wait3A_1707 : memref<96xi32, #tpu.memory_space<vmem>>)
    %dma_start3A_1709 = arith.constant 0 : i32
    %dma_start3A_1710 = arith.constant 0 : i32
    %dma_start3A_1711 = tpu.memref_slice %arg10[%dma_start3A_1709, %dma_start3A_1710] : memref<800x32xf32, #tpu.memory_space<vmem>> -> memref<96x32xf32, #tpu.memory_space<vmem>>
    %dma_start3A_1712 = arith.constant 0 : i32
    %dma_start3A_1713 = tpu.memref_slice %arg6[%dma_start3A_1712] : memref<800xi32, #tpu.memory_space<vmem>> -> memref<96xi32, #tpu.memory_space<vmem>>
    %dma_start3A_1714 = arith.constant 0 : i32
    %dma_start3A_1715 = arith.constant 0 : i32
    %dma_start3A_1716 = tpu.memref_slice %arg3[%dma_start3A_1714, %dma_start3A_1715] : memref<1000000x32xf32, #tpu.memory_space<hbm>> -> memref<1000000x32xf32, #tpu.memory_space<hbm>>
    tpu.enqueue_indirect_dma source(%dma_start3A_1716 : memref<1000000x32xf32, #tpu.memory_space<hbm>>) target(%dma_start3A_1711 : memref<96x32xf32, #tpu.memory_space<vmem>>) offsets(%dma_start3A_1713 : memref<96xi32, #tpu.memory_space<vmem>>) semaphore(%arg18 : memref<!tpu.dma_semaphore, #tpu.memory_space<semaphore_mem>>)
    %dma_wait3A_1717 = arith.constant 0 : i32
    %dma_wait3A_1718 = arith.constant 0 : i32
    %dma_wait3A_1719 = tpu.memref_slice %arg11[%dma_wait3A_1717, %dma_wait3A_1718] : memref<800x32xf32, #tpu.memory_space<vmem>> -> memref<800x32xf32, #tpu.memory_space<vmem>>
    %dma_wait3A_1720 = arith.constant 0 : i32
    %dma_wait3A_1721 = tpu.memref_slice %arg7[%dma_wait3A_1720] : memref<800xi32, #tpu.memory_space<vmem>> -> memref<800xi32, #tpu.memory_space<vmem>>
    %dma_wait3A_1722 = arith.constant 0 : i32
    %dma_wait3A_1723 = arith.constant 0 : i32
    %dma_wait3A_1724 = tpu.memref_slice %arg3[%dma_wait3A_1722, %dma_wait3A_1723] : memref<1000000x32xf32, #tpu.memory_space<hbm>> -> memref<1000000x32xf32, #tpu.memory_space<hbm>>
    tpu.wait_indirect_dma semaphore(%arg19 : memref<!tpu.dma_semaphore, #tpu.memory_space<semaphore_mem>>) src(%dma_wait3A_1724 : memref<1000000x32xf32, #tpu.memory_space<hbm>>) dst(%dma_wait3A_1719 : memref<800x32xf32, #tpu.memory_space<vmem>>)
    %add3A_1725 = arith.constant 24000 : i32
    %add3A_1726 = arith.addi %mul3A_2, %add3A_1725 : i32
    %dma_start3A_1727 = arith.constant 0 : i32
    %dma_start3A_1728 = arith.constant 0 : i32
    %dma_start3A_1729 = tpu.memref_slice %arg11[%dma_start3A_1727, %dma_start3A_1728] : memref<800x32xf32, #tpu.memory_space<vmem>> -> memref<800x32xf32, #tpu.memory_space<vmem>>
    %dma_start3A_1730 = arith.constant 0 : i32
    %dma_start3A_1731 = tpu.memref_slice %arg4[%add3A_1726, %dma_start3A_1730] : memref<819200x32xf32, #tpu.memory_space<hbm>> -> memref<800x32xf32, #tpu.memory_space<hbm>>
    %dma_start3A_1732 = arith.constant 0 : i32
    %dma_start3A_1733 = tpu.memref_slice %arg4[%add3A_1726, %dma_start3A_1732] : memref<819200x32xf32, #tpu.memory_space<hbm>> -> memref<800x32xf32, #tpu.memory_space<hbm>>
    %dma_start3A_1734 = arith.constant 0 : i32
    %dma_start3A_1735 = arith.constant 0 : i32
    %dma_start3A_1736 = tpu.memref_slice %arg11[%dma_start3A_1734, %dma_start3A_1735] : memref<800x32xf32, #tpu.memory_space<vmem>> -> memref<800x32xf32, #tpu.memory_space<vmem>>
    tpu.enqueue_dma source(%dma_start3A_1736 : memref<800x32xf32, #tpu.memory_space<vmem>>) target(%dma_start3A_1733 : memref<800x32xf32, #tpu.memory_space<hbm>>) target_semaphore(%arg23 : memref<!tpu.dma_semaphore, #tpu.memory_space<semaphore_mem>>)
    %add3A_1737 = arith.constant 25496 : i32
    %add3A_1738 = arith.addi %mul3A_2, %add3A_1737 : i32
    %dma_start3A_1739 = arith.constant 0 : i32
    %dma_start3A_1740 = tpu.memref_slice %arg7[%dma_start3A_1739] : memref<800xi32, #tpu.memory_space<vmem>> -> memref<104xi32, #tpu.memory_space<vmem>>
    %dma_start3A_1741 = tpu.memref_slice %arg2[%add3A_1738] : memref<819200xi32, #tpu.memory_space<hbm>> -> memref<104xi32, #tpu.memory_space<hbm>>
    %dma_start3A_1742 = arith.constant 0 : i32
    %dma_start3A_1743 = tpu.memref_slice %arg7[%dma_start3A_1742] : memref<800xi32, #tpu.memory_space<vmem>> -> memref<104xi32, #tpu.memory_space<vmem>>
    %dma_start3A_1744 = tpu.memref_slice %arg2[%add3A_1738] : memref<819200xi32, #tpu.memory_space<hbm>> -> memref<104xi32, #tpu.memory_space<hbm>>
    tpu.enqueue_dma source(%dma_start3A_1744 : memref<104xi32, #tpu.memory_space<hbm>>) target(%dma_start3A_1743 : memref<104xi32, #tpu.memory_space<vmem>>) target_semaphore(%arg15 : memref<!tpu.dma_semaphore, #tpu.memory_space<semaphore_mem>>)
    %dma_wait3A_1745 = arith.constant 0 : i32
    %dma_wait3A_1746 = arith.constant 0 : i32
    %dma_wait3A_1747 = tpu.memref_slice %arg11[%dma_wait3A_1745, %dma_wait3A_1746] : memref<800x32xf32, #tpu.memory_space<vmem>> -> memref<800x32xf32, #tpu.memory_space<vmem>>
    %dma_wait3A_1748 = arith.constant 0 : i32
    %dma_wait3A_1749 = tpu.memref_slice %arg4[%add3A_1726, %dma_wait3A_1748] : memref<819200x32xf32, #tpu.memory_space<hbm>> -> memref<800x32xf32, #tpu.memory_space<hbm>>
    %dma_wait3A_1750 = arith.constant 0 : i32
    %dma_wait3A_1751 = tpu.memref_slice %arg4[%add3A_1726, %dma_wait3A_1750] : memref<819200x32xf32, #tpu.memory_space<hbm>> -> memref<800x32xf32, #tpu.memory_space<hbm>>
    %dma_wait3A_1752 = arith.constant 0 : i32
    %dma_wait3A_1753 = arith.constant 0 : i32
    %dma_wait3A_1754 = tpu.memref_slice %arg11[%dma_wait3A_1752, %dma_wait3A_1753] : memref<800x32xf32, #tpu.memory_space<vmem>> -> memref<800x32xf32, #tpu.memory_space<vmem>>
    tpu.wait_dma2 semaphore(%arg23 : memref<!tpu.dma_semaphore, #tpu.memory_space<semaphore_mem>>) src(%dma_wait3A_1754 : memref<800x32xf32, #tpu.memory_space<vmem>>) dst(%dma_wait3A_1751 : memref<800x32xf32, #tpu.memory_space<hbm>>)
    %add3A_1755 = arith.constant 25496 : i32
    %add3A_1756 = arith.addi %mul3A_2, %add3A_1755 : i32
    %dma_wait3A_1757 = arith.constant 0 : i32
    %dma_wait3A_1758 = tpu.memref_slice %arg7[%dma_wait3A_1757] : memref<800xi32, #tpu.memory_space<vmem>> -> memref<104xi32, #tpu.memory_space<vmem>>
    %dma_wait3A_1759 = tpu.memref_slice %arg2[%add3A_1756] : memref<819200xi32, #tpu.memory_space<hbm>> -> memref<104xi32, #tpu.memory_space<hbm>>
    %dma_wait3A_1760 = arith.constant 0 : i32
    %dma_wait3A_1761 = tpu.memref_slice %arg7[%dma_wait3A_1760] : memref<800xi32, #tpu.memory_space<vmem>> -> memref<104xi32, #tpu.memory_space<vmem>>
    %dma_wait3A_1762 = tpu.memref_slice %arg2[%add3A_1756] : memref<819200xi32, #tpu.memory_space<hbm>> -> memref<104xi32, #tpu.memory_space<hbm>>
    tpu.wait_dma2 semaphore(%arg15 : memref<!tpu.dma_semaphore, #tpu.memory_space<semaphore_mem>>) src(%dma_wait3A_1762 : memref<104xi32, #tpu.memory_space<hbm>>) dst(%dma_wait3A_1761 : memref<104xi32, #tpu.memory_space<vmem>>)
    %dma_start3A_1763 = arith.constant 0 : i32
    %dma_start3A_1764 = arith.constant 0 : i32
    %dma_start3A_1765 = tpu.memref_slice %arg11[%dma_start3A_1763, %dma_start3A_1764] : memref<800x32xf32, #tpu.memory_space<vmem>> -> memref<104x32xf32, #tpu.memory_space<vmem>>
    %dma_start3A_1766 = arith.constant 0 : i32
    %dma_start3A_1767 = tpu.memref_slice %arg7[%dma_start3A_1766] : memref<800xi32, #tpu.memory_space<vmem>> -> memref<104xi32, #tpu.memory_space<vmem>>
    %dma_start3A_1768 = arith.constant 0 : i32
    %dma_start3A_1769 = arith.constant 0 : i32
    %dma_start3A_1770 = tpu.memref_slice %arg3[%dma_start3A_1768, %dma_start3A_1769] : memref<1000000x32xf32, #tpu.memory_space<hbm>> -> memref<1000000x32xf32, #tpu.memory_space<hbm>>
    tpu.enqueue_indirect_dma source(%dma_start3A_1770 : memref<1000000x32xf32, #tpu.memory_space<hbm>>) target(%dma_start3A_1765 : memref<104x32xf32, #tpu.memory_space<vmem>>) offsets(%dma_start3A_1767 : memref<104xi32, #tpu.memory_space<vmem>>) semaphore(%arg19 : memref<!tpu.dma_semaphore, #tpu.memory_space<semaphore_mem>>)
    %dma_wait3A_1771 = arith.constant 0 : i32
    %dma_wait3A_1772 = arith.constant 0 : i32
    %dma_wait3A_1773 = tpu.memref_slice %arg12[%dma_wait3A_1771, %dma_wait3A_1772] : memref<800x32xf32, #tpu.memory_space<vmem>> -> memref<400x32xf32, #tpu.memory_space<vmem>>
    %dma_wait3A_1774 = arith.constant 0 : i32
    %dma_wait3A_1775 = tpu.memref_slice %arg8[%dma_wait3A_1774] : memref<800xi32, #tpu.memory_space<vmem>> -> memref<400xi32, #tpu.memory_space<vmem>>
    %dma_wait3A_1776 = arith.constant 0 : i32
    %dma_wait3A_1777 = arith.constant 0 : i32
    %dma_wait3A_1778 = tpu.memref_slice %arg3[%dma_wait3A_1776, %dma_wait3A_1777] : memref<1000000x32xf32, #tpu.memory_space<hbm>> -> memref<1000000x32xf32, #tpu.memory_space<hbm>>
    tpu.wait_indirect_dma semaphore(%arg20 : memref<!tpu.dma_semaphore, #tpu.memory_space<semaphore_mem>>) src(%dma_wait3A_1778 : memref<1000000x32xf32, #tpu.memory_space<hbm>>) dst(%dma_wait3A_1773 : memref<400x32xf32, #tpu.memory_space<vmem>>)
    %add3A_1779 = arith.constant 24800 : i32
    %add3A_1780 = arith.addi %mul3A_2, %add3A_1779 : i32
    %dma_start3A_1781 = arith.constant 0 : i32
    %dma_start3A_1782 = arith.constant 0 : i32
    %dma_start3A_1783 = tpu.memref_slice %arg12[%dma_start3A_1781, %dma_start3A_1782] : memref<800x32xf32, #tpu.memory_space<vmem>> -> memref<400x32xf32, #tpu.memory_space<vmem>>
    %dma_start3A_1784 = arith.constant 0 : i32
    %dma_start3A_1785 = tpu.memref_slice %arg4[%add3A_1780, %dma_start3A_1784] : memref<819200x32xf32, #tpu.memory_space<hbm>> -> memref<400x32xf32, #tpu.memory_space<hbm>>
    %dma_start3A_1786 = arith.constant 0 : i32
    %dma_start3A_1787 = tpu.memref_slice %arg4[%add3A_1780, %dma_start3A_1786] : memref<819200x32xf32, #tpu.memory_space<hbm>> -> memref<400x32xf32, #tpu.memory_space<hbm>>
    %dma_start3A_1788 = arith.constant 0 : i32
    %dma_start3A_1789 = arith.constant 0 : i32
    %dma_start3A_1790 = tpu.memref_slice %arg12[%dma_start3A_1788, %dma_start3A_1789] : memref<800x32xf32, #tpu.memory_space<vmem>> -> memref<400x32xf32, #tpu.memory_space<vmem>>
    tpu.enqueue_dma source(%dma_start3A_1790 : memref<400x32xf32, #tpu.memory_space<vmem>>) target(%dma_start3A_1787 : memref<400x32xf32, #tpu.memory_space<hbm>>) target_semaphore(%arg24 : memref<!tpu.dma_semaphore, #tpu.memory_space<semaphore_mem>>)
    %dma_wait3A_1791 = arith.constant 0 : i32
    %dma_wait3A_1792 = arith.constant 0 : i32
    %dma_wait3A_1793 = tpu.memref_slice %arg9[%dma_wait3A_1791, %dma_wait3A_1792] : memref<800x32xf32, #tpu.memory_space<vmem>> -> memref<200x32xf32, #tpu.memory_space<vmem>>
    %dma_wait3A_1794 = arith.constant 0 : i32
    %dma_wait3A_1795 = tpu.memref_slice %arg5[%dma_wait3A_1794] : memref<800xi32, #tpu.memory_space<vmem>> -> memref<200xi32, #tpu.memory_space<vmem>>
    %dma_wait3A_1796 = arith.constant 0 : i32
    %dma_wait3A_1797 = arith.constant 0 : i32
    %dma_wait3A_1798 = tpu.memref_slice %arg3[%dma_wait3A_1796, %dma_wait3A_1797] : memref<1000000x32xf32, #tpu.memory_space<hbm>> -> memref<1000000x32xf32, #tpu.memory_space<hbm>>
    tpu.wait_indirect_dma semaphore(%arg17 : memref<!tpu.dma_semaphore, #tpu.memory_space<semaphore_mem>>) src(%dma_wait3A_1798 : memref<1000000x32xf32, #tpu.memory_space<hbm>>) dst(%dma_wait3A_1793 : memref<200x32xf32, #tpu.memory_space<vmem>>)
    %add3A_1799 = arith.constant 25200 : i32
    %add3A_1800 = arith.addi %mul3A_2, %add3A_1799 : i32
    %dma_start3A_1801 = arith.constant 0 : i32
    %dma_start3A_1802 = arith.constant 0 : i32
    %dma_start3A_1803 = tpu.memref_slice %arg9[%dma_start3A_1801, %dma_start3A_1802] : memref<800x32xf32, #tpu.memory_space<vmem>> -> memref<200x32xf32, #tpu.memory_space<vmem>>
    %dma_start3A_1804 = arith.constant 0 : i32
    %dma_start3A_1805 = tpu.memref_slice %arg4[%add3A_1800, %dma_start3A_1804] : memref<819200x32xf32, #tpu.memory_space<hbm>> -> memref<200x32xf32, #tpu.memory_space<hbm>>
    %dma_start3A_1806 = arith.constant 0 : i32
    %dma_start3A_1807 = tpu.memref_slice %arg4[%add3A_1800, %dma_start3A_1806] : memref<819200x32xf32, #tpu.memory_space<hbm>> -> memref<200x32xf32, #tpu.memory_space<hbm>>
    %dma_start3A_1808 = arith.constant 0 : i32
    %dma_start3A_1809 = arith.constant 0 : i32
    %dma_start3A_1810 = tpu.memref_slice %arg9[%dma_start3A_1808, %dma_start3A_1809] : memref<800x32xf32, #tpu.memory_space<vmem>> -> memref<200x32xf32, #tpu.memory_space<vmem>>
    tpu.enqueue_dma source(%dma_start3A_1810 : memref<200x32xf32, #tpu.memory_space<vmem>>) target(%dma_start3A_1807 : memref<200x32xf32, #tpu.memory_space<hbm>>) target_semaphore(%arg21 : memref<!tpu.dma_semaphore, #tpu.memory_space<semaphore_mem>>)
    %dma_wait3A_1811 = arith.constant 0 : i32
    %dma_wait3A_1812 = arith.constant 0 : i32
    %dma_wait3A_1813 = tpu.memref_slice %arg10[%dma_wait3A_1811, %dma_wait3A_1812] : memref<800x32xf32, #tpu.memory_space<vmem>> -> memref<96x32xf32, #tpu.memory_space<vmem>>
    %dma_wait3A_1814 = arith.constant 0 : i32
    %dma_wait3A_1815 = tpu.memref_slice %arg6[%dma_wait3A_1814] : memref<800xi32, #tpu.memory_space<vmem>> -> memref<96xi32, #tpu.memory_space<vmem>>
    %dma_wait3A_1816 = arith.constant 0 : i32
    %dma_wait3A_1817 = arith.constant 0 : i32
    %dma_wait3A_1818 = tpu.memref_slice %arg3[%dma_wait3A_1816, %dma_wait3A_1817] : memref<1000000x32xf32, #tpu.memory_space<hbm>> -> memref<1000000x32xf32, #tpu.memory_space<hbm>>
    tpu.wait_indirect_dma semaphore(%arg18 : memref<!tpu.dma_semaphore, #tpu.memory_space<semaphore_mem>>) src(%dma_wait3A_1818 : memref<1000000x32xf32, #tpu.memory_space<hbm>>) dst(%dma_wait3A_1813 : memref<96x32xf32, #tpu.memory_space<vmem>>)
    %add3A_1819 = arith.constant 25400 : i32
    %add3A_1820 = arith.addi %mul3A_2, %add3A_1819 : i32
    %dma_start3A_1821 = arith.constant 0 : i32
    %dma_start3A_1822 = arith.constant 0 : i32
    %dma_start3A_1823 = tpu.memref_slice %arg10[%dma_start3A_1821, %dma_start3A_1822] : memref<800x32xf32, #tpu.memory_space<vmem>> -> memref<96x32xf32, #tpu.memory_space<vmem>>
    %dma_start3A_1824 = arith.constant 0 : i32
    %dma_start3A_1825 = tpu.memref_slice %arg4[%add3A_1820, %dma_start3A_1824] : memref<819200x32xf32, #tpu.memory_space<hbm>> -> memref<96x32xf32, #tpu.memory_space<hbm>>
    %dma_start3A_1826 = arith.constant 0 : i32
    %dma_start3A_1827 = tpu.memref_slice %arg4[%add3A_1820, %dma_start3A_1826] : memref<819200x32xf32, #tpu.memory_space<hbm>> -> memref<96x32xf32, #tpu.memory_space<hbm>>
    %dma_start3A_1828 = arith.constant 0 : i32
    %dma_start3A_1829 = arith.constant 0 : i32
    %dma_start3A_1830 = tpu.memref_slice %arg10[%dma_start3A_1828, %dma_start3A_1829] : memref<800x32xf32, #tpu.memory_space<vmem>> -> memref<96x32xf32, #tpu.memory_space<vmem>>
    tpu.enqueue_dma source(%dma_start3A_1830 : memref<96x32xf32, #tpu.memory_space<vmem>>) target(%dma_start3A_1827 : memref<96x32xf32, #tpu.memory_space<hbm>>) target_semaphore(%arg22 : memref<!tpu.dma_semaphore, #tpu.memory_space<semaphore_mem>>)
    %dma_wait3A_1831 = arith.constant 0 : i32
    %dma_wait3A_1832 = arith.constant 0 : i32
    %dma_wait3A_1833 = tpu.memref_slice %arg11[%dma_wait3A_1831, %dma_wait3A_1832] : memref<800x32xf32, #tpu.memory_space<vmem>> -> memref<104x32xf32, #tpu.memory_space<vmem>>
    %dma_wait3A_1834 = arith.constant 0 : i32
    %dma_wait3A_1835 = tpu.memref_slice %arg7[%dma_wait3A_1834] : memref<800xi32, #tpu.memory_space<vmem>> -> memref<104xi32, #tpu.memory_space<vmem>>
    %dma_wait3A_1836 = arith.constant 0 : i32
    %dma_wait3A_1837 = arith.constant 0 : i32
    %dma_wait3A_1838 = tpu.memref_slice %arg3[%dma_wait3A_1836, %dma_wait3A_1837] : memref<1000000x32xf32, #tpu.memory_space<hbm>> -> memref<1000000x32xf32, #tpu.memory_space<hbm>>
    tpu.wait_indirect_dma semaphore(%arg19 : memref<!tpu.dma_semaphore, #tpu.memory_space<semaphore_mem>>) src(%dma_wait3A_1838 : memref<1000000x32xf32, #tpu.memory_space<hbm>>) dst(%dma_wait3A_1833 : memref<104x32xf32, #tpu.memory_space<vmem>>)
    %add3A_1839 = arith.constant 25496 : i32
    %add3A_1840 = arith.addi %mul3A_2, %add3A_1839 : i32
    %dma_start3A_1841 = arith.constant 0 : i32
    %dma_start3A_1842 = arith.constant 0 : i32
    %dma_start3A_1843 = tpu.memref_slice %arg11[%dma_start3A_1841, %dma_start3A_1842] : memref<800x32xf32, #tpu.memory_space<vmem>> -> memref<104x32xf32, #tpu.memory_space<vmem>>
    %dma_start3A_1844 = arith.constant 0 : i32
    %dma_start3A_1845 = tpu.memref_slice %arg4[%add3A_1840, %dma_start3A_1844] : memref<819200x32xf32, #tpu.memory_space<hbm>> -> memref<104x32xf32, #tpu.memory_space<hbm>>
    %dma_start3A_1846 = arith.constant 0 : i32
    %dma_start3A_1847 = tpu.memref_slice %arg4[%add3A_1840, %dma_start3A_1846] : memref<819200x32xf32, #tpu.memory_space<hbm>> -> memref<104x32xf32, #tpu.memory_space<hbm>>
    %dma_start3A_1848 = arith.constant 0 : i32
    %dma_start3A_1849 = arith.constant 0 : i32
    %dma_start3A_1850 = tpu.memref_slice %arg11[%dma_start3A_1848, %dma_start3A_1849] : memref<800x32xf32, #tpu.memory_space<vmem>> -> memref<104x32xf32, #tpu.memory_space<vmem>>
    tpu.enqueue_dma source(%dma_start3A_1850 : memref<104x32xf32, #tpu.memory_space<vmem>>) target(%dma_start3A_1847 : memref<104x32xf32, #tpu.memory_space<hbm>>) target_semaphore(%arg23 : memref<!tpu.dma_semaphore, #tpu.memory_space<semaphore_mem>>)
    %dma_wait3A_1851 = arith.constant 0 : i32
    %dma_wait3A_1852 = arith.constant 0 : i32
    %dma_wait3A_1853 = tpu.memref_slice %arg9[%dma_wait3A_1851, %dma_wait3A_1852] : memref<800x32xf32, #tpu.memory_space<vmem>> -> memref<200x32xf32, #tpu.memory_space<vmem>>
    %dma_wait3A_1854 = arith.constant 0 : i32
    %dma_wait3A_1855 = tpu.memref_slice %arg4[%add3A_1800, %dma_wait3A_1854] : memref<819200x32xf32, #tpu.memory_space<hbm>> -> memref<200x32xf32, #tpu.memory_space<hbm>>
    %dma_wait3A_1856 = arith.constant 0 : i32
    %dma_wait3A_1857 = tpu.memref_slice %arg4[%add3A_1800, %dma_wait3A_1856] : memref<819200x32xf32, #tpu.memory_space<hbm>> -> memref<200x32xf32, #tpu.memory_space<hbm>>
    %dma_wait3A_1858 = arith.constant 0 : i32
    %dma_wait3A_1859 = arith.constant 0 : i32
    %dma_wait3A_1860 = tpu.memref_slice %arg9[%dma_wait3A_1858, %dma_wait3A_1859] : memref<800x32xf32, #tpu.memory_space<vmem>> -> memref<200x32xf32, #tpu.memory_space<vmem>>
    tpu.wait_dma2 semaphore(%arg21 : memref<!tpu.dma_semaphore, #tpu.memory_space<semaphore_mem>>) src(%dma_wait3A_1860 : memref<200x32xf32, #tpu.memory_space<vmem>>) dst(%dma_wait3A_1857 : memref<200x32xf32, #tpu.memory_space<hbm>>)
    %dma_wait3A_1861 = arith.constant 0 : i32
    %dma_wait3A_1862 = arith.constant 0 : i32
    %dma_wait3A_1863 = tpu.memref_slice %arg10[%dma_wait3A_1861, %dma_wait3A_1862] : memref<800x32xf32, #tpu.memory_space<vmem>> -> memref<96x32xf32, #tpu.memory_space<vmem>>
    %dma_wait3A_1864 = arith.constant 0 : i32
    %dma_wait3A_1865 = tpu.memref_slice %arg4[%add3A_1820, %dma_wait3A_1864] : memref<819200x32xf32, #tpu.memory_space<hbm>> -> memref<96x32xf32, #tpu.memory_space<hbm>>
    %dma_wait3A_1866 = arith.constant 0 : i32
    %dma_wait3A_1867 = tpu.memref_slice %arg4[%add3A_1820, %dma_wait3A_1866] : memref<819200x32xf32, #tpu.memory_space<hbm>> -> memref<96x32xf32, #tpu.memory_space<hbm>>
    %dma_wait3A_1868 = arith.constant 0 : i32
    %dma_wait3A_1869 = arith.constant 0 : i32
    %dma_wait3A_1870 = tpu.memref_slice %arg10[%dma_wait3A_1868, %dma_wait3A_1869] : memref<800x32xf32, #tpu.memory_space<vmem>> -> memref<96x32xf32, #tpu.memory_space<vmem>>
    tpu.wait_dma2 semaphore(%arg22 : memref<!tpu.dma_semaphore, #tpu.memory_space<semaphore_mem>>) src(%dma_wait3A_1870 : memref<96x32xf32, #tpu.memory_space<vmem>>) dst(%dma_wait3A_1867 : memref<96x32xf32, #tpu.memory_space<hbm>>)
    %dma_wait3A_1871 = arith.constant 0 : i32
    %dma_wait3A_1872 = arith.constant 0 : i32
    %dma_wait3A_1873 = tpu.memref_slice %arg11[%dma_wait3A_1871, %dma_wait3A_1872] : memref<800x32xf32, #tpu.memory_space<vmem>> -> memref<104x32xf32, #tpu.memory_space<vmem>>
    %dma_wait3A_1874 = arith.constant 0 : i32
    %dma_wait3A_1875 = tpu.memref_slice %arg4[%add3A_1840, %dma_wait3A_1874] : memref<819200x32xf32, #tpu.memory_space<hbm>> -> memref<104x32xf32, #tpu.memory_space<hbm>>
    %dma_wait3A_1876 = arith.constant 0 : i32
    %dma_wait3A_1877 = tpu.memref_slice %arg4[%add3A_1840, %dma_wait3A_1876] : memref<819200x32xf32, #tpu.memory_space<hbm>> -> memref<104x32xf32, #tpu.memory_space<hbm>>
    %dma_wait3A_1878 = arith.constant 0 : i32
    %dma_wait3A_1879 = arith.constant 0 : i32
    %dma_wait3A_1880 = tpu.memref_slice %arg11[%dma_wait3A_1878, %dma_wait3A_1879] : memref<800x32xf32, #tpu.memory_space<vmem>> -> memref<104x32xf32, #tpu.memory_space<vmem>>
    tpu.wait_dma2 semaphore(%arg23 : memref<!tpu.dma_semaphore, #tpu.memory_space<semaphore_mem>>) src(%dma_wait3A_1880 : memref<104x32xf32, #tpu.memory_space<vmem>>) dst(%dma_wait3A_1877 : memref<104x32xf32, #tpu.memory_space<hbm>>)
    %dma_wait3A_1881 = arith.constant 0 : i32
    %dma_wait3A_1882 = arith.constant 0 : i32
    %dma_wait3A_1883 = tpu.memref_slice %arg12[%dma_wait3A_1881, %dma_wait3A_1882] : memref<800x32xf32, #tpu.memory_space<vmem>> -> memref<400x32xf32, #tpu.memory_space<vmem>>
    %dma_wait3A_1884 = arith.constant 0 : i32
    %dma_wait3A_1885 = tpu.memref_slice %arg4[%add3A_1780, %dma_wait3A_1884] : memref<819200x32xf32, #tpu.memory_space<hbm>> -> memref<400x32xf32, #tpu.memory_space<hbm>>
    %dma_wait3A_1886 = arith.constant 0 : i32
    %dma_wait3A_1887 = tpu.memref_slice %arg4[%add3A_1780, %dma_wait3A_1886] : memref<819200x32xf32, #tpu.memory_space<hbm>> -> memref<400x32xf32, #tpu.memory_space<hbm>>
    %dma_wait3A_1888 = arith.constant 0 : i32
    %dma_wait3A_1889 = arith.constant 0 : i32
    %dma_wait3A_1890 = tpu.memref_slice %arg12[%dma_wait3A_1888, %dma_wait3A_1889] : memref<800x32xf32, #tpu.memory_space<vmem>> -> memref<400x32xf32, #tpu.memory_space<vmem>>
    tpu.wait_dma2 semaphore(%arg24 : memref<!tpu.dma_semaphore, #tpu.memory_space<semaphore_mem>>) src(%dma_wait3A_1890 : memref<400x32xf32, #tpu.memory_space<vmem>>) dst(%dma_wait3A_1887 : memref<400x32xf32, #tpu.memory_space<hbm>>)
    return
  }
}

</mosaic_0001>

<sc_bundles>
// kernel: kernel.3.cloned.1.call-start
scs
__scs_entry_jumppad:
0x0: {  	(pc) =	sbr.rel $0x88, $3  }
0x1: {  	(tag) =	ssettag $0x0;
	lr =	simm.s32 $0x1  }
0x2: {  	[smem:$0x3F9F] =	sst lr;
	_ =	strace $0xD0000000  }
0x3: {  	_ = 	snop  }
0x4: {  	_ = 	snop  }
0x5: {  	_ = 	snop  }
0x6: {  	_ = 	snop  }
0x7: {  	_ = 	snop  }
__scs_overlays_trampoline_lowered:
0x8: {  	[smem:$0x3FAE] =	sst s0  }
0x9: {  	[smem:$0x3FAF] =	sst s1  }
0xa: {  	[smem:$0x3FB0] =	sst s2  }
0xb: {  	[smem:$0x3FB1] =	sst s3  }
0xc: {  	[smem:$0x3FB2] =	sst s4  }
0xd: {  	[smem:$0x3FB3] =	sst s5  }
0xe: {  	[smem:$0x3FB4] =	sst s6  }
0xf: {  	[smem:$0x3FB5] =	sst s7  }
0x10: {  	[smem:$0x3FB6] =	sst s8  }
0x11: {  	[smem:$0x3FB7] =	sst s9;
	s0 =	simm.s32 @!p0 $0x0  }
0x12: {  	s1 =	sld [smem:$0x3F9D];
	s0 =	simm.s32 @p0 $0x1  }
0x13: {  	[smem:$0x3FB8] =	sst s0;
	s0 =	simm.s32 @!p1 $0x0  }
0x14: {  	s2 =	sld [smem:$0x3F9C];
	s0 =	simm.s32 @p1 $0x1  }
0x15: {  	[smem:$0x3FB9] =	sst s0;
	s0 =	simm.s32 @!p2 $0x0  }
0x16: {  	s3 =	sld [smem:$0x3FDB];
	s0 =	simm.s32 @p2 $0x1  }
0x17: {  	s4 =	simm.s32 $0x1BF5;
	[smem:$0x3FBB] =	sst s0  }
0x18: {  	s0 =	sld [smem:$0x3F9E];
	_ =	swait.ge [sflag:s4], $0x0  }
0x19: {  	s7 =	sld [smem:$0x3F9F]  }
0x1a: {  	s8 =	sadd.s32 $0xFFFFE003, lr  }
0x1b: {  	s9 =	sadd.s32 $0xFFFFFEF7, lr;
	s5 =	simm.s32 $0xFFFFFFFF;
	p2 =	slt.u32 s8, $0xFFFFF086  }
0x1c: {  	p1 =	slt.u32 s9, $0xF7A;
	s5 =	simm.s32 @!p2 $0x0  }
0x1d: {  	s5 =	simm.s32 @p1 $0x1;
	p0 =	seq.s32 s7, s2  }
0x1e: {  	s7 =	smul.u32 @!p0 $0xF7A, s2;
	p2 =	seq.s32 @!p0 s5, $0x0  }
0x1f: {  	s9 =	smul.u32 $0xF7A, s1;
	s8 =	simm.s32 @!p0 $0x1BF5;
	p2 =	por !p2, p0  }
0x20: {  	[sflag:s8] =	ssyncset.s32 @!p0 $0xFFFFF086;
	s6 =	sadd.s32 @!p0 s3, s7;
	s7 =	simm.s32 @!p0 $0x108  }
0x21: {  	s3 =	sadd.s32 s3, s9;
	s6 =	sadd.s32 @!p0 $0x88, s6;
	s7 =	simm.s32 @p2 $0x1082  }
0x22: {  	[simem:s7], [sflag:s8] =	dma.local @!p0 [hbm:s6], $0xF7A  }
0x23: {  	s9 =	sor.u32 $0xD0000000, s2;
	s6 =	simm.s32 $0x108;
	_ =	swait.ge @!p0 [sflag:s8], $0x0  }
0x24: {  	s3 =	sadd.s32 $0x88, s3;
	s6 =	simm.s32 @!p1 $0x1082;
	[sflag:s4] =	ssyncset.s32 $0xFFFFF086  }
0x25: {  	[simem:s6], [sflag:s4] =	dma.local [hbm:s3], $0xF7A  }
0x26: {  	[smem:$0x3F9F] =	sst s1;
	(tag) =	ssettag s2;
	_ =	strace s9  }
0x27: {  	s1 =	sld [smem:$0x3FAF]  }
0x28: {  	s2 =	sld [smem:$0x3FB0]  }
0x29: {  	s4 =	sld [smem:$0x3FB2]  }
0x2a: {  	p0 =	seq.s32 s5, $0x0;
	s5 =	sld [smem:$0x3FB3]  }
0x2b: {  	s6 =	sld [smem:$0x3FB4]  }
0x2c: {  	s7 =	sld [smem:$0x3FB5]  }
0x2d: {  	s3 =	simm.s32 $0x108;
	s8 =	sld [smem:$0x3FB6]  }
0x2e: {  	s3 =	simm.s32 @!p0 $0x1082;
	s9 =	sld [smem:$0x3FB7]  }
0x2f: {  	lr =	sadd.s32 s0, s3;
	s0 =	sld [smem:$0x3FAE]  }
0x30: {  	s3 =	sld [smem:$0x3FB1]  }
0x31: {  	[smem:$0x3FBA] =	sst s10  }
0x32: {  	s10 =	sld [smem:$0x3FB8];
	_ =	sdelay $0x3  }
0x33: {  	p0 =	seq.s32 s10, $0x1;
	s10 =	sld [smem:$0x3FBA];
	_ =	sdelay $0x3  }
0x34: {  	[smem:$0x3FBA] =	sst s10  }
0x35: {  	s10 =	sld [smem:$0x3FB9];
	_ =	sdelay $0x3  }
0x36: {  	p1 =	seq.s32 s10, $0x1;
	s10 =	sld [smem:$0x3FBA];
	_ =	sdelay $0x3  }
0x37: {  	[smem:$0x3FBA] =	sst s10  }
0x38: {  	s10 =	sld [smem:$0x3FBB]  }
0x39: {  	_ = 	snop;
	(pc) =	sbr.ind lr, $3  }
0x3a: {  	_ = 	snop  }
0x3b: {  	_ = 	snop  }
0x3c: {  	p2 =	seq.s32 s10, $0x1;
	s10 =	sld [smem:$0x3FBA]  }
0x3d: {  	_ =	shalt  }
0x3e: {  	_ =	shalt  }
0x3f: {  	_ =	shalt  }
0x40: {  	_ =	shalt  }
0x41: {  	_ =	shalt  }
0x42: {  	_ =	shalt  }
0x43: {  	_ =	shalt  }
0x44: {  	_ =	shalt  }
0x45: {  	_ =	shalt  }
0x46: {  	_ =	shalt  }
0x47: {  	_ =	shalt  }
0x48: {  	_ =	shalt  }
0x49: {  	_ =	shalt  }
0x4a: {  	_ =	shalt  }
0x4b: {  	_ =	shalt  }
0x4c: {  	_ =	shalt  }
0x4d: {  	_ =	shalt  }
0x4e: {  	_ =	shalt  }
0x4f: {  	_ =	shalt  }
0x50: {  	_ =	shalt  }
0x51: {  	_ =	shalt  }
0x52: {  	_ =	shalt  }
0x53: {  	_ =	shalt  }
0x54: {  	_ =	shalt  }
0x55: {  	_ =	shalt  }
0x56: {  	_ =	shalt  }
0x57: {  	_ =	shalt  }
0x58: {  	_ =	shalt  }
0x59: {  	_ =	shalt  }
0x5a: {  	_ =	shalt  }
0x5b: {  	_ =	shalt  }
0x5c: {  	_ =	shalt  }
0x5d: {  	_ =	shalt  }
0x5e: {  	_ =	shalt  }
0x5f: {  	_ =	shalt  }
0x60: {  	_ =	shalt  }
0x61: {  	_ =	shalt  }
0x62: {  	_ =	shalt  }
0x63: {  	_ =	shalt  }
0x64: {  	_ =	shalt  }
0x65: {  	_ =	shalt  }
0x66: {  	_ =	shalt  }
0x67: {  	_ =	shalt  }
0x68: {  	_ =	shalt  }
0x69: {  	_ =	shalt  }
0x6a: {  	_ =	shalt  }
0x6b: {  	_ =	shalt  }
0x6c: {  	_ =	shalt  }
0x6d: {  	_ =	shalt  }
0x6e: {  	_ =	shalt  }
0x6f: {  	_ =	shalt  }
0x70: {  	_ =	shalt  }
0x71: {  	_ =	shalt  }
0x72: {  	_ =	shalt  }
0x73: {  	_ =	shalt  }
0x74: {  	_ =	shalt  }
0x75: {  	_ =	shalt  }
0x76: {  	_ =	shalt  }
0x77: {  	_ =	shalt  }
0x78: {  	_ =	shalt  }
0x79: {  	_ =	shalt  }
0x7a: {  	_ =	shalt  }
0x7b: {  	_ =	shalt  }
0x7c: {  	_ =	shalt  }
0x7d: {  	_ =	shalt  }
0x7e: {  	_ =	shalt  }
0x7f: {  	_ =	shalt  }
0x80: {  	_ =	shalt  }
0x81: {  	_ =	shalt  }
0x82: {  	_ =	shalt  }
0x83: {  	_ =	shalt  }
0x84: {  	_ =	shalt  }
0x85: {  	_ =	shalt  }
0x86: {  	_ =	shalt  }
0x87: {  	_ =	shalt  }
.Lfunc_end0:
.L_simem_size_0:
called_computation.1_lowered:
.L_overlay_start_0:
0x88: {  	s2 =	sld [smem:$0x3FD9]  }
0x89: {  	s3 =	sld [smem:$0x3FFE];
	_ =	sdelay $0x1  }
0x8a: {  	s1 =	srdreg.scid  }
0x8b: {  	s0 =	sand.u32 $0x1, s1  }
0x8c: {  	s17 =	sshll.u32 s0, $0xA;
	s2 =	sadd.s32 s3, s2  }
0x8d: {  	s2 =	sadd.s32 s2, s17  }
0x8e: {  	[smem:$0x3FC6] =	sst s2  }
0x8f: {  	_ = 	snop  }
0x90: {  	s2 =	sld [smem:$0x3FD0];
	(tm) =	ssettm $0x1  }
0x91: {  	s18 =	sld [smem:$0x3FFB];
	_ =	sdelay $0x3  }
0x92: {  	_ =	strace s18  }
0x93: {  	s3 =	sld [smem:$0x3FFC];
	_ =	sdelay $0x3  }
0x94: {  	_ =	strace s3  }
0x95: {  	s3 =	sld [smem:$0x3FFD];
	_ =	sdelay $0x3  }
0x96: {  	_ =	strace s3  }
0x97: {  	_ =	strace $0x8FFFFFFF  }
0x98: {  	s19 =	sld [smem:$0x3FDB];
	_ =	sdelay $0x1  }
0x99: {  	s4 =	simm.s32 $_scs_section_size  }
0x9a: {  	s5 =	simm.s32 $_size__tile_overlayer_lowered;
	s6 =	simm.s32 $_tile_overlayer_lowered  }
0x9b: {  	s22 =	simm.s32 $0x1BFF;
	s21 =	sshll.u32 s6, $0x1;
	s3 =	sadd.s32 s4, s19  }
0x9c: {  	s7 =	simm.s32 $0x0;
	s20 =	sshll.u32 s5, $0x1;
	s5 =	sadd.s32 s21, s3  }
0x9d: {  	[timem:s7], [sflag:s22] =	dma.local [hbm:s5], s20  }
0x9e: {  	_ =	swait.ge [sflag:s22], s20  }
0x9f: {  	s4 =	ssub.s32 $0x0, s20;
	[sflag:s22] =	ssyncset.done $0x0  }
0xa0: {  	[sflag:s22] =	ssyncadd.s32 s4;
	_ =	sdelay $0x1  }
0xa1: {  	s23 =	simm.s32 $0x1B8B  }
0xa2: {  	_ =	swait.ge [sflag:s23], $0x1  }
0xa3: {  	[sflag:s23] =	ssyncset.done $0x0  }
0xa4: {  	s25 =	simm.s32 $0x1B8E;
	s24 =	sld [smem:$0x3FFE];
	[sflag:s23] =	ssyncadd.s32 $0xFFFFFFFF  }
0xa5: {  	s26 =	simm.s32 $execute0_lowered;
	[smem:$0x3FD2] =	sst s25  }
0xa6: {  	s5 =	sshll.u32 s26, $0x1;
	_ =	strace $0x80000046;
	[dreg:$0x1] =	wrdreg $0xFFFFFFFF  }
0xa7: {  	s28 =	simm.s32 $_size_execute0_lowered;
	s3 =	sadd.s32 s3, s5;
	[dreg:$0x0] =	wrdreg $0x0  }
0xa8: {  	s5 =	sshll.u32 s28, $0x1;
	[dreg:$0x2] =	wrdreg s3  }
0xa9: {  	[dreg:$0x3] =	wrdreg s5  }
0xaa: {  	[dreg:$0x4] =	wrdreg $0xC0  }
0xab: {  	_ =	task [dreg:s7], $0x5FFFF  }
0xac: {  	[dreg:$0x1] =	wrdreg $0xFFFFFFFF  }
0xad: {  	[dreg:$0x0] =	wrdreg $0x60  }
0xae: {  	[dreg:$0x2] =	wrdreg s24  }
0xaf: {  	[dreg:$0x3] =	wrdreg s2  }
0xb0: {  	[dreg:$0x4] =	wrdreg $0x9  }
0xb1: {  	_ =	task.clear_ibuf [dreg:s7], $0x5FFFF;
	_ =	strace $0x90000046  }
0xb2: {  	s29 =	simm.s32 $0x9;
	_ =	strace $0x80000048  }
0xb3: {  	_ =	swait.ge [sflag:s29], $0x1  }
0xb4: {  	[sflag:s29] =	ssyncadd.s32 $0xFFFFFFFF  }
0xb5: {  	_ =	strace $0x90000048  }
0xb6: {  	_ =	sfence  }
0xb7: {  	s30 =	sld [smem:$0x0];
	_ =	sdelay $0x2  }
0xb8: {  	s31 =	sshll.u32 s1, $0xD;
	s1 =	sshrl.u32 s1, $0x2  }
0xb9: {  	s3 =	sand.u32 $0x4000, s31;
	s1 =	sadd.s32 s1, s30  }
0xba: {  	s0 =	sor.u32 s3, s0;
	s1 =	sshll.u32 s1, $0x11  }
0xbb: {  	s0 =	sor.u32 s1, s0  }
0xbc: {  	s0 =	sadd.s32 $0x8F2B, s0  }
0xbd: {  	[sflag:s0] =	ssyncadd.remote.s32 $0x1  }
0xbe: {  	_ =	sfence.sel $0xFFFF  }
0xbf: {  	[dreg:$0x0] =	wrdreg $0xFFFFFFFF;
	(pc) =	sbr.abs _section_cstart, $3  }
0xc0: {  	[dreg:$0x1] =	wrdreg $0xFFFFFFFF  }
0xc1: {  	_ =	task.clear_ibuf [dreg:s7], $0x2FFFF;
	_ =	strace $0x9FFFFFFF  }
0xc2: {  	(tm) =	ssettm $0x7FFFFFFF  }
0xc3: {  	_ =	shalt  }
tec
execute0_lowered:
.L_overlay_start_1:
0x0: {  	(tag) =	ssettag $0x1  }
0x1: {  	s0 =	srdreg.scid;
	s3 =	rddreg [dreg:$0x0]  }
0x2: {  	s24 =	stileid.u32;
	s1 =	rddreg [dreg:$0x1];
	s2 =	simm.s32 $0x0  }
0x3: {  	s28 =	simm.s32 $0x960;
	s30 =	simm.s32 $0x4;
	p0 =	por $0x0, $0x0  }
0x4: {  	s31 =	simm.s32 $0xC8;
	s6 =	sand.u32 $0x1, s0;
	s17 =	sshll.u32 s24, $0x1  }
0x5: {  	s29 =	simm.s32 $0x60;
	[smem:$0x7FF] =	sst s2;
	s0 =	sor.u32 s6, s17  }
0x6: {  	s4 =	sadd.s32 $0xA00, s3;
	s3 =	sadd.s32 $0xF42E00, s3;
	s5 =	smul.u32 $0x6400, s0  }
0x7: {  	_ =	strace $0x80000047;
	s6 =	ssub.s32 $0x2, s6;
	s0 =	smul.u32 $0x19000, s0  }
0x8: {  	s7 =	sshrl.u32 s5, $0x3;
	s8 =	sor.u32 $0x320, s5;
	s19 =	sadd.s32 $0x640, s5  }
0x9: {  	s10 =	sadd.s32 $0x960, s5;
	s22 =	sadd.s32 $0xC80, s5;
	s0 =	sadd.s32 s1, s0  }
0xa: {  	s7 =	sadd.s32 s4, s7;
	s9 =	sshrl.u32 s8, $0x3;
	s20 =	sshrl.u32 s19, $0x3  }
0xb: {  	s11 =	sshrl.u32 s10, $0x3;
	s23 =	sshrl.u32 s22, $0x3;
	[dreg:$0x7] =	wrdreg s0  }
0xc: {  	s26 =	sshll.u32 s8, $0x2;
	s13 =	sshll.u32 s19, $0x2;
	s17 =	sshll.u32 s10, $0x2  }
0xd: {  	s19 =	sadd.s32 $0x15E0, s5;
	[dreg:$0x3] =	wrdreg s7;
	s18 =	sadd.s32 s4, s9  }
0xe: {  	s7 =	sadd.s32 s4, s20;
	s21 =	sadd.s32 s4, s11;
	[dreg:$0x4] =	wrdreg s18  }
0xf: {  	s25 =	sadd.s32 s4, s23;
	s8 =	sadd.s32 s1, s26;
	[dreg:$0x5] =	wrdreg s7  }
0x10: {  	s9 =	sadd.s32 $0x12C0, s5;
	s14 =	sadd.s32 s1, s13;
	[dreg:$0x6] =	wrdreg s21  }
0x11: {  	s20 =	sshrl.u32 s19, $0x3;
	s11 =	sadd.s32 $0x5780, s5;
	[dreg:$0x8] =	wrdreg s25  }
0x12: {  	s7 =	sadd.s32 $0xFA0, s5;
	[dreg:$0x9] =	wrdreg s8;
	s15 =	sshrl.u32 s9, $0x3  }
0x13: {  	[dreg:$0xb] =	wrdreg s14;
	s18 =	sadd.s32 s1, s17;
	s21 =	sshll.u32 s22, $0x2  }
0x14: {  	s22 =	sadd.s32 $0x1900, s5;
	s9 =	sshll.u32 s9, $0x2;
	s14 =	sadd.s32 $0x1F40, s5  }
0x15: {  	s8 =	sshll.u32 s19, $0x2;
	s19 =	sadd.s32 $0x2260, s5;
	s12 =	sshrl.u32 s7, $0x3  }
0x16: {  	s16 =	sadd.s32 s4, s15;
	[dreg:$0xd] =	wrdreg s18;
	s23 =	sadd.s32 s1, s21  }
0x17: {  	s25 =	sshrl.u32 s22, $0x3;
	s7 =	sshll.u32 s7, $0x2;
	s15 =	sadd.s32 s1, s9  }
0x18: {  	s18 =	sadd.s32 s1, s8;
	s21 =	sshll.u32 s22, $0x2;
	s22 =	sadd.s32 $0x2580, s5  }
0x19: {  	s8 =	sshll.u32 s19, $0x2;
	s0 =	sadd.s32 s4, s12;
	[dreg:$0xc] =	wrdreg s16  }
0x1a: {  	[dreg:$0xf] =	wrdreg s23;
	s26 =	sadd.s32 s4, s25;
	s10 =	sadd.s32 s1, s7  }
0x1b: {  	s12 =	sadd.s32 $0x1C20, s5;
	s16 =	sshrl.u32 s14, $0x3;
	[dreg:$0x13] =	wrdreg s15  }
0x1c: {  	[dreg:$0x15] =	wrdreg s18;
	s23 =	sadd.s32 s1, s21;
	s25 =	sshrl.u32 s22, $0x3  }
0x1d: {  	s18 =	sadd.s32 s1, s8;
	s21 =	sshll.u32 s22, $0x2;
	[dreg:$0xa] =	wrdreg s0  }
0x1e: {  	s22 =	sadd.s32 $0x3200, s5;
	s0 =	sadd.s32 s4, s20;
	[dreg:$0x10] =	wrdreg s26  }
0x1f: {  	[dreg:$0x11] =	wrdreg s10;
	s13 =	sshrl.u32 s12, $0x3;
	s17 =	sadd.s32 s4, s16  }
0x20: {  	s20 =	sshrl.u32 s19, $0x3;
	[dreg:$0x17] =	wrdreg s23;
	s26 =	sadd.s32 s4, s25  }
0x21: {  	s7 =	sshll.u32 s12, $0x2;
	s19 =	sadd.s32 $0x2EE0, s5;
	[dreg:$0x1d] =	wrdreg s18  }
0x22: {  	s23 =	sadd.s32 s1, s21;
	s25 =	sshrl.u32 s22, $0x3;
	[dreg:$0xe] =	wrdreg s0  }
0x23: {  	s21 =	sshll.u32 s22, $0x2;
	s22 =	sadd.s32 $0x3E80, s5;
	[dreg:$0x14] =	wrdreg s17  }
0x24: {  	s10 =	sadd.s32 $0x5DC0, s5;
	s0 =	sadd.s32 s4, s13;
	[dreg:$0x18] =	wrdreg s26  }
0x25: {  	s9 =	sadd.s32 s1, s7;
	s7 =	sadd.s32 $0x28A0, s5;
	s13 =	sshll.u32 s14, $0x2  }
0x26: {  	s14 =	sadd.s32 $0x2BC0, s5;
	[dreg:$0x1f] =	wrdreg s23;
	s26 =	sadd.s32 s4, s25  }
0x27: {  	s8 =	sshll.u32 s19, $0x2;
	s23 =	sadd.s32 s1, s21;
	s25 =	sshrl.u32 s22, $0x3  }
0x28: {  	s22 =	sshll.u32 s22, $0x2;
	[dreg:$0x12] =	wrdreg s0;
	s0 =	sadd.s32 s4, s20  }
0x29: {  	[dreg:$0x19] =	wrdreg s9;
	s12 =	sshrl.u32 s7, $0x3;
	s15 =	sadd.s32 s1, s13  }
0x2a: {  	s16 =	sshrl.u32 s14, $0x3;
	s20 =	sshrl.u32 s19, $0x3;
	[smem:$0x7D9] =	sst s26  }
0x2b: {  	s7 =	sshll.u32 s7, $0x2;
	s13 =	sshll.u32 s14, $0x2;
	[smem:$0x7E0] =	sst s23  }
0x2c: {  	s14 =	sadd.s32 $0x3840, s5;
	s18 =	sadd.s32 s1, s8;
	[dreg:$0x16] =	wrdreg s0  }
0x2d: {  	s19 =	sadd.s32 $0x3B60, s5;
	s26 =	sadd.s32 s4, s25;
	[dreg:$0x1b] =	wrdreg s15  }
0x2e: {  	s23 =	sadd.s32 $0x4B00, s5;
	s25 =	sadd.s32 s1, s22;
	[smem:$0x7DE] =	sst s18  }
0x2f: {  	s0 =	sadd.s32 s4, s12;
	s17 =	sadd.s32 s4, s16;
	[smem:$0x7E1] =	sst s26  }
0x30: {  	s9 =	sadd.s32 s1, s7;
	s7 =	sadd.s32 $0x3520, s5;
	[smem:$0x7E8] =	sst s25  }
0x31: {  	s15 =	sadd.s32 s1, s13;
	s16 =	sshrl.u32 s14, $0x3;
	[dreg:$0x1a] =	wrdreg s0  }
0x32: {  	s14 =	sshll.u32 s14, $0x2;
	s8 =	sshll.u32 s19, $0x2;
	[dreg:$0x1c] =	wrdreg s17  }
0x33: {  	s26 =	sshrl.u32 s23, $0x3;
	s23 =	sshll.u32 s23, $0x2;
	[smem:$0x7DA] =	sst s9  }
0x34: {  	s0 =	sadd.s32 s4, s20;
	s12 =	sshrl.u32 s7, $0x3;
	[smem:$0x7DC] =	sst s15  }
0x35: {  	s17 =	sadd.s32 s4, s16;
	s20 =	sshrl.u32 s19, $0x3;
	[dreg:$0x1e] =	wrdreg s0  }
0x36: {  	s7 =	sshll.u32 s7, $0x2;
	s16 =	sadd.s32 s1, s14;
	[smem:$0x7DD] =	sst s17  }
0x37: {  	s15 =	sadd.s32 $0x44C0, s5;
	s19 =	sadd.s32 s1, s8;
	[smem:$0x7E4] =	sst s16  }
0x38: {  	s25 =	sadd.s32 s1, s23;
	s0 =	sadd.s32 s4, s12;
	[smem:$0x7E6] =	sst s19  }
0x39: {  	s9 =	sadd.s32 s1, s7;
	s12 =	sadd.s32 $0x41A0, s5;
	[smem:$0x7F0] =	sst s25  }
0x3a: {  	s17 =	sshrl.u32 s15, $0x3;
	s15 =	sshll.u32 s15, $0x2;
	[smem:$0x7DB] =	sst s0  }
0x3b: {  	s16 =	sadd.s32 $0x5140, s5;
	s0 =	sadd.s32 s4, s20;
	[smem:$0x7E2] =	sst s9  }
0x3c: {  	s13 =	sshrl.u32 s12, $0x3;
	s18 =	sadd.s32 s4, s17;
	s20 =	sadd.s32 $0x47E0, s5  }
0x3d: {  	s9 =	sadd.s32 s4, s26;
	s7 =	sshll.u32 s12, $0x2;
	s17 =	sadd.s32 s1, s15  }
0x3e: {  	s26 =	sshrl.u32 s11, $0x3;
	s11 =	sshll.u32 s11, $0x2;
	[smem:$0x7DF] =	sst s0  }
0x3f: {  	s0 =	sadd.s32 s4, s13;
	[smem:$0x7E5] =	sst s18;
	s21 =	sshrl.u32 s20, $0x3  }
0x40: {  	[smem:$0x7E9] =	sst s9;
	s12 =	sadd.s32 s1, s7;
	s13 =	sadd.s32 $0x4E20, s5  }
0x41: {  	s18 =	sshrl.u32 s16, $0x3;
	[smem:$0x7EC] =	sst s17;
	s8 =	sshll.u32 s20, $0x2  }
0x42: {  	s16 =	sshll.u32 s16, $0x2;
	s25 =	sadd.s32 s1, s11;
	[smem:$0x7E3] =	sst s0  }
0x43: {  	s11 =	simm.s32 $0x9;
	s0 =	sadd.s32 s4, s21;
	[smem:$0x7EA] =	sst s12  }
0x44: {  	s14 =	sshrl.u32 s13, $0x3;
	s19 =	sadd.s32 s4, s18;
	[smem:$0x7F8] =	sst s25  }
0x45: {  	s20 =	sadd.s32 s1, s8;
	s21 =	sadd.s32 $0x5460, s5;
	[smem:$0x7E7] =	sst s0  }
0x46: {  	s12 =	sadd.s32 s4, s26;
	s7 =	sshll.u32 s13, $0x2;
	[smem:$0x7ED] =	sst s19  }
0x47: {  	s17 =	sadd.s32 s1, s16;
	s18 =	sshrl.u32 s10, $0x3;
	[smem:$0x7EE] =	sst s20  }
0x48: {  	s0 =	sadd.s32 s4, s14;
	s22 =	sshrl.u32 s21, $0x3;
	[smem:$0x7F1] =	sst s12  }
0x49: {  	s13 =	sadd.s32 s1, s7;
	s14 =	sadd.s32 $0x5AA0, s5;
	[smem:$0x7F4] =	sst s17  }
0x4a: {  	s19 =	sadd.s32 s4, s18;
	s8 =	sshll.u32 s21, $0x2;
	s21 =	sadd.s32 $0x60E0, s5  }
0x4b: {  	s12 =	sadd.s32 $0x6270, s5;
	s17 =	sshll.u32 s10, $0x2;
	[smem:$0x7EB] =	sst s0  }
0x4c: {  	s10 =	simm.s32 $0xA;
	s0 =	sadd.s32 s4, s22;
	[smem:$0x7F2] =	sst s13  }
0x4d: {  	s15 =	sshrl.u32 s14, $0x3;
	[smem:$0x7F5] =	sst s19;
	s20 =	sadd.s32 s1, s8  }
0x4e: {  	s22 =	sshrl.u32 s6, $0x1;
	s23 =	sshrl.u32 s21, $0x3;
	s26 =	sshrl.u32 s12, $0x3  }
0x4f: {  	s7 =	sshll.u32 s14, $0x2;
	s18 =	sadd.s32 s1, s17;
	s21 =	sshll.u32 s21, $0x2  }
0x50: {  	s17 =	simm.s32 $0x6;
	s8 =	simm.s32 $0xB;
	[smem:$0x7EF] =	sst s0  }
0x51: {  	s0 =	sadd.s32 s4, s15;
	[smem:$0x7F6] =	sst s20;
	s13 =	sadd.s32 s4, s26  }
0x52: {  	s14 =	sadd.s32 s1, s7;
	s15 =	sadd.s32 $0x6338, s5;
	s9 =	ssub.s32 s6, s22  }
0x53: {  	s5 =	sadd.s32 $0x6398, s5;
	[smem:$0x7FC] =	sst s18;
	s7 =	sadd.s32 s1, s21  }
0x54: {  	s22 =	sshll.u32 s12, $0x2;
	s21 =	simm.s32 $0x320;
	[smem:$0x7F3] =	sst s0  }
0x55: {  	s18 =	simm.s32 $0x5;
	s12 =	simm.s32 $0xC;
	[smem:$0x7F9] =	sst s13  }
0x56: {  	s0 =	sadd.s32 s4, s23;
	[smem:$0x7FA] =	sst s14;
	s16 =	sshrl.u32 s15, $0x3  }
0x57: {  	s19 =	sshrl.u32 s5, $0x3;
	s6 =	sadd.s32 s1, s22;
	s23 =	sshll.u32 s15, $0x2  }
0x58: {  	s25 =	sshll.u32 s5, $0x2;
	s26 =	smax.u32 s9, $0x1;
	s14 =	simm.s32 $0xC80  }
0x59: {  	s13 =	simm.s32 $0x7080;
	s9 =	simm.s32 $0xD480;
	s15 =	simm.s32 $0x7  }
0x5a: {  	s22 =	simm.s32 $0x8;
	[smem:$0x7F7] =	sst s0;
	p1 =	sne.s32 s26, $0x1  }
.Ltmp0:
0x5b: {  	s0 =	sadd.s32 s4, s16;
	s20 =	sadd.s32 s4, s19;
	(pc) =	sbr.rel @!p1 .LBB2_1-.Ltmp0, $4  }
0x5c: {  	s5 =	sadd.s32 s1, s23;
	s4 =	sadd.s32 s1, s25;
	s16 =	simm.s32 $0x640  }
0x5d: {  	s25 =	simm.s32 $0x1;
	s23 =	simm.s32 $0x2;
	[smem:$0x7FB] =	sst s0  }
0x5e: {  	s19 =	simm.s32 $0x13880;
	s1 =	sadd.s32 $0xFFFFFFFF, s26;
	[smem:$0x7FD] =	sst s20  }
0x5f: {  	s26 =	simm.s32 $0x68;
	s20 =	simm.s32 $0x3;
	s0 =	rddreg [dreg:$0x3]  }
0x60: {  	[tilespmem:s2], [sflag:$0x1] =	stream.linear.gather [hbm4b:s0+s2], $0x320, $0x38;
	[tilespmem:$0x19C80] =	vst v63  }
0x61: {  	s24 =	smov.u32 s1;
	s1 =	rddreg [dreg:$0x4]  }
0x62: {  	[tilespmem:s21], [sflag:$0x2] =	stream.linear.gather [hbm4b:s1+s2], $0x320, $0x38;
	[tilespmem:$0x19C80] =	vst v63  }
0x63: {  	s0 =	rddreg [dreg:$0x5]  }
0x64: {  	[tilespmem:s16], [sflag:$0x3] =	stream.linear.gather [hbm4b:s0+s2], $0x320, $0x38;
	[tilespmem:$0x19C80] =	vst v63  }
0x65: {  	s1 =	rddreg [dreg:$0x6]  }
0x66: {  	[tilespmem:s28], [sflag:$0x4] =	stream.linear.gather [hbm4b:s1+s2], $0x320, $0x38;
	[tilespmem:$0x19C80] =	vst v63  }
0x67: {  	_ =	swait.ge [sflag:s25], $0x320  }
0x68: {  	[sflag:s25] =	ssyncset.done $0x0  }
0x69: {  	[sflag:s25] =	ssyncadd.s32 $0xFFFFFCE0  }
0x6a: {  	[tilespmem:s14], [sflag:$0x5] =	stream.indirect.gather [hbm4b:s3+s21], $0x20, s2, s21, $0xb8;
	[tilespmem:$0x19C80] =	vst v63  }
0x6b: {  	_ =	swait.ge [sflag:s23], $0x320  }
0x6c: {  	[sflag:s23] =	ssyncset.done $0x0  }
0x6d: {  	[sflag:s23] =	ssyncadd.s32 $0xFFFFFCE0  }
0x6e: {  	[tilespmem:s13], [sflag:$0x6] =	stream.indirect.gather [hbm4b:s3+s21], $0x20, s21, s21, $0xb8;
	[tilespmem:$0x19C80] =	vst v63  }
0x6f: {  	_ =	swait.ge [sflag:s20], $0x320  }
0x70: {  	[sflag:s20] =	ssyncset.done $0x0  }
0x71: {  	[sflag:s20] =	ssyncadd.s32 $0xFFFFFCE0  }
0x72: {  	[tilespmem:s9], [sflag:$0x7] =	stream.indirect.gather [hbm4b:s3+s21], $0x20, s16, s21, $0xb8;
	[tilespmem:$0x19C80] =	vst v63  }
0x73: {  	_ =	swait.ge [sflag:s30], $0x320  }
0x74: {  	[sflag:s30] =	ssyncset.done $0x0  }
0x75: {  	[sflag:s30] =	ssyncadd.s32 $0xFFFFFCE0  }
0x76: {  	[tilespmem:s19], [sflag:$0x8] =	stream.indirect.gather [hbm4b:s3+s21], $0x20, s28, s21, $0xb8;
	[tilespmem:$0x19C80] =	vst v63  }
0x77: {  	_ =	swait.ge [sflag:s18], $0x6400  }
0x78: {  	[sflag:s18] =	ssyncset.done $0x0  }
0x79: {  	s0 =	rddreg [dreg:$0x7];
	[sflag:s18] =	ssyncadd.s32 $0xFFFF9C00  }
0x7a: {  	[hbm4b:s0+s2] =	stream.linear.scatter [tilespmem:s14], [sflag:$0x9], $0x6400, $0x38;
	[tilespmem:$0x19C80] =	vst v63  }
0x7b: {  	s1 =	rddreg [dreg:$0x8]  }
0x7c: {  	[tilespmem:s2], [sflag:$0x1] =	stream.linear.gather [hbm4b:s1+s2], $0x320, $0x38;
	[tilespmem:$0x19C80] =	vst v63  }
0x7d: {  	_ =	swait.ge [sflag:s11], $0x6400  }
0x7e: {  	[sflag:s11] =	ssyncset.done $0x0  }
0x7f: {  	[sflag:s11] =	ssyncadd.s32 $0xFFFF9C00  }
0x80: {  	_ =	swait.ge [sflag:s25], $0x320  }
0x81: {  	[sflag:s25] =	ssyncset.done $0x0  }
0x82: {  	[sflag:s25] =	ssyncadd.s32 $0xFFFFFCE0  }
0x83: {  	[tilespmem:s14], [sflag:$0x5] =	stream.indirect.gather [hbm4b:s3+s21], $0x20, s2, s21, $0xb8;
	[tilespmem:$0x19C80] =	vst v63  }
0x84: {  	_ =	swait.ge [sflag:s17], $0x6400  }
0x85: {  	[sflag:s17] =	ssyncset.done $0x0  }
0x86: {  	s0 =	rddreg [dreg:$0x9];
	[sflag:s17] =	ssyncadd.s32 $0xFFFF9C00  }
0x87: {  	[hbm4b:s0+s2] =	stream.linear.scatter [tilespmem:s13], [sflag:$0xA], $0x6400, $0x38;
	[tilespmem:$0x19C80] =	vst v63  }
0x88: {  	s1 =	rddreg [dreg:$0xa]  }
0x89: {  	[tilespmem:s21], [sflag:$0x2] =	stream.linear.gather [hbm4b:s1+s2], $0x320, $0x38;
	[tilespmem:$0x19C80] =	vst v63  }
0x8a: {  	_ =	swait.ge [sflag:s10], $0x6400  }
0x8b: {  	[sflag:s10] =	ssyncset.done $0x0  }
0x8c: {  	[sflag:s10] =	ssyncadd.s32 $0xFFFF9C00  }
0x8d: {  	_ =	swait.ge [sflag:s23], $0x320  }
0x8e: {  	[sflag:s23] =	ssyncset.done $0x0  }
0x8f: {  	[sflag:s23] =	ssyncadd.s32 $0xFFFFFCE0  }
0x90: {  	[tilespmem:s13], [sflag:$0x6] =	stream.indirect.gather [hbm4b:s3+s21], $0x20, s21, s21, $0xb8;
	[tilespmem:$0x19C80] =	vst v63  }
0x91: {  	_ =	swait.ge [sflag:s15], $0x6400  }
0x92: {  	[sflag:s15] =	ssyncset.done $0x0  }
0x93: {  	s0 =	rddreg [dreg:$0xb];
	[sflag:s15] =	ssyncadd.s32 $0xFFFF9C00  }
0x94: {  	[hbm4b:s0+s2] =	stream.linear.scatter [tilespmem:s9], [sflag:$0xB], $0x6400, $0x38;
	[tilespmem:$0x19C80] =	vst v63  }
0x95: {  	s1 =	rddreg [dreg:$0xc]  }
0x96: {  	[tilespmem:s16], [sflag:$0x3] =	stream.linear.gather [hbm4b:s1+s2], $0x320, $0x38;
	[tilespmem:$0x19C80] =	vst v63  }
0x97: {  	_ =	swait.ge [sflag:s8], $0x6400  }
0x98: {  	[sflag:s8] =	ssyncset.done $0x0  }
0x99: {  	[sflag:s8] =	ssyncadd.s32 $0xFFFF9C00  }
0x9a: {  	_ =	swait.ge [sflag:s20], $0x320  }
0x9b: {  	[sflag:s20] =	ssyncset.done $0x0  }
0x9c: {  	[sflag:s20] =	ssyncadd.s32 $0xFFFFFCE0  }
0x9d: {  	[tilespmem:s9], [sflag:$0x7] =	stream.indirect.gather [hbm4b:s3+s21], $0x20, s16, s21, $0xb8;
	[tilespmem:$0x19C80] =	vst v63  }
0x9e: {  	_ =	swait.ge [sflag:s22], $0x6400  }
0x9f: {  	[sflag:s22] =	ssyncset.done $0x0  }
0xa0: {  	s0 =	rddreg [dreg:$0xd];
	[sflag:s22] =	ssyncadd.s32 $0xFFFF9C00  }
0xa1: {  	[hbm4b:s0+s2] =	stream.linear.scatter [tilespmem:s19], [sflag:$0xC], $0x6400, $0x38;
	[tilespmem:$0x19C80] =	vst v63  }
0xa2: {  	s1 =	rddreg [dreg:$0xe]  }
0xa3: {  	[tilespmem:s28], [sflag:$0x4] =	stream.linear.gather [hbm4b:s1+s2], $0x320, $0x38;
	[tilespmem:$0x19C80] =	vst v63  }
0xa4: {  	_ =	swait.ge [sflag:s12], $0x6400  }
0xa5: {  	[sflag:s12] =	ssyncset.done $0x0  }
0xa6: {  	[sflag:s12] =	ssyncadd.s32 $0xFFFF9C00  }
0xa7: {  	_ =	swait.ge [sflag:s30], $0x320  }
0xa8: {  	[sflag:s30] =	ssyncset.done $0x0  }
0xa9: {  	[sflag:s30] =	ssyncadd.s32 $0xFFFFFCE0  }
0xaa: {  	[tilespmem:s19], [sflag:$0x8] =	stream.indirect.gather [hbm4b:s3+s21], $0x20, s28, s21, $0xb8;
	[tilespmem:$0x19C80] =	vst v63  }
0xab: {  	_ =	swait.ge [sflag:s18], $0x6400  }
0xac: {  	[sflag:s18] =	ssyncset.done $0x0  }
0xad: {  	s0 =	rddreg [dreg:$0xf];
	[sflag:s18] =	ssyncadd.s32 $0xFFFF9C00  }
0xae: {  	[hbm4b:s0+s2] =	stream.linear.scatter [tilespmem:s14], [sflag:$0x9], $0x6400, $0x38;
	[tilespmem:$0x19C80] =	vst v63  }
0xaf: {  	s1 =	rddreg [dreg:$0x10]  }
0xb0: {  	[tilespmem:s2], [sflag:$0x1] =	stream.linear.gather [hbm4b:s1+s2], $0x320, $0x38;
	[tilespmem:$0x19C80] =	vst v63  }
0xb1: {  	_ =	swait.ge [sflag:s11], $0x6400  }
0xb2: {  	[sflag:s11] =	ssyncset.done $0x0  }
0xb3: {  	[sflag:s11] =	ssyncadd.s32 $0xFFFF9C00  }
0xb4: {  	_ =	swait.ge [sflag:s25], $0x320  }
0xb5: {  	[sflag:s25] =	ssyncset.done $0x0  }
0xb6: {  	[sflag:s25] =	ssyncadd.s32 $0xFFFFFCE0  }
0xb7: {  	[tilespmem:s14], [sflag:$0x5] =	stream.indirect.gather [hbm4b:s3+s21], $0x20, s2, s21, $0xb8;
	[tilespmem:$0x19C80] =	vst v63  }
0xb8: {  	_ =	swait.ge [sflag:s17], $0x6400  }
0xb9: {  	[sflag:s17] =	ssyncset.done $0x0  }
0xba: {  	s0 =	rddreg [dreg:$0x11];
	[sflag:s17] =	ssyncadd.s32 $0xFFFF9C00  }
0xbb: {  	[hbm4b:s0+s2] =	stream.linear.scatter [tilespmem:s13], [sflag:$0xA], $0x6400, $0x38;
	[tilespmem:$0x19C80] =	vst v63  }
0xbc: {  	s1 =	rddreg [dreg:$0x12]  }
0xbd: {  	[tilespmem:s21], [sflag:$0x2] =	stream.linear.gather [hbm4b:s1+s2], $0x320, $0x38;
	[tilespmem:$0x19C80] =	vst v63  }
0xbe: {  	_ =	swait.ge [sflag:s10], $0x6400  }
0xbf: {  	[sflag:s10] =	ssyncset.done $0x0  }
0xc0: {  	[sflag:s10] =	ssyncadd.s32 $0xFFFF9C00  }
0xc1: {  	_ =	swait.ge [sflag:s23], $0x320  }
0xc2: {  	[sflag:s23] =	ssyncset.done $0x0  }
0xc3: {  	[sflag:s23] =	ssyncadd.s32 $0xFFFFFCE0  }
0xc4: {  	[tilespmem:s13], [sflag:$0x6] =	stream.indirect.gather [hbm4b:s3+s21], $0x20, s21, s21, $0xb8;
	[tilespmem:$0x19C80] =	vst v63  }
0xc5: {  	_ =	swait.ge [sflag:s15], $0x6400  }
0xc6: {  	[sflag:s15] =	ssyncset.done $0x0  }
0xc7: {  	s0 =	rddreg [dreg:$0x13];
	[sflag:s15] =	ssyncadd.s32 $0xFFFF9C00  }
0xc8: {  	[hbm4b:s0+s2] =	stream.linear.scatter [tilespmem:s9], [sflag:$0xB], $0x6400, $0x38;
	[tilespmem:$0x19C80] =	vst v63  }
0xc9: {  	s1 =	rddreg [dreg:$0x14]  }
0xca: {  	[tilespmem:s16], [sflag:$0x3] =	stream.linear.gather [hbm4b:s1+s2], $0x320, $0x38;
	[tilespmem:$0x19C80] =	vst v63  }
0xcb: {  	_ =	swait.ge [sflag:s8], $0x6400  }
0xcc: {  	[sflag:s8] =	ssyncset.done $0x0  }
0xcd: {  	[sflag:s8] =	ssyncadd.s32 $0xFFFF9C00  }
0xce: {  	_ =	swait.ge [sflag:s20], $0x320  }
0xcf: {  	[sflag:s20] =	ssyncset.done $0x0  }
0xd0: {  	[sflag:s20] =	ssyncadd.s32 $0xFFFFFCE0  }
0xd1: {  	[tilespmem:s9], [sflag:$0x7] =	stream.indirect.gather [hbm4b:s3+s21], $0x20, s16, s21, $0xb8;
	[tilespmem:$0x19C80] =	vst v63  }
0xd2: {  	_ =	swait.ge [sflag:s22], $0x6400  }
0xd3: {  	[sflag:s22] =	ssyncset.done $0x0  }
0xd4: {  	s0 =	rddreg [dreg:$0x15];
	[sflag:s22] =	ssyncadd.s32 $0xFFFF9C00  }
0xd5: {  	[hbm4b:s0+s2] =	stream.linear.scatter [tilespmem:s19], [sflag:$0xC], $0x6400, $0x38;
	[tilespmem:$0x19C80] =	vst v63  }
0xd6: {  	s1 =	rddreg [dreg:$0x16]  }
0xd7: {  	[tilespmem:s28], [sflag:$0x4] =	stream.linear.gather [hbm4b:s1+s2], $0x320, $0x38;
	[tilespmem:$0x19C80] =	vst v63  }
0xd8: {  	_ =	swait.ge [sflag:s12], $0x6400  }
0xd9: {  	[sflag:s12] =	ssyncset.done $0x0  }
0xda: {  	[sflag:s12] =	ssyncadd.s32 $0xFFFF9C00  }
0xdb: {  	_ =	swait.ge [sflag:s30], $0x320  }
0xdc: {  	[sflag:s30] =	ssyncset.done $0x0  }
0xdd: {  	[sflag:s30] =	ssyncadd.s32 $0xFFFFFCE0  }
0xde: {  	[tilespmem:s19], [sflag:$0x8] =	stream.indirect.gather [hbm4b:s3+s21], $0x20, s28, s21, $0xb8;
	[tilespmem:$0x19C80] =	vst v63  }
0xdf: {  	_ =	swait.ge [sflag:s18], $0x6400  }
0xe0: {  	[sflag:s18] =	ssyncset.done $0x0  }
0xe1: {  	s0 =	rddreg [dreg:$0x17];
	[sflag:s18] =	ssyncadd.s32 $0xFFFF9C00  }
0xe2: {  	[hbm4b:s0+s2] =	stream.linear.scatter [tilespmem:s14], [sflag:$0x9], $0x6400, $0x38;
	[tilespmem:$0x19C80] =	vst v63  }
0xe3: {  	s1 =	rddreg [dreg:$0x18]  }
0xe4: {  	[tilespmem:s2], [sflag:$0x1] =	stream.linear.gather [hbm4b:s1+s2], $0x320, $0x38;
	[tilespmem:$0x19C80] =	vst v63  }
0xe5: {  	_ =	swait.ge [sflag:s11], $0x6400  }
0xe6: {  	[sflag:s11] =	ssyncset.done $0x0  }
0xe7: {  	[sflag:s11] =	ssyncadd.s32 $0xFFFF9C00  }
0xe8: {  	_ =	swait.ge [sflag:s25], $0x320  }
0xe9: {  	[sflag:s25] =	ssyncset.done $0x0  }
0xea: {  	[sflag:s25] =	ssyncadd.s32 $0xFFFFFCE0  }
0xeb: {  	[tilespmem:s14], [sflag:$0x5] =	stream.indirect.gather [hbm4b:s3+s21], $0x20, s2, s21, $0xb8;
	[tilespmem:$0x19C80] =	vst v63  }
0xec: {  	_ =	swait.ge [sflag:s17], $0x6400  }
0xed: {  	[sflag:s17] =	ssyncset.done $0x0  }
0xee: {  	s0 =	rddreg [dreg:$0x19];
	[sflag:s17] =	ssyncadd.s32 $0xFFFF9C00  }
0xef: {  	[hbm4b:s0+s2] =	stream.linear.scatter [tilespmem:s13], [sflag:$0xA], $0x6400, $0x38;
	[tilespmem:$0x19C80] =	vst v63  }
0xf0: {  	s1 =	rddreg [dreg:$0x1a]  }
0xf1: {  	[tilespmem:s21], [sflag:$0x2] =	stream.linear.gather [hbm4b:s1+s2], $0x320, $0x38;
	[tilespmem:$0x19C80] =	vst v63  }
0xf2: {  	_ =	swait.ge [sflag:s10], $0x6400  }
0xf3: {  	[sflag:s10] =	ssyncset.done $0x0  }
0xf4: {  	[sflag:s10] =	ssyncadd.s32 $0xFFFF9C00  }
0xf5: {  	_ =	swait.ge [sflag:s23], $0x320  }
0xf6: {  	[sflag:s23] =	ssyncset.done $0x0  }
0xf7: {  	[sflag:s23] =	ssyncadd.s32 $0xFFFFFCE0  }
0xf8: {  	[tilespmem:s13], [sflag:$0x6] =	stream.indirect.gather [hbm4b:s3+s21], $0x20, s21, s21, $0xb8;
	[tilespmem:$0x19C80] =	vst v63  }
0xf9: {  	_ =	swait.ge [sflag:s15], $0x6400  }
0xfa: {  	[sflag:s15] =	ssyncset.done $0x0  }
0xfb: {  	s0 =	rddreg [dreg:$0x1b];
	[sflag:s15] =	ssyncadd.s32 $0xFFFF9C00  }
0xfc: {  	[hbm4b:s0+s2] =	stream.linear.scatter [tilespmem:s9], [sflag:$0xB], $0x6400, $0x38;
	[tilespmem:$0x19C80] =	vst v63  }
0xfd: {  	s1 =	rddreg [dreg:$0x1c]  }
0xfe: {  	[tilespmem:s16], [sflag:$0x3] =	stream.linear.gather [hbm4b:s1+s2], $0x320, $0x38;
	[tilespmem:$0x19C80] =	vst v63  }
0xff: {  	_ =	swait.ge [sflag:s8], $0x6400  }
0x100: {  	[sflag:s8] =	ssyncset.done $0x0  }
0x101: {  	[sflag:s8] =	ssyncadd.s32 $0xFFFF9C00  }
0x102: {  	_ =	swait.ge [sflag:s20], $0x320  }
0x103: {  	[sflag:s20] =	ssyncset.done $0x0  }
0x104: {  	[sflag:s20] =	ssyncadd.s32 $0xFFFFFCE0  }
0x105: {  	[tilespmem:s9], [sflag:$0x7] =	stream.indirect.gather [hbm4b:s3+s21], $0x20, s16, s21, $0xb8;
	[tilespmem:$0x19C80] =	vst v63  }
0x106: {  	_ =	swait.ge [sflag:s22], $0x6400  }
0x107: {  	[sflag:s22] =	ssyncset.done $0x0  }
0x108: {  	s0 =	rddreg [dreg:$0x1d];
	[sflag:s22] =	ssyncadd.s32 $0xFFFF9C00  }
0x109: {  	[hbm4b:s0+s2] =	stream.linear.scatter [tilespmem:s19], [sflag:$0xC], $0x6400, $0x38;
	[tilespmem:$0x19C80] =	vst v63  }
0x10a: {  	s1 =	rddreg [dreg:$0x1e]  }
0x10b: {  	[tilespmem:s28], [sflag:$0x4] =	stream.linear.gather [hbm4b:s1+s2], $0x320, $0x38;
	[tilespmem:$0x19C80] =	vst v63  }
0x10c: {  	_ =	swait.ge [sflag:s12], $0x6400  }
0x10d: {  	[sflag:s12] =	ssyncset.done $0x0  }
0x10e: {  	[sflag:s12] =	ssyncadd.s32 $0xFFFF9C00  }
0x10f: {  	_ =	swait.ge [sflag:s30], $0x320  }
0x110: {  	[sflag:s30] =	ssyncset.done $0x0  }
0x111: {  	[sflag:s30] =	ssyncadd.s32 $0xFFFFFCE0  }
0x112: {  	[tilespmem:s19], [sflag:$0x8] =	stream.indirect.gather [hbm4b:s3+s21], $0x20, s28, s21, $0xb8;
	[tilespmem:$0x19C80] =	vst v63  }
0x113: {  	_ =	swait.ge [sflag:s18], $0x6400  }
0x114: {  	s0 =	rddreg [dreg:$0x1f];
	[sflag:s18] =	ssyncset.done $0x0  }
0x115: {  	s1 =	sld [smem:$0x7D9];
	[sflag:s18] =	ssyncadd.s32 $0xFFFF9C00  }
0x116: {  	[hbm4b:s0+s2] =	stream.linear.scatter [tilespmem:s14], [sflag:$0x9], $0x6400, $0x38;
	[tilespmem:$0x19C80] =	vst v63  }
0x117: {  	_ = 	snop  }
0x118: {  	[tilespmem:s2], [sflag:$0x1] =	stream.linear.gather [hbm4b:s1+s2], $0x320, $0x38;
	[tilespmem:$0x19C80] =	vst v63  }
0x119: {  	_ =	swait.ge [sflag:s11], $0x6400  }
0x11a: {  	[sflag:s11] =	ssyncset.done $0x0  }
0x11b: {  	[sflag:s11] =	ssyncadd.s32 $0xFFFF9C00  }
0x11c: {  	_ =	swait.ge [sflag:s25], $0x320  }
0x11d: {  	[sflag:s25] =	ssyncset.done $0x0  }
0x11e: {  	[sflag:s25] =	ssyncadd.s32 $0xFFFFFCE0  }
0x11f: {  	[tilespmem:s14], [sflag:$0x5] =	stream.indirect.gather [hbm4b:s3+s21], $0x20, s2, s21, $0xb8;
	[tilespmem:$0x19C80] =	vst v63  }
0x120: {  	_ =	swait.ge [sflag:s17], $0x6400  }
0x121: {  	s0 =	sld [smem:$0x7DA]  }
0x122: {  	[sflag:s17] =	ssyncset.done $0x0  }
0x123: {  	s1 =	sld [smem:$0x7DB];
	[sflag:s17] =	ssyncadd.s32 $0xFFFF9C00  }
0x124: {  	[hbm4b:s0+s2] =	stream.linear.scatter [tilespmem:s13], [sflag:$0xA], $0x6400, $0x38;
	[tilespmem:$0x19C80] =	vst v63  }
0x125: {  	_ = 	snop  }
0x126: {  	[tilespmem:s21], [sflag:$0x2] =	stream.linear.gather [hbm4b:s1+s2], $0x320, $0x38;
	[tilespmem:$0x19C80] =	vst v63  }
0x127: {  	_ =	swait.ge [sflag:s10], $0x6400  }
0x128: {  	[sflag:s10] =	ssyncset.done $0x0  }
0x129: {  	[sflag:s10] =	ssyncadd.s32 $0xFFFF9C00  }
0x12a: {  	_ =	swait.ge [sflag:s23], $0x320  }
0x12b: {  	[sflag:s23] =	ssyncset.done $0x0  }
0x12c: {  	[sflag:s23] =	ssyncadd.s32 $0xFFFFFCE0  }
0x12d: {  	[tilespmem:s13], [sflag:$0x6] =	stream.indirect.gather [hbm4b:s3+s21], $0x20, s21, s21, $0xb8;
	[tilespmem:$0x19C80] =	vst v63  }
0x12e: {  	_ =	swait.ge [sflag:s15], $0x6400  }
0x12f: {  	s0 =	sld [smem:$0x7DC]  }
0x130: {  	[sflag:s15] =	ssyncset.done $0x0  }
0x131: {  	s1 =	sld [smem:$0x7DD];
	[sflag:s15] =	ssyncadd.s32 $0xFFFF9C00  }
0x132: {  	[hbm4b:s0+s2] =	stream.linear.scatter [tilespmem:s9], [sflag:$0xB], $0x6400, $0x38;
	[tilespmem:$0x19C80] =	vst v63  }
0x133: {  	_ = 	snop  }
0x134: {  	[tilespmem:s16], [sflag:$0x3] =	stream.linear.gather [hbm4b:s1+s2], $0x320, $0x38;
	[tilespmem:$0x19C80] =	vst v63  }
0x135: {  	_ =	swait.ge [sflag:s8], $0x6400  }
0x136: {  	[sflag:s8] =	ssyncset.done $0x0  }
0x137: {  	[sflag:s8] =	ssyncadd.s32 $0xFFFF9C00  }
0x138: {  	_ =	swait.ge [sflag:s20], $0x320  }
0x139: {  	[sflag:s20] =	ssyncset.done $0x0  }
0x13a: {  	[sflag:s20] =	ssyncadd.s32 $0xFFFFFCE0  }
0x13b: {  	[tilespmem:s9], [sflag:$0x7] =	stream.indirect.gather [hbm4b:s3+s21], $0x20, s16, s21, $0xb8;
	[tilespmem:$0x19C80] =	vst v63  }
0x13c: {  	_ =	swait.ge [sflag:s22], $0x6400  }
0x13d: {  	s0 =	sld [smem:$0x7DE]  }
0x13e: {  	[sflag:s22] =	ssyncset.done $0x0  }
0x13f: {  	s1 =	sld [smem:$0x7DF];
	[sflag:s22] =	ssyncadd.s32 $0xFFFF9C00  }
0x140: {  	[hbm4b:s0+s2] =	stream.linear.scatter [tilespmem:s19], [sflag:$0xC], $0x6400, $0x38;
	[tilespmem:$0x19C80] =	vst v63  }
0x141: {  	_ = 	snop  }
0x142: {  	[tilespmem:s28], [sflag:$0x4] =	stream.linear.gather [hbm4b:s1+s2], $0x320, $0x38;
	[tilespmem:$0x19C80] =	vst v63  }
0x143: {  	_ =	swait.ge [sflag:s12], $0x6400  }
0x144: {  	[sflag:s12] =	ssyncset.done $0x0  }
0x145: {  	[sflag:s12] =	ssyncadd.s32 $0xFFFF9C00  }
0x146: {  	_ =	swait.ge [sflag:s30], $0x320  }
0x147: {  	[sflag:s30] =	ssyncset.done $0x0  }
0x148: {  	[sflag:s30] =	ssyncadd.s32 $0xFFFFFCE0  }
0x149: {  	[tilespmem:s19], [sflag:$0x8] =	stream.indirect.gather [hbm4b:s3+s21], $0x20, s28, s21, $0xb8;
	[tilespmem:$0x19C80] =	vst v63  }
0x14a: {  	_ =	swait.ge [sflag:s18], $0x6400  }
0x14b: {  	s0 =	sld [smem:$0x7E0]  }
0x14c: {  	[sflag:s18] =	ssyncset.done $0x0  }
0x14d: {  	s1 =	sld [smem:$0x7E1];
	[sflag:s18] =	ssyncadd.s32 $0xFFFF9C00  }
0x14e: {  	[hbm4b:s0+s2] =	stream.linear.scatter [tilespmem:s14], [sflag:$0x9], $0x6400, $0x38;
	[tilespmem:$0x19C80] =	vst v63  }
0x14f: {  	_ = 	snop  }
0x150: {  	[tilespmem:s2], [sflag:$0x1] =	stream.linear.gather [hbm4b:s1+s2], $0x320, $0x38;
	[tilespmem:$0x19C80] =	vst v63  }
0x151: {  	_ =	swait.ge [sflag:s11], $0x6400  }
0x152: {  	[sflag:s11] =	ssyncset.done $0x0  }
0x153: {  	[sflag:s11] =	ssyncadd.s32 $0xFFFF9C00  }
0x154: {  	_ =	swait.ge [sflag:s25], $0x320  }
0x155: {  	[sflag:s25] =	ssyncset.done $0x0  }
0x156: {  	[sflag:s25] =	ssyncadd.s32 $0xFFFFFCE0  }
0x157: {  	[tilespmem:s14], [sflag:$0x5] =	stream.indirect.gather [hbm4b:s3+s21], $0x20, s2, s21, $0xb8;
	[tilespmem:$0x19C80] =	vst v63  }
0x158: {  	_ =	swait.ge [sflag:s17], $0x6400  }
0x159: {  	s0 =	sld [smem:$0x7E2]  }
0x15a: {  	[sflag:s17] =	ssyncset.done $0x0  }
0x15b: {  	s1 =	sld [smem:$0x7E3];
	[sflag:s17] =	ssyncadd.s32 $0xFFFF9C00  }
0x15c: {  	[hbm4b:s0+s2] =	stream.linear.scatter [tilespmem:s13], [sflag:$0xA], $0x6400, $0x38;
	[tilespmem:$0x19C80] =	vst v63  }
0x15d: {  	_ = 	snop  }
0x15e: {  	[tilespmem:s21], [sflag:$0x2] =	stream.linear.gather [hbm4b:s1+s2], $0x320, $0x38;
	[tilespmem:$0x19C80] =	vst v63  }
0x15f: {  	_ =	swait.ge [sflag:s10], $0x6400  }
0x160: {  	[sflag:s10] =	ssyncset.done $0x0  }
0x161: {  	[sflag:s10] =	ssyncadd.s32 $0xFFFF9C00  }
0x162: {  	_ =	swait.ge [sflag:s23], $0x320  }
0x163: {  	[sflag:s23] =	ssyncset.done $0x0  }
0x164: {  	[sflag:s23] =	ssyncadd.s32 $0xFFFFFCE0  }
0x165: {  	[tilespmem:s13], [sflag:$0x6] =	stream.indirect.gather [hbm4b:s3+s21], $0x20, s21, s21, $0xb8;
	[tilespmem:$0x19C80] =	vst v63  }
0x166: {  	_ =	swait.ge [sflag:s15], $0x6400  }
0x167: {  	s0 =	sld [smem:$0x7E4]  }
0x168: {  	[sflag:s15] =	ssyncset.done $0x0  }
0x169: {  	s1 =	sld [smem:$0x7E5];
	[sflag:s15] =	ssyncadd.s32 $0xFFFF9C00  }
0x16a: {  	[hbm4b:s0+s2] =	stream.linear.scatter [tilespmem:s9], [sflag:$0xB], $0x6400, $0x38;
	[tilespmem:$0x19C80] =	vst v63  }
0x16b: {  	_ = 	snop  }
0x16c: {  	[tilespmem:s16], [sflag:$0x3] =	stream.linear.gather [hbm4b:s1+s2], $0x320, $0x38;
	[tilespmem:$0x19C80] =	vst v63  }
0x16d: {  	_ =	swait.ge [sflag:s8], $0x6400  }
0x16e: {  	[sflag:s8] =	ssyncset.done $0x0  }
0x16f: {  	[sflag:s8] =	ssyncadd.s32 $0xFFFF9C00  }
0x170: {  	_ =	swait.ge [sflag:s20], $0x320  }
0x171: {  	[sflag:s20] =	ssyncset.done $0x0  }
0x172: {  	[sflag:s20] =	ssyncadd.s32 $0xFFFFFCE0  }
0x173: {  	[tilespmem:s9], [sflag:$0x7] =	stream.indirect.gather [hbm4b:s3+s21], $0x20, s16, s21, $0xb8;
	[tilespmem:$0x19C80] =	vst v63  }
0x174: {  	_ =	swait.ge [sflag:s22], $0x6400  }
0x175: {  	s0 =	sld [smem:$0x7E6]  }
0x176: {  	[sflag:s22] =	ssyncset.done $0x0  }
0x177: {  	s1 =	sld [smem:$0x7E7];
	[sflag:s22] =	ssyncadd.s32 $0xFFFF9C00  }
0x178: {  	[hbm4b:s0+s2] =	stream.linear.scatter [tilespmem:s19], [sflag:$0xC], $0x6400, $0x38;
	[tilespmem:$0x19C80] =	vst v63  }
0x179: {  	_ = 	snop  }
0x17a: {  	[tilespmem:s28], [sflag:$0x4] =	stream.linear.gather [hbm4b:s1+s2], $0x320, $0x38;
	[tilespmem:$0x19C80] =	vst v63  }
0x17b: {  	_ =	swait.ge [sflag:s12], $0x6400  }
0x17c: {  	[sflag:s12] =	ssyncset.done $0x0  }
0x17d: {  	[sflag:s12] =	ssyncadd.s32 $0xFFFF9C00  }
0x17e: {  	_ =	swait.ge [sflag:s30], $0x320  }
0x17f: {  	[sflag:s30] =	ssyncset.done $0x0  }
0x180: {  	[sflag:s30] =	ssyncadd.s32 $0xFFFFFCE0  }
0x181: {  	[tilespmem:s19], [sflag:$0x8] =	stream.indirect.gather [hbm4b:s3+s21], $0x20, s28, s21, $0xb8;
	[tilespmem:$0x19C80] =	vst v63  }
0x182: {  	_ =	swait.ge [sflag:s18], $0x6400  }
0x183: {  	s0 =	sld [smem:$0x7E8]  }
0x184: {  	[sflag:s18] =	ssyncset.done $0x0  }
0x185: {  	s1 =	sld [smem:$0x7E9];
	[sflag:s18] =	ssyncadd.s32 $0xFFFF9C00  }
0x186: {  	[hbm4b:s0+s2] =	stream.linear.scatter [tilespmem:s14], [sflag:$0x9], $0x6400, $0x38;
	[tilespmem:$0x19C80] =	vst v63  }
0x187: {  	_ = 	snop  }
0x188: {  	[tilespmem:s2], [sflag:$0x1] =	stream.linear.gather [hbm4b:s1+s2], $0x320, $0x38;
	[tilespmem:$0x19C80] =	vst v63  }
0x189: {  	_ =	swait.ge [sflag:s11], $0x6400  }
0x18a: {  	[sflag:s11] =	ssyncset.done $0x0  }
0x18b: {  	[sflag:s11] =	ssyncadd.s32 $0xFFFF9C00  }
0x18c: {  	_ =	swait.ge [sflag:s25], $0x320  }
0x18d: {  	[sflag:s25] =	ssyncset.done $0x0  }
0x18e: {  	[sflag:s25] =	ssyncadd.s32 $0xFFFFFCE0  }
0x18f: {  	[tilespmem:s14], [sflag:$0x5] =	stream.indirect.gather [hbm4b:s3+s21], $0x20, s2, s21, $0xb8;
	[tilespmem:$0x19C80] =	vst v63  }
0x190: {  	_ =	swait.ge [sflag:s17], $0x6400  }
0x191: {  	s0 =	sld [smem:$0x7EA]  }
0x192: {  	[sflag:s17] =	ssyncset.done $0x0  }
0x193: {  	s1 =	sld [smem:$0x7EB];
	[sflag:s17] =	ssyncadd.s32 $0xFFFF9C00  }
0x194: {  	[hbm4b:s0+s2] =	stream.linear.scatter [tilespmem:s13], [sflag:$0xA], $0x6400, $0x38;
	[tilespmem:$0x19C80] =	vst v63  }
0x195: {  	_ = 	snop  }
0x196: {  	[tilespmem:s21], [sflag:$0x2] =	stream.linear.gather [hbm4b:s1+s2], $0x320, $0x38;
	[tilespmem:$0x19C80] =	vst v63  }
0x197: {  	_ =	swait.ge [sflag:s10], $0x6400  }
0x198: {  	[sflag:s10] =	ssyncset.done $0x0  }
0x199: {  	[sflag:s10] =	ssyncadd.s32 $0xFFFF9C00  }
0x19a: {  	_ =	swait.ge [sflag:s23], $0x320  }
0x19b: {  	[sflag:s23] =	ssyncset.done $0x0  }
0x19c: {  	[sflag:s23] =	ssyncadd.s32 $0xFFFFFCE0  }
0x19d: {  	[tilespmem:s13], [sflag:$0x6] =	stream.indirect.gather [hbm4b:s3+s21], $0x20, s21, s21, $0xb8;
	[tilespmem:$0x19C80] =	vst v63  }
0x19e: {  	_ =	swait.ge [sflag:s15], $0x6400  }
0x19f: {  	s0 =	sld [smem:$0x7EC]  }
0x1a0: {  	[sflag:s15] =	ssyncset.done $0x0  }
0x1a1: {  	s1 =	sld [smem:$0x7ED];
	[sflag:s15] =	ssyncadd.s32 $0xFFFF9C00  }
0x1a2: {  	[hbm4b:s0+s2] =	stream.linear.scatter [tilespmem:s9], [sflag:$0xB], $0x6400, $0x38;
	[tilespmem:$0x19C80] =	vst v63  }
0x1a3: {  	_ = 	snop  }
0x1a4: {  	[tilespmem:s16], [sflag:$0x3] =	stream.linear.gather [hbm4b:s1+s2], $0x320, $0x38;
	[tilespmem:$0x19C80] =	vst v63  }
0x1a5: {  	_ =	swait.ge [sflag:s8], $0x6400  }
0x1a6: {  	[sflag:s8] =	ssyncset.done $0x0  }
0x1a7: {  	[sflag:s8] =	ssyncadd.s32 $0xFFFF9C00  }
0x1a8: {  	_ =	swait.ge [sflag:s20], $0x320  }
0x1a9: {  	[sflag:s20] =	ssyncset.done $0x0  }
0x1aa: {  	[sflag:s20] =	ssyncadd.s32 $0xFFFFFCE0  }
0x1ab: {  	[tilespmem:s9], [sflag:$0x7] =	stream.indirect.gather [hbm4b:s3+s21], $0x20, s16, s21, $0xb8;
	[tilespmem:$0x19C80] =	vst v63  }
0x1ac: {  	_ =	swait.ge [sflag:s22], $0x6400  }
0x1ad: {  	s0 =	sld [smem:$0x7EE]  }
0x1ae: {  	[sflag:s22] =	ssyncset.done $0x0  }
0x1af: {  	s1 =	sld [smem:$0x7EF];
	[sflag:s22] =	ssyncadd.s32 $0xFFFF9C00  }
0x1b0: {  	[hbm4b:s0+s2] =	stream.linear.scatter [tilespmem:s19], [sflag:$0xC], $0x6400, $0x38;
	[tilespmem:$0x19C80] =	vst v63  }
0x1b1: {  	_ = 	snop  }
0x1b2: {  	[tilespmem:s28], [sflag:$0x4] =	stream.linear.gather [hbm4b:s1+s2], $0x320, $0x38;
	[tilespmem:$0x19C80] =	vst v63  }
0x1b3: {  	_ =	swait.ge [sflag:s12], $0x6400  }
0x1b4: {  	[sflag:s12] =	ssyncset.done $0x0  }
0x1b5: {  	[sflag:s12] =	ssyncadd.s32 $0xFFFF9C00  }
0x1b6: {  	_ =	swait.ge [sflag:s30], $0x320  }
0x1b7: {  	[sflag:s30] =	ssyncset.done $0x0  }
0x1b8: {  	[sflag:s30] =	ssyncadd.s32 $0xFFFFFCE0  }
0x1b9: {  	[tilespmem:s19], [sflag:$0x8] =	stream.indirect.gather [hbm4b:s3+s21], $0x20, s28, s21, $0xb8;
	[tilespmem:$0x19C80] =	vst v63  }
0x1ba: {  	_ =	swait.ge [sflag:s18], $0x6400  }
0x1bb: {  	s0 =	sld [smem:$0x7F0]  }
0x1bc: {  	[sflag:s18] =	ssyncset.done $0x0  }
0x1bd: {  	s1 =	sld [smem:$0x7F1];
	[sflag:s18] =	ssyncadd.s32 $0xFFFF9C00  }
0x1be: {  	[hbm4b:s0+s2] =	stream.linear.scatter [tilespmem:s14], [sflag:$0x9], $0x6400, $0x38;
	[tilespmem:$0x19C80] =	vst v63  }
0x1bf: {  	_ = 	snop  }
0x1c0: {  	[tilespmem:s2], [sflag:$0x1] =	stream.linear.gather [hbm4b:s1+s2], $0x320, $0x38;
	[tilespmem:$0x19C80] =	vst v63  }
0x1c1: {  	_ =	swait.ge [sflag:s11], $0x6400  }
0x1c2: {  	[sflag:s11] =	ssyncset.done $0x0  }
0x1c3: {  	[sflag:s11] =	ssyncadd.s32 $0xFFFF9C00  }
0x1c4: {  	_ =	swait.ge [sflag:s25], $0x320  }
0x1c5: {  	[sflag:s25] =	ssyncset.done $0x0  }
0x1c6: {  	[sflag:s25] =	ssyncadd.s32 $0xFFFFFCE0  }
0x1c7: {  	[tilespmem:s14], [sflag:$0x5] =	stream.indirect.gather [hbm4b:s3+s21], $0x20, s2, s21, $0xb8;
	[tilespmem:$0x19C80] =	vst v63  }
0x1c8: {  	_ =	swait.ge [sflag:s17], $0x6400  }
0x1c9: {  	s0 =	sld [smem:$0x7F2]  }
0x1ca: {  	[sflag:s17] =	ssyncset.done $0x0  }
0x1cb: {  	s1 =	sld [smem:$0x7F3];
	[sflag:s17] =	ssyncadd.s32 $0xFFFF9C00  }
0x1cc: {  	[hbm4b:s0+s2] =	stream.linear.scatter [tilespmem:s13], [sflag:$0xA], $0x6400, $0x38;
	[tilespmem:$0x19C80] =	vst v63  }
0x1cd: {  	_ = 	snop  }
0x1ce: {  	[tilespmem:s21], [sflag:$0x2] =	stream.linear.gather [hbm4b:s1+s2], $0x320, $0x38;
	[tilespmem:$0x19C80] =	vst v63  }
0x1cf: {  	_ =	swait.ge [sflag:s10], $0x6400  }
0x1d0: {  	[sflag:s10] =	ssyncset.done $0x0  }
0x1d1: {  	[sflag:s10] =	ssyncadd.s32 $0xFFFF9C00  }
0x1d2: {  	_ =	swait.ge [sflag:s23], $0x320  }
0x1d3: {  	[sflag:s23] =	ssyncset.done $0x0  }
0x1d4: {  	[sflag:s23] =	ssyncadd.s32 $0xFFFFFCE0  }
0x1d5: {  	[tilespmem:s13], [sflag:$0x6] =	stream.indirect.gather [hbm4b:s3+s21], $0x20, s21, s21, $0xb8;
	[tilespmem:$0x19C80] =	vst v63  }
0x1d6: {  	_ =	swait.ge [sflag:s15], $0x6400  }
0x1d7: {  	s0 =	sld [smem:$0x7F4]  }
0x1d8: {  	[sflag:s15] =	ssyncset.done $0x0  }
0x1d9: {  	s1 =	sld [smem:$0x7F5];
	[sflag:s15] =	ssyncadd.s32 $0xFFFF9C00  }
0x1da: {  	[hbm4b:s0+s2] =	stream.linear.scatter [tilespmem:s9], [sflag:$0xB], $0x6400, $0x38;
	[tilespmem:$0x19C80] =	vst v63  }
0x1db: {  	_ = 	snop  }
0x1dc: {  	[tilespmem:s16], [sflag:$0x3] =	stream.linear.gather [hbm4b:s1+s2], $0x320, $0x38;
	[tilespmem:$0x19C80] =	vst v63  }
0x1dd: {  	_ =	swait.ge [sflag:s8], $0x6400  }
0x1de: {  	[sflag:s8] =	ssyncset.done $0x0  }
0x1df: {  	[sflag:s8] =	ssyncadd.s32 $0xFFFF9C00  }
0x1e0: {  	_ =	swait.ge [sflag:s20], $0x320  }
0x1e1: {  	[sflag:s20] =	ssyncset.done $0x0  }
0x1e2: {  	[sflag:s20] =	ssyncadd.s32 $0xFFFFFCE0  }
0x1e3: {  	[tilespmem:s9], [sflag:$0x7] =	stream.indirect.gather [hbm4b:s3+s21], $0x20, s16, s21, $0xb8;
	[tilespmem:$0x19C80] =	vst v63  }
0x1e4: {  	_ =	swait.ge [sflag:s22], $0x6400  }
0x1e5: {  	s0 =	sld [smem:$0x7F6]  }
0x1e6: {  	[sflag:s22] =	ssyncset.done $0x0  }
0x1e7: {  	s1 =	sld [smem:$0x7F7];
	[sflag:s22] =	ssyncadd.s32 $0xFFFF9C00  }
0x1e8: {  	[hbm4b:s0+s2] =	stream.linear.scatter [tilespmem:s19], [sflag:$0xC], $0x6400, $0x38;
	[tilespmem:$0x19C80] =	vst v63  }
0x1e9: {  	_ = 	snop  }
0x1ea: {  	[tilespmem:s28], [sflag:$0x4] =	stream.linear.gather [hbm4b:s1+s2], $0x190, $0x38;
	[tilespmem:$0x19C80] =	vst v63  }
0x1eb: {  	_ =	swait.ge [sflag:s12], $0x6400  }
0x1ec: {  	[sflag:s12] =	ssyncset.done $0x0  }
0x1ed: {  	[sflag:s12] =	ssyncadd.s32 $0xFFFF9C00  }
0x1ee: {  	_ =	swait.ge [sflag:s30], $0x190  }
0x1ef: {  	[sflag:s30] =	ssyncset.done $0x0  }
0x1f0: {  	s1 =	simm.s32 $0x190;
	[sflag:s30] =	ssyncadd.s32 $0xFFFFFE70  }
0x1f1: {  	[tilespmem:s19], [sflag:$0x8] =	stream.indirect.gather [hbm4b:s3+s1], $0x20, s28, s1, $0xb8;
	[tilespmem:$0x19C80] =	vst v63  }
0x1f2: {  	_ =	swait.ge [sflag:s18], $0x6400  }
0x1f3: {  	s0 =	sld [smem:$0x7F8]  }
0x1f4: {  	[sflag:s18] =	ssyncset.done $0x0  }
0x1f5: {  	s1 =	sld [smem:$0x7F9];
	[sflag:s18] =	ssyncadd.s32 $0xFFFF9C00  }
0x1f6: {  	[hbm4b:s0+s2] =	stream.linear.scatter [tilespmem:s14], [sflag:$0x9], $0x6400, $0x38;
	[tilespmem:$0x19C80] =	vst v63  }
0x1f7: {  	_ = 	snop  }
0x1f8: {  	[tilespmem:s2], [sflag:$0x1] =	stream.linear.gather [hbm4b:s1+s2], $0xC8, $0x38;
	[tilespmem:$0x19C80] =	vst v63  }
0x1f9: {  	_ =	swait.ge [sflag:s11], $0x6400  }
0x1fa: {  	[sflag:s11] =	ssyncset.done $0x0  }
0x1fb: {  	[sflag:s11] =	ssyncadd.s32 $0xFFFF9C00  }
0x1fc: {  	_ =	swait.ge [sflag:s25], $0xC8  }
0x1fd: {  	[sflag:s25] =	ssyncset.done $0x0  }
0x1fe: {  	[sflag:s25] =	ssyncadd.s32 $0xFFFFFF38  }
0x1ff: {  	[tilespmem:s14], [sflag:$0x5] =	stream.indirect.gather [hbm4b:s3+s31], $0x20, s2, s31, $0xb8;
	[tilespmem:$0x19C80] =	vst v63  }
0x200: {  	_ =	swait.ge [sflag:s17], $0x6400  }
0x201: {  	s0 =	sld [smem:$0x7FA]  }
0x202: {  	[sflag:s17] =	ssyncset.done $0x0  }
0x203: {  	s1 =	sld [smem:$0x7FB];
	[sflag:s17] =	ssyncadd.s32 $0xFFFF9C00  }
0x204: {  	[hbm4b:s0+s2] =	stream.linear.scatter [tilespmem:s13], [sflag:$0xA], $0x6400, $0x38;
	[tilespmem:$0x19C80] =	vst v63  }
0x205: {  	_ = 	snop  }
0x206: {  	[tilespmem:s21], [sflag:$0x2] =	stream.linear.gather [hbm4b:s1+s2], $0x60, $0x38;
	[tilespmem:$0x19C80] =	vst v63  }
0x207: {  	_ =	swait.ge [sflag:s10], $0x6400  }
0x208: {  	[sflag:s10] =	ssyncset.done $0x0  }
0x209: {  	[sflag:s10] =	ssyncadd.s32 $0xFFFF9C00  }
0x20a: {  	_ =	swait.ge [sflag:s23], $0x60  }
0x20b: {  	[sflag:s23] =	ssyncset.done $0x0  }
0x20c: {  	[sflag:s23] =	ssyncadd.s32 $0xFFFFFFA0  }
0x20d: {  	[tilespmem:s13], [sflag:$0x6] =	stream.indirect.gather [hbm4b:s3+s29], $0x20, s21, s29, $0xb8;
	[tilespmem:$0x19C80] =	vst v63  }
0x20e: {  	_ =	swait.ge [sflag:s15], $0x6400  }
0x20f: {  	s0 =	sld [smem:$0x7FC]  }
0x210: {  	[sflag:s15] =	ssyncset.done $0x0  }
0x211: {  	s1 =	sld [smem:$0x7FD];
	[sflag:s15] =	ssyncadd.s32 $0xFFFF9C00  }
0x212: {  	[hbm4b:s0+s2] =	stream.linear.scatter [tilespmem:s9], [sflag:$0xB], $0x6400, $0x38;
	[tilespmem:$0x19C80] =	vst v63  }
0x213: {  	_ = 	snop  }
0x214: {  	[tilespmem:s16], [sflag:$0x3] =	stream.linear.gather [hbm4b:s1+s2], $0x68, $0x38;
	[tilespmem:$0x19C80] =	vst v63  }
0x215: {  	_ =	swait.ge [sflag:s8], $0x6400  }
0x216: {  	[sflag:s8] =	ssyncset.done $0x0  }
0x217: {  	[sflag:s8] =	ssyncadd.s32 $0xFFFF9C00  }
0x218: {  	_ =	swait.ge [sflag:s20], $0x68  }
0x219: {  	[sflag:s20] =	ssyncset.done $0x0  }
0x21a: {  	[sflag:s20] =	ssyncadd.s32 $0xFFFFFF98  }
0x21b: {  	[tilespmem:s9], [sflag:$0x7] =	stream.indirect.gather [hbm4b:s3+s26], $0x20, s16, s26, $0xb8;
	[tilespmem:$0x19C80] =	vst v63  }
0x21c: {  	_ =	swait.ge [sflag:s22], $0x3200  }
0x21d: {  	[sflag:s22] =	ssyncset.done $0x0  }
0x21e: {  	[sflag:s22] =	ssyncadd.s32 $0xFFFFCE00  }
0x21f: {  	[hbm4b:s7+s2] =	stream.linear.scatter [tilespmem:s19], [sflag:$0xC], $0x3200, $0x38;
	[tilespmem:$0x19C80] =	vst v63  }
0x220: {  	_ =	swait.ge [sflag:s18], $0x1900  }
0x221: {  	[sflag:s18] =	ssyncset.done $0x0  }
0x222: {  	[sflag:s18] =	ssyncadd.s32 $0xFFFFE700  }
0x223: {  	[hbm4b:s6+s2] =	stream.linear.scatter [tilespmem:s14], [sflag:$0x9], $0x1900, $0x38;
	[tilespmem:$0x19C80] =	vst v63  }
0x224: {  	_ =	swait.ge [sflag:s17], $0xC00  }
0x225: {  	[sflag:s17] =	ssyncset.done $0x0  }
0x226: {  	[sflag:s17] =	ssyncadd.s32 $0xFFFFF400  }
0x227: {  	[hbm4b:s5+s2] =	stream.linear.scatter [tilespmem:s13], [sflag:$0xA], $0xC00, $0x38;
	[tilespmem:$0x19C80] =	vst v63  }
0x228: {  	_ =	swait.ge [sflag:s15], $0xD00  }
0x229: {  	[sflag:s15] =	ssyncset.done $0x0  }
0x22a: {  	[sflag:s15] =	ssyncadd.s32 $0xFFFFF300  }
0x22b: {  	[hbm4b:s4+s2] =	stream.linear.scatter [tilespmem:s9], [sflag:$0xB], $0xD00, $0x38;
	[tilespmem:$0x19C80] =	vst v63  }
0x22c: {  	_ =	swait.ge [sflag:s11], $0x1900  }
0x22d: {  	[sflag:s11] =	ssyncset.done $0x0  }
0x22e: {  	[sflag:s11] =	ssyncadd.s32 $0xFFFFE700  }
0x22f: {  	_ =	swait.ge [sflag:s10], $0xC00  }
0x230: {  	[sflag:s10] =	ssyncset.done $0x0  }
0x231: {  	p1 =	sne.s32 s24, $0x1;
	[sflag:s10] =	ssyncadd.s32 $0xFFFFF400  }
.Ltmp1:
0x232: {  	_ =	swait.ge [sflag:s8], $0xD00;
	(pc) =	sbr.rel @!p1 .LBB2_3-.Ltmp1, $4  }
0x233: {  	[sflag:s8] =	ssyncset.done $0x0  }
0x234: {  	[sflag:s8] =	ssyncadd.s32 $0xFFFFF300  }
0x235: {  	p0 =	por $0x1, $0x1;
	_ =	swait.ge [sflag:s12], $0x3200  }
0x236: {  	s1 =	sadd.s32 $0xFFFFFFFF, s24;
	s0 =	rddreg [dreg:$0x3];
	[sflag:s12] =	ssyncset.done $0x0  }
.LBB2_4:
0x237: {  	[sflag:s12] =	ssyncadd.s32 $0xFFFFCE00  }
0x238: {  	[tilespmem:s2], [sflag:$0x1] =	stream.linear.gather [hbm4b:s0+s2], $0x320, $0x38;
	[tilespmem:$0x19C80] =	vst v63  }
0x239: {  	s24 =	rddreg [dreg:$0x4]  }
0x23a: {  	[tilespmem:s21], [sflag:$0x2] =	stream.linear.gather [hbm4b:s24+s2], $0x320, $0x38;
	[tilespmem:$0x19C80] =	vst v63  }
0x23b: {  	s0 =	rddreg [dreg:$0x5]  }
0x23c: {  	[tilespmem:s16], [sflag:$0x3] =	stream.linear.gather [hbm4b:s0+s2], $0x320, $0x38;
	[tilespmem:$0x19C80] =	vst v63  }
0x23d: {  	s24 =	rddreg [dreg:$0x6]  }
0x23e: {  	[tilespmem:s28], [sflag:$0x4] =	stream.linear.gather [hbm4b:s24+s2], $0x320, $0x38;
	[tilespmem:$0x19C80] =	vst v63  }
0x23f: {  	_ =	swait.ge [sflag:s25], $0x320  }
0x240: {  	[sflag:s25] =	ssyncset.done $0x0  }
0x241: {  	[sflag:s25] =	ssyncadd.s32 $0xFFFFFCE0  }
0x242: {  	[tilespmem:s14], [sflag:$0x5] =	stream.indirect.gather [hbm4b:s3+s21], $0x20, s2, s21, $0xb8;
	[tilespmem:$0x19C80] =	vst v63  }
0x243: {  	_ =	swait.ge [sflag:s23], $0x320  }
0x244: {  	[sflag:s23] =	ssyncset.done $0x0  }
0x245: {  	[sflag:s23] =	ssyncadd.s32 $0xFFFFFCE0  }
0x246: {  	[tilespmem:s13], [sflag:$0x6] =	stream.indirect.gather [hbm4b:s3+s21], $0x20, s21, s21, $0xb8;
	[tilespmem:$0x19C80] =	vst v63  }
0x247: {  	_ =	swait.ge [sflag:s20], $0x320  }
0x248: {  	[sflag:s20] =	ssyncset.done $0x0  }
0x249: {  	[sflag:s20] =	ssyncadd.s32 $0xFFFFFCE0  }
0x24a: {  	[tilespmem:s9], [sflag:$0x7] =	stream.indirect.gather [hbm4b:s3+s21], $0x20, s16, s21, $0xb8;
	[tilespmem:$0x19C80] =	vst v63  }
0x24b: {  	_ =	swait.ge [sflag:s30], $0x320  }
0x24c: {  	[sflag:s30] =	ssyncset.done $0x0  }
0x24d: {  	[sflag:s30] =	ssyncadd.s32 $0xFFFFFCE0  }
0x24e: {  	[tilespmem:s19], [sflag:$0x8] =	stream.indirect.gather [hbm4b:s3+s21], $0x20, s28, s21, $0xb8;
	[tilespmem:$0x19C80] =	vst v63  }
0x24f: {  	_ =	swait.ge [sflag:s18], $0x6400  }
0x250: {  	[sflag:s18] =	ssyncset.done $0x0  }
0x251: {  	s0 =	rddreg [dreg:$0x7];
	[sflag:s18] =	ssyncadd.s32 $0xFFFF9C00  }
0x252: {  	[hbm4b:s0+s2] =	stream.linear.scatter [tilespmem:s14], [sflag:$0x9], $0x6400, $0x38;
	[tilespmem:$0x19C80] =	vst v63  }
0x253: {  	s24 =	rddreg [dreg:$0x8]  }
0x254: {  	[tilespmem:s2], [sflag:$0x1] =	stream.linear.gather [hbm4b:s24+s2], $0x320, $0x38;
	[tilespmem:$0x19C80] =	vst v63  }
0x255: {  	_ =	swait.ge [sflag:s11], $0x6400  }
0x256: {  	[sflag:s11] =	ssyncset.done $0x0  }
0x257: {  	[sflag:s11] =	ssyncadd.s32 $0xFFFF9C00  }
0x258: {  	_ =	swait.ge [sflag:s25], $0x320  }
0x259: {  	[sflag:s25] =	ssyncset.done $0x0  }
0x25a: {  	[sflag:s25] =	ssyncadd.s32 $0xFFFFFCE0  }
0x25b: {  	[tilespmem:s14], [sflag:$0x5] =	stream.indirect.gather [hbm4b:s3+s21], $0x20, s2, s21, $0xb8;
	[tilespmem:$0x19C80] =	vst v63  }
0x25c: {  	_ =	swait.ge [sflag:s17], $0x6400  }
0x25d: {  	[sflag:s17] =	ssyncset.done $0x0  }
0x25e: {  	s0 =	rddreg [dreg:$0x9];
	[sflag:s17] =	ssyncadd.s32 $0xFFFF9C00  }
0x25f: {  	[hbm4b:s0+s2] =	stream.linear.scatter [tilespmem:s13], [sflag:$0xA], $0x6400, $0x38;
	[tilespmem:$0x19C80] =	vst v63  }
0x260: {  	s24 =	rddreg [dreg:$0xa]  }
0x261: {  	[tilespmem:s21], [sflag:$0x2] =	stream.linear.gather [hbm4b:s24+s2], $0x320, $0x38;
	[tilespmem:$0x19C80] =	vst v63  }
0x262: {  	_ =	swait.ge [sflag:s10], $0x6400  }
0x263: {  	[sflag:s10] =	ssyncset.done $0x0  }
0x264: {  	[sflag:s10] =	ssyncadd.s32 $0xFFFF9C00  }
0x265: {  	_ =	swait.ge [sflag:s23], $0x320  }
0x266: {  	[sflag:s23] =	ssyncset.done $0x0  }
0x267: {  	[sflag:s23] =	ssyncadd.s32 $0xFFFFFCE0  }
0x268: {  	[tilespmem:s13], [sflag:$0x6] =	stream.indirect.gather [hbm4b:s3+s21], $0x20, s21, s21, $0xb8;
	[tilespmem:$0x19C80] =	vst v63  }
0x269: {  	_ =	swait.ge [sflag:s15], $0x6400  }
0x26a: {  	[sflag:s15] =	ssyncset.done $0x0  }
0x26b: {  	s0 =	rddreg [dreg:$0xb];
	[sflag:s15] =	ssyncadd.s32 $0xFFFF9C00  }
0x26c: {  	[hbm4b:s0+s2] =	stream.linear.scatter [tilespmem:s9], [sflag:$0xB], $0x6400, $0x38;
	[tilespmem:$0x19C80] =	vst v63  }
0x26d: {  	s24 =	rddreg [dreg:$0xc]  }
0x26e: {  	[tilespmem:s16], [sflag:$0x3] =	stream.linear.gather [hbm4b:s24+s2], $0x320, $0x38;
	[tilespmem:$0x19C80] =	vst v63  }
0x26f: {  	_ =	swait.ge [sflag:s8], $0x6400  }
0x270: {  	[sflag:s8] =	ssyncset.done $0x0  }
0x271: {  	[sflag:s8] =	ssyncadd.s32 $0xFFFF9C00  }
0x272: {  	_ =	swait.ge [sflag:s20], $0x320  }
0x273: {  	[sflag:s20] =	ssyncset.done $0x0  }
0x274: {  	[sflag:s20] =	ssyncadd.s32 $0xFFFFFCE0  }
0x275: {  	[tilespmem:s9], [sflag:$0x7] =	stream.indirect.gather [hbm4b:s3+s21], $0x20, s16, s21, $0xb8;
	[tilespmem:$0x19C80] =	vst v63  }
0x276: {  	_ =	swait.ge [sflag:s22], $0x6400  }
0x277: {  	[sflag:s22] =	ssyncset.done $0x0  }
0x278: {  	s0 =	rddreg [dreg:$0xd];
	[sflag:s22] =	ssyncadd.s32 $0xFFFF9C00  }
0x279: {  	[hbm4b:s0+s2] =	stream.linear.scatter [tilespmem:s19], [sflag:$0xC], $0x6400, $0x38;
	[tilespmem:$0x19C80] =	vst v63  }
0x27a: {  	s24 =	rddreg [dreg:$0xe]  }
0x27b: {  	[tilespmem:s28], [sflag:$0x4] =	stream.linear.gather [hbm4b:s24+s2], $0x320, $0x38;
	[tilespmem:$0x19C80] =	vst v63  }
0x27c: {  	_ =	swait.ge [sflag:s12], $0x6400  }
0x27d: {  	[sflag:s12] =	ssyncset.done $0x0  }
0x27e: {  	[sflag:s12] =	ssyncadd.s32 $0xFFFF9C00  }
0x27f: {  	_ =	swait.ge [sflag:s30], $0x320  }
0x280: {  	[sflag:s30] =	ssyncset.done $0x0  }
0x281: {  	[sflag:s30] =	ssyncadd.s32 $0xFFFFFCE0  }
0x282: {  	[tilespmem:s19], [sflag:$0x8] =	stream.indirect.gather [hbm4b:s3+s21], $0x20, s28, s21, $0xb8;
	[tilespmem:$0x19C80] =	vst v63  }
0x283: {  	_ =	swait.ge [sflag:s18], $0x6400  }
0x284: {  	[sflag:s18] =	ssyncset.done $0x0  }
0x285: {  	s0 =	rddreg [dreg:$0xf];
	[sflag:s18] =	ssyncadd.s32 $0xFFFF9C00  }
0x286: {  	[hbm4b:s0+s2] =	stream.linear.scatter [tilespmem:s14], [sflag:$0x9], $0x6400, $0x38;
	[tilespmem:$0x19C80] =	vst v63  }
0x287: {  	s24 =	rddreg [dreg:$0x10]  }
0x288: {  	[tilespmem:s2], [sflag:$0x1] =	stream.linear.gather [hbm4b:s24+s2], $0x320, $0x38;
	[tilespmem:$0x19C80] =	vst v63  }
0x289: {  	_ =	swait.ge [sflag:s11], $0x6400  }
0x28a: {  	[sflag:s11] =	ssyncset.done $0x0  }
0x28b: {  	[sflag:s11] =	ssyncadd.s32 $0xFFFF9C00  }
0x28c: {  	_ =	swait.ge [sflag:s25], $0x320  }
0x28d: {  	[sflag:s25] =	ssyncset.done $0x0  }
0x28e: {  	[sflag:s25] =	ssyncadd.s32 $0xFFFFFCE0  }
0x28f: {  	[tilespmem:s14], [sflag:$0x5] =	stream.indirect.gather [hbm4b:s3+s21], $0x20, s2, s21, $0xb8;
	[tilespmem:$0x19C80] =	vst v63  }
0x290: {  	_ =	swait.ge [sflag:s17], $0x6400  }
0x291: {  	[sflag:s17] =	ssyncset.done $0x0  }
0x292: {  	s0 =	rddreg [dreg:$0x11];
	[sflag:s17] =	ssyncadd.s32 $0xFFFF9C00  }
0x293: {  	[hbm4b:s0+s2] =	stream.linear.scatter [tilespmem:s13], [sflag:$0xA], $0x6400, $0x38;
	[tilespmem:$0x19C80] =	vst v63  }
0x294: {  	s24 =	rddreg [dreg:$0x12]  }
0x295: {  	[tilespmem:s21], [sflag:$0x2] =	stream.linear.gather [hbm4b:s24+s2], $0x320, $0x38;
	[tilespmem:$0x19C80] =	vst v63  }
0x296: {  	_ =	swait.ge [sflag:s10], $0x6400  }
0x297: {  	[sflag:s10] =	ssyncset.done $0x0  }
0x298: {  	[sflag:s10] =	ssyncadd.s32 $0xFFFF9C00  }
0x299: {  	_ =	swait.ge [sflag:s23], $0x320  }
0x29a: {  	[sflag:s23] =	ssyncset.done $0x0  }
0x29b: {  	[sflag:s23] =	ssyncadd.s32 $0xFFFFFCE0  }
0x29c: {  	[tilespmem:s13], [sflag:$0x6] =	stream.indirect.gather [hbm4b:s3+s21], $0x20, s21, s21, $0xb8;
	[tilespmem:$0x19C80] =	vst v63  }
0x29d: {  	_ =	swait.ge [sflag:s15], $0x6400  }
0x29e: {  	[sflag:s15] =	ssyncset.done $0x0  }
0x29f: {  	s0 =	rddreg [dreg:$0x13];
	[sflag:s15] =	ssyncadd.s32 $0xFFFF9C00  }
0x2a0: {  	[hbm4b:s0+s2] =	stream.linear.scatter [tilespmem:s9], [sflag:$0xB], $0x6400, $0x38;
	[tilespmem:$0x19C80] =	vst v63  }
0x2a1: {  	s24 =	rddreg [dreg:$0x14]  }
0x2a2: {  	[tilespmem:s16], [sflag:$0x3] =	stream.linear.gather [hbm4b:s24+s2], $0x320, $0x38;
	[tilespmem:$0x19C80] =	vst v63  }
0x2a3: {  	_ =	swait.ge [sflag:s8], $0x6400  }
0x2a4: {  	[sflag:s8] =	ssyncset.done $0x0  }
0x2a5: {  	[sflag:s8] =	ssyncadd.s32 $0xFFFF9C00  }
0x2a6: {  	_ =	swait.ge [sflag:s20], $0x320  }
0x2a7: {  	[sflag:s20] =	ssyncset.done $0x0  }
0x2a8: {  	[sflag:s20] =	ssyncadd.s32 $0xFFFFFCE0  }
0x2a9: {  	[tilespmem:s9], [sflag:$0x7] =	stream.indirect.gather [hbm4b:s3+s21], $0x20, s16, s21, $0xb8;
	[tilespmem:$0x19C80] =	vst v63  }
0x2aa: {  	_ =	swait.ge [sflag:s22], $0x6400  }
0x2ab: {  	[sflag:s22] =	ssyncset.done $0x0  }
0x2ac: {  	s0 =	rddreg [dreg:$0x15];
	[sflag:s22] =	ssyncadd.s32 $0xFFFF9C00  }
0x2ad: {  	[hbm4b:s0+s2] =	stream.linear.scatter [tilespmem:s19], [sflag:$0xC], $0x6400, $0x38;
	[tilespmem:$0x19C80] =	vst v63  }
0x2ae: {  	s24 =	rddreg [dreg:$0x16]  }
0x2af: {  	[tilespmem:s28], [sflag:$0x4] =	stream.linear.gather [hbm4b:s24+s2], $0x320, $0x38;
	[tilespmem:$0x19C80] =	vst v63  }
0x2b0: {  	_ =	swait.ge [sflag:s12], $0x6400  }
0x2b1: {  	[sflag:s12] =	ssyncset.done $0x0  }
0x2b2: {  	[sflag:s12] =	ssyncadd.s32 $0xFFFF9C00  }
0x2b3: {  	_ =	swait.ge [sflag:s30], $0x320  }
0x2b4: {  	[sflag:s30] =	ssyncset.done $0x0  }
0x2b5: {  	[sflag:s30] =	ssyncadd.s32 $0xFFFFFCE0  }
0x2b6: {  	[tilespmem:s19], [sflag:$0x8] =	stream.indirect.gather [hbm4b:s3+s21], $0x20, s28, s21, $0xb8;
	[tilespmem:$0x19C80] =	vst v63  }
0x2b7: {  	_ =	swait.ge [sflag:s18], $0x6400  }
0x2b8: {  	[sflag:s18] =	ssyncset.done $0x0  }
0x2b9: {  	s0 =	rddreg [dreg:$0x17];
	[sflag:s18] =	ssyncadd.s32 $0xFFFF9C00  }
0x2ba: {  	[hbm4b:s0+s2] =	stream.linear.scatter [tilespmem:s14], [sflag:$0x9], $0x6400, $0x38;
	[tilespmem:$0x19C80] =	vst v63  }
0x2bb: {  	s24 =	rddreg [dreg:$0x18]  }
0x2bc: {  	[tilespmem:s2], [sflag:$0x1] =	stream.linear.gather [hbm4b:s24+s2], $0x320, $0x38;
	[tilespmem:$0x19C80] =	vst v63  }
0x2bd: {  	_ =	swait.ge [sflag:s11], $0x6400  }
0x2be: {  	[sflag:s11] =	ssyncset.done $0x0  }
0x2bf: {  	[sflag:s11] =	ssyncadd.s32 $0xFFFF9C00  }
0x2c0: {  	_ =	swait.ge [sflag:s25], $0x320  }
0x2c1: {  	[sflag:s25] =	ssyncset.done $0x0  }
0x2c2: {  	[sflag:s25] =	ssyncadd.s32 $0xFFFFFCE0  }
0x2c3: {  	[tilespmem:s14], [sflag:$0x5] =	stream.indirect.gather [hbm4b:s3+s21], $0x20, s2, s21, $0xb8;
	[tilespmem:$0x19C80] =	vst v63  }
0x2c4: {  	_ =	swait.ge [sflag:s17], $0x6400  }
0x2c5: {  	[sflag:s17] =	ssyncset.done $0x0  }
0x2c6: {  	s0 =	rddreg [dreg:$0x19];
	[sflag:s17] =	ssyncadd.s32 $0xFFFF9C00  }
0x2c7: {  	[hbm4b:s0+s2] =	stream.linear.scatter [tilespmem:s13], [sflag:$0xA], $0x6400, $0x38;
	[tilespmem:$0x19C80] =	vst v63  }
0x2c8: {  	s24 =	rddreg [dreg:$0x1a]  }
0x2c9: {  	[tilespmem:s21], [sflag:$0x2] =	stream.linear.gather [hbm4b:s24+s2], $0x320, $0x38;
	[tilespmem:$0x19C80] =	vst v63  }
0x2ca: {  	_ =	swait.ge [sflag:s10], $0x6400  }
0x2cb: {  	[sflag:s10] =	ssyncset.done $0x0  }
0x2cc: {  	[sflag:s10] =	ssyncadd.s32 $0xFFFF9C00  }
0x2cd: {  	_ =	swait.ge [sflag:s23], $0x320  }
0x2ce: {  	[sflag:s23] =	ssyncset.done $0x0  }
0x2cf: {  	[sflag:s23] =	ssyncadd.s32 $0xFFFFFCE0  }
0x2d0: {  	[tilespmem:s13], [sflag:$0x6] =	stream.indirect.gather [hbm4b:s3+s21], $0x20, s21, s21, $0xb8;
	[tilespmem:$0x19C80] =	vst v63  }
0x2d1: {  	_ =	swait.ge [sflag:s15], $0x6400  }
0x2d2: {  	[sflag:s15] =	ssyncset.done $0x0  }
0x2d3: {  	s0 =	rddreg [dreg:$0x1b];
	[sflag:s15] =	ssyncadd.s32 $0xFFFF9C00  }
0x2d4: {  	[hbm4b:s0+s2] =	stream.linear.scatter [tilespmem:s9], [sflag:$0xB], $0x6400, $0x38;
	[tilespmem:$0x19C80] =	vst v63  }
0x2d5: {  	s24 =	rddreg [dreg:$0x1c]  }
0x2d6: {  	[tilespmem:s16], [sflag:$0x3] =	stream.linear.gather [hbm4b:s24+s2], $0x320, $0x38;
	[tilespmem:$0x19C80] =	vst v63  }
0x2d7: {  	_ =	swait.ge [sflag:s8], $0x6400  }
0x2d8: {  	[sflag:s8] =	ssyncset.done $0x0  }
0x2d9: {  	[sflag:s8] =	ssyncadd.s32 $0xFFFF9C00  }
0x2da: {  	_ =	swait.ge [sflag:s20], $0x320  }
0x2db: {  	[sflag:s20] =	ssyncset.done $0x0  }
0x2dc: {  	[sflag:s20] =	ssyncadd.s32 $0xFFFFFCE0  }
0x2dd: {  	[tilespmem:s9], [sflag:$0x7] =	stream.indirect.gather [hbm4b:s3+s21], $0x20, s16, s21, $0xb8;
	[tilespmem:$0x19C80] =	vst v63  }
0x2de: {  	_ =	swait.ge [sflag:s22], $0x6400  }
0x2df: {  	[sflag:s22] =	ssyncset.done $0x0  }
0x2e0: {  	s0 =	rddreg [dreg:$0x1d];
	[sflag:s22] =	ssyncadd.s32 $0xFFFF9C00  }
0x2e1: {  	[hbm4b:s0+s2] =	stream.linear.scatter [tilespmem:s19], [sflag:$0xC], $0x6400, $0x38;
	[tilespmem:$0x19C80] =	vst v63  }
0x2e2: {  	s24 =	rddreg [dreg:$0x1e]  }
0x2e3: {  	[tilespmem:s28], [sflag:$0x4] =	stream.linear.gather [hbm4b:s24+s2], $0x320, $0x38;
	[tilespmem:$0x19C80] =	vst v63  }
0x2e4: {  	_ =	swait.ge [sflag:s12], $0x6400  }
0x2e5: {  	[sflag:s12] =	ssyncset.done $0x0  }
0x2e6: {  	[sflag:s12] =	ssyncadd.s32 $0xFFFF9C00  }
0x2e7: {  	_ =	swait.ge [sflag:s30], $0x320  }
0x2e8: {  	[sflag:s30] =	ssyncset.done $0x0  }
0x2e9: {  	[sflag:s30] =	ssyncadd.s32 $0xFFFFFCE0  }
0x2ea: {  	[tilespmem:s19], [sflag:$0x8] =	stream.indirect.gather [hbm4b:s3+s21], $0x20, s28, s21, $0xb8;
	[tilespmem:$0x19C80] =	vst v63  }
0x2eb: {  	_ =	swait.ge [sflag:s18], $0x6400  }
0x2ec: {  	s0 =	rddreg [dreg:$0x1f];
	[sflag:s18] =	ssyncset.done $0x0  }
0x2ed: {  	s24 =	sld [smem:$0x7D9];
	[sflag:s18] =	ssyncadd.s32 $0xFFFF9C00  }
0x2ee: {  	[hbm4b:s0+s2] =	stream.linear.scatter [tilespmem:s14], [sflag:$0x9], $0x6400, $0x38;
	[tilespmem:$0x19C80] =	vst v63  }
0x2ef: {  	_ = 	snop  }
0x2f0: {  	[tilespmem:s2], [sflag:$0x1] =	stream.linear.gather [hbm4b:s24+s2], $0x320, $0x38;
	[tilespmem:$0x19C80] =	vst v63  }
0x2f1: {  	_ =	swait.ge [sflag:s11], $0x6400  }
0x2f2: {  	[sflag:s11] =	ssyncset.done $0x0  }
0x2f3: {  	[sflag:s11] =	ssyncadd.s32 $0xFFFF9C00  }
0x2f4: {  	_ =	swait.ge [sflag:s25], $0x320  }
0x2f5: {  	[sflag:s25] =	ssyncset.done $0x0  }
0x2f6: {  	[sflag:s25] =	ssyncadd.s32 $0xFFFFFCE0  }
0x2f7: {  	[tilespmem:s14], [sflag:$0x5] =	stream.indirect.gather [hbm4b:s3+s21], $0x20, s2, s21, $0xb8;
	[tilespmem:$0x19C80] =	vst v63  }
0x2f8: {  	_ =	swait.ge [sflag:s17], $0x6400  }
0x2f9: {  	s0 =	sld [smem:$0x7DA]  }
0x2fa: {  	[sflag:s17] =	ssyncset.done $0x0  }
0x2fb: {  	s24 =	sld [smem:$0x7DB];
	[sflag:s17] =	ssyncadd.s32 $0xFFFF9C00  }
0x2fc: {  	[hbm4b:s0+s2] =	stream.linear.scatter [tilespmem:s13], [sflag:$0xA], $0x6400, $0x38;
	[tilespmem:$0x19C80] =	vst v63  }
0x2fd: {  	_ = 	snop  }
0x2fe: {  	[tilespmem:s21], [sflag:$0x2] =	stream.linear.gather [hbm4b:s24+s2], $0x320, $0x38;
	[tilespmem:$0x19C80] =	vst v63  }
0x2ff: {  	_ =	swait.ge [sflag:s10], $0x6400  }
0x300: {  	[sflag:s10] =	ssyncset.done $0x0  }
0x301: {  	[sflag:s10] =	ssyncadd.s32 $0xFFFF9C00  }
0x302: {  	_ =	swait.ge [sflag:s23], $0x320  }
0x303: {  	[sflag:s23] =	ssyncset.done $0x0  }
0x304: {  	[sflag:s23] =	ssyncadd.s32 $0xFFFFFCE0  }
0x305: {  	[tilespmem:s13], [sflag:$0x6] =	stream.indirect.gather [hbm4b:s3+s21], $0x20, s21, s21, $0xb8;
	[tilespmem:$0x19C80] =	vst v63  }
0x306: {  	_ =	swait.ge [sflag:s15], $0x6400  }
0x307: {  	s0 =	sld [smem:$0x7DC]  }
0x308: {  	[sflag:s15] =	ssyncset.done $0x0  }
0x309: {  	s24 =	sld [smem:$0x7DD];
	[sflag:s15] =	ssyncadd.s32 $0xFFFF9C00  }
0x30a: {  	[hbm4b:s0+s2] =	stream.linear.scatter [tilespmem:s9], [sflag:$0xB], $0x6400, $0x38;
	[tilespmem:$0x19C80] =	vst v63  }
0x30b: {  	_ = 	snop  }
0x30c: {  	[tilespmem:s16], [sflag:$0x3] =	stream.linear.gather [hbm4b:s24+s2], $0x320, $0x38;
	[tilespmem:$0x19C80] =	vst v63  }
0x30d: {  	_ =	swait.ge [sflag:s8], $0x6400  }
0x30e: {  	[sflag:s8] =	ssyncset.done $0x0  }
0x30f: {  	[sflag:s8] =	ssyncadd.s32 $0xFFFF9C00  }
0x310: {  	_ =	swait.ge [sflag:s20], $0x320  }
0x311: {  	[sflag:s20] =	ssyncset.done $0x0  }
0x312: {  	[sflag:s20] =	ssyncadd.s32 $0xFFFFFCE0  }
0x313: {  	[tilespmem:s9], [sflag:$0x7] =	stream.indirect.gather [hbm4b:s3+s21], $0x20, s16, s21, $0xb8;
	[tilespmem:$0x19C80] =	vst v63  }
0x314: {  	_ =	swait.ge [sflag:s22], $0x6400  }
0x315: {  	s0 =	sld [smem:$0x7DE]  }
0x316: {  	[sflag:s22] =	ssyncset.done $0x0  }
0x317: {  	s24 =	sld [smem:$0x7DF];
	[sflag:s22] =	ssyncadd.s32 $0xFFFF9C00  }
0x318: {  	[hbm4b:s0+s2] =	stream.linear.scatter [tilespmem:s19], [sflag:$0xC], $0x6400, $0x38;
	[tilespmem:$0x19C80] =	vst v63  }
0x319: {  	_ = 	snop  }
0x31a: {  	[tilespmem:s28], [sflag:$0x4] =	stream.linear.gather [hbm4b:s24+s2], $0x320, $0x38;
	[tilespmem:$0x19C80] =	vst v63  }
0x31b: {  	_ =	swait.ge [sflag:s12], $0x6400  }
0x31c: {  	[sflag:s12] =	ssyncset.done $0x0  }
0x31d: {  	[sflag:s12] =	ssyncadd.s32 $0xFFFF9C00  }
0x31e: {  	_ =	swait.ge [sflag:s30], $0x320  }
0x31f: {  	[sflag:s30] =	ssyncset.done $0x0  }
0x320: {  	[sflag:s30] =	ssyncadd.s32 $0xFFFFFCE0  }
0x321: {  	[tilespmem:s19], [sflag:$0x8] =	stream.indirect.gather [hbm4b:s3+s21], $0x20, s28, s21, $0xb8;
	[tilespmem:$0x19C80] =	vst v63  }
0x322: {  	_ =	swait.ge [sflag:s18], $0x6400  }
0x323: {  	s0 =	sld [smem:$0x7E0]  }
0x324: {  	[sflag:s18] =	ssyncset.done $0x0  }
0x325: {  	s24 =	sld [smem:$0x7E1];
	[sflag:s18] =	ssyncadd.s32 $0xFFFF9C00  }
0x326: {  	[hbm4b:s0+s2] =	stream.linear.scatter [tilespmem:s14], [sflag:$0x9], $0x6400, $0x38;
	[tilespmem:$0x19C80] =	vst v63  }
0x327: {  	_ = 	snop  }
0x328: {  	[tilespmem:s2], [sflag:$0x1] =	stream.linear.gather [hbm4b:s24+s2], $0x320, $0x38;
	[tilespmem:$0x19C80] =	vst v63  }
0x329: {  	_ =	swait.ge [sflag:s11], $0x6400  }
0x32a: {  	[sflag:s11] =	ssyncset.done $0x0  }
0x32b: {  	[sflag:s11] =	ssyncadd.s32 $0xFFFF9C00  }
0x32c: {  	_ =	swait.ge [sflag:s25], $0x320  }
0x32d: {  	[sflag:s25] =	ssyncset.done $0x0  }
0x32e: {  	[sflag:s25] =	ssyncadd.s32 $0xFFFFFCE0  }
0x32f: {  	[tilespmem:s14], [sflag:$0x5] =	stream.indirect.gather [hbm4b:s3+s21], $0x20, s2, s21, $0xb8;
	[tilespmem:$0x19C80] =	vst v63  }
0x330: {  	_ =	swait.ge [sflag:s17], $0x6400  }
0x331: {  	s0 =	sld [smem:$0x7E2]  }
0x332: {  	[sflag:s17] =	ssyncset.done $0x0  }
0x333: {  	s24 =	sld [smem:$0x7E3];
	[sflag:s17] =	ssyncadd.s32 $0xFFFF9C00  }
0x334: {  	[hbm4b:s0+s2] =	stream.linear.scatter [tilespmem:s13], [sflag:$0xA], $0x6400, $0x38;
	[tilespmem:$0x19C80] =	vst v63  }
0x335: {  	_ = 	snop  }
0x336: {  	[tilespmem:s21], [sflag:$0x2] =	stream.linear.gather [hbm4b:s24+s2], $0x320, $0x38;
	[tilespmem:$0x19C80] =	vst v63  }
0x337: {  	_ =	swait.ge [sflag:s10], $0x6400  }
0x338: {  	[sflag:s10] =	ssyncset.done $0x0  }
0x339: {  	[sflag:s10] =	ssyncadd.s32 $0xFFFF9C00  }
0x33a: {  	_ =	swait.ge [sflag:s23], $0x320  }
0x33b: {  	[sflag:s23] =	ssyncset.done $0x0  }
0x33c: {  	[sflag:s23] =	ssyncadd.s32 $0xFFFFFCE0  }
0x33d: {  	[tilespmem:s13], [sflag:$0x6] =	stream.indirect.gather [hbm4b:s3+s21], $0x20, s21, s21, $0xb8;
	[tilespmem:$0x19C80] =	vst v63  }
0x33e: {  	_ =	swait.ge [sflag:s15], $0x6400  }
0x33f: {  	s0 =	sld [smem:$0x7E4]  }
0x340: {  	[sflag:s15] =	ssyncset.done $0x0  }
0x341: {  	s24 =	sld [smem:$0x7E5];
	[sflag:s15] =	ssyncadd.s32 $0xFFFF9C00  }
0x342: {  	[hbm4b:s0+s2] =	stream.linear.scatter [tilespmem:s9], [sflag:$0xB], $0x6400, $0x38;
	[tilespmem:$0x19C80] =	vst v63  }
0x343: {  	_ = 	snop  }
0x344: {  	[tilespmem:s16], [sflag:$0x3] =	stream.linear.gather [hbm4b:s24+s2], $0x320, $0x38;
	[tilespmem:$0x19C80] =	vst v63  }
0x345: {  	_ =	swait.ge [sflag:s8], $0x6400  }
0x346: {  	[sflag:s8] =	ssyncset.done $0x0  }
0x347: {  	[sflag:s8] =	ssyncadd.s32 $0xFFFF9C00  }
0x348: {  	_ =	swait.ge [sflag:s20], $0x320  }
0x349: {  	[sflag:s20] =	ssyncset.done $0x0  }
0x34a: {  	[sflag:s20] =	ssyncadd.s32 $0xFFFFFCE0  }
0x34b: {  	[tilespmem:s9], [sflag:$0x7] =	stream.indirect.gather [hbm4b:s3+s21], $0x20, s16, s21, $0xb8;
	[tilespmem:$0x19C80] =	vst v63  }
0x34c: {  	_ =	swait.ge [sflag:s22], $0x6400  }
0x34d: {  	s0 =	sld [smem:$0x7E6]  }
0x34e: {  	[sflag:s22] =	ssyncset.done $0x0  }
0x34f: {  	s24 =	sld [smem:$0x7E7];
	[sflag:s22] =	ssyncadd.s32 $0xFFFF9C00  }
0x350: {  	[hbm4b:s0+s2] =	stream.linear.scatter [tilespmem:s19], [sflag:$0xC], $0x6400, $0x38;
	[tilespmem:$0x19C80] =	vst v63  }
0x351: {  	_ = 	snop  }
0x352: {  	[tilespmem:s28], [sflag:$0x4] =	stream.linear.gather [hbm4b:s24+s2], $0x320, $0x38;
	[tilespmem:$0x19C80] =	vst v63  }
0x353: {  	_ =	swait.ge [sflag:s12], $0x6400  }
0x354: {  	[sflag:s12] =	ssyncset.done $0x0  }
0x355: {  	[sflag:s12] =	ssyncadd.s32 $0xFFFF9C00  }
0x356: {  	_ =	swait.ge [sflag:s30], $0x320  }
0x357: {  	[sflag:s30] =	ssyncset.done $0x0  }
0x358: {  	[sflag:s30] =	ssyncadd.s32 $0xFFFFFCE0  }
0x359: {  	[tilespmem:s19], [sflag:$0x8] =	stream.indirect.gather [hbm4b:s3+s21], $0x20, s28, s21, $0xb8;
	[tilespmem:$0x19C80] =	vst v63  }
0x35a: {  	_ =	swait.ge [sflag:s18], $0x6400  }
0x35b: {  	s0 =	sld [smem:$0x7E8]  }
0x35c: {  	[sflag:s18] =	ssyncset.done $0x0  }
0x35d: {  	s24 =	sld [smem:$0x7E9];
	[sflag:s18] =	ssyncadd.s32 $0xFFFF9C00  }
0x35e: {  	[hbm4b:s0+s2] =	stream.linear.scatter [tilespmem:s14], [sflag:$0x9], $0x6400, $0x38;
	[tilespmem:$0x19C80] =	vst v63  }
0x35f: {  	_ = 	snop  }
0x360: {  	[tilespmem:s2], [sflag:$0x1] =	stream.linear.gather [hbm4b:s24+s2], $0x320, $0x38;
	[tilespmem:$0x19C80] =	vst v63  }
0x361: {  	_ =	swait.ge [sflag:s11], $0x6400  }
0x362: {  	[sflag:s11] =	ssyncset.done $0x0  }
0x363: {  	[sflag:s11] =	ssyncadd.s32 $0xFFFF9C00  }
0x364: {  	_ =	swait.ge [sflag:s25], $0x320  }
0x365: {  	[sflag:s25] =	ssyncset.done $0x0  }
0x366: {  	[sflag:s25] =	ssyncadd.s32 $0xFFFFFCE0  }
0x367: {  	[tilespmem:s14], [sflag:$0x5] =	stream.indirect.gather [hbm4b:s3+s21], $0x20, s2, s21, $0xb8;
	[tilespmem:$0x19C80] =	vst v63  }
0x368: {  	_ =	swait.ge [sflag:s17], $0x6400  }
0x369: {  	s0 =	sld [smem:$0x7EA]  }
0x36a: {  	[sflag:s17] =	ssyncset.done $0x0  }
0x36b: {  	s24 =	sld [smem:$0x7EB];
	[sflag:s17] =	ssyncadd.s32 $0xFFFF9C00  }
0x36c: {  	[hbm4b:s0+s2] =	stream.linear.scatter [tilespmem:s13], [sflag:$0xA], $0x6400, $0x38;
	[tilespmem:$0x19C80] =	vst v63  }
0x36d: {  	_ = 	snop  }
0x36e: {  	[tilespmem:s21], [sflag:$0x2] =	stream.linear.gather [hbm4b:s24+s2], $0x320, $0x38;
	[tilespmem:$0x19C80] =	vst v63  }
0x36f: {  	_ =	swait.ge [sflag:s10], $0x6400  }
0x370: {  	[sflag:s10] =	ssyncset.done $0x0  }
0x371: {  	[sflag:s10] =	ssyncadd.s32 $0xFFFF9C00  }
0x372: {  	_ =	swait.ge [sflag:s23], $0x320  }
0x373: {  	[sflag:s23] =	ssyncset.done $0x0  }
0x374: {  	[sflag:s23] =	ssyncadd.s32 $0xFFFFFCE0  }
0x375: {  	[tilespmem:s13], [sflag:$0x6] =	stream.indirect.gather [hbm4b:s3+s21], $0x20, s21, s21, $0xb8;
	[tilespmem:$0x19C80] =	vst v63  }
0x376: {  	_ =	swait.ge [sflag:s15], $0x6400  }
0x377: {  	s0 =	sld [smem:$0x7EC]  }
0x378: {  	[sflag:s15] =	ssyncset.done $0x0  }
0x379: {  	s24 =	sld [smem:$0x7ED];
	[sflag:s15] =	ssyncadd.s32 $0xFFFF9C00  }
0x37a: {  	[hbm4b:s0+s2] =	stream.linear.scatter [tilespmem:s9], [sflag:$0xB], $0x6400, $0x38;
	[tilespmem:$0x19C80] =	vst v63  }
0x37b: {  	_ = 	snop  }
0x37c: {  	[tilespmem:s16], [sflag:$0x3] =	stream.linear.gather [hbm4b:s24+s2], $0x320, $0x38;
	[tilespmem:$0x19C80] =	vst v63  }
0x37d: {  	_ =	swait.ge [sflag:s8], $0x6400  }
0x37e: {  	[sflag:s8] =	ssyncset.done $0x0  }
0x37f: {  	[sflag:s8] =	ssyncadd.s32 $0xFFFF9C00  }
0x380: {  	_ =	swait.ge [sflag:s20], $0x320  }
0x381: {  	[sflag:s20] =	ssyncset.done $0x0  }
0x382: {  	[sflag:s20] =	ssyncadd.s32 $0xFFFFFCE0  }
0x383: {  	[tilespmem:s9], [sflag:$0x7] =	stream.indirect.gather [hbm4b:s3+s21], $0x20, s16, s21, $0xb8;
	[tilespmem:$0x19C80] =	vst v63  }
0x384: {  	_ =	swait.ge [sflag:s22], $0x6400  }
0x385: {  	s0 =	sld [smem:$0x7EE]  }
0x386: {  	[sflag:s22] =	ssyncset.done $0x0  }
0x387: {  	s24 =	sld [smem:$0x7EF];
	[sflag:s22] =	ssyncadd.s32 $0xFFFF9C00  }
0x388: {  	[hbm4b:s0+s2] =	stream.linear.scatter [tilespmem:s19], [sflag:$0xC], $0x6400, $0x38;
	[tilespmem:$0x19C80] =	vst v63  }
0x389: {  	_ = 	snop  }
0x38a: {  	[tilespmem:s28], [sflag:$0x4] =	stream.linear.gather [hbm4b:s24+s2], $0x320, $0x38;
	[tilespmem:$0x19C80] =	vst v63  }
0x38b: {  	_ =	swait.ge [sflag:s12], $0x6400  }
0x38c: {  	[sflag:s12] =	ssyncset.done $0x0  }
0x38d: {  	[sflag:s12] =	ssyncadd.s32 $0xFFFF9C00  }
0x38e: {  	_ =	swait.ge [sflag:s30], $0x320  }
0x38f: {  	[sflag:s30] =	ssyncset.done $0x0  }
0x390: {  	[sflag:s30] =	ssyncadd.s32 $0xFFFFFCE0  }
0x391: {  	[tilespmem:s19], [sflag:$0x8] =	stream.indirect.gather [hbm4b:s3+s21], $0x20, s28, s21, $0xb8;
	[tilespmem:$0x19C80] =	vst v63  }
0x392: {  	_ =	swait.ge [sflag:s18], $0x6400  }
0x393: {  	s0 =	sld [smem:$0x7F0]  }
0x394: {  	[sflag:s18] =	ssyncset.done $0x0  }
0x395: {  	s24 =	sld [smem:$0x7F1];
	[sflag:s18] =	ssyncadd.s32 $0xFFFF9C00  }
0x396: {  	[hbm4b:s0+s2] =	stream.linear.scatter [tilespmem:s14], [sflag:$0x9], $0x6400, $0x38;
	[tilespmem:$0x19C80] =	vst v63  }
0x397: {  	_ = 	snop  }
0x398: {  	[tilespmem:s2], [sflag:$0x1] =	stream.linear.gather [hbm4b:s24+s2], $0x320, $0x38;
	[tilespmem:$0x19C80] =	vst v63  }
0x399: {  	_ =	swait.ge [sflag:s11], $0x6400  }
0x39a: {  	[sflag:s11] =	ssyncset.done $0x0  }
0x39b: {  	[sflag:s11] =	ssyncadd.s32 $0xFFFF9C00  }
0x39c: {  	_ =	swait.ge [sflag:s25], $0x320  }
0x39d: {  	[sflag:s25] =	ssyncset.done $0x0  }
0x39e: {  	[sflag:s25] =	ssyncadd.s32 $0xFFFFFCE0  }
0x39f: {  	[tilespmem:s14], [sflag:$0x5] =	stream.indirect.gather [hbm4b:s3+s21], $0x20, s2, s21, $0xb8;
	[tilespmem:$0x19C80] =	vst v63  }
0x3a0: {  	_ =	swait.ge [sflag:s17], $0x6400  }
0x3a1: {  	s0 =	sld [smem:$0x7F2]  }
0x3a2: {  	[sflag:s17] =	ssyncset.done $0x0  }
0x3a3: {  	s24 =	sld [smem:$0x7F3];
	[sflag:s17] =	ssyncadd.s32 $0xFFFF9C00  }
0x3a4: {  	[hbm4b:s0+s2] =	stream.linear.scatter [tilespmem:s13], [sflag:$0xA], $0x6400, $0x38;
	[tilespmem:$0x19C80] =	vst v63  }
0x3a5: {  	_ = 	snop  }
0x3a6: {  	[tilespmem:s21], [sflag:$0x2] =	stream.linear.gather [hbm4b:s24+s2], $0x320, $0x38;
	[tilespmem:$0x19C80] =	vst v63  }
0x3a7: {  	_ =	swait.ge [sflag:s10], $0x6400  }
0x3a8: {  	[sflag:s10] =	ssyncset.done $0x0  }
0x3a9: {  	[sflag:s10] =	ssyncadd.s32 $0xFFFF9C00  }
0x3aa: {  	_ =	swait.ge [sflag:s23], $0x320  }
0x3ab: {  	[sflag:s23] =	ssyncset.done $0x0  }
0x3ac: {  	[sflag:s23] =	ssyncadd.s32 $0xFFFFFCE0  }
0x3ad: {  	[tilespmem:s13], [sflag:$0x6] =	stream.indirect.gather [hbm4b:s3+s21], $0x20, s21, s21, $0xb8;
	[tilespmem:$0x19C80] =	vst v63  }
0x3ae: {  	_ =	swait.ge [sflag:s15], $0x6400  }
0x3af: {  	s0 =	sld [smem:$0x7F4]  }
0x3b0: {  	[sflag:s15] =	ssyncset.done $0x0  }
0x3b1: {  	s24 =	sld [smem:$0x7F5];
	[sflag:s15] =	ssyncadd.s32 $0xFFFF9C00  }
0x3b2: {  	[hbm4b:s0+s2] =	stream.linear.scatter [tilespmem:s9], [sflag:$0xB], $0x6400, $0x38;
	[tilespmem:$0x19C80] =	vst v63  }
0x3b3: {  	_ = 	snop  }
0x3b4: {  	[tilespmem:s16], [sflag:$0x3] =	stream.linear.gather [hbm4b:s24+s2], $0x320, $0x38;
	[tilespmem:$0x19C80] =	vst v63  }
0x3b5: {  	_ =	swait.ge [sflag:s8], $0x6400  }
0x3b6: {  	[sflag:s8] =	ssyncset.done $0x0  }
0x3b7: {  	[sflag:s8] =	ssyncadd.s32 $0xFFFF9C00  }
0x3b8: {  	_ =	swait.ge [sflag:s20], $0x320  }
0x3b9: {  	[sflag:s20] =	ssyncset.done $0x0  }
0x3ba: {  	[sflag:s20] =	ssyncadd.s32 $0xFFFFFCE0  }
0x3bb: {  	[tilespmem:s9], [sflag:$0x7] =	stream.indirect.gather [hbm4b:s3+s21], $0x20, s16, s21, $0xb8;
	[tilespmem:$0x19C80] =	vst v63  }
0x3bc: {  	_ =	swait.ge [sflag:s22], $0x6400  }
0x3bd: {  	s0 =	sld [smem:$0x7F6]  }
0x3be: {  	[sflag:s22] =	ssyncset.done $0x0  }
0x3bf: {  	s24 =	sld [smem:$0x7F7];
	[sflag:s22] =	ssyncadd.s32 $0xFFFF9C00  }
0x3c0: {  	[hbm4b:s0+s2] =	stream.linear.scatter [tilespmem:s19], [sflag:$0xC], $0x6400, $0x38;
	[tilespmem:$0x19C80] =	vst v63  }
0x3c1: {  	_ = 	snop  }
0x3c2: {  	[tilespmem:s28], [sflag:$0x4] =	stream.linear.gather [hbm4b:s24+s2], $0x190, $0x38;
	[tilespmem:$0x19C80] =	vst v63  }
0x3c3: {  	_ =	swait.ge [sflag:s12], $0x6400  }
0x3c4: {  	[sflag:s12] =	ssyncset.done $0x0  }
0x3c5: {  	[sflag:s12] =	ssyncadd.s32 $0xFFFF9C00  }
0x3c6: {  	_ =	swait.ge [sflag:s30], $0x190  }
0x3c7: {  	[sflag:s30] =	ssyncset.done $0x0  }
0x3c8: {  	s24 =	simm.s32 $0x190;
	[sflag:s30] =	ssyncadd.s32 $0xFFFFFE70  }
0x3c9: {  	[tilespmem:s19], [sflag:$0x8] =	stream.indirect.gather [hbm4b:s3+s24], $0x20, s28, s24, $0xb8;
	[tilespmem:$0x19C80] =	vst v63  }
0x3ca: {  	_ =	swait.ge [sflag:s18], $0x6400  }
0x3cb: {  	s0 =	sld [smem:$0x7F8]  }
0x3cc: {  	[sflag:s18] =	ssyncset.done $0x0  }
0x3cd: {  	s24 =	sld [smem:$0x7F9];
	[sflag:s18] =	ssyncadd.s32 $0xFFFF9C00  }
0x3ce: {  	[hbm4b:s0+s2] =	stream.linear.scatter [tilespmem:s14], [sflag:$0x9], $0x6400, $0x38;
	[tilespmem:$0x19C80] =	vst v63  }
0x3cf: {  	_ = 	snop  }
0x3d0: {  	[tilespmem:s2], [sflag:$0x1] =	stream.linear.gather [hbm4b:s24+s2], $0xC8, $0x38;
	[tilespmem:$0x19C80] =	vst v63  }
0x3d1: {  	_ =	swait.ge [sflag:s11], $0x6400  }
0x3d2: {  	[sflag:s11] =	ssyncset.done $0x0  }
0x3d3: {  	[sflag:s11] =	ssyncadd.s32 $0xFFFF9C00  }
0x3d4: {  	_ =	swait.ge [sflag:s25], $0xC8  }
0x3d5: {  	[sflag:s25] =	ssyncset.done $0x0  }
0x3d6: {  	[sflag:s25] =	ssyncadd.s32 $0xFFFFFF38  }
0x3d7: {  	[tilespmem:s14], [sflag:$0x5] =	stream.indirect.gather [hbm4b:s3+s31], $0x20, s2, s31, $0xb8;
	[tilespmem:$0x19C80] =	vst v63  }
0x3d8: {  	_ =	swait.ge [sflag:s17], $0x6400  }
0x3d9: {  	s0 =	sld [smem:$0x7FA]  }
0x3da: {  	[sflag:s17] =	ssyncset.done $0x0  }
0x3db: {  	s24 =	sld [smem:$0x7FB];
	[sflag:s17] =	ssyncadd.s32 $0xFFFF9C00  }
0x3dc: {  	[hbm4b:s0+s2] =	stream.linear.scatter [tilespmem:s13], [sflag:$0xA], $0x6400, $0x38;
	[tilespmem:$0x19C80] =	vst v63  }
0x3dd: {  	_ = 	snop  }
0x3de: {  	[tilespmem:s21], [sflag:$0x2] =	stream.linear.gather [hbm4b:s24+s2], $0x60, $0x38;
	[tilespmem:$0x19C80] =	vst v63  }
0x3df: {  	_ =	swait.ge [sflag:s10], $0x6400  }
0x3e0: {  	[sflag:s10] =	ssyncset.done $0x0  }
0x3e1: {  	[sflag:s10] =	ssyncadd.s32 $0xFFFF9C00  }
0x3e2: {  	_ =	swait.ge [sflag:s23], $0x60  }
0x3e3: {  	[sflag:s23] =	ssyncset.done $0x0  }
0x3e4: {  	[sflag:s23] =	ssyncadd.s32 $0xFFFFFFA0  }
0x3e5: {  	[tilespmem:s13], [sflag:$0x6] =	stream.indirect.gather [hbm4b:s3+s29], $0x20, s21, s29, $0xb8;
	[tilespmem:$0x19C80] =	vst v63  }
0x3e6: {  	_ =	swait.ge [sflag:s15], $0x6400  }
0x3e7: {  	s0 =	sld [smem:$0x7FC]  }
0x3e8: {  	[sflag:s15] =	ssyncset.done $0x0  }
0x3e9: {  	s24 =	sld [smem:$0x7FD];
	[sflag:s15] =	ssyncadd.s32 $0xFFFF9C00  }
0x3ea: {  	[hbm4b:s0+s2] =	stream.linear.scatter [tilespmem:s9], [sflag:$0xB], $0x6400, $0x38;
	[tilespmem:$0x19C80] =	vst v63  }
0x3eb: {  	_ = 	snop  }
0x3ec: {  	[tilespmem:s16], [sflag:$0x3] =	stream.linear.gather [hbm4b:s24+s2], $0x68, $0x38;
	[tilespmem:$0x19C80] =	vst v63  }
0x3ed: {  	_ =	swait.ge [sflag:s8], $0x6400  }
0x3ee: {  	[sflag:s8] =	ssyncset.done $0x0  }
0x3ef: {  	[sflag:s8] =	ssyncadd.s32 $0xFFFF9C00  }
0x3f0: {  	_ =	swait.ge [sflag:s20], $0x68  }
0x3f1: {  	[sflag:s20] =	ssyncset.done $0x0  }
0x3f2: {  	[sflag:s20] =	ssyncadd.s32 $0xFFFFFF98  }
0x3f3: {  	[tilespmem:s9], [sflag:$0x7] =	stream.indirect.gather [hbm4b:s3+s26], $0x20, s16, s26, $0xb8;
	[tilespmem:$0x19C80] =	vst v63  }
0x3f4: {  	_ =	swait.ge [sflag:s22], $0x3200  }
0x3f5: {  	[sflag:s22] =	ssyncset.done $0x0  }
0x3f6: {  	[sflag:s22] =	ssyncadd.s32 $0xFFFFCE00  }
0x3f7: {  	[hbm4b:s7+s2] =	stream.linear.scatter [tilespmem:s19], [sflag:$0xC], $0x3200, $0x38;
	[tilespmem:$0x19C80] =	vst v63  }
0x3f8: {  	_ =	swait.ge [sflag:s18], $0x1900  }
0x3f9: {  	[sflag:s18] =	ssyncset.done $0x0  }
0x3fa: {  	[sflag:s18] =	ssyncadd.s32 $0xFFFFE700  }
0x3fb: {  	[hbm4b:s6+s2] =	stream.linear.scatter [tilespmem:s14], [sflag:$0x9], $0x1900, $0x38;
	[tilespmem:$0x19C80] =	vst v63  }
0x3fc: {  	_ =	swait.ge [sflag:s17], $0xC00  }
0x3fd: {  	[sflag:s17] =	ssyncset.done $0x0  }
0x3fe: {  	[sflag:s17] =	ssyncadd.s32 $0xFFFFF400  }
0x3ff: {  	[hbm4b:s5+s2] =	stream.linear.scatter [tilespmem:s13], [sflag:$0xA], $0xC00, $0x38;
	[tilespmem:$0x19C80] =	vst v63  }
0x400: {  	_ =	swait.ge [sflag:s15], $0xD00  }
0x401: {  	[sflag:s15] =	ssyncset.done $0x0  }
0x402: {  	[sflag:s15] =	ssyncadd.s32 $0xFFFFF300  }
0x403: {  	[hbm4b:s4+s2] =	stream.linear.scatter [tilespmem:s9], [sflag:$0xB], $0xD00, $0x38;
	[tilespmem:$0x19C80] =	vst v63  }
0x404: {  	_ =	swait.ge [sflag:s11], $0x1900  }
0x405: {  	[sflag:s11] =	ssyncset.done $0x0  }
0x406: {  	[sflag:s11] =	ssyncadd.s32 $0xFFFFE700  }
0x407: {  	_ =	swait.ge [sflag:s10], $0xC00  }
0x408: {  	[sflag:s10] =	ssyncset.done $0x0  }
0x409: {  	p1 =	sne.s32 s1, $0x1;
	[sflag:s10] =	ssyncadd.s32 $0xFFFFF400  }
.Ltmp2:
0x40a: {  	_ =	swait.ge [sflag:s8], $0xD00;
	(pc) =	sbr.rel @p1 .LBB2_4-.Ltmp2, $4  }
0x40b: {  	[sflag:s8] =	ssyncset.done $0x0  }
0x40c: {  	[sflag:s8] =	ssyncadd.s32 $0xFFFFF300  }
0x40d: {  	_ =	swait.ge [sflag:s12], $0x3200  }
0x40e: {  	s1 =	sadd.s32 $0xFFFFFFFF, s1;
	s0 =	rddreg [dreg:$0x3];
	[sflag:s12] =	ssyncset.done $0x0  }
0x40f: {  	s26 =	simm.s32 $0x190  }
0x410: {  	s31 =	simm.s32 $0xC8;
	s29 =	simm.s32 $0x60;
	s24 =	stileid.u32  }
.LBB2_6:
0x411: {  	[sflag:s12] =	ssyncadd.s32 @p0 $0xFFFFCE00  }
0x412: {  	[tilespmem:s2], [sflag:$0x1] =	stream.linear.gather [hbm4b:s0+s2], $0x320, $0x38;
	[tilespmem:$0x19C80] =	vst v63  }
0x413: {  	s1 =	rddreg [dreg:$0x4]  }
0x414: {  	[tilespmem:s21], [sflag:$0x2] =	stream.linear.gather [hbm4b:s1+s2], $0x320, $0x38;
	[tilespmem:$0x19C80] =	vst v63  }
0x415: {  	s0 =	rddreg [dreg:$0x5]  }
0x416: {  	[tilespmem:s16], [sflag:$0x3] =	stream.linear.gather [hbm4b:s0+s2], $0x320, $0x38;
	[tilespmem:$0x19C80] =	vst v63  }
0x417: {  	s1 =	rddreg [dreg:$0x6]  }
0x418: {  	[tilespmem:s28], [sflag:$0x4] =	stream.linear.gather [hbm4b:s1+s2], $0x320, $0x38;
	[tilespmem:$0x19C80] =	vst v63  }
0x419: {  	_ =	swait.ge [sflag:s25], $0x320  }
0x41a: {  	[sflag:s25] =	ssyncset.done $0x0  }
0x41b: {  	[sflag:s25] =	ssyncadd.s32 $0xFFFFFCE0  }
0x41c: {  	[tilespmem:s14], [sflag:$0x5] =	stream.indirect.gather [hbm4b:s3+s21], $0x20, s2, s21, $0xb8;
	[tilespmem:$0x19C80] =	vst v63  }
0x41d: {  	_ =	swait.ge [sflag:s23], $0x320  }
0x41e: {  	[sflag:s23] =	ssyncset.done $0x0  }
0x41f: {  	[sflag:s23] =	ssyncadd.s32 $0xFFFFFCE0  }
0x420: {  	[tilespmem:s13], [sflag:$0x6] =	stream.indirect.gather [hbm4b:s3+s21], $0x20, s21, s21, $0xb8;
	[tilespmem:$0x19C80] =	vst v63  }
0x421: {  	_ =	swait.ge [sflag:s20], $0x320  }
0x422: {  	[sflag:s20] =	ssyncset.done $0x0  }
0x423: {  	[sflag:s20] =	ssyncadd.s32 $0xFFFFFCE0  }
0x424: {  	[tilespmem:s9], [sflag:$0x7] =	stream.indirect.gather [hbm4b:s3+s21], $0x20, s16, s21, $0xb8;
	[tilespmem:$0x19C80] =	vst v63  }
0x425: {  	_ =	swait.ge [sflag:s30], $0x320  }
0x426: {  	[sflag:s30] =	ssyncset.done $0x0  }
0x427: {  	[sflag:s30] =	ssyncadd.s32 $0xFFFFFCE0  }
0x428: {  	[tilespmem:s19], [sflag:$0x8] =	stream.indirect.gather [hbm4b:s3+s21], $0x20, s28, s21, $0xb8;
	[tilespmem:$0x19C80] =	vst v63  }
0x429: {  	_ =	swait.ge [sflag:s18], $0x6400  }
0x42a: {  	[sflag:s18] =	ssyncset.done $0x0  }
0x42b: {  	s0 =	rddreg [dreg:$0x7];
	[sflag:s18] =	ssyncadd.s32 $0xFFFF9C00  }
0x42c: {  	[hbm4b:s0+s2] =	stream.linear.scatter [tilespmem:s14], [sflag:$0x9], $0x6400, $0x38;
	[tilespmem:$0x19C80] =	vst v63  }
0x42d: {  	s1 =	rddreg [dreg:$0x8]  }
0x42e: {  	[tilespmem:s2], [sflag:$0x1] =	stream.linear.gather [hbm4b:s1+s2], $0x320, $0x38;
	[tilespmem:$0x19C80] =	vst v63  }
0x42f: {  	_ =	swait.ge [sflag:s11], $0x6400  }
0x430: {  	[sflag:s11] =	ssyncset.done $0x0  }
0x431: {  	[sflag:s11] =	ssyncadd.s32 $0xFFFF9C00  }
0x432: {  	_ =	swait.ge [sflag:s25], $0x320  }
0x433: {  	[sflag:s25] =	ssyncset.done $0x0  }
0x434: {  	[sflag:s25] =	ssyncadd.s32 $0xFFFFFCE0  }
0x435: {  	[tilespmem:s14], [sflag:$0x5] =	stream.indirect.gather [hbm4b:s3+s21], $0x20, s2, s21, $0xb8;
	[tilespmem:$0x19C80] =	vst v63  }
0x436: {  	_ =	swait.ge [sflag:s17], $0x6400  }
0x437: {  	[sflag:s17] =	ssyncset.done $0x0  }
0x438: {  	s0 =	rddreg [dreg:$0x9];
	[sflag:s17] =	ssyncadd.s32 $0xFFFF9C00  }
0x439: {  	[hbm4b:s0+s2] =	stream.linear.scatter [tilespmem:s13], [sflag:$0xA], $0x6400, $0x38;
	[tilespmem:$0x19C80] =	vst v63  }
0x43a: {  	s1 =	rddreg [dreg:$0xa]  }
0x43b: {  	[tilespmem:s21], [sflag:$0x2] =	stream.linear.gather [hbm4b:s1+s2], $0x320, $0x38;
	[tilespmem:$0x19C80] =	vst v63  }
0x43c: {  	_ =	swait.ge [sflag:s10], $0x6400  }
0x43d: {  	[sflag:s10] =	ssyncset.done $0x0  }
0x43e: {  	[sflag:s10] =	ssyncadd.s32 $0xFFFF9C00  }
0x43f: {  	_ =	swait.ge [sflag:s23], $0x320  }
0x440: {  	[sflag:s23] =	ssyncset.done $0x0  }
0x441: {  	[sflag:s23] =	ssyncadd.s32 $0xFFFFFCE0  }
0x442: {  	[tilespmem:s13], [sflag:$0x6] =	stream.indirect.gather [hbm4b:s3+s21], $0x20, s21, s21, $0xb8;
	[tilespmem:$0x19C80] =	vst v63  }
0x443: {  	_ =	swait.ge [sflag:s15], $0x6400  }
0x444: {  	[sflag:s15] =	ssyncset.done $0x0  }
0x445: {  	s0 =	rddreg [dreg:$0xb];
	[sflag:s15] =	ssyncadd.s32 $0xFFFF9C00  }
0x446: {  	[hbm4b:s0+s2] =	stream.linear.scatter [tilespmem:s9], [sflag:$0xB], $0x6400, $0x38;
	[tilespmem:$0x19C80] =	vst v63  }
0x447: {  	s1 =	rddreg [dreg:$0xc]  }
0x448: {  	[tilespmem:s16], [sflag:$0x3] =	stream.linear.gather [hbm4b:s1+s2], $0x320, $0x38;
	[tilespmem:$0x19C80] =	vst v63  }
0x449: {  	_ =	swait.ge [sflag:s8], $0x6400  }
0x44a: {  	[sflag:s8] =	ssyncset.done $0x0  }
0x44b: {  	[sflag:s8] =	ssyncadd.s32 $0xFFFF9C00  }
0x44c: {  	_ =	swait.ge [sflag:s20], $0x320  }
0x44d: {  	[sflag:s20] =	ssyncset.done $0x0  }
0x44e: {  	[sflag:s20] =	ssyncadd.s32 $0xFFFFFCE0  }
0x44f: {  	[tilespmem:s9], [sflag:$0x7] =	stream.indirect.gather [hbm4b:s3+s21], $0x20, s16, s21, $0xb8;
	[tilespmem:$0x19C80] =	vst v63  }
0x450: {  	_ =	swait.ge [sflag:s22], $0x6400  }
0x451: {  	[sflag:s22] =	ssyncset.done $0x0  }
0x452: {  	s0 =	rddreg [dreg:$0xd];
	[sflag:s22] =	ssyncadd.s32 $0xFFFF9C00  }
0x453: {  	[hbm4b:s0+s2] =	stream.linear.scatter [tilespmem:s19], [sflag:$0xC], $0x6400, $0x38;
	[tilespmem:$0x19C80] =	vst v63  }
0x454: {  	s1 =	rddreg [dreg:$0xe]  }
0x455: {  	[tilespmem:s28], [sflag:$0x4] =	stream.linear.gather [hbm4b:s1+s2], $0x320, $0x38;
	[tilespmem:$0x19C80] =	vst v63  }
0x456: {  	_ =	swait.ge [sflag:s12], $0x6400  }
0x457: {  	[sflag:s12] =	ssyncset.done $0x0  }
0x458: {  	[sflag:s12] =	ssyncadd.s32 $0xFFFF9C00  }
0x459: {  	_ =	swait.ge [sflag:s30], $0x320  }
0x45a: {  	[sflag:s30] =	ssyncset.done $0x0  }
0x45b: {  	[sflag:s30] =	ssyncadd.s32 $0xFFFFFCE0  }
0x45c: {  	[tilespmem:s19], [sflag:$0x8] =	stream.indirect.gather [hbm4b:s3+s21], $0x20, s28, s21, $0xb8;
	[tilespmem:$0x19C80] =	vst v63  }
0x45d: {  	_ =	swait.ge [sflag:s18], $0x6400  }
0x45e: {  	[sflag:s18] =	ssyncset.done $0x0  }
0x45f: {  	s0 =	rddreg [dreg:$0xf];
	[sflag:s18] =	ssyncadd.s32 $0xFFFF9C00  }
0x460: {  	[hbm4b:s0+s2] =	stream.linear.scatter [tilespmem:s14], [sflag:$0x9], $0x6400, $0x38;
	[tilespmem:$0x19C80] =	vst v63  }
0x461: {  	s1 =	rddreg [dreg:$0x10]  }
0x462: {  	[tilespmem:s2], [sflag:$0x1] =	stream.linear.gather [hbm4b:s1+s2], $0x320, $0x38;
	[tilespmem:$0x19C80] =	vst v63  }
0x463: {  	_ =	swait.ge [sflag:s11], $0x6400  }
0x464: {  	[sflag:s11] =	ssyncset.done $0x0  }
0x465: {  	[sflag:s11] =	ssyncadd.s32 $0xFFFF9C00  }
0x466: {  	_ =	swait.ge [sflag:s25], $0x320  }
0x467: {  	[sflag:s25] =	ssyncset.done $0x0  }
0x468: {  	[sflag:s25] =	ssyncadd.s32 $0xFFFFFCE0  }
0x469: {  	[tilespmem:s14], [sflag:$0x5] =	stream.indirect.gather [hbm4b:s3+s21], $0x20, s2, s21, $0xb8;
	[tilespmem:$0x19C80] =	vst v63  }
0x46a: {  	_ =	swait.ge [sflag:s17], $0x6400  }
0x46b: {  	[sflag:s17] =	ssyncset.done $0x0  }
0x46c: {  	s0 =	rddreg [dreg:$0x11];
	[sflag:s17] =	ssyncadd.s32 $0xFFFF9C00  }
0x46d: {  	[hbm4b:s0+s2] =	stream.linear.scatter [tilespmem:s13], [sflag:$0xA], $0x6400, $0x38;
	[tilespmem:$0x19C80] =	vst v63  }
0x46e: {  	s1 =	rddreg [dreg:$0x12]  }
0x46f: {  	[tilespmem:s21], [sflag:$0x2] =	stream.linear.gather [hbm4b:s1+s2], $0x320, $0x38;
	[tilespmem:$0x19C80] =	vst v63  }
0x470: {  	_ =	swait.ge [sflag:s10], $0x6400  }
0x471: {  	[sflag:s10] =	ssyncset.done $0x0  }
0x472: {  	[sflag:s10] =	ssyncadd.s32 $0xFFFF9C00  }
0x473: {  	_ =	swait.ge [sflag:s23], $0x320  }
0x474: {  	[sflag:s23] =	ssyncset.done $0x0  }
0x475: {  	[sflag:s23] =	ssyncadd.s32 $0xFFFFFCE0  }
0x476: {  	[tilespmem:s13], [sflag:$0x6] =	stream.indirect.gather [hbm4b:s3+s21], $0x20, s21, s21, $0xb8;
	[tilespmem:$0x19C80] =	vst v63  }
0x477: {  	_ =	swait.ge [sflag:s15], $0x6400  }
0x478: {  	[sflag:s15] =	ssyncset.done $0x0  }
0x479: {  	s0 =	rddreg [dreg:$0x13];
	[sflag:s15] =	ssyncadd.s32 $0xFFFF9C00  }
0x47a: {  	[hbm4b:s0+s2] =	stream.linear.scatter [tilespmem:s9], [sflag:$0xB], $0x6400, $0x38;
	[tilespmem:$0x19C80] =	vst v63  }
0x47b: {  	s1 =	rddreg [dreg:$0x14]  }
0x47c: {  	[tilespmem:s16], [sflag:$0x3] =	stream.linear.gather [hbm4b:s1+s2], $0x320, $0x38;
	[tilespmem:$0x19C80] =	vst v63  }
0x47d: {  	_ =	swait.ge [sflag:s8], $0x6400  }
0x47e: {  	[sflag:s8] =	ssyncset.done $0x0  }
0x47f: {  	[sflag:s8] =	ssyncadd.s32 $0xFFFF9C00  }
0x480: {  	_ =	swait.ge [sflag:s20], $0x320  }
0x481: {  	[sflag:s20] =	ssyncset.done $0x0  }
0x482: {  	[sflag:s20] =	ssyncadd.s32 $0xFFFFFCE0  }
0x483: {  	[tilespmem:s9], [sflag:$0x7] =	stream.indirect.gather [hbm4b:s3+s21], $0x20, s16, s21, $0xb8;
	[tilespmem:$0x19C80] =	vst v63  }
0x484: {  	_ =	swait.ge [sflag:s22], $0x6400  }
0x485: {  	[sflag:s22] =	ssyncset.done $0x0  }
0x486: {  	s0 =	rddreg [dreg:$0x15];
	[sflag:s22] =	ssyncadd.s32 $0xFFFF9C00  }
0x487: {  	[hbm4b:s0+s2] =	stream.linear.scatter [tilespmem:s19], [sflag:$0xC], $0x6400, $0x38;
	[tilespmem:$0x19C80] =	vst v63  }
0x488: {  	s1 =	rddreg [dreg:$0x16]  }
0x489: {  	[tilespmem:s28], [sflag:$0x4] =	stream.linear.gather [hbm4b:s1+s2], $0x320, $0x38;
	[tilespmem:$0x19C80] =	vst v63  }
0x48a: {  	_ =	swait.ge [sflag:s12], $0x6400  }
0x48b: {  	[sflag:s12] =	ssyncset.done $0x0  }
0x48c: {  	[sflag:s12] =	ssyncadd.s32 $0xFFFF9C00  }
0x48d: {  	_ =	swait.ge [sflag:s30], $0x320  }
0x48e: {  	[sflag:s30] =	ssyncset.done $0x0  }
0x48f: {  	[sflag:s30] =	ssyncadd.s32 $0xFFFFFCE0  }
0x490: {  	[tilespmem:s19], [sflag:$0x8] =	stream.indirect.gather [hbm4b:s3+s21], $0x20, s28, s21, $0xb8;
	[tilespmem:$0x19C80] =	vst v63  }
0x491: {  	_ =	swait.ge [sflag:s18], $0x6400  }
0x492: {  	[sflag:s18] =	ssyncset.done $0x0  }
0x493: {  	s0 =	rddreg [dreg:$0x17];
	[sflag:s18] =	ssyncadd.s32 $0xFFFF9C00  }
0x494: {  	[hbm4b:s0+s2] =	stream.linear.scatter [tilespmem:s14], [sflag:$0x9], $0x6400, $0x38;
	[tilespmem:$0x19C80] =	vst v63  }
0x495: {  	s1 =	rddreg [dreg:$0x18]  }
0x496: {  	[tilespmem:s2], [sflag:$0x1] =	stream.linear.gather [hbm4b:s1+s2], $0x320, $0x38;
	[tilespmem:$0x19C80] =	vst v63  }
0x497: {  	_ =	swait.ge [sflag:s11], $0x6400  }
0x498: {  	[sflag:s11] =	ssyncset.done $0x0  }
0x499: {  	[sflag:s11] =	ssyncadd.s32 $0xFFFF9C00  }
0x49a: {  	_ =	swait.ge [sflag:s25], $0x320  }
0x49b: {  	[sflag:s25] =	ssyncset.done $0x0  }
0x49c: {  	[sflag:s25] =	ssyncadd.s32 $0xFFFFFCE0  }
0x49d: {  	[tilespmem:s14], [sflag:$0x5] =	stream.indirect.gather [hbm4b:s3+s21], $0x20, s2, s21, $0xb8;
	[tilespmem:$0x19C80] =	vst v63  }
0x49e: {  	_ =	swait.ge [sflag:s17], $0x6400  }
0x49f: {  	[sflag:s17] =	ssyncset.done $0x0  }
0x4a0: {  	s0 =	rddreg [dreg:$0x19];
	[sflag:s17] =	ssyncadd.s32 $0xFFFF9C00  }
0x4a1: {  	[hbm4b:s0+s2] =	stream.linear.scatter [tilespmem:s13], [sflag:$0xA], $0x6400, $0x38;
	[tilespmem:$0x19C80] =	vst v63  }
0x4a2: {  	s1 =	rddreg [dreg:$0x1a]  }
0x4a3: {  	[tilespmem:s21], [sflag:$0x2] =	stream.linear.gather [hbm4b:s1+s2], $0x320, $0x38;
	[tilespmem:$0x19C80] =	vst v63  }
0x4a4: {  	_ =	swait.ge [sflag:s10], $0x6400  }
0x4a5: {  	[sflag:s10] =	ssyncset.done $0x0  }
0x4a6: {  	[sflag:s10] =	ssyncadd.s32 $0xFFFF9C00  }
0x4a7: {  	_ =	swait.ge [sflag:s23], $0x320  }
0x4a8: {  	[sflag:s23] =	ssyncset.done $0x0  }
0x4a9: {  	[sflag:s23] =	ssyncadd.s32 $0xFFFFFCE0  }
0x4aa: {  	[tilespmem:s13], [sflag:$0x6] =	stream.indirect.gather [hbm4b:s3+s21], $0x20, s21, s21, $0xb8;
	[tilespmem:$0x19C80] =	vst v63  }
0x4ab: {  	_ =	swait.ge [sflag:s15], $0x6400  }
0x4ac: {  	[sflag:s15] =	ssyncset.done $0x0  }
0x4ad: {  	s0 =	rddreg [dreg:$0x1b];
	[sflag:s15] =	ssyncadd.s32 $0xFFFF9C00  }
0x4ae: {  	[hbm4b:s0+s2] =	stream.linear.scatter [tilespmem:s9], [sflag:$0xB], $0x6400, $0x38;
	[tilespmem:$0x19C80] =	vst v63  }
0x4af: {  	s1 =	rddreg [dreg:$0x1c]  }
0x4b0: {  	[tilespmem:s16], [sflag:$0x3] =	stream.linear.gather [hbm4b:s1+s2], $0x320, $0x38;
	[tilespmem:$0x19C80] =	vst v63  }
0x4b1: {  	_ =	swait.ge [sflag:s8], $0x6400  }
0x4b2: {  	[sflag:s8] =	ssyncset.done $0x0  }
0x4b3: {  	[sflag:s8] =	ssyncadd.s32 $0xFFFF9C00  }
0x4b4: {  	_ =	swait.ge [sflag:s20], $0x320  }
0x4b5: {  	[sflag:s20] =	ssyncset.done $0x0  }
0x4b6: {  	[sflag:s20] =	ssyncadd.s32 $0xFFFFFCE0  }
0x4b7: {  	[tilespmem:s9], [sflag:$0x7] =	stream.indirect.gather [hbm4b:s3+s21], $0x20, s16, s21, $0xb8;
	[tilespmem:$0x19C80] =	vst v63  }
0x4b8: {  	_ =	swait.ge [sflag:s22], $0x6400  }
0x4b9: {  	[sflag:s22] =	ssyncset.done $0x0  }
0x4ba: {  	s0 =	rddreg [dreg:$0x1d];
	[sflag:s22] =	ssyncadd.s32 $0xFFFF9C00  }
0x4bb: {  	[hbm4b:s0+s2] =	stream.linear.scatter [tilespmem:s19], [sflag:$0xC], $0x6400, $0x38;
	[tilespmem:$0x19C80] =	vst v63  }
0x4bc: {  	s1 =	rddreg [dreg:$0x1e]  }
0x4bd: {  	[tilespmem:s28], [sflag:$0x4] =	stream.linear.gather [hbm4b:s1+s2], $0x320, $0x38;
	[tilespmem:$0x19C80] =	vst v63  }
0x4be: {  	_ =	swait.ge [sflag:s12], $0x6400  }
0x4bf: {  	[sflag:s12] =	ssyncset.done $0x0  }
0x4c0: {  	[sflag:s12] =	ssyncadd.s32 $0xFFFF9C00  }
0x4c1: {  	_ =	swait.ge [sflag:s30], $0x320  }
0x4c2: {  	[sflag:s30] =	ssyncset.done $0x0  }
0x4c3: {  	[sflag:s30] =	ssyncadd.s32 $0xFFFFFCE0  }
0x4c4: {  	[tilespmem:s19], [sflag:$0x8] =	stream.indirect.gather [hbm4b:s3+s21], $0x20, s28, s21, $0xb8;
	[tilespmem:$0x19C80] =	vst v63  }
0x4c5: {  	_ =	swait.ge [sflag:s18], $0x6400  }
0x4c6: {  	s0 =	rddreg [dreg:$0x1f];
	[sflag:s18] =	ssyncset.done $0x0  }
0x4c7: {  	s1 =	sld [smem:$0x7D9];
	[sflag:s18] =	ssyncadd.s32 $0xFFFF9C00  }
0x4c8: {  	[hbm4b:s0+s2] =	stream.linear.scatter [tilespmem:s14], [sflag:$0x9], $0x6400, $0x38;
	[tilespmem:$0x19C80] =	vst v63  }
0x4c9: {  	_ = 	snop  }
0x4ca: {  	[tilespmem:s2], [sflag:$0x1] =	stream.linear.gather [hbm4b:s1+s2], $0x320, $0x38;
	[tilespmem:$0x19C80] =	vst v63  }
0x4cb: {  	_ =	swait.ge [sflag:s11], $0x6400  }
0x4cc: {  	[sflag:s11] =	ssyncset.done $0x0  }
0x4cd: {  	[sflag:s11] =	ssyncadd.s32 $0xFFFF9C00  }
0x4ce: {  	_ =	swait.ge [sflag:s25], $0x320  }
0x4cf: {  	[sflag:s25] =	ssyncset.done $0x0  }
0x4d0: {  	[sflag:s25] =	ssyncadd.s32 $0xFFFFFCE0  }
0x4d1: {  	[tilespmem:s14], [sflag:$0x5] =	stream.indirect.gather [hbm4b:s3+s21], $0x20, s2, s21, $0xb8;
	[tilespmem:$0x19C80] =	vst v63  }
0x4d2: {  	_ =	swait.ge [sflag:s17], $0x6400  }
0x4d3: {  	s0 =	sld [smem:$0x7DA]  }
0x4d4: {  	[sflag:s17] =	ssyncset.done $0x0  }
0x4d5: {  	s1 =	sld [smem:$0x7DB];
	[sflag:s17] =	ssyncadd.s32 $0xFFFF9C00  }
0x4d6: {  	[hbm4b:s0+s2] =	stream.linear.scatter [tilespmem:s13], [sflag:$0xA], $0x6400, $0x38;
	[tilespmem:$0x19C80] =	vst v63  }
0x4d7: {  	_ = 	snop  }
0x4d8: {  	[tilespmem:s21], [sflag:$0x2] =	stream.linear.gather [hbm4b:s1+s2], $0x320, $0x38;
	[tilespmem:$0x19C80] =	vst v63  }
0x4d9: {  	_ =	swait.ge [sflag:s10], $0x6400  }
0x4da: {  	[sflag:s10] =	ssyncset.done $0x0  }
0x4db: {  	[sflag:s10] =	ssyncadd.s32 $0xFFFF9C00  }
0x4dc: {  	_ =	swait.ge [sflag:s23], $0x320  }
0x4dd: {  	[sflag:s23] =	ssyncset.done $0x0  }
0x4de: {  	[sflag:s23] =	ssyncadd.s32 $0xFFFFFCE0  }
0x4df: {  	[tilespmem:s13], [sflag:$0x6] =	stream.indirect.gather [hbm4b:s3+s21], $0x20, s21, s21, $0xb8;
	[tilespmem:$0x19C80] =	vst v63  }
0x4e0: {  	_ =	swait.ge [sflag:s15], $0x6400  }
0x4e1: {  	s0 =	sld [smem:$0x7DC]  }
0x4e2: {  	[sflag:s15] =	ssyncset.done $0x0  }
0x4e3: {  	s1 =	sld [smem:$0x7DD];
	[sflag:s15] =	ssyncadd.s32 $0xFFFF9C00  }
0x4e4: {  	[hbm4b:s0+s2] =	stream.linear.scatter [tilespmem:s9], [sflag:$0xB], $0x6400, $0x38;
	[tilespmem:$0x19C80] =	vst v63  }
0x4e5: {  	_ = 	snop  }
0x4e6: {  	[tilespmem:s16], [sflag:$0x3] =	stream.linear.gather [hbm4b:s1+s2], $0x320, $0x38;
	[tilespmem:$0x19C80] =	vst v63  }
0x4e7: {  	_ =	swait.ge [sflag:s8], $0x6400  }
0x4e8: {  	[sflag:s8] =	ssyncset.done $0x0  }
0x4e9: {  	[sflag:s8] =	ssyncadd.s32 $0xFFFF9C00  }
0x4ea: {  	_ =	swait.ge [sflag:s20], $0x320  }
0x4eb: {  	[sflag:s20] =	ssyncset.done $0x0  }
0x4ec: {  	[sflag:s20] =	ssyncadd.s32 $0xFFFFFCE0  }
0x4ed: {  	[tilespmem:s9], [sflag:$0x7] =	stream.indirect.gather [hbm4b:s3+s21], $0x20, s16, s21, $0xb8;
	[tilespmem:$0x19C80] =	vst v63  }
0x4ee: {  	_ =	swait.ge [sflag:s22], $0x6400  }
0x4ef: {  	s0 =	sld [smem:$0x7DE]  }
0x4f0: {  	[sflag:s22] =	ssyncset.done $0x0  }
0x4f1: {  	s1 =	sld [smem:$0x7DF];
	[sflag:s22] =	ssyncadd.s32 $0xFFFF9C00  }
0x4f2: {  	[hbm4b:s0+s2] =	stream.linear.scatter [tilespmem:s19], [sflag:$0xC], $0x6400, $0x38;
	[tilespmem:$0x19C80] =	vst v63  }
0x4f3: {  	_ = 	snop  }
0x4f4: {  	[tilespmem:s28], [sflag:$0x4] =	stream.linear.gather [hbm4b:s1+s2], $0x320, $0x38;
	[tilespmem:$0x19C80] =	vst v63  }
0x4f5: {  	_ =	swait.ge [sflag:s12], $0x6400  }
0x4f6: {  	[sflag:s12] =	ssyncset.done $0x0  }
0x4f7: {  	[sflag:s12] =	ssyncadd.s32 $0xFFFF9C00  }
0x4f8: {  	_ =	swait.ge [sflag:s30], $0x320  }
0x4f9: {  	[sflag:s30] =	ssyncset.done $0x0  }
0x4fa: {  	[sflag:s30] =	ssyncadd.s32 $0xFFFFFCE0  }
0x4fb: {  	[tilespmem:s19], [sflag:$0x8] =	stream.indirect.gather [hbm4b:s3+s21], $0x20, s28, s21, $0xb8;
	[tilespmem:$0x19C80] =	vst v63  }
0x4fc: {  	_ =	swait.ge [sflag:s18], $0x6400  }
0x4fd: {  	s0 =	sld [smem:$0x7E0]  }
0x4fe: {  	[sflag:s18] =	ssyncset.done $0x0  }
0x4ff: {  	s1 =	sld [smem:$0x7E1];
	[sflag:s18] =	ssyncadd.s32 $0xFFFF9C00  }
0x500: {  	[hbm4b:s0+s2] =	stream.linear.scatter [tilespmem:s14], [sflag:$0x9], $0x6400, $0x38;
	[tilespmem:$0x19C80] =	vst v63  }
0x501: {  	_ = 	snop  }
0x502: {  	[tilespmem:s2], [sflag:$0x1] =	stream.linear.gather [hbm4b:s1+s2], $0x320, $0x38;
	[tilespmem:$0x19C80] =	vst v63  }
0x503: {  	_ =	swait.ge [sflag:s11], $0x6400  }
0x504: {  	[sflag:s11] =	ssyncset.done $0x0  }
0x505: {  	[sflag:s11] =	ssyncadd.s32 $0xFFFF9C00  }
0x506: {  	_ =	swait.ge [sflag:s25], $0x320  }
0x507: {  	[sflag:s25] =	ssyncset.done $0x0  }
0x508: {  	[sflag:s25] =	ssyncadd.s32 $0xFFFFFCE0  }
0x509: {  	[tilespmem:s14], [sflag:$0x5] =	stream.indirect.gather [hbm4b:s3+s21], $0x20, s2, s21, $0xb8;
	[tilespmem:$0x19C80] =	vst v63  }
0x50a: {  	_ =	swait.ge [sflag:s17], $0x6400  }
0x50b: {  	s0 =	sld [smem:$0x7E2]  }
0x50c: {  	[sflag:s17] =	ssyncset.done $0x0  }
0x50d: {  	s1 =	sld [smem:$0x7E3];
	[sflag:s17] =	ssyncadd.s32 $0xFFFF9C00  }
0x50e: {  	[hbm4b:s0+s2] =	stream.linear.scatter [tilespmem:s13], [sflag:$0xA], $0x6400, $0x38;
	[tilespmem:$0x19C80] =	vst v63  }
0x50f: {  	_ = 	snop  }
0x510: {  	[tilespmem:s21], [sflag:$0x2] =	stream.linear.gather [hbm4b:s1+s2], $0x320, $0x38;
	[tilespmem:$0x19C80] =	vst v63  }
0x511: {  	_ =	swait.ge [sflag:s10], $0x6400  }
0x512: {  	[sflag:s10] =	ssyncset.done $0x0  }
0x513: {  	[sflag:s10] =	ssyncadd.s32 $0xFFFF9C00  }
0x514: {  	_ =	swait.ge [sflag:s23], $0x320  }
0x515: {  	[sflag:s23] =	ssyncset.done $0x0  }
0x516: {  	[sflag:s23] =	ssyncadd.s32 $0xFFFFFCE0  }
0x517: {  	[tilespmem:s13], [sflag:$0x6] =	stream.indirect.gather [hbm4b:s3+s21], $0x20, s21, s21, $0xb8;
	[tilespmem:$0x19C80] =	vst v63  }
0x518: {  	_ =	swait.ge [sflag:s15], $0x6400  }
0x519: {  	s0 =	sld [smem:$0x7E4]  }
0x51a: {  	[sflag:s15] =	ssyncset.done $0x0  }
0x51b: {  	s1 =	sld [smem:$0x7E5];
	[sflag:s15] =	ssyncadd.s32 $0xFFFF9C00  }
0x51c: {  	[hbm4b:s0+s2] =	stream.linear.scatter [tilespmem:s9], [sflag:$0xB], $0x6400, $0x38;
	[tilespmem:$0x19C80] =	vst v63  }
0x51d: {  	_ = 	snop  }
0x51e: {  	[tilespmem:s16], [sflag:$0x3] =	stream.linear.gather [hbm4b:s1+s2], $0x320, $0x38;
	[tilespmem:$0x19C80] =	vst v63  }
0x51f: {  	_ =	swait.ge [sflag:s8], $0x6400  }
0x520: {  	[sflag:s8] =	ssyncset.done $0x0  }
0x521: {  	[sflag:s8] =	ssyncadd.s32 $0xFFFF9C00  }
0x522: {  	_ =	swait.ge [sflag:s20], $0x320  }
0x523: {  	[sflag:s20] =	ssyncset.done $0x0  }
0x524: {  	[sflag:s20] =	ssyncadd.s32 $0xFFFFFCE0  }
0x525: {  	[tilespmem:s9], [sflag:$0x7] =	stream.indirect.gather [hbm4b:s3+s21], $0x20, s16, s21, $0xb8;
	[tilespmem:$0x19C80] =	vst v63  }
0x526: {  	_ =	swait.ge [sflag:s22], $0x6400  }
0x527: {  	s0 =	sld [smem:$0x7E6]  }
0x528: {  	[sflag:s22] =	ssyncset.done $0x0  }
0x529: {  	s1 =	sld [smem:$0x7E7];
	[sflag:s22] =	ssyncadd.s32 $0xFFFF9C00  }
0x52a: {  	[hbm4b:s0+s2] =	stream.linear.scatter [tilespmem:s19], [sflag:$0xC], $0x6400, $0x38;
	[tilespmem:$0x19C80] =	vst v63  }
0x52b: {  	_ = 	snop  }
0x52c: {  	[tilespmem:s28], [sflag:$0x4] =	stream.linear.gather [hbm4b:s1+s2], $0x320, $0x38;
	[tilespmem:$0x19C80] =	vst v63  }
0x52d: {  	_ =	swait.ge [sflag:s12], $0x6400  }
0x52e: {  	[sflag:s12] =	ssyncset.done $0x0  }
0x52f: {  	[sflag:s12] =	ssyncadd.s32 $0xFFFF9C00  }
0x530: {  	_ =	swait.ge [sflag:s30], $0x320  }
0x531: {  	[sflag:s30] =	ssyncset.done $0x0  }
0x532: {  	[sflag:s30] =	ssyncadd.s32 $0xFFFFFCE0  }
0x533: {  	[tilespmem:s19], [sflag:$0x8] =	stream.indirect.gather [hbm4b:s3+s21], $0x20, s28, s21, $0xb8;
	[tilespmem:$0x19C80] =	vst v63  }
0x534: {  	_ =	swait.ge [sflag:s18], $0x6400  }
0x535: {  	s0 =	sld [smem:$0x7E8]  }
0x536: {  	[sflag:s18] =	ssyncset.done $0x0  }
0x537: {  	s1 =	sld [smem:$0x7E9];
	[sflag:s18] =	ssyncadd.s32 $0xFFFF9C00  }
0x538: {  	[hbm4b:s0+s2] =	stream.linear.scatter [tilespmem:s14], [sflag:$0x9], $0x6400, $0x38;
	[tilespmem:$0x19C80] =	vst v63  }
0x539: {  	_ = 	snop  }
0x53a: {  	[tilespmem:s2], [sflag:$0x1] =	stream.linear.gather [hbm4b:s1+s2], $0x320, $0x38;
	[tilespmem:$0x19C80] =	vst v63  }
0x53b: {  	_ =	swait.ge [sflag:s11], $0x6400  }
0x53c: {  	[sflag:s11] =	ssyncset.done $0x0  }
0x53d: {  	[sflag:s11] =	ssyncadd.s32 $0xFFFF9C00  }
0x53e: {  	_ =	swait.ge [sflag:s25], $0x320  }
0x53f: {  	[sflag:s25] =	ssyncset.done $0x0  }
0x540: {  	[sflag:s25] =	ssyncadd.s32 $0xFFFFFCE0  }
0x541: {  	[tilespmem:s14], [sflag:$0x5] =	stream.indirect.gather [hbm4b:s3+s21], $0x20, s2, s21, $0xb8;
	[tilespmem:$0x19C80] =	vst v63  }
0x542: {  	_ =	swait.ge [sflag:s17], $0x6400  }
0x543: {  	s0 =	sld [smem:$0x7EA]  }
0x544: {  	[sflag:s17] =	ssyncset.done $0x0  }
0x545: {  	s1 =	sld [smem:$0x7EB];
	[sflag:s17] =	ssyncadd.s32 $0xFFFF9C00  }
0x546: {  	[hbm4b:s0+s2] =	stream.linear.scatter [tilespmem:s13], [sflag:$0xA], $0x6400, $0x38;
	[tilespmem:$0x19C80] =	vst v63  }
0x547: {  	_ = 	snop  }
0x548: {  	[tilespmem:s21], [sflag:$0x2] =	stream.linear.gather [hbm4b:s1+s2], $0x320, $0x38;
	[tilespmem:$0x19C80] =	vst v63  }
0x549: {  	_ =	swait.ge [sflag:s10], $0x6400  }
0x54a: {  	[sflag:s10] =	ssyncset.done $0x0  }
0x54b: {  	[sflag:s10] =	ssyncadd.s32 $0xFFFF9C00  }
0x54c: {  	_ =	swait.ge [sflag:s23], $0x320  }
0x54d: {  	[sflag:s23] =	ssyncset.done $0x0  }
0x54e: {  	[sflag:s23] =	ssyncadd.s32 $0xFFFFFCE0  }
0x54f: {  	[tilespmem:s13], [sflag:$0x6] =	stream.indirect.gather [hbm4b:s3+s21], $0x20, s21, s21, $0xb8;
	[tilespmem:$0x19C80] =	vst v63  }
0x550: {  	_ =	swait.ge [sflag:s15], $0x6400  }
0x551: {  	s0 =	sld [smem:$0x7EC]  }
0x552: {  	[sflag:s15] =	ssyncset.done $0x0  }
0x553: {  	s1 =	sld [smem:$0x7ED];
	[sflag:s15] =	ssyncadd.s32 $0xFFFF9C00  }
0x554: {  	[hbm4b:s0+s2] =	stream.linear.scatter [tilespmem:s9], [sflag:$0xB], $0x6400, $0x38;
	[tilespmem:$0x19C80] =	vst v63  }
0x555: {  	_ = 	snop  }
0x556: {  	[tilespmem:s16], [sflag:$0x3] =	stream.linear.gather [hbm4b:s1+s2], $0x320, $0x38;
	[tilespmem:$0x19C80] =	vst v63  }
0x557: {  	_ =	swait.ge [sflag:s8], $0x6400  }
0x558: {  	[sflag:s8] =	ssyncset.done $0x0  }
0x559: {  	[sflag:s8] =	ssyncadd.s32 $0xFFFF9C00  }
0x55a: {  	_ =	swait.ge [sflag:s20], $0x320  }
0x55b: {  	[sflag:s20] =	ssyncset.done $0x0  }
0x55c: {  	[sflag:s20] =	ssyncadd.s32 $0xFFFFFCE0  }
0x55d: {  	[tilespmem:s9], [sflag:$0x7] =	stream.indirect.gather [hbm4b:s3+s21], $0x20, s16, s21, $0xb8;
	[tilespmem:$0x19C80] =	vst v63  }
0x55e: {  	_ =	swait.ge [sflag:s22], $0x6400  }
0x55f: {  	s0 =	sld [smem:$0x7EE]  }
0x560: {  	[sflag:s22] =	ssyncset.done $0x0  }
0x561: {  	s1 =	sld [smem:$0x7EF];
	[sflag:s22] =	ssyncadd.s32 $0xFFFF9C00  }
0x562: {  	[hbm4b:s0+s2] =	stream.linear.scatter [tilespmem:s19], [sflag:$0xC], $0x6400, $0x38;
	[tilespmem:$0x19C80] =	vst v63  }
0x563: {  	_ = 	snop  }
0x564: {  	[tilespmem:s28], [sflag:$0x4] =	stream.linear.gather [hbm4b:s1+s2], $0x320, $0x38;
	[tilespmem:$0x19C80] =	vst v63  }
0x565: {  	_ =	swait.ge [sflag:s12], $0x6400  }
0x566: {  	[sflag:s12] =	ssyncset.done $0x0  }
0x567: {  	[sflag:s12] =	ssyncadd.s32 $0xFFFF9C00  }
0x568: {  	_ =	swait.ge [sflag:s30], $0x320  }
0x569: {  	[sflag:s30] =	ssyncset.done $0x0  }
0x56a: {  	[sflag:s30] =	ssyncadd.s32 $0xFFFFFCE0  }
0x56b: {  	[tilespmem:s19], [sflag:$0x8] =	stream.indirect.gather [hbm4b:s3+s21], $0x20, s28, s21, $0xb8;
	[tilespmem:$0x19C80] =	vst v63  }
0x56c: {  	_ =	swait.ge [sflag:s18], $0x6400  }
0x56d: {  	s0 =	sld [smem:$0x7F0]  }
0x56e: {  	[sflag:s18] =	ssyncset.done $0x0  }
0x56f: {  	s1 =	sld [smem:$0x7F1];
	[sflag:s18] =	ssyncadd.s32 $0xFFFF9C00  }
0x570: {  	[hbm4b:s0+s2] =	stream.linear.scatter [tilespmem:s14], [sflag:$0x9], $0x6400, $0x38;
	[tilespmem:$0x19C80] =	vst v63  }
0x571: {  	_ = 	snop  }
0x572: {  	[tilespmem:s2], [sflag:$0x1] =	stream.linear.gather [hbm4b:s1+s2], $0x320, $0x38;
	[tilespmem:$0x19C80] =	vst v63  }
0x573: {  	_ =	swait.ge [sflag:s11], $0x6400  }
0x574: {  	[sflag:s11] =	ssyncset.done $0x0  }
0x575: {  	[sflag:s11] =	ssyncadd.s32 $0xFFFF9C00  }
0x576: {  	_ =	swait.ge [sflag:s25], $0x320  }
0x577: {  	[sflag:s25] =	ssyncset.done $0x0  }
0x578: {  	[sflag:s25] =	ssyncadd.s32 $0xFFFFFCE0  }
0x579: {  	[tilespmem:s14], [sflag:$0x5] =	stream.indirect.gather [hbm4b:s3+s21], $0x20, s2, s21, $0xb8;
	[tilespmem:$0x19C80] =	vst v63  }
0x57a: {  	_ =	swait.ge [sflag:s17], $0x6400  }
0x57b: {  	s0 =	sld [smem:$0x7F2]  }
0x57c: {  	[sflag:s17] =	ssyncset.done $0x0  }
0x57d: {  	s1 =	sld [smem:$0x7F3];
	[sflag:s17] =	ssyncadd.s32 $0xFFFF9C00  }
0x57e: {  	[hbm4b:s0+s2] =	stream.linear.scatter [tilespmem:s13], [sflag:$0xA], $0x6400, $0x38;
	[tilespmem:$0x19C80] =	vst v63  }
0x57f: {  	_ = 	snop  }
0x580: {  	[tilespmem:s21], [sflag:$0x2] =	stream.linear.gather [hbm4b:s1+s2], $0x320, $0x38;
	[tilespmem:$0x19C80] =	vst v63  }
0x581: {  	_ =	swait.ge [sflag:s10], $0x6400  }
0x582: {  	[sflag:s10] =	ssyncset.done $0x0  }
0x583: {  	[sflag:s10] =	ssyncadd.s32 $0xFFFF9C00  }
0x584: {  	_ =	swait.ge [sflag:s23], $0x320  }
0x585: {  	[sflag:s23] =	ssyncset.done $0x0  }
0x586: {  	[sflag:s23] =	ssyncadd.s32 $0xFFFFFCE0  }
0x587: {  	[tilespmem:s13], [sflag:$0x6] =	stream.indirect.gather [hbm4b:s3+s21], $0x20, s21, s21, $0xb8;
	[tilespmem:$0x19C80] =	vst v63  }
0x588: {  	_ =	swait.ge [sflag:s15], $0x6400  }
0x589: {  	s0 =	sld [smem:$0x7F4]  }
0x58a: {  	[sflag:s15] =	ssyncset.done $0x0  }
0x58b: {  	s1 =	sld [smem:$0x7F5];
	[sflag:s15] =	ssyncadd.s32 $0xFFFF9C00  }
0x58c: {  	[hbm4b:s0+s2] =	stream.linear.scatter [tilespmem:s9], [sflag:$0xB], $0x6400, $0x38;
	[tilespmem:$0x19C80] =	vst v63  }
0x58d: {  	_ = 	snop  }
0x58e: {  	[tilespmem:s16], [sflag:$0x3] =	stream.linear.gather [hbm4b:s1+s2], $0x320, $0x38;
	[tilespmem:$0x19C80] =	vst v63  }
0x58f: {  	_ =	swait.ge [sflag:s8], $0x6400  }
0x590: {  	[sflag:s8] =	ssyncset.done $0x0  }
0x591: {  	[sflag:s8] =	ssyncadd.s32 $0xFFFF9C00  }
0x592: {  	_ =	swait.ge [sflag:s20], $0x320  }
0x593: {  	[sflag:s20] =	ssyncset.done $0x0  }
0x594: {  	[sflag:s20] =	ssyncadd.s32 $0xFFFFFCE0  }
0x595: {  	[tilespmem:s9], [sflag:$0x7] =	stream.indirect.gather [hbm4b:s3+s21], $0x20, s16, s21, $0xb8;
	[tilespmem:$0x19C80] =	vst v63  }
0x596: {  	_ =	swait.ge [sflag:s22], $0x6400  }
0x597: {  	s0 =	sld [smem:$0x7F6]  }
0x598: {  	[sflag:s22] =	ssyncset.done $0x0  }
0x599: {  	s1 =	sld [smem:$0x7F7];
	[sflag:s22] =	ssyncadd.s32 $0xFFFF9C00  }
0x59a: {  	[hbm4b:s0+s2] =	stream.linear.scatter [tilespmem:s19], [sflag:$0xC], $0x6400, $0x38;
	[tilespmem:$0x19C80] =	vst v63  }
0x59b: {  	_ = 	snop  }
0x59c: {  	[tilespmem:s28], [sflag:$0x4] =	stream.linear.gather [hbm4b:s1+s2], $0x190, $0x38;
	[tilespmem:$0x19C80] =	vst v63  }
0x59d: {  	_ =	swait.ge [sflag:s12], $0x6400  }
0x59e: {  	[sflag:s12] =	ssyncset.done $0x0  }
0x59f: {  	[sflag:s12] =	ssyncadd.s32 $0xFFFF9C00  }
0x5a0: {  	_ =	swait.ge [sflag:s30], $0x190  }
0x5a1: {  	[sflag:s30] =	ssyncset.done $0x0  }
0x5a2: {  	[sflag:s30] =	ssyncadd.s32 $0xFFFFFE70  }
0x5a3: {  	[tilespmem:s19], [sflag:$0x8] =	stream.indirect.gather [hbm4b:s3+s26], $0x20, s28, s26, $0xb8;
	[tilespmem:$0x19C80] =	vst v63  }
0x5a4: {  	_ =	swait.ge [sflag:s18], $0x6400  }
0x5a5: {  	s28 =	sld [smem:$0x7F8]  }
0x5a6: {  	[sflag:s18] =	ssyncset.done $0x0  }
0x5a7: {  	s30 =	sld [smem:$0x7F9];
	[sflag:s18] =	ssyncadd.s32 $0xFFFF9C00  }
0x5a8: {  	[hbm4b:s28+s2] =	stream.linear.scatter [tilespmem:s14], [sflag:$0x9], $0x6400, $0x38;
	[tilespmem:$0x19C80] =	vst v63  }
0x5a9: {  	_ = 	snop  }
0x5aa: {  	[tilespmem:s2], [sflag:$0x1] =	stream.linear.gather [hbm4b:s30+s2], $0xC8, $0x38;
	[tilespmem:$0x19C80] =	vst v63  }
0x5ab: {  	_ =	swait.ge [sflag:s11], $0x6400  }
0x5ac: {  	[sflag:s11] =	ssyncset.done $0x0  }
0x5ad: {  	[sflag:s11] =	ssyncadd.s32 $0xFFFF9C00  }
0x5ae: {  	_ =	swait.ge [sflag:s25], $0xC8  }
0x5af: {  	[sflag:s25] =	ssyncset.done $0x0  }
0x5b0: {  	[sflag:s25] =	ssyncadd.s32 $0xFFFFFF38  }
0x5b1: {  	[tilespmem:s14], [sflag:$0x5] =	stream.indirect.gather [hbm4b:s3+s31], $0x20, s2, s31, $0xb8;
	[tilespmem:$0x19C80] =	vst v63  }
0x5b2: {  	_ =	swait.ge [sflag:s17], $0x6400  }
0x5b3: {  	s26 =	sld [smem:$0x7FA]  }
0x5b4: {  	[sflag:s17] =	ssyncset.done $0x0  }
0x5b5: {  	s28 =	sld [smem:$0x7FB];
	[sflag:s17] =	ssyncadd.s32 $0xFFFF9C00  }
0x5b6: {  	[hbm4b:s26+s2] =	stream.linear.scatter [tilespmem:s13], [sflag:$0xA], $0x6400, $0x38;
	[tilespmem:$0x19C80] =	vst v63  }
0x5b7: {  	_ = 	snop  }
0x5b8: {  	[tilespmem:s21], [sflag:$0x2] =	stream.linear.gather [hbm4b:s28+s2], $0x60, $0x38;
	[tilespmem:$0x19C80] =	vst v63  }
0x5b9: {  	_ =	swait.ge [sflag:s10], $0x6400  }
0x5ba: {  	[sflag:s10] =	ssyncset.done $0x0  }
0x5bb: {  	[sflag:s10] =	ssyncadd.s32 $0xFFFF9C00  }
0x5bc: {  	_ =	swait.ge [sflag:s23], $0x60  }
0x5bd: {  	[sflag:s23] =	ssyncset.done $0x0  }
0x5be: {  	[sflag:s23] =	ssyncadd.s32 $0xFFFFFFA0  }
0x5bf: {  	[tilespmem:s13], [sflag:$0x6] =	stream.indirect.gather [hbm4b:s3+s29], $0x20, s21, s29, $0xb8;
	[tilespmem:$0x19C80] =	vst v63  }
0x5c0: {  	_ =	swait.ge [sflag:s15], $0x6400  }
0x5c1: {  	s29 =	sld [smem:$0x7FC]  }
0x5c2: {  	[sflag:s15] =	ssyncset.done $0x0  }
0x5c3: {  	s30 =	sld [smem:$0x7FD];
	[sflag:s15] =	ssyncadd.s32 $0xFFFF9C00  }
0x5c4: {  	[hbm4b:s29+s2] =	stream.linear.scatter [tilespmem:s9], [sflag:$0xB], $0x6400, $0x38;
	[tilespmem:$0x19C80] =	vst v63  }
0x5c5: {  	_ = 	snop  }
0x5c6: {  	[tilespmem:s16], [sflag:$0x3] =	stream.linear.gather [hbm4b:s30+s2], $0x68, $0x38;
	[tilespmem:$0x19C80] =	vst v63  }
0x5c7: {  	_ =	swait.ge [sflag:s8], $0x6400  }
0x5c8: {  	[sflag:s8] =	ssyncset.done $0x0  }
0x5c9: {  	[sflag:s8] =	ssyncadd.s32 $0xFFFF9C00  }
0x5ca: {  	_ =	swait.ge [sflag:s20], $0x68  }
0x5cb: {  	[sflag:s20] =	ssyncset.done $0x0  }
0x5cc: {  	s31 =	simm.s32 $0x68;
	[sflag:s20] =	ssyncadd.s32 $0xFFFFFF98  }
0x5cd: {  	[tilespmem:s9], [sflag:$0x7] =	stream.indirect.gather [hbm4b:s3+s31], $0x20, s16, s31, $0xb8;
	[tilespmem:$0x19C80] =	vst v63  }
0x5ce: {  	_ =	swait.ge [sflag:s22], $0x3200  }
0x5cf: {  	[sflag:s22] =	ssyncset.done $0x0  }
0x5d0: {  	[sflag:s22] =	ssyncadd.s32 $0xFFFFCE00  }
0x5d1: {  	[hbm4b:s7+s2] =	stream.linear.scatter [tilespmem:s19], [sflag:$0xC], $0x3200, $0x38;
	[tilespmem:$0x19C80] =	vst v63  }
0x5d2: {  	_ =	swait.ge [sflag:s18], $0x1900  }
0x5d3: {  	[sflag:s18] =	ssyncset.done $0x0  }
0x5d4: {  	[sflag:s18] =	ssyncadd.s32 $0xFFFFE700  }
0x5d5: {  	[hbm4b:s6+s2] =	stream.linear.scatter [tilespmem:s14], [sflag:$0x9], $0x1900, $0x38;
	[tilespmem:$0x19C80] =	vst v63  }
0x5d6: {  	_ =	swait.ge [sflag:s17], $0xC00  }
0x5d7: {  	[sflag:s17] =	ssyncset.done $0x0  }
0x5d8: {  	[sflag:s17] =	ssyncadd.s32 $0xFFFFF400  }
0x5d9: {  	[hbm4b:s5+s2] =	stream.linear.scatter [tilespmem:s13], [sflag:$0xA], $0xC00, $0x38;
	[tilespmem:$0x19C80] =	vst v63  }
0x5da: {  	_ =	swait.ge [sflag:s15], $0xD00  }
0x5db: {  	[sflag:s15] =	ssyncset.done $0x0  }
0x5dc: {  	[sflag:s15] =	ssyncadd.s32 $0xFFFFF300  }
0x5dd: {  	[hbm4b:s4+s2] =	stream.linear.scatter [tilespmem:s9], [sflag:$0xB], $0xD00, $0x38;
	[tilespmem:$0x19C80] =	vst v63  }
0x5de: {  	_ =	swait.ge [sflag:s11], $0x1900  }
0x5df: {  	[sflag:s11] =	ssyncset.done $0x0  }
0x5e0: {  	[sflag:s11] =	ssyncadd.s32 $0xFFFFE700  }
0x5e1: {  	_ =	swait.ge [sflag:s10], $0xC00  }
0x5e2: {  	[sflag:s10] =	ssyncset.done $0x0  }
0x5e3: {  	[sflag:s10] =	ssyncadd.s32 $0xFFFFF400  }
0x5e4: {  	_ =	swait.ge [sflag:s8], $0xD00  }
0x5e5: {  	[sflag:s8] =	ssyncset.done $0x0  }
0x5e6: {  	[sflag:s8] =	ssyncadd.s32 $0xFFFFF300  }
0x5e7: {  	_ =	swait.ge [sflag:s12], $0x3200  }
0x5e8: {  	[sflag:s12] =	ssyncset.done $0x0  }
0x5e9: {  	[sflag:s12] =	ssyncadd.s32 $0xFFFFCE00  }
0x5ea: {  	_ =	sfence.sel $0x180000  }
0x5eb: {  	[bflag:$0x0] =	sbarrier.arrive $0xFFFF  }
0x5ec: {  	_ =	strace $0x90000047  }
0x5ed: {  	[bflag:$0x2] =	sbarrier.arrive $0xFFFF  }
0x5ee: {  	p0 =	sne.s32 s24, $0x0;
	s0 =	rddreg [dreg:$0x2]  }
0x5ef: {  	s0 =	sadd.s32 @!p0 $0x100000, s0  }
0x5f0: {  	[sflag:s0] =	ssyncadd.tile.s32 @!p0 $0x1;
	_ =	shalt  }
.LBB2_1:
.Ltmp3:
0x5f1: {  	(pc) =	sbr.rel .LBB2_6-.Ltmp3, $2  }
0x5f2: {  	_ =	sdelay $0x2  }
0x5f3: {  	s26 =	simm.s32 $0x190;
	s31 =	simm.s32 $0xC8;
	s29 =	simm.s32 $0x60  }
.LBB2_3:
.Ltmp4:
0x5f4: {  	(pc) =	sbr.rel .LBB2_6-.Ltmp4, $3  }
0x5f5: {  	_ =	sdelay $0x1  }
0x5f6: {  	s26 =	simm.s32 $0x190  }
0x5f7: {  	s31 =	simm.s32 $0xC8;
	s29 =	simm.s32 $0x60;
	s24 =	stileid.u32  }
.Lfunc_end2:
_tile_overlayer_lowered:
.L_overlay_start_2:
0x5f8: {  	(tag) =	ssettag $0x2  }
0x5f9: {  	s0 =	rddreg [dreg:$0x0];
	s2 =	stileid.u32  }
0x5fa: {  	s1 =	rddreg [dreg:$0x1];
	p0 =	sne.s32 s2, $0x0  }
0x5fb: {  	s3 =	rddreg [dreg:$0x2];
	[bflag:$0x3] =	sbarrier.arrive $0xFFFF;
	s2 =	simm.s32 @!p0 $0x1C0D  }
0x5fc: {  	[timem:s3], [sflag:s2] =	dma.local @!p0 [hbm:s0], s1  }
0x5fd: {  	s0 =	simm.s32 @!p0 $0xD  }
0x5fe: {  	_ =	swait.ge @!p0 [sflag:s0], s1  }
0x5ff: {  	s1 =	ssub.s32 @!p0 $0x0, s1;
	[sflag:s0] =	ssyncset.done @!p0 $0x0  }
0x600: {  	[sflag:s0] =	ssyncadd.s32 @!p0 s1  }
0x601: {  	[bflag:$0x3] =	sbarrier.arrive $0xFFFF  }
0x602: {  	_ =	shalt  }

// kernel: sparse-core-data-format-call.cloned.1.call-start
scs
called_computation_lowered:
.L_overlay_start_0:
0x0: {  	s2 =	sld [smem:$0x3FD9]  }
0x1: {  	s3 =	sld [smem:$0x3FFE];
	_ =	sdelay $0x1  }
0x2: {  	s1 =	srdreg.scid  }
0x3: {  	s0 =	sand.u32 $0x1, s1  }
0x4: {  	s18 =	sshll.u32 s0, $0xA;
	s2 =	sadd.s32 s3, s2  }
0x5: {  	s2 =	sadd.s32 s2, s18  }
0x6: {  	[smem:$0x3FC6] =	sst s2  }
0x7: {  	_ = 	snop  }
0x8: {  	s2 =	sld [smem:$0x3FD0];
	(tm) =	ssettm $0x1  }
0x9: {  	s19 =	sld [smem:$0x3FFB];
	_ =	sdelay $0x3  }
0xa: {  	_ =	strace s19  }
0xb: {  	s3 =	sld [smem:$0x3FFC];
	_ =	sdelay $0x3  }
0xc: {  	_ =	strace s3  }
0xd: {  	s3 =	sld [smem:$0x3FFD];
	_ =	sdelay $0x3  }
0xe: {  	_ =	strace s3  }
0xf: {  	_ =	strace $0x8FFFFFFF  }
0x10: {  	s20 =	sld [smem:$0x3FDB];
	_ =	sdelay $0x1  }
0x11: {  	s4 =	simm.s32 $_scs_section_size  }
0x12: {  	s5 =	simm.s32 $_size__tile_overlayer_lowered;
	s6 =	simm.s32 $_tile_overlayer_lowered  }
0x13: {  	s23 =	simm.s32 $0x1BFF;
	s22 =	sshll.u32 s6, $0x1;
	s3 =	sadd.s32 s4, s20  }
0x14: {  	s7 =	simm.s32 $0x0;
	s21 =	sshll.u32 s5, $0x1;
	s5 =	sadd.s32 s22, s3  }
0x15: {  	[timem:s7], [sflag:s23] =	dma.local [hbm:s5], s21  }
0x16: {  	_ =	swait.ge [sflag:s23], s21  }
0x17: {  	s4 =	ssub.s32 $0x0, s21;
	[sflag:s23] =	ssyncset.done $0x0  }
0x18: {  	[sflag:s23] =	ssyncadd.s32 s4;
	_ =	sdelay $0x1  }
0x19: {  	s24 =	simm.s32 $0x1B8B  }
0x1a: {  	_ =	swait.ge [sflag:s24], $0x1  }
0x1b: {  	[sflag:s24] =	ssyncset.done $0x0  }
0x1c: {  	s26 =	simm.s32 $0x1B8E;
	s25 =	sld [smem:$0x3FFE];
	[sflag:s24] =	ssyncadd.s32 $0xFFFFFFFF  }
0x1d: {  	s27 =	simm.s32 $execute0_lowered;
	[smem:$0x3FD2] =	sst s26  }
0x1e: {  	s5 =	sshll.u32 s27, $0x1;
	_ =	strace $0x80000049;
	[dreg:$0x1] =	wrdreg $0xFFFFFFFF  }
0x1f: {  	s28 =	simm.s32 $_size_execute0_lowered;
	s3 =	sadd.s32 s3, s5;
	[dreg:$0x0] =	wrdreg $0x0  }
0x20: {  	s5 =	sshll.u32 s28, $0x1;
	[dreg:$0x2] =	wrdreg s3  }
0x21: {  	[dreg:$0x3] =	wrdreg s5  }
0x22: {  	[dreg:$0x4] =	wrdreg $0xC0  }
0x23: {  	_ =	task [dreg:s7], $0x5FFFF  }
0x24: {  	[dreg:$0x1] =	wrdreg $0xFFFFFFFF  }
0x25: {  	[dreg:$0x0] =	wrdreg $0x60  }
0x26: {  	[dreg:$0x2] =	wrdreg s25  }
0x27: {  	[dreg:$0x3] =	wrdreg s2  }
0x28: {  	[dreg:$0x4] =	wrdreg $0x9  }
0x29: {  	_ =	task.clear_ibuf [dreg:s7], $0x5FFFF;
	_ =	strace $0x90000049  }
0x2a: {  	s29 =	simm.s32 $0x9;
	_ =	strace $0x8000004B  }
0x2b: {  	_ =	swait.ge [sflag:s29], $0x1  }
0x2c: {  	[sflag:s29] =	ssyncadd.s32 $0xFFFFFFFF  }
0x2d: {  	_ =	strace $0x9000004B  }
0x2e: {  	_ =	sfence  }
0x2f: {  	s30 =	sld [smem:$0x0];
	_ =	sdelay $0x2  }
0x30: {  	s31 =	sshll.u32 s1, $0xD;
	s1 =	sshrl.u32 s1, $0x2  }
0x31: {  	s3 =	sand.u32 $0x4000, s31;
	s1 =	sadd.s32 s1, s30  }
0x32: {  	s0 =	sor.u32 s3, s0;
	s1 =	sshll.u32 s1, $0x11  }
0x33: {  	s0 =	sor.u32 s1, s0  }
0x34: {  	s0 =	sadd.s32 $0x8F2B, s0  }
0x35: {  	[sflag:s0] =	ssyncadd.remote.s32 $0x1  }
0x36: {  	_ =	sfence.sel $0xFFFF  }
0x37: {  	[dreg:$0x0] =	wrdreg $0xFFFFFFFF;
	(pc) =	sbr.abs _section_cstart, $3  }
0x38: {  	[dreg:$0x1] =	wrdreg $0xFFFFFFFF  }
0x39: {  	_ =	task.clear_ibuf [dreg:s7], $0x2FFFF;
	_ =	strace $0x9FFFFFFF  }
0x3a: {  	(tm) =	ssettm $0x7FFFFFFF  }
0x3b: {  	_ =	shalt  }
tec
execute0_lowered:
.L_overlay_start_1:
0x0: {  	(tag) =	ssettag $0x1  }
0x1: {  	s0 =	srdreg.scid  }
0x2: {  	s1 =	sshll.u32 s0, $0x4  }
0x3: {  	s0 =	stileid.u32;
	s1 =	sand.u32 $0x10, s1  }
0x4: {  	s1 =	sor.u32 s0, s1  }
0x5: {  	s6 =	rddreg [dreg:$0x0];
	s4 =	simm.s32 $0x1;
	s2 =	sshll.u32 s1, $0x7  }
0x6: {  	s7 =	simm.s32 $0x2;
	s12 =	simm.s32 $0x0;
	s1 =	ssub.s32 $0x1000, s2  }
0x7: {  	s8 =	simm.s32 $0x8000;
	s13 =	simm.s32 $0x0;
	s3 =	sand.u32 $0xF80, s1  }
0x8: {  	s9 =	simm.s32 $0x0;
	s5 =	sshrl.u32 s1, $0xC;
	p0 =	sne.s32 s3, $0x0  }
.Ltmp0:
0x9: {  	s1 =	rddreg [dreg:$0x2];
	s4 =	simm.s32 @!p0 $0x0;
	(pc) =	sbr.rel .LBB1_1-.Ltmp0, $4  }
0xa: {  	s11 =	simm.s32 $0x0;
	s3 =	rddreg [dreg:$0x1];
	s5 =	sadd.s32 s4, s5  }
0xb: {  	_ =	strace $0x8000004A;
	s4 =	simm.s32 $0x1;
	s5 =	smul.u32 $0xC8, s5  }
0xc: {  	s6 =	sadd.s32 $0xA00, s6;
	s10 =	smov.u32 s2;
	[sflag:s4] =	ssyncpa.u1 $0x0  }
0xd: {  	p0 =	por $0x0, $0x0;
	[sflag:s7] =	ssyncpa.u1 $0x0;
	s7 =	sor.u32 $0x1, s5  }
.LBB1_4:
0xe: {  	s16 =	sshll.u32 s13, $0x3;
	s17 =	sand.u32 $0x78, s13  }
0xf: {  	s30 =	sand.u32 $0x3E00, s13;
	s12 =	sshll.u32 s12, $0xE;
	s16 =	sand.u32 $0xC00, s16  }
0x10: {  	s31 =	sand.u32 $0x7, s13;
	s16 =	sor.u32 s17, s16;
	s17 =	sadd.s32 s3, s30  }
0x11: {  	s13 =	sshll.u32 s31, $0x12;
	s16 =	sshrl.u32 s16, $0x3;
	s12 =	sadd.s32 s12, s17  }
0x12: {  	[tilespmem:s15+$0x0 ss:$0x81] =	vst.msk $0xffff, v0;
	s13 =	sor.u32 $0x400, s13;
	s12 =	sadd.s32 s16, s12  }
0x13: {  	[hbm4b:s12+s13] =	stream.strided.scatter [tilespmem:s14], [sflag:$0x2], $0x1000, s8, s13, $0x20;
	[tilespmem:$0x4040] =	vst v63  }
.LBB1_5:
0x14: {  	s14 =	sadd.s32 $0x1, s9  }
0x15: {  	s12 =	sadd.s32 $0x1000, s10;
	s16 =	smov.u32 s10;
	p2 =	sgt.s32 s14, $0xC7  }
0x16: {  	s16 =	smov.u32 @p2 s12  }
0x17: {  	s14 =	simm.s32 @p2 $0x0;
	p2 =	sgt.s32 s16, $0xFFF  }
0x18: {  	s16 =	smov.u32 @p2 s2;
	p2 =	sne.s32 s11, s7  }
.Ltmp1:
0x19: {  	p1 =	slt.u32 s11, $0x2;
	(pc) =	sbr.rel @!p2 .LBB1_6-.Ltmp1, $4  }
0x1a: {  	s15 =	simm.s32 @!p1 $0x2  }
0x1b: {  	s13 =	smov.u32 s10;
	p0 =	por !p0, !p0;
	_ =	swait.ge @!p1 [sflag:s15], $0x1000  }
0x1c: {  	s12 =	smov.u32 s9;
	[sflag:s15] =	ssyncset.done @!p1 $0x0;
	s9 =	smov.u32 s14  }
0x1d: {  	s11 =	sadd.s32 $0x1, s11;
	[sflag:s15] =	ssyncadd.s32 @!p1 $0xFFFFF000;
	s10 =	smov.u32 s16  }
.LBB1_1:
0x1e: {  	p1 =	sge.u32 s11, s5  }
0x1f: {  	s14 =	sand.u32 @!p1 $0x1FFFFFF, s9  }
0x20: {  	s15 =	smulhi.u32 @!p1 $0x147AE15, s14;
	_ =	sdelay $0x1  }
0x21: {  	s15 =	smul.u32 @!p1 $0xC8, s15  }
0x22: {  	s16 =	sxor.u32 @!p1 $0xFFFFFFFF, s11;
	s17 =	smul.u32 @!p1 $0xC80, s10  }
0x23: {  	s31 =	sadd.s32 $0xFFFFFFFF, s11;
	s16 =	sshll.u32 @!p1 s16, $0xC;
	s14 =	ssub.s32 @!p1 s14, s15  }
0x24: {  	s15 =	sand.u32 @!p1 $0x1000, s16;
	s16 =	sadd.s32 @!p1 s6, s17;
	s14 =	sshll.u32 @!p1 s14, $0x4  }
0x25: {  	s17 =	simm.s32 @!p1 $0x6400;
	s14 =	sadd.s32 @!p1 s14, s16;
	s16 =	simm.s32 @!p1 $0x20  }
0x26: {  	[tilespmem:s15], [sflag:$0x1] =	stream.strided.gather @!p1 [hbm4b:s14+s16], $0x1000, s17, s16, $0x38;
	[tilespmem:$0x4040] =	vst v63  }
0x27: {  	p1 =	sge.u32 s31, s5  }
.Ltmp2:
0x28: {  	_ = 	snop;
	(pc) =	sbr.rel @p1 .LBB1_5-.Ltmp2, $1  }
0x29: {  	_ =	sdelay $0x3  }
0x2a: {  	s14 =	simm.s32 $0x1  }
0x2b: {  	_ =	swait.ge [sflag:s4], $0x1000;
	s14 =	simm.s32 @!p0 $0x0  }
0x2c: {  	[sflag:s4] =	ssyncset.done $0x0;
	s15 =	sshll.u32 s14, $0xC  }
0x2d: {  	[sflag:s4] =	ssyncadd.s32 $0xFFFFF000;
	s18 =	sor.u32 $0x10, s15  }
0x2e: {  	s14 =	smul.u32 $0x4080, s14;
	v1 =	vld [tilespmem:s18+$0x0]  }
0x2f: {  	s30 =	sand.u32 $0x1, s11;
	v0 =	vld [tilespmem:s18+$0xFFFFFFF0]  }
0x30: {  	s15 =	smul.u32 $0x4080, s30;
	s14 =	sshrl.u32 s14, $0x2  }
0x31: {  	s16 =	sor.u32 $0x2000, s14  }
0x32: {  	s31 =	sshrl.u32 s15, $0x2;
	s15 =	sadd.s32 $0x0, s16  }
0x33: {  	s17 =	simm.s32 $0x4;
	s18 =	sadd.s32 $0x20, s18;
	s14 =	sor.u32 $0x2000, s31;
	[tilespmem:s15+$0x810 ss:$0x81] =	vst.msk $0xffff, v1  }
.LBB1_3:
0x34: {  	v1 =	vld [tilespmem:s18+$0x0];
	p1 =	sne.s32 s17, $0x1FC;
	[tilespmem:s15+$0x0 ss:$0x81] =	vst.msk $0xffff, v0;
	s15 =	smov.u32 s17;
	s17 =	sadd.s32 $0x4, s17  }
.Ltmp3:
0x35: {  	v0 =	vld [tilespmem:s18+$0xFFFFFFF0];
	(pc) =	sbr.rel @p1 .LBB1_3-.Ltmp3, $4  }
0x36: {  	_ = 	snop  }
0x37: {  	s15 =	sshra.s32 s15, $0x2  }
0x38: {  	s15 =	sadd.s32 s15, s16  }
0x39: {  	s18 =	sadd.s32 $0x20, s18;
	[tilespmem:s15+$0x810 ss:$0x81] =	vst.msk $0xffff, v1  }
.Ltmp4:
0x3a: {  	_ = 	snop;
	(pc) =	sbr.rel .LBB1_4-.Ltmp4, $1  }
0x3b: {  	_ =	sdelay $0x3  }
.LBB1_6:
0x3c: {  	_ =	sfence.sel $0x180000  }
0x3d: {  	s2 =	simm.s32 $0x1;
	[bflag:$0x0] =	sbarrier.arrive $0xFFFF  }
0x3e: {  	s31 =	simm.s32 $0x2;
	[sflag:s2] =	ssyncpa.u1 $0x1  }
0x3f: {  	[sflag:s31] =	ssyncpa.u1 $0x1  }
0x40: {  	p0 =	sne.s32 s0, $0x0;
	_ =	strace $0x9000004A  }
0x41: {  	s0 =	sadd.s32 @!p0 $0x100000, s1;
	[bflag:$0x2] =	sbarrier.arrive $0xFFFF  }
0x42: {  	[sflag:s0] =	ssyncadd.tile.s32 @!p0 $0x1;
	_ =	shalt  }
.Lfunc_end1:
_tile_overlayer_lowered:
.L_overlay_start_2:
0x43: {  	(tag) =	ssettag $0x2  }
0x44: {  	s0 =	rddreg [dreg:$0x0];
	s2 =	stileid.u32  }
0x45: {  	s1 =	rddreg [dreg:$0x1];
	p0 =	sne.s32 s2, $0x0  }
0x46: {  	s3 =	rddreg [dreg:$0x2];
	[bflag:$0x3] =	sbarrier.arrive $0xFFFF;
	s2 =	simm.s32 @!p0 $0x1C01  }
0x47: {  	[timem:s3], [sflag:s2] =	dma.local @!p0 [hbm:s0], s1  }
0x48: {  	s0 =	simm.s32 @!p0 $0x1  }
0x49: {  	_ =	swait.ge @!p0 [sflag:s0], s1  }
0x4a: {  	s1 =	ssub.s32 @!p0 $0x0, s1;
	[sflag:s0] =	ssyncset.done @!p0 $0x0  }
0x4b: {  	[sflag:s0] =	ssyncadd.s32 @!p0 s1  }
0x4c: {  	[bflag:$0x3] =	sbarrier.arrive $0xFFFF  }
0x4d: {  	_ =	shalt  }

</sc_bundles>
